<compile_context>
chip_gen: v7x
topology: tpu7x:2x2x1
jax: 0.10.2.dev20260603
libtpu: 0.0.44.dev20260713+nightly
codegen_flags: <defaults>
</compile_context>

<pallas_src>
import functools

import jax
import jax.numpy as jnp
from jax import lax
from jax.experimental import pallas as pl
from jax.experimental.pallas import tpu as pltpu
from jax.experimental.pallas import tpu_sc as plsc

N = 10000
D = 128
HD = D // 2
G = 64
K = 64
RPT = 640
NP = 16 * RPT


def _cdiv(a, b):
    return (a + b - 1) // b


def _mesh():
    return plsc.VectorSubcoreMesh(core_axis_name="c", subcore_axis_name="s")


def _sc_degree(dst3, ones, zeros16):
    cpt = dst3.shape[1]
    hcpt = cpt // 2

    @functools.partial(
        pl.kernel,
        out_type=jax.ShapeDtypeStruct((2, NP, 16), jnp.float32),
        mesh=_mesh(),
        compiler_params=pltpu.CompilerParams(use_tc_tiling_on_sc=False),
        scratch_types=[
            pltpu.VMEM((cpt, K), jnp.int32),
            pltpu.VMEM((K, 16), jnp.float32),
            pltpu.VMEM_SHARED((NP, 16), jnp.float32),
        ],
    )
    def k(dst_hbm, ones_hbm, z_hbm, out_hbm, dst_v, ones_v, acc_sh):
        c = lax.axis_index("c")
        s = lax.axis_index("s")
        r0 = s * RPT
        pltpu.sync_copy(z_hbm, acc_sh.at[pl.ds(r0, RPT)])
        pltpu.sync_copy(dst_hbm.at[s], dst_v)
        pltpu.sync_copy(ones_hbm, ones_v)
        plsc.subcore_barrier()

        def body(j, carry):
            pltpu.sync_copy(ones_v, acc_sh.at[dst_v.at[j]], add=True)
            return carry

        lax.fori_loop(c * hcpt, (c + 1) * hcpt, body, 0)
        plsc.subcore_barrier()
        pltpu.sync_copy(acc_sh.at[pl.ds(r0, RPT)],
                        out_hbm.at[c, pl.ds(r0, RPT)])

    return k(dst3, ones, zeros16)


def _sc_scatter(ys, src3, dst3, zeros):
    cpt = src3.shape[1]

    @functools.partial(
        pl.kernel,
        out_type=jax.ShapeDtypeStruct((2, NP, HD), jnp.float32),
        mesh=_mesh(),
        compiler_params=pltpu.CompilerParams(use_tc_tiling_on_sc=False),
        scratch_types=[
            pltpu.VMEM((cpt, K), jnp.int32),
            pltpu.VMEM((cpt, K), jnp.int32),
            [pltpu.VMEM((K, HD), jnp.float32)] * 10,
            pltpu.VMEM_SHARED((NP, HD), jnp.float32),
            [pltpu.SemaphoreType.DMA] * 10,
            [pltpu.SemaphoreType.DMA] * 10,
        ],
    )
    def k(y_hbm, src_hbm, dst_hbm, z_hbm, out_hbm,
          src_v, dst_v, rows, acc_sh, sem_g, sem_s):
        c = lax.axis_index("c")
        s = lax.axis_index("s")
        r0 = s * RPT
        pltpu.sync_copy(z_hbm, acc_sh.at[pl.ds(r0, RPT)])
        pltpu.sync_copy(src_hbm.at[s], src_v)
        pltpu.sync_copy(dst_hbm.at[s], dst_v)
        plsc.subcore_barrier()

        yc = y_hbm.at[c]

        def gwait(i):
            pltpu.make_async_copy(yc.at[src_v.at[0]], rows[i],
                                  sem_g[i]).wait()

        def swait(i):
            pltpu.make_async_copy(rows[i], acc_sh.at[dst_v.at[0]],
                                  sem_s[i]).wait()

        for i in range(5):
            pltpu.async_copy(yc.at[src_v.at[i]], rows[i], sem_g[i])

        def body(j, carry):
            for i in range(10):
                @pl.when(j % 10 == i)
                def _slot(i=i):
                    gwait(i)
                    pltpu.async_copy(rows[i], acc_sh.at[dst_v.at[j]],
                                     sem_s[i], add=True)
                    i2 = (i + 5) % 10

                    @pl.when(j + 5 < cpt)
                    def _pref():
                        @pl.when(j >= 5)
                        def _drain():
                            swait(i2)
                        pltpu.async_copy(yc.at[src_v.at[j + 5]], rows[i2],
                                         sem_g[i2])

            return carry

        lax.fori_loop(0, cpt, body, 0)
        for i in range(10):
            swait(i)
        plsc.subcore_barrier()
        pltpu.sync_copy(acc_sh.at[pl.ds(r0, RPT)],
                        out_hbm.at[c, pl.ds(r0, RPT)])

    return k(ys, src3, dst3, zeros)


def _tc_first(x, W1, d0, d1):
    def body(x_ref, w_ref, d0_ref, d1_ref, y_ref, dinv_ref):
        deg = d0_ref[...] + d1_ref[...] + 1.0
        dinv = lax.rsqrt(jnp.maximum(deg, 1e-12))
        dinv_ref[...] = dinv
        y = jnp.dot(x_ref[...], w_ref[...],
                    preferred_element_type=jnp.float32) * dinv
        y_ref[0] = y[:, :HD]
        y_ref[1] = y[:, HD:]

    return pl.pallas_call(
        body,
        out_shape=(
            jax.ShapeDtypeStruct((2, N, HD), jnp.float32),
            jax.ShapeDtypeStruct((N, 1), jnp.float32),
        ),
    )(x, W1, d0, d1)


def _tc_mid(a0, a1, yprev, dinv, b, W):
    def body(a0_ref, a1_ref, yp_ref, di_ref, b_ref, w_ref, out_ref):
        dinv = di_ref[...]
        s = jnp.concatenate([a0_ref[...] + yp_ref[0],
                             a1_ref[...] + yp_ref[1]], axis=1)
        h = jnp.maximum(s * dinv + b_ref[...], 0.0)
        y = jnp.dot(h, w_ref[...],
                    preferred_element_type=jnp.float32) * dinv
        out_ref[0] = y[:, :HD]
        out_ref[1] = y[:, HD:]

    return pl.pallas_call(
        body,
        out_shape=jax.ShapeDtypeStruct((2, N, HD), jnp.float32),
    )(a0, a1, yprev, dinv, b, W)


def _tc_head(a0, a1, yprev, dinv, b3, batch_row, LW1, Lb1, LW2, Lb2):
    def body(a0_ref, a1_ref, yp_ref, di_ref, b_ref, batch_ref,
             lw1_ref, lb1_ref, lw2_ref, lb2_ref, out_ref):
        dinv = di_ref[...]
        s = jnp.concatenate([a0_ref[...] + yp_ref[0],
                             a1_ref[...] + yp_ref[1]], axis=1)
        h = jnp.maximum(s * dinv + b_ref[...], 0.0)
        gids = lax.broadcasted_iota(jnp.int32, (G, N), 0)
        onehot = (gids == batch_ref[...]).astype(jnp.float32)
        sums = jnp.dot(onehot, h, preferred_element_type=jnp.float32)
        cnts = jnp.sum(onehot, axis=1, keepdims=True)
        pooled = sums / jnp.maximum(cnts, 1.0)
        z = jnp.maximum(
            jnp.dot(pooled, lw1_ref[...],
                    preferred_element_type=jnp.float32) + lb1_ref[...], 0.0)
        logits = jnp.dot(z, lw2_ref[...],
                         preferred_element_type=jnp.float32) + lb2_ref[...]
        m = jnp.max(logits, axis=1, keepdims=True)
        sh = logits - m
        lse = jnp.log(jnp.sum(jnp.exp(sh), axis=1, keepdims=True))
        out_ref[...] = sh - lse

    return pl.pallas_call(
        body,
        out_shape=jax.ShapeDtypeStruct((G, 10), jnp.float32),
    )(a0, a1, yprev, dinv, b3, batch_row, LW1, Lb1, LW2, Lb2)


def kernel(x, edge_index, batch, W1, b1, W2, b2, W3, b3, LW1, Lb1, LW2, Lb2):
    E = edge_index.shape[1]
    cpt = _cdiv(E, 16 * K)
    cpt = cpt + (cpt % 2)
    epad = 16 * cpt * K
    pad = epad - E

    src = jnp.concatenate(
        [edge_index[0], jnp.zeros((pad,), jnp.int32)]).reshape(16, cpt, K)
    dst = jnp.concatenate(
        [edge_index[1], jnp.full((pad,), NP - 1, jnp.int32)]).reshape(
            16, cpt, K)

    ones16 = jnp.ones((K, 16), jnp.float32)
    zeros16 = jnp.zeros((RPT, 16), jnp.float32)
    zerosH = jnp.zeros((RPT, HD), jnp.float32)

    degp = _sc_degree(dst, ones16, zeros16)
    d0 = degp[0, :N, 0:1]
    d1 = degp[1, :N, 0:1]

    y1, dinv = _tc_first(x, W1, d0, d1)

    acc = _sc_scatter(y1, src, dst, zerosH)
    y2 = _tc_mid(acc[0, :N], acc[1, :N], y1, dinv, b1.reshape(1, D), W2)

    acc = _sc_scatter(y2, src, dst, zerosH)
    y3 = _tc_mid(acc[0, :N], acc[1, :N], y2, dinv, b2.reshape(1, D), W3)

    acc = _sc_scatter(y3, src, dst, zerosH)
    return _tc_head(acc[0, :N], acc[1, :N], y3, dinv, b3.reshape(1, D),
                    batch.reshape(1, N), LW1, Lb1.reshape(1, 64),
                    LW2, Lb2.reshape(1, 10))

# --- scband reference (transcript-rebuilt; emitter-appended) ---
"""Pipeline reference for scband-gcnconv0-tpk-523986010689 (READ-ONLY COPY).

The authoritative reference and input builder live on the scoring server;
editing this copy changes nothing except your own understanding.
"""

import jax, jax.numpy as jnp
import numpy as np

N = 10000
E = 320000
D = 128
H = 128
C = 10
G = 64

def setup_inputs(seed: int = 0):
    key = jax.random.key(seed)
    ks = jax.random.split(key, 16)
    x = jax.random.normal(ks[0], (N, D), dtype=jnp.float32)
    edge_index = jax.random.randint(ks[1], (2, E), 0, N, dtype=jnp.int32)
    batch = jnp.sort(jax.random.randint(ks[2], (N,), 0, G, dtype=jnp.int32))
    s = 0.05
    return {
        'x': x,
        'edge_index': edge_index,
        'batch': batch,
        'W1': jax.random.normal(ks[3], (D, H), dtype=jnp.float32) * s,
        'b1': jnp.zeros((H,), dtype=jnp.float32),
        'W2': jax.random.normal(ks[4], (H, H), dtype=jnp.float32) * s,
        'b2': jnp.zeros((H,), dtype=jnp.float32),
        'W3': jax.random.normal(ks[5], (H, H), dtype=jnp.float32) * s,
        'b3': jnp.zeros((H,), dtype=jnp.float32),
        'LW1': jax.random.normal(ks[6], (H, 64), dtype=jnp.float32) * s,
        'Lb1': jnp.zeros((64,), dtype=jnp.float32),
        'LW2': jax.random.normal(ks[7], (64, C), dtype=jnp.float32) * s,
        'Lb2': jnp.zeros((C,), dtype=jnp.float32),
    }

def reference(x, edge_index, batch, W1, b1, W2, b2, W3, b3, LW1, Lb1, LW2, Lb2):
    n = x.shape[0]
    loop = jnp.arange(n, dtype=edge_index.dtype)
    src = jnp.concatenate([edge_index[0], loop])
    dst = jnp.concatenate([edge_index[1], loop])
    deg = jnp.zeros((n,), x.dtype).at[dst].add(1.0)
    dinv = jax.lax.rsqrt(jnp.maximum(deg, 1e-12))
    norm = dinv[src] * dinv[dst]

    def conv(h, W, b):
        h = h @ W
        msg = h[src] * norm[:, None]
        return jnp.zeros((n, W.shape[1]), h.dtype).at[dst].add(msg) + b

    h = jax.nn.relu(conv(x, W1, b1))
    h = jax.nn.relu(conv(h, W2, b2))
    h = jax.nn.relu(conv(h, W3, b3))
    sums = jax.ops.segment_sum(h, batch, num_segments=G)
    cnts = jax.ops.segment_sum(jnp.ones((n, 1), h.dtype), batch, num_segments=G)
    pooled = sums / jnp.maximum(cnts, 1.0)
    z = jax.nn.relu(pooled @ LW1 + Lb1)
    return jax.nn.log_softmax(z @ LW2 + Lb2, axis=-1)

if __name__ == "__main__":
    import jax
    _d = setup_inputs()
    print(jax.jit(kernel)(*tuple(_d.values())))

</pallas_src>

<mosaic_0001>
#map = affine_map<(d0, d1) -> (0, 0, 0)>
#map1 = affine_map<(d0, d1) -> (0, 0)>
module attributes {stable_mosaic.version = 14 : i64} {
  func.func @k(%arg0: i32, %arg1: i32, %arg2: memref<2x10000x64xf32, #tpu.memory_space<hbm>>, %arg3: memref<16x314x64xi32, #tpu.memory_space<hbm>>, %arg4: memref<16x314x64xi32, #tpu.memory_space<hbm>>, %arg5: memref<640x64xf32, #tpu.memory_space<hbm>>, %arg6: memref<2x10240x64xf32, #tpu.memory_space<hbm>>, %arg7: memref<314x64xi32, #tpu.memory_space<vmem>>, %arg8: memref<314x64xi32, #tpu.memory_space<vmem>>, %arg9: memref<64x64xf32, #tpu.memory_space<vmem>>, %arg10: memref<64x64xf32, #tpu.memory_space<vmem>>, %arg11: memref<64x64xf32, #tpu.memory_space<vmem>>, %arg12: memref<64x64xf32, #tpu.memory_space<vmem>>, %arg13: memref<64x64xf32, #tpu.memory_space<vmem>>, %arg14: memref<64x64xf32, #tpu.memory_space<vmem>>, %arg15: memref<64x64xf32, #tpu.memory_space<vmem>>, %arg16: memref<64x64xf32, #tpu.memory_space<vmem>>, %arg17: memref<64x64xf32, #tpu.memory_space<vmem>>, %arg18: memref<64x64xf32, #tpu.memory_space<vmem>>, %arg19: memref<10240x64xf32, #tpu.memory_space<vmem_shared>>, %arg20: memref<!tpu.dma_semaphore, #tpu.memory_space<semaphore_mem>>, %arg21: memref<!tpu.dma_semaphore, #tpu.memory_space<semaphore_mem>>, %arg22: memref<!tpu.dma_semaphore, #tpu.memory_space<semaphore_mem>>, %arg23: memref<!tpu.dma_semaphore, #tpu.memory_space<semaphore_mem>>, %arg24: memref<!tpu.dma_semaphore, #tpu.memory_space<semaphore_mem>>, %arg25: memref<!tpu.dma_semaphore, #tpu.memory_space<semaphore_mem>>, %arg26: memref<!tpu.dma_semaphore, #tpu.memory_space<semaphore_mem>>, %arg27: memref<!tpu.dma_semaphore, #tpu.memory_space<semaphore_mem>>, %arg28: memref<!tpu.dma_semaphore, #tpu.memory_space<semaphore_mem>>, %arg29: memref<!tpu.dma_semaphore, #tpu.memory_space<semaphore_mem>>, %arg30: memref<!tpu.dma_semaphore, #tpu.memory_space<semaphore_mem>>, %arg31: memref<!tpu.dma_semaphore, #tpu.memory_space<semaphore_mem>>, %arg32: memref<!tpu.dma_semaphore, #tpu.memory_space<semaphore_mem>>, %arg33: memref<!tpu.dma_semaphore, #tpu.memory_space<semaphore_mem>>, %arg34: memref<!tpu.dma_semaphore, #tpu.memory_space<semaphore_mem>>, %arg35: memref<!tpu.dma_semaphore, #tpu.memory_space<semaphore_mem>>, %arg36: memref<!tpu.dma_semaphore, #tpu.memory_space<semaphore_mem>>, %arg37: memref<!tpu.dma_semaphore, #tpu.memory_space<semaphore_mem>>, %arg38: memref<!tpu.dma_semaphore, #tpu.memory_space<semaphore_mem>>, %arg39: memref<!tpu.dma_semaphore, #tpu.memory_space<semaphore_mem>>) attributes {dimension_semantics = [#tpu.dimension_semantics<core_parallel>, #tpu.dimension_semantics<subcore_parallel>], iteration_bounds = array<i64: 2, 16>, scalar_prefetch = 0 : i64, scratch_operands = 33 : i64, tpu.core_type = #tpu.core_type<sc_vector_subcore>, window_params = [{transform_indices = #map}, {transform_indices = #map}, {transform_indices = #map}, {transform_indices = #map1}, {transform_indices = #map}]} {
    %mul3A = arith.constant 640 : i32
    %mul3A_0 = arith.muli %arg1, %mul3A : i32
    "tpu.region"() ({
      %run_scoped3A = tpu.sem_alloc : memref<!tpu.dma_semaphore, #tpu.memory_space<semaphore_mem>>
      %dma_start3A_130 = arith.constant 0 : i32
      %dma_start3A_131 = tpu.memref_slice %arg19[%mul3A_0, %dma_start3A_130] : memref<10240x64xf32, #tpu.memory_space<vmem_shared>> -> memref<640x64xf32, #tpu.memory_space<vmem_shared>>
      tpu.enqueue_dma source(%arg5 : memref<640x64xf32, #tpu.memory_space<hbm>>) target(%dma_start3A_131 : memref<640x64xf32, #tpu.memory_space<vmem_shared>>) target_semaphore(%run_scoped3A : memref<!tpu.dma_semaphore, #tpu.memory_space<semaphore_mem>>)
      %dma_wait3A_132 = arith.constant 0 : i32
      %dma_wait3A_133 = tpu.memref_slice %arg19[%mul3A_0, %dma_wait3A_132] : memref<10240x64xf32, #tpu.memory_space<vmem_shared>> -> memref<640x64xf32, #tpu.memory_space<vmem_shared>>
      tpu.wait_dma2 semaphore(%run_scoped3A : memref<!tpu.dma_semaphore, #tpu.memory_space<semaphore_mem>>) src(%arg5 : memref<640x64xf32, #tpu.memory_space<hbm>>) dst(%dma_wait3A_133 : memref<640x64xf32, #tpu.memory_space<vmem_shared>>)
      tpu.yield
    }) : () -> ()
    "tpu.region"() ({
      %run_scoped3A = tpu.sem_alloc : memref<!tpu.dma_semaphore, #tpu.memory_space<semaphore_mem>>
      %dma_start3A_130 = arith.constant 0 : i32
      %dma_start3A_131 = arith.constant 0 : i32
      %dma_start3A_132 = tpu.memref_slice %arg3[%arg1, %dma_start3A_130, %dma_start3A_131] : memref<16x314x64xi32, #tpu.memory_space<hbm>> -> memref<1x314x64xi32, #tpu.memory_space<hbm>>
      %dma_start3A_133 = tpu.memref_squeeze %dma_start3A_132 : memref<1x314x64xi32, #tpu.memory_space<hbm>> -> memref<314x64xi32, #tpu.memory_space<hbm>>
      %dma_start3A_134 = arith.constant 0 : i32
      %dma_start3A_135 = arith.constant 0 : i32
      %dma_start3A_136 = tpu.memref_slice %arg3[%arg1, %dma_start3A_134, %dma_start3A_135] : memref<16x314x64xi32, #tpu.memory_space<hbm>> -> memref<1x314x64xi32, #tpu.memory_space<hbm>>
      %dma_start3A_137 = tpu.memref_squeeze %dma_start3A_136 : memref<1x314x64xi32, #tpu.memory_space<hbm>> -> memref<314x64xi32, #tpu.memory_space<hbm>>
      tpu.enqueue_dma source(%dma_start3A_137 : memref<314x64xi32, #tpu.memory_space<hbm>>) target(%arg7 : memref<314x64xi32, #tpu.memory_space<vmem>>) target_semaphore(%run_scoped3A : memref<!tpu.dma_semaphore, #tpu.memory_space<semaphore_mem>>)
      %dma_wait3A_138 = arith.constant 0 : i32
      %dma_wait3A_139 = arith.constant 0 : i32
      %dma_wait3A_140 = tpu.memref_slice %arg3[%arg1, %dma_wait3A_138, %dma_wait3A_139] : memref<16x314x64xi32, #tpu.memory_space<hbm>> -> memref<1x314x64xi32, #tpu.memory_space<hbm>>
      %dma_wait3A_141 = tpu.memref_squeeze %dma_wait3A_140 : memref<1x314x64xi32, #tpu.memory_space<hbm>> -> memref<314x64xi32, #tpu.memory_space<hbm>>
      %dma_wait3A_142 = arith.constant 0 : i32
      %dma_wait3A_143 = arith.constant 0 : i32
      %dma_wait3A_144 = tpu.memref_slice %arg3[%arg1, %dma_wait3A_142, %dma_wait3A_143] : memref<16x314x64xi32, #tpu.memory_space<hbm>> -> memref<1x314x64xi32, #tpu.memory_space<hbm>>
      %dma_wait3A_145 = tpu.memref_squeeze %dma_wait3A_144 : memref<1x314x64xi32, #tpu.memory_space<hbm>> -> memref<314x64xi32, #tpu.memory_space<hbm>>
      tpu.wait_dma2 semaphore(%run_scoped3A : memref<!tpu.dma_semaphore, #tpu.memory_space<semaphore_mem>>) src(%dma_wait3A_145 : memref<314x64xi32, #tpu.memory_space<hbm>>) dst(%arg7 : memref<314x64xi32, #tpu.memory_space<vmem>>)
      tpu.yield
    }) : () -> ()
    "tpu.region"() ({
      %run_scoped3A = tpu.sem_alloc : memref<!tpu.dma_semaphore, #tpu.memory_space<semaphore_mem>>
      %dma_start3A_130 = arith.constant 0 : i32
      %dma_start3A_131 = arith.constant 0 : i32
      %dma_start3A_132 = tpu.memref_slice %arg4[%arg1, %dma_start3A_130, %dma_start3A_131] : memref<16x314x64xi32, #tpu.memory_space<hbm>> -> memref<1x314x64xi32, #tpu.memory_space<hbm>>
      %dma_start3A_133 = tpu.memref_squeeze %dma_start3A_132 : memref<1x314x64xi32, #tpu.memory_space<hbm>> -> memref<314x64xi32, #tpu.memory_space<hbm>>
      %dma_start3A_134 = arith.constant 0 : i32
      %dma_start3A_135 = arith.constant 0 : i32
      %dma_start3A_136 = tpu.memref_slice %arg4[%arg1, %dma_start3A_134, %dma_start3A_135] : memref<16x314x64xi32, #tpu.memory_space<hbm>> -> memref<1x314x64xi32, #tpu.memory_space<hbm>>
      %dma_start3A_137 = tpu.memref_squeeze %dma_start3A_136 : memref<1x314x64xi32, #tpu.memory_space<hbm>> -> memref<314x64xi32, #tpu.memory_space<hbm>>
      tpu.enqueue_dma source(%dma_start3A_137 : memref<314x64xi32, #tpu.memory_space<hbm>>) target(%arg8 : memref<314x64xi32, #tpu.memory_space<vmem>>) target_semaphore(%run_scoped3A : memref<!tpu.dma_semaphore, #tpu.memory_space<semaphore_mem>>)
      %dma_wait3A_138 = arith.constant 0 : i32
      %dma_wait3A_139 = arith.constant 0 : i32
      %dma_wait3A_140 = tpu.memref_slice %arg4[%arg1, %dma_wait3A_138, %dma_wait3A_139] : memref<16x314x64xi32, #tpu.memory_space<hbm>> -> memref<1x314x64xi32, #tpu.memory_space<hbm>>
      %dma_wait3A_141 = tpu.memref_squeeze %dma_wait3A_140 : memref<1x314x64xi32, #tpu.memory_space<hbm>> -> memref<314x64xi32, #tpu.memory_space<hbm>>
      %dma_wait3A_142 = arith.constant 0 : i32
      %dma_wait3A_143 = arith.constant 0 : i32
      %dma_wait3A_144 = tpu.memref_slice %arg4[%arg1, %dma_wait3A_142, %dma_wait3A_143] : memref<16x314x64xi32, #tpu.memory_space<hbm>> -> memref<1x314x64xi32, #tpu.memory_space<hbm>>
      %dma_wait3A_145 = tpu.memref_squeeze %dma_wait3A_144 : memref<1x314x64xi32, #tpu.memory_space<hbm>> -> memref<314x64xi32, #tpu.memory_space<hbm>>
      tpu.wait_dma2 semaphore(%run_scoped3A : memref<!tpu.dma_semaphore, #tpu.memory_space<semaphore_mem>>) src(%dma_wait3A_145 : memref<314x64xi32, #tpu.memory_space<hbm>>) dst(%arg8 : memref<314x64xi32, #tpu.memory_space<vmem>>)
      tpu.yield
    }) : () -> ()
    %barrier3A = arith.constant 0 : index
    tpu.barrier barrier_id(%barrier3A)
    %dma_start3A = arith.constant 0 : i32
    %dma_start3A_1 = arith.constant 0 : i32
    %dma_start3A_2 = tpu.memref_slice %arg7[%dma_start3A, %dma_start3A_1] : memref<314x64xi32, #tpu.memory_space<vmem>> -> memref<1x64xi32, #tpu.memory_space<vmem>>
    %dma_start3A_3 = tpu.memref_squeeze %dma_start3A_2 : memref<1x64xi32, #tpu.memory_space<vmem>> -> memref<64xi32, #tpu.memory_space<vmem>>
    %dma_start3A_4 = arith.constant 0 : i32
    %dma_start3A_5 = arith.constant 0 : i32
    %dma_start3A_6 = tpu.memref_slice %arg2[%arg0, %dma_start3A_4, %dma_start3A_5] : memref<2x10000x64xf32, #tpu.memory_space<hbm>> -> memref<1x10000x64xf32, #tpu.memory_space<hbm>>
    %dma_start3A_7 = tpu.memref_squeeze %dma_start3A_6 : memref<1x10000x64xf32, #tpu.memory_space<hbm>> -> memref<10000x64xf32, #tpu.memory_space<hbm>>
    %dma_start3A_8 = arith.constant 0 : i32
    %dma_start3A_9 = arith.constant 0 : i32
    %dma_start3A_10 = tpu.memref_slice %dma_start3A_7[%dma_start3A_8, %dma_start3A_9] : memref<10000x64xf32, #tpu.memory_space<hbm>> -> memref<10000x64xf32, #tpu.memory_space<hbm>>
    tpu.enqueue_indirect_dma source(%dma_start3A_10 : memref<10000x64xf32, #tpu.memory_space<hbm>>) target(%arg9 : memref<64x64xf32, #tpu.memory_space<vmem>>) offsets(%dma_start3A_3 : memref<64xi32, #tpu.memory_space<vmem>>) semaphore(%arg20 : memref<!tpu.dma_semaphore, #tpu.memory_space<semaphore_mem>>)
    %dma_start3A_11 = arith.constant 1 : i32
    %dma_start3A_12 = arith.constant 0 : i32
    %dma_start3A_13 = tpu.memref_slice %arg7[%dma_start3A_11, %dma_start3A_12] : memref<314x64xi32, #tpu.memory_space<vmem>> -> memref<1x64xi32, #tpu.memory_space<vmem>>
    %dma_start3A_14 = tpu.memref_squeeze %dma_start3A_13 : memref<1x64xi32, #tpu.memory_space<vmem>> -> memref<64xi32, #tpu.memory_space<vmem>>
    %dma_start3A_15 = arith.constant 0 : i32
    %dma_start3A_16 = arith.constant 0 : i32
    %dma_start3A_17 = tpu.memref_slice %arg2[%arg0, %dma_start3A_15, %dma_start3A_16] : memref<2x10000x64xf32, #tpu.memory_space<hbm>> -> memref<1x10000x64xf32, #tpu.memory_space<hbm>>
    %dma_start3A_18 = tpu.memref_squeeze %dma_start3A_17 : memref<1x10000x64xf32, #tpu.memory_space<hbm>> -> memref<10000x64xf32, #tpu.memory_space<hbm>>
    %dma_start3A_19 = arith.constant 0 : i32
    %dma_start3A_20 = arith.constant 0 : i32
    %dma_start3A_21 = tpu.memref_slice %dma_start3A_18[%dma_start3A_19, %dma_start3A_20] : memref<10000x64xf32, #tpu.memory_space<hbm>> -> memref<10000x64xf32, #tpu.memory_space<hbm>>
    tpu.enqueue_indirect_dma source(%dma_start3A_21 : memref<10000x64xf32, #tpu.memory_space<hbm>>) target(%arg10 : memref<64x64xf32, #tpu.memory_space<vmem>>) offsets(%dma_start3A_14 : memref<64xi32, #tpu.memory_space<vmem>>) semaphore(%arg21 : memref<!tpu.dma_semaphore, #tpu.memory_space<semaphore_mem>>)
    %dma_start3A_22 = arith.constant 2 : i32
    %dma_start3A_23 = arith.constant 0 : i32
    %dma_start3A_24 = tpu.memref_slice %arg7[%dma_start3A_22, %dma_start3A_23] : memref<314x64xi32, #tpu.memory_space<vmem>> -> memref<1x64xi32, #tpu.memory_space<vmem>>
    %dma_start3A_25 = tpu.memref_squeeze %dma_start3A_24 : memref<1x64xi32, #tpu.memory_space<vmem>> -> memref<64xi32, #tpu.memory_space<vmem>>
    %dma_start3A_26 = arith.constant 0 : i32
    %dma_start3A_27 = arith.constant 0 : i32
    %dma_start3A_28 = tpu.memref_slice %arg2[%arg0, %dma_start3A_26, %dma_start3A_27] : memref<2x10000x64xf32, #tpu.memory_space<hbm>> -> memref<1x10000x64xf32, #tpu.memory_space<hbm>>
    %dma_start3A_29 = tpu.memref_squeeze %dma_start3A_28 : memref<1x10000x64xf32, #tpu.memory_space<hbm>> -> memref<10000x64xf32, #tpu.memory_space<hbm>>
    %dma_start3A_30 = arith.constant 0 : i32
    %dma_start3A_31 = arith.constant 0 : i32
    %dma_start3A_32 = tpu.memref_slice %dma_start3A_29[%dma_start3A_30, %dma_start3A_31] : memref<10000x64xf32, #tpu.memory_space<hbm>> -> memref<10000x64xf32, #tpu.memory_space<hbm>>
    tpu.enqueue_indirect_dma source(%dma_start3A_32 : memref<10000x64xf32, #tpu.memory_space<hbm>>) target(%arg11 : memref<64x64xf32, #tpu.memory_space<vmem>>) offsets(%dma_start3A_25 : memref<64xi32, #tpu.memory_space<vmem>>) semaphore(%arg22 : memref<!tpu.dma_semaphore, #tpu.memory_space<semaphore_mem>>)
    %dma_start3A_33 = arith.constant 3 : i32
    %dma_start3A_34 = arith.constant 0 : i32
    %dma_start3A_35 = tpu.memref_slice %arg7[%dma_start3A_33, %dma_start3A_34] : memref<314x64xi32, #tpu.memory_space<vmem>> -> memref<1x64xi32, #tpu.memory_space<vmem>>
    %dma_start3A_36 = tpu.memref_squeeze %dma_start3A_35 : memref<1x64xi32, #tpu.memory_space<vmem>> -> memref<64xi32, #tpu.memory_space<vmem>>
    %dma_start3A_37 = arith.constant 0 : i32
    %dma_start3A_38 = arith.constant 0 : i32
    %dma_start3A_39 = tpu.memref_slice %arg2[%arg0, %dma_start3A_37, %dma_start3A_38] : memref<2x10000x64xf32, #tpu.memory_space<hbm>> -> memref<1x10000x64xf32, #tpu.memory_space<hbm>>
    %dma_start3A_40 = tpu.memref_squeeze %dma_start3A_39 : memref<1x10000x64xf32, #tpu.memory_space<hbm>> -> memref<10000x64xf32, #tpu.memory_space<hbm>>
    %dma_start3A_41 = arith.constant 0 : i32
    %dma_start3A_42 = arith.constant 0 : i32
    %dma_start3A_43 = tpu.memref_slice %dma_start3A_40[%dma_start3A_41, %dma_start3A_42] : memref<10000x64xf32, #tpu.memory_space<hbm>> -> memref<10000x64xf32, #tpu.memory_space<hbm>>
    tpu.enqueue_indirect_dma source(%dma_start3A_43 : memref<10000x64xf32, #tpu.memory_space<hbm>>) target(%arg12 : memref<64x64xf32, #tpu.memory_space<vmem>>) offsets(%dma_start3A_36 : memref<64xi32, #tpu.memory_space<vmem>>) semaphore(%arg23 : memref<!tpu.dma_semaphore, #tpu.memory_space<semaphore_mem>>)
    %dma_start3A_44 = arith.constant 4 : i32
    %dma_start3A_45 = arith.constant 0 : i32
    %dma_start3A_46 = tpu.memref_slice %arg7[%dma_start3A_44, %dma_start3A_45] : memref<314x64xi32, #tpu.memory_space<vmem>> -> memref<1x64xi32, #tpu.memory_space<vmem>>
    %dma_start3A_47 = tpu.memref_squeeze %dma_start3A_46 : memref<1x64xi32, #tpu.memory_space<vmem>> -> memref<64xi32, #tpu.memory_space<vmem>>
    %dma_start3A_48 = arith.constant 0 : i32
    %dma_start3A_49 = arith.constant 0 : i32
    %dma_start3A_50 = tpu.memref_slice %arg2[%arg0, %dma_start3A_48, %dma_start3A_49] : memref<2x10000x64xf32, #tpu.memory_space<hbm>> -> memref<1x10000x64xf32, #tpu.memory_space<hbm>>
    %dma_start3A_51 = tpu.memref_squeeze %dma_start3A_50 : memref<1x10000x64xf32, #tpu.memory_space<hbm>> -> memref<10000x64xf32, #tpu.memory_space<hbm>>
    %dma_start3A_52 = arith.constant 0 : i32
    %dma_start3A_53 = arith.constant 0 : i32
    %dma_start3A_54 = tpu.memref_slice %dma_start3A_51[%dma_start3A_52, %dma_start3A_53] : memref<10000x64xf32, #tpu.memory_space<hbm>> -> memref<10000x64xf32, #tpu.memory_space<hbm>>
    tpu.enqueue_indirect_dma source(%dma_start3A_54 : memref<10000x64xf32, #tpu.memory_space<hbm>>) target(%arg13 : memref<64x64xf32, #tpu.memory_space<vmem>>) offsets(%dma_start3A_47 : memref<64xi32, #tpu.memory_space<vmem>>) semaphore(%arg24 : memref<!tpu.dma_semaphore, #tpu.memory_space<semaphore_mem>>)
    %scan3A = arith.constant 0 : i32
    %scan3A_55 = arith.constant 0 : i32
    %scan3A_56 = arith.constant 314 : i32
    %scan3A_57 = arith.addi %scan3A_55, %scan3A_56 : i32
    %scan3A_58 = arith.constant 1 : i32
    scf.for %scan3A_130 = %scan3A_55 to %scan3A_57 step %scan3A_58  : i32 {
      %jit3A = arith.constant 10 : i32
      %eq3A = arith.constant 0 : i32
      %eq3A_131 = arith.cmpi eq, %jit3A, %eq3A : i32
      %jit3A_132 = arith.constant 1 : i32
      %select_n3A = arith.select %eq3A_131, %jit3A_132, %jit3A : i32
      %rem3A = arith.remsi %scan3A_130, %select_n3A : i32
      %ne3A = arith.constant 0 : i32
      %ne3A_133 = arith.cmpi ne, %rem3A, %ne3A : i32
      %lt3A = arith.constant 0 : i32
      %lt3A_134 = arith.cmpi slt, %rem3A, %lt3A : i32
      %lt3A_135 = arith.constant 0 : i32
      %lt3A_136 = arith.cmpi slt, %select_n3A, %lt3A_135 : i32
      %ne3A_137 = arith.xori %lt3A_134, %lt3A_136 : i1
      %and3A = arith.andi %ne3A_137, %ne3A_133 : i1
      %add3A = arith.addi %rem3A, %select_n3A : i32
      %select_n3A_138 = arith.select %and3A, %add3A, %rem3A : i32
      %eq3A_139 = arith.constant 0 : i32
      %eq3A_140 = arith.cmpi eq, %select_n3A_138, %eq3A_139 : i32
      %convert_element_type3A = arith.extui %eq3A_140 : i1 to i32
      %cond3A = arith.constant 0 : i32
      %cond3A_141 = arith.cmpi ne, %convert_element_type3A, %cond3A : i32
      scf.if %cond3A_141 {
        %dma_wait3A_331 = arith.constant 0 : i32
        %dma_wait3A_332 = arith.constant 0 : i32
        %dma_wait3A_333 = tpu.memref_slice %arg7[%dma_wait3A_331, %dma_wait3A_332] : memref<314x64xi32, #tpu.memory_space<vmem>> -> memref<1x64xi32, #tpu.memory_space<vmem>>
        %dma_wait3A_334 = tpu.memref_squeeze %dma_wait3A_333 : memref<1x64xi32, #tpu.memory_space<vmem>> -> memref<64xi32, #tpu.memory_space<vmem>>
        %dma_wait3A_335 = arith.constant 0 : i32
        %dma_wait3A_336 = arith.constant 0 : i32
        %dma_wait3A_337 = tpu.memref_slice %arg2[%arg0, %dma_wait3A_335, %dma_wait3A_336] : memref<2x10000x64xf32, #tpu.memory_space<hbm>> -> memref<1x10000x64xf32, #tpu.memory_space<hbm>>
        %dma_wait3A_338 = tpu.memref_squeeze %dma_wait3A_337 : memref<1x10000x64xf32, #tpu.memory_space<hbm>> -> memref<10000x64xf32, #tpu.memory_space<hbm>>
        %dma_wait3A_339 = arith.constant 0 : i32
        %dma_wait3A_340 = arith.constant 0 : i32
        %dma_wait3A_341 = tpu.memref_slice %dma_wait3A_338[%dma_wait3A_339, %dma_wait3A_340] : memref<10000x64xf32, #tpu.memory_space<hbm>> -> memref<10000x64xf32, #tpu.memory_space<hbm>>
        tpu.wait_indirect_dma semaphore(%arg20 : memref<!tpu.dma_semaphore, #tpu.memory_space<semaphore_mem>>) src(%dma_wait3A_341 : memref<10000x64xf32, #tpu.memory_space<hbm>>) dst(%arg9 : memref<64x64xf32, #tpu.memory_space<vmem>>)
        %dma_start3A_342 = arith.constant 0 : i32
        %dma_start3A_343 = tpu.memref_slice %arg8[%scan3A_130, %dma_start3A_342] : memref<314x64xi32, #tpu.memory_space<vmem>> -> memref<1x64xi32, #tpu.memory_space<vmem>>
        %dma_start3A_344 = tpu.memref_squeeze %dma_start3A_343 : memref<1x64xi32, #tpu.memory_space<vmem>> -> memref<64xi32, #tpu.memory_space<vmem>>
        %dma_start3A_345 = arith.constant 0 : i32
        %dma_start3A_346 = arith.constant 0 : i32
        %dma_start3A_347 = tpu.memref_slice %arg19[%dma_start3A_345, %dma_start3A_346] : memref<10240x64xf32, #tpu.memory_space<vmem_shared>> -> memref<10240x64xf32, #tpu.memory_space<vmem_shared>>
        tpu.enqueue_indirect_dma source(%arg9 : memref<64x64xf32, #tpu.memory_space<vmem>>) target(%dma_start3A_347 : memref<10240x64xf32, #tpu.memory_space<vmem_shared>>) offsets(%dma_start3A_344 : memref<64xi32, #tpu.memory_space<vmem>>) semaphore(%arg30 : memref<!tpu.dma_semaphore, #tpu.memory_space<semaphore_mem>>) {add = true}
        %add3A_348 = arith.constant 5 : i32
        %add3A_349 = arith.addi %scan3A_130, %add3A_348 : i32
        %lt3A_350 = arith.constant 314 : i32
        %lt3A_351 = arith.cmpi slt, %add3A_349, %lt3A_350 : i32
        %convert_element_type3A_352 = arith.extui %lt3A_351 : i1 to i32
        %cond3A_353 = arith.constant 0 : i32
        %cond3A_354 = arith.cmpi ne, %convert_element_type3A_352, %cond3A_353 : i32
        scf.if %cond3A_354 {
          %ge3A = arith.constant 5 : i32
          %ge3A_355 = arith.cmpi sge, %scan3A_130, %ge3A : i32
          %convert_element_type3A_356 = arith.extui %ge3A_355 : i1 to i32
          %cond3A_357 = arith.constant 0 : i32
          %cond3A_358 = arith.cmpi ne, %convert_element_type3A_356, %cond3A_357 : i32
          scf.if %cond3A_358 {
            %dma_wait3A_371 = arith.constant 0 : i32
            %dma_wait3A_372 = arith.constant 0 : i32
            %dma_wait3A_373 = tpu.memref_slice %arg8[%dma_wait3A_371, %dma_wait3A_372] : memref<314x64xi32, #tpu.memory_space<vmem>> -> memref<1x64xi32, #tpu.memory_space<vmem>>
            %dma_wait3A_374 = tpu.memref_squeeze %dma_wait3A_373 : memref<1x64xi32, #tpu.memory_space<vmem>> -> memref<64xi32, #tpu.memory_space<vmem>>
            %dma_wait3A_375 = arith.constant 0 : i32
            %dma_wait3A_376 = arith.constant 0 : i32
            %dma_wait3A_377 = tpu.memref_slice %arg19[%dma_wait3A_375, %dma_wait3A_376] : memref<10240x64xf32, #tpu.memory_space<vmem_shared>> -> memref<10240x64xf32, #tpu.memory_space<vmem_shared>>
            tpu.wait_indirect_dma semaphore(%arg35 : memref<!tpu.dma_semaphore, #tpu.memory_space<semaphore_mem>>) src(%arg14 : memref<64x64xf32, #tpu.memory_space<vmem>>) dst(%dma_wait3A_377 : memref<10240x64xf32, #tpu.memory_space<vmem_shared>>)
          } else {
          }
          %add3A_359 = arith.constant 5 : i32
          %add3A_360 = arith.addi %scan3A_130, %add3A_359 : i32
          %dma_start3A_361 = arith.constant 0 : i32
          %dma_start3A_362 = tpu.memref_slice %arg7[%add3A_360, %dma_start3A_361] : memref<314x64xi32, #tpu.memory_space<vmem>> -> memref<1x64xi32, #tpu.memory_space<vmem>>
          %dma_start3A_363 = tpu.memref_squeeze %dma_start3A_362 : memref<1x64xi32, #tpu.memory_space<vmem>> -> memref<64xi32, #tpu.memory_space<vmem>>
          %dma_start3A_364 = arith.constant 0 : i32
          %dma_start3A_365 = arith.constant 0 : i32
          %dma_start3A_366 = tpu.memref_slice %arg2[%arg0, %dma_start3A_364, %dma_start3A_365] : memref<2x10000x64xf32, #tpu.memory_space<hbm>> -> memref<1x10000x64xf32, #tpu.memory_space<hbm>>
          %dma_start3A_367 = tpu.memref_squeeze %dma_start3A_366 : memref<1x10000x64xf32, #tpu.memory_space<hbm>> -> memref<10000x64xf32, #tpu.memory_space<hbm>>
          %dma_start3A_368 = arith.constant 0 : i32
          %dma_start3A_369 = arith.constant 0 : i32
          %dma_start3A_370 = tpu.memref_slice %dma_start3A_367[%dma_start3A_368, %dma_start3A_369] : memref<10000x64xf32, #tpu.memory_space<hbm>> -> memref<10000x64xf32, #tpu.memory_space<hbm>>
          tpu.enqueue_indirect_dma source(%dma_start3A_370 : memref<10000x64xf32, #tpu.memory_space<hbm>>) target(%arg14 : memref<64x64xf32, #tpu.memory_space<vmem>>) offsets(%dma_start3A_363 : memref<64xi32, #tpu.memory_space<vmem>>) semaphore(%arg25 : memref<!tpu.dma_semaphore, #tpu.memory_space<semaphore_mem>>)
        } else {
        }
      } else {
      }
      %jit3A_142 = arith.constant 10 : i32
      %eq3A_143 = arith.constant 0 : i32
      %eq3A_144 = arith.cmpi eq, %jit3A_142, %eq3A_143 : i32
      %jit3A_145 = arith.constant 1 : i32
      %select_n3A_146 = arith.select %eq3A_144, %jit3A_145, %jit3A_142 : i32
      %rem3A_147 = arith.remsi %scan3A_130, %select_n3A_146 : i32
      %ne3A_148 = arith.constant 0 : i32
      %ne3A_149 = arith.cmpi ne, %rem3A_147, %ne3A_148 : i32
      %lt3A_150 = arith.constant 0 : i32
      %lt3A_151 = arith.cmpi slt, %rem3A_147, %lt3A_150 : i32
      %lt3A_152 = arith.constant 0 : i32
      %lt3A_153 = arith.cmpi slt, %select_n3A_146, %lt3A_152 : i32
      %ne3A_154 = arith.xori %lt3A_151, %lt3A_153 : i1
      %and3A_155 = arith.andi %ne3A_154, %ne3A_149 : i1
      %add3A_156 = arith.addi %rem3A_147, %select_n3A_146 : i32
      %select_n3A_157 = arith.select %and3A_155, %add3A_156, %rem3A_147 : i32
      %eq3A_158 = arith.constant 1 : i32
      %eq3A_159 = arith.cmpi eq, %select_n3A_157, %eq3A_158 : i32
      %convert_element_type3A_160 = arith.extui %eq3A_159 : i1 to i32
      %cond3A_161 = arith.constant 0 : i32
      %cond3A_162 = arith.cmpi ne, %convert_element_type3A_160, %cond3A_161 : i32
      scf.if %cond3A_162 {
        %dma_wait3A_331 = arith.constant 0 : i32
        %dma_wait3A_332 = arith.constant 0 : i32
        %dma_wait3A_333 = tpu.memref_slice %arg7[%dma_wait3A_331, %dma_wait3A_332] : memref<314x64xi32, #tpu.memory_space<vmem>> -> memref<1x64xi32, #tpu.memory_space<vmem>>
        %dma_wait3A_334 = tpu.memref_squeeze %dma_wait3A_333 : memref<1x64xi32, #tpu.memory_space<vmem>> -> memref<64xi32, #tpu.memory_space<vmem>>
        %dma_wait3A_335 = arith.constant 0 : i32
        %dma_wait3A_336 = arith.constant 0 : i32
        %dma_wait3A_337 = tpu.memref_slice %arg2[%arg0, %dma_wait3A_335, %dma_wait3A_336] : memref<2x10000x64xf32, #tpu.memory_space<hbm>> -> memref<1x10000x64xf32, #tpu.memory_space<hbm>>
        %dma_wait3A_338 = tpu.memref_squeeze %dma_wait3A_337 : memref<1x10000x64xf32, #tpu.memory_space<hbm>> -> memref<10000x64xf32, #tpu.memory_space<hbm>>
        %dma_wait3A_339 = arith.constant 0 : i32
        %dma_wait3A_340 = arith.constant 0 : i32
        %dma_wait3A_341 = tpu.memref_slice %dma_wait3A_338[%dma_wait3A_339, %dma_wait3A_340] : memref<10000x64xf32, #tpu.memory_space<hbm>> -> memref<10000x64xf32, #tpu.memory_space<hbm>>
        tpu.wait_indirect_dma semaphore(%arg21 : memref<!tpu.dma_semaphore, #tpu.memory_space<semaphore_mem>>) src(%dma_wait3A_341 : memref<10000x64xf32, #tpu.memory_space<hbm>>) dst(%arg10 : memref<64x64xf32, #tpu.memory_space<vmem>>)
        %dma_start3A_342 = arith.constant 0 : i32
        %dma_start3A_343 = tpu.memref_slice %arg8[%scan3A_130, %dma_start3A_342] : memref<314x64xi32, #tpu.memory_space<vmem>> -> memref<1x64xi32, #tpu.memory_space<vmem>>
        %dma_start3A_344 = tpu.memref_squeeze %dma_start3A_343 : memref<1x64xi32, #tpu.memory_space<vmem>> -> memref<64xi32, #tpu.memory_space<vmem>>
        %dma_start3A_345 = arith.constant 0 : i32
        %dma_start3A_346 = arith.constant 0 : i32
        %dma_start3A_347 = tpu.memref_slice %arg19[%dma_start3A_345, %dma_start3A_346] : memref<10240x64xf32, #tpu.memory_space<vmem_shared>> -> memref<10240x64xf32, #tpu.memory_space<vmem_shared>>
        tpu.enqueue_indirect_dma source(%arg10 : memref<64x64xf32, #tpu.memory_space<vmem>>) target(%dma_start3A_347 : memref<10240x64xf32, #tpu.memory_space<vmem_shared>>) offsets(%dma_start3A_344 : memref<64xi32, #tpu.memory_space<vmem>>) semaphore(%arg31 : memref<!tpu.dma_semaphore, #tpu.memory_space<semaphore_mem>>) {add = true}
        %add3A_348 = arith.constant 5 : i32
        %add3A_349 = arith.addi %scan3A_130, %add3A_348 : i32
        %lt3A_350 = arith.constant 314 : i32
        %lt3A_351 = arith.cmpi slt, %add3A_349, %lt3A_350 : i32
        %convert_element_type3A_352 = arith.extui %lt3A_351 : i1 to i32
        %cond3A_353 = arith.constant 0 : i32
        %cond3A_354 = arith.cmpi ne, %convert_element_type3A_352, %cond3A_353 : i32
        scf.if %cond3A_354 {
          %ge3A = arith.constant 5 : i32
          %ge3A_355 = arith.cmpi sge, %scan3A_130, %ge3A : i32
          %convert_element_type3A_356 = arith.extui %ge3A_355 : i1 to i32
          %cond3A_357 = arith.constant 0 : i32
          %cond3A_358 = arith.cmpi ne, %convert_element_type3A_356, %cond3A_357 : i32
          scf.if %cond3A_358 {
            %dma_wait3A_371 = arith.constant 0 : i32
            %dma_wait3A_372 = arith.constant 0 : i32
            %dma_wait3A_373 = tpu.memref_slice %arg8[%dma_wait3A_371, %dma_wait3A_372] : memref<314x64xi32, #tpu.memory_space<vmem>> -> memref<1x64xi32, #tpu.memory_space<vmem>>
            %dma_wait3A_374 = tpu.memref_squeeze %dma_wait3A_373 : memref<1x64xi32, #tpu.memory_space<vmem>> -> memref<64xi32, #tpu.memory_space<vmem>>
            %dma_wait3A_375 = arith.constant 0 : i32
            %dma_wait3A_376 = arith.constant 0 : i32
            %dma_wait3A_377 = tpu.memref_slice %arg19[%dma_wait3A_375, %dma_wait3A_376] : memref<10240x64xf32, #tpu.memory_space<vmem_shared>> -> memref<10240x64xf32, #tpu.memory_space<vmem_shared>>
            tpu.wait_indirect_dma semaphore(%arg36 : memref<!tpu.dma_semaphore, #tpu.memory_space<semaphore_mem>>) src(%arg15 : memref<64x64xf32, #tpu.memory_space<vmem>>) dst(%dma_wait3A_377 : memref<10240x64xf32, #tpu.memory_space<vmem_shared>>)
          } else {
          }
          %add3A_359 = arith.constant 5 : i32
          %add3A_360 = arith.addi %scan3A_130, %add3A_359 : i32
          %dma_start3A_361 = arith.constant 0 : i32
          %dma_start3A_362 = tpu.memref_slice %arg7[%add3A_360, %dma_start3A_361] : memref<314x64xi32, #tpu.memory_space<vmem>> -> memref<1x64xi32, #tpu.memory_space<vmem>>
          %dma_start3A_363 = tpu.memref_squeeze %dma_start3A_362 : memref<1x64xi32, #tpu.memory_space<vmem>> -> memref<64xi32, #tpu.memory_space<vmem>>
          %dma_start3A_364 = arith.constant 0 : i32
          %dma_start3A_365 = arith.constant 0 : i32
          %dma_start3A_366 = tpu.memref_slice %arg2[%arg0, %dma_start3A_364, %dma_start3A_365] : memref<2x10000x64xf32, #tpu.memory_space<hbm>> -> memref<1x10000x64xf32, #tpu.memory_space<hbm>>
          %dma_start3A_367 = tpu.memref_squeeze %dma_start3A_366 : memref<1x10000x64xf32, #tpu.memory_space<hbm>> -> memref<10000x64xf32, #tpu.memory_space<hbm>>
          %dma_start3A_368 = arith.constant 0 : i32
          %dma_start3A_369 = arith.constant 0 : i32
          %dma_start3A_370 = tpu.memref_slice %dma_start3A_367[%dma_start3A_368, %dma_start3A_369] : memref<10000x64xf32, #tpu.memory_space<hbm>> -> memref<10000x64xf32, #tpu.memory_space<hbm>>
          tpu.enqueue_indirect_dma source(%dma_start3A_370 : memref<10000x64xf32, #tpu.memory_space<hbm>>) target(%arg15 : memref<64x64xf32, #tpu.memory_space<vmem>>) offsets(%dma_start3A_363 : memref<64xi32, #tpu.memory_space<vmem>>) semaphore(%arg26 : memref<!tpu.dma_semaphore, #tpu.memory_space<semaphore_mem>>)
        } else {
        }
      } else {
      }
      %jit3A_163 = arith.constant 10 : i32
      %eq3A_164 = arith.constant 0 : i32
      %eq3A_165 = arith.cmpi eq, %jit3A_163, %eq3A_164 : i32
      %jit3A_166 = arith.constant 1 : i32
      %select_n3A_167 = arith.select %eq3A_165, %jit3A_166, %jit3A_163 : i32
      %rem3A_168 = arith.remsi %scan3A_130, %select_n3A_167 : i32
      %ne3A_169 = arith.constant 0 : i32
      %ne3A_170 = arith.cmpi ne, %rem3A_168, %ne3A_169 : i32
      %lt3A_171 = arith.constant 0 : i32
      %lt3A_172 = arith.cmpi slt, %rem3A_168, %lt3A_171 : i32
      %lt3A_173 = arith.constant 0 : i32
      %lt3A_174 = arith.cmpi slt, %select_n3A_167, %lt3A_173 : i32
      %ne3A_175 = arith.xori %lt3A_172, %lt3A_174 : i1
      %and3A_176 = arith.andi %ne3A_175, %ne3A_170 : i1
      %add3A_177 = arith.addi %rem3A_168, %select_n3A_167 : i32
      %select_n3A_178 = arith.select %and3A_176, %add3A_177, %rem3A_168 : i32
      %eq3A_179 = arith.constant 2 : i32
      %eq3A_180 = arith.cmpi eq, %select_n3A_178, %eq3A_179 : i32
      %convert_element_type3A_181 = arith.extui %eq3A_180 : i1 to i32
      %cond3A_182 = arith.constant 0 : i32
      %cond3A_183 = arith.cmpi ne, %convert_element_type3A_181, %cond3A_182 : i32
      scf.if %cond3A_183 {
        %dma_wait3A_331 = arith.constant 0 : i32
        %dma_wait3A_332 = arith.constant 0 : i32
        %dma_wait3A_333 = tpu.memref_slice %arg7[%dma_wait3A_331, %dma_wait3A_332] : memref<314x64xi32, #tpu.memory_space<vmem>> -> memref<1x64xi32, #tpu.memory_space<vmem>>
        %dma_wait3A_334 = tpu.memref_squeeze %dma_wait3A_333 : memref<1x64xi32, #tpu.memory_space<vmem>> -> memref<64xi32, #tpu.memory_space<vmem>>
        %dma_wait3A_335 = arith.constant 0 : i32
        %dma_wait3A_336 = arith.constant 0 : i32
        %dma_wait3A_337 = tpu.memref_slice %arg2[%arg0, %dma_wait3A_335, %dma_wait3A_336] : memref<2x10000x64xf32, #tpu.memory_space<hbm>> -> memref<1x10000x64xf32, #tpu.memory_space<hbm>>
        %dma_wait3A_338 = tpu.memref_squeeze %dma_wait3A_337 : memref<1x10000x64xf32, #tpu.memory_space<hbm>> -> memref<10000x64xf32, #tpu.memory_space<hbm>>
        %dma_wait3A_339 = arith.constant 0 : i32
        %dma_wait3A_340 = arith.constant 0 : i32
        %dma_wait3A_341 = tpu.memref_slice %dma_wait3A_338[%dma_wait3A_339, %dma_wait3A_340] : memref<10000x64xf32, #tpu.memory_space<hbm>> -> memref<10000x64xf32, #tpu.memory_space<hbm>>
        tpu.wait_indirect_dma semaphore(%arg22 : memref<!tpu.dma_semaphore, #tpu.memory_space<semaphore_mem>>) src(%dma_wait3A_341 : memref<10000x64xf32, #tpu.memory_space<hbm>>) dst(%arg11 : memref<64x64xf32, #tpu.memory_space<vmem>>)
        %dma_start3A_342 = arith.constant 0 : i32
        %dma_start3A_343 = tpu.memref_slice %arg8[%scan3A_130, %dma_start3A_342] : memref<314x64xi32, #tpu.memory_space<vmem>> -> memref<1x64xi32, #tpu.memory_space<vmem>>
        %dma_start3A_344 = tpu.memref_squeeze %dma_start3A_343 : memref<1x64xi32, #tpu.memory_space<vmem>> -> memref<64xi32, #tpu.memory_space<vmem>>
        %dma_start3A_345 = arith.constant 0 : i32
        %dma_start3A_346 = arith.constant 0 : i32
        %dma_start3A_347 = tpu.memref_slice %arg19[%dma_start3A_345, %dma_start3A_346] : memref<10240x64xf32, #tpu.memory_space<vmem_shared>> -> memref<10240x64xf32, #tpu.memory_space<vmem_shared>>
        tpu.enqueue_indirect_dma source(%arg11 : memref<64x64xf32, #tpu.memory_space<vmem>>) target(%dma_start3A_347 : memref<10240x64xf32, #tpu.memory_space<vmem_shared>>) offsets(%dma_start3A_344 : memref<64xi32, #tpu.memory_space<vmem>>) semaphore(%arg32 : memref<!tpu.dma_semaphore, #tpu.memory_space<semaphore_mem>>) {add = true}
        %add3A_348 = arith.constant 5 : i32
        %add3A_349 = arith.addi %scan3A_130, %add3A_348 : i32
        %lt3A_350 = arith.constant 314 : i32
        %lt3A_351 = arith.cmpi slt, %add3A_349, %lt3A_350 : i32
        %convert_element_type3A_352 = arith.extui %lt3A_351 : i1 to i32
        %cond3A_353 = arith.constant 0 : i32
        %cond3A_354 = arith.cmpi ne, %convert_element_type3A_352, %cond3A_353 : i32
        scf.if %cond3A_354 {
          %ge3A = arith.constant 5 : i32
          %ge3A_355 = arith.cmpi sge, %scan3A_130, %ge3A : i32
          %convert_element_type3A_356 = arith.extui %ge3A_355 : i1 to i32
          %cond3A_357 = arith.constant 0 : i32
          %cond3A_358 = arith.cmpi ne, %convert_element_type3A_356, %cond3A_357 : i32
          scf.if %cond3A_358 {
            %dma_wait3A_371 = arith.constant 0 : i32
            %dma_wait3A_372 = arith.constant 0 : i32
            %dma_wait3A_373 = tpu.memref_slice %arg8[%dma_wait3A_371, %dma_wait3A_372] : memref<314x64xi32, #tpu.memory_space<vmem>> -> memref<1x64xi32, #tpu.memory_space<vmem>>
            %dma_wait3A_374 = tpu.memref_squeeze %dma_wait3A_373 : memref<1x64xi32, #tpu.memory_space<vmem>> -> memref<64xi32, #tpu.memory_space<vmem>>
            %dma_wait3A_375 = arith.constant 0 : i32
            %dma_wait3A_376 = arith.constant 0 : i32
            %dma_wait3A_377 = tpu.memref_slice %arg19[%dma_wait3A_375, %dma_wait3A_376] : memref<10240x64xf32, #tpu.memory_space<vmem_shared>> -> memref<10240x64xf32, #tpu.memory_space<vmem_shared>>
            tpu.wait_indirect_dma semaphore(%arg37 : memref<!tpu.dma_semaphore, #tpu.memory_space<semaphore_mem>>) src(%arg16 : memref<64x64xf32, #tpu.memory_space<vmem>>) dst(%dma_wait3A_377 : memref<10240x64xf32, #tpu.memory_space<vmem_shared>>)
          } else {
          }
          %add3A_359 = arith.constant 5 : i32
          %add3A_360 = arith.addi %scan3A_130, %add3A_359 : i32
          %dma_start3A_361 = arith.constant 0 : i32
          %dma_start3A_362 = tpu.memref_slice %arg7[%add3A_360, %dma_start3A_361] : memref<314x64xi32, #tpu.memory_space<vmem>> -> memref<1x64xi32, #tpu.memory_space<vmem>>
          %dma_start3A_363 = tpu.memref_squeeze %dma_start3A_362 : memref<1x64xi32, #tpu.memory_space<vmem>> -> memref<64xi32, #tpu.memory_space<vmem>>
          %dma_start3A_364 = arith.constant 0 : i32
          %dma_start3A_365 = arith.constant 0 : i32
          %dma_start3A_366 = tpu.memref_slice %arg2[%arg0, %dma_start3A_364, %dma_start3A_365] : memref<2x10000x64xf32, #tpu.memory_space<hbm>> -> memref<1x10000x64xf32, #tpu.memory_space<hbm>>
          %dma_start3A_367 = tpu.memref_squeeze %dma_start3A_366 : memref<1x10000x64xf32, #tpu.memory_space<hbm>> -> memref<10000x64xf32, #tpu.memory_space<hbm>>
          %dma_start3A_368 = arith.constant 0 : i32
          %dma_start3A_369 = arith.constant 0 : i32
          %dma_start3A_370 = tpu.memref_slice %dma_start3A_367[%dma_start3A_368, %dma_start3A_369] : memref<10000x64xf32, #tpu.memory_space<hbm>> -> memref<10000x64xf32, #tpu.memory_space<hbm>>
          tpu.enqueue_indirect_dma source(%dma_start3A_370 : memref<10000x64xf32, #tpu.memory_space<hbm>>) target(%arg16 : memref<64x64xf32, #tpu.memory_space<vmem>>) offsets(%dma_start3A_363 : memref<64xi32, #tpu.memory_space<vmem>>) semaphore(%arg27 : memref<!tpu.dma_semaphore, #tpu.memory_space<semaphore_mem>>)
        } else {
        }
      } else {
      }
      %jit3A_184 = arith.constant 10 : i32
      %eq3A_185 = arith.constant 0 : i32
      %eq3A_186 = arith.cmpi eq, %jit3A_184, %eq3A_185 : i32
      %jit3A_187 = arith.constant 1 : i32
      %select_n3A_188 = arith.select %eq3A_186, %jit3A_187, %jit3A_184 : i32
      %rem3A_189 = arith.remsi %scan3A_130, %select_n3A_188 : i32
      %ne3A_190 = arith.constant 0 : i32
      %ne3A_191 = arith.cmpi ne, %rem3A_189, %ne3A_190 : i32
      %lt3A_192 = arith.constant 0 : i32
      %lt3A_193 = arith.cmpi slt, %rem3A_189, %lt3A_192 : i32
      %lt3A_194 = arith.constant 0 : i32
      %lt3A_195 = arith.cmpi slt, %select_n3A_188, %lt3A_194 : i32
      %ne3A_196 = arith.xori %lt3A_193, %lt3A_195 : i1
      %and3A_197 = arith.andi %ne3A_196, %ne3A_191 : i1
      %add3A_198 = arith.addi %rem3A_189, %select_n3A_188 : i32
      %select_n3A_199 = arith.select %and3A_197, %add3A_198, %rem3A_189 : i32
      %eq3A_200 = arith.constant 3 : i32
      %eq3A_201 = arith.cmpi eq, %select_n3A_199, %eq3A_200 : i32
      %convert_element_type3A_202 = arith.extui %eq3A_201 : i1 to i32
      %cond3A_203 = arith.constant 0 : i32
      %cond3A_204 = arith.cmpi ne, %convert_element_type3A_202, %cond3A_203 : i32
      scf.if %cond3A_204 {
        %dma_wait3A_331 = arith.constant 0 : i32
        %dma_wait3A_332 = arith.constant 0 : i32
        %dma_wait3A_333 = tpu.memref_slice %arg7[%dma_wait3A_331, %dma_wait3A_332] : memref<314x64xi32, #tpu.memory_space<vmem>> -> memref<1x64xi32, #tpu.memory_space<vmem>>
        %dma_wait3A_334 = tpu.memref_squeeze %dma_wait3A_333 : memref<1x64xi32, #tpu.memory_space<vmem>> -> memref<64xi32, #tpu.memory_space<vmem>>
        %dma_wait3A_335 = arith.constant 0 : i32
        %dma_wait3A_336 = arith.constant 0 : i32
        %dma_wait3A_337 = tpu.memref_slice %arg2[%arg0, %dma_wait3A_335, %dma_wait3A_336] : memref<2x10000x64xf32, #tpu.memory_space<hbm>> -> memref<1x10000x64xf32, #tpu.memory_space<hbm>>
        %dma_wait3A_338 = tpu.memref_squeeze %dma_wait3A_337 : memref<1x10000x64xf32, #tpu.memory_space<hbm>> -> memref<10000x64xf32, #tpu.memory_space<hbm>>
        %dma_wait3A_339 = arith.constant 0 : i32
        %dma_wait3A_340 = arith.constant 0 : i32
        %dma_wait3A_341 = tpu.memref_slice %dma_wait3A_338[%dma_wait3A_339, %dma_wait3A_340] : memref<10000x64xf32, #tpu.memory_space<hbm>> -> memref<10000x64xf32, #tpu.memory_space<hbm>>
        tpu.wait_indirect_dma semaphore(%arg23 : memref<!tpu.dma_semaphore, #tpu.memory_space<semaphore_mem>>) src(%dma_wait3A_341 : memref<10000x64xf32, #tpu.memory_space<hbm>>) dst(%arg12 : memref<64x64xf32, #tpu.memory_space<vmem>>)
        %dma_start3A_342 = arith.constant 0 : i32
        %dma_start3A_343 = tpu.memref_slice %arg8[%scan3A_130, %dma_start3A_342] : memref<314x64xi32, #tpu.memory_space<vmem>> -> memref<1x64xi32, #tpu.memory_space<vmem>>
        %dma_start3A_344 = tpu.memref_squeeze %dma_start3A_343 : memref<1x64xi32, #tpu.memory_space<vmem>> -> memref<64xi32, #tpu.memory_space<vmem>>
        %dma_start3A_345 = arith.constant 0 : i32
        %dma_start3A_346 = arith.constant 0 : i32
        %dma_start3A_347 = tpu.memref_slice %arg19[%dma_start3A_345, %dma_start3A_346] : memref<10240x64xf32, #tpu.memory_space<vmem_shared>> -> memref<10240x64xf32, #tpu.memory_space<vmem_shared>>
        tpu.enqueue_indirect_dma source(%arg12 : memref<64x64xf32, #tpu.memory_space<vmem>>) target(%dma_start3A_347 : memref<10240x64xf32, #tpu.memory_space<vmem_shared>>) offsets(%dma_start3A_344 : memref<64xi32, #tpu.memory_space<vmem>>) semaphore(%arg33 : memref<!tpu.dma_semaphore, #tpu.memory_space<semaphore_mem>>) {add = true}
        %add3A_348 = arith.constant 5 : i32
        %add3A_349 = arith.addi %scan3A_130, %add3A_348 : i32
        %lt3A_350 = arith.constant 314 : i32
        %lt3A_351 = arith.cmpi slt, %add3A_349, %lt3A_350 : i32
        %convert_element_type3A_352 = arith.extui %lt3A_351 : i1 to i32
        %cond3A_353 = arith.constant 0 : i32
        %cond3A_354 = arith.cmpi ne, %convert_element_type3A_352, %cond3A_353 : i32
        scf.if %cond3A_354 {
          %ge3A = arith.constant 5 : i32
          %ge3A_355 = arith.cmpi sge, %scan3A_130, %ge3A : i32
          %convert_element_type3A_356 = arith.extui %ge3A_355 : i1 to i32
          %cond3A_357 = arith.constant 0 : i32
          %cond3A_358 = arith.cmpi ne, %convert_element_type3A_356, %cond3A_357 : i32
          scf.if %cond3A_358 {
            %dma_wait3A_371 = arith.constant 0 : i32
            %dma_wait3A_372 = arith.constant 0 : i32
            %dma_wait3A_373 = tpu.memref_slice %arg8[%dma_wait3A_371, %dma_wait3A_372] : memref<314x64xi32, #tpu.memory_space<vmem>> -> memref<1x64xi32, #tpu.memory_space<vmem>>
            %dma_wait3A_374 = tpu.memref_squeeze %dma_wait3A_373 : memref<1x64xi32, #tpu.memory_space<vmem>> -> memref<64xi32, #tpu.memory_space<vmem>>
            %dma_wait3A_375 = arith.constant 0 : i32
            %dma_wait3A_376 = arith.constant 0 : i32
            %dma_wait3A_377 = tpu.memref_slice %arg19[%dma_wait3A_375, %dma_wait3A_376] : memref<10240x64xf32, #tpu.memory_space<vmem_shared>> -> memref<10240x64xf32, #tpu.memory_space<vmem_shared>>
            tpu.wait_indirect_dma semaphore(%arg38 : memref<!tpu.dma_semaphore, #tpu.memory_space<semaphore_mem>>) src(%arg17 : memref<64x64xf32, #tpu.memory_space<vmem>>) dst(%dma_wait3A_377 : memref<10240x64xf32, #tpu.memory_space<vmem_shared>>)
          } else {
          }
          %add3A_359 = arith.constant 5 : i32
          %add3A_360 = arith.addi %scan3A_130, %add3A_359 : i32
          %dma_start3A_361 = arith.constant 0 : i32
          %dma_start3A_362 = tpu.memref_slice %arg7[%add3A_360, %dma_start3A_361] : memref<314x64xi32, #tpu.memory_space<vmem>> -> memref<1x64xi32, #tpu.memory_space<vmem>>
          %dma_start3A_363 = tpu.memref_squeeze %dma_start3A_362 : memref<1x64xi32, #tpu.memory_space<vmem>> -> memref<64xi32, #tpu.memory_space<vmem>>
          %dma_start3A_364 = arith.constant 0 : i32
          %dma_start3A_365 = arith.constant 0 : i32
          %dma_start3A_366 = tpu.memref_slice %arg2[%arg0, %dma_start3A_364, %dma_start3A_365] : memref<2x10000x64xf32, #tpu.memory_space<hbm>> -> memref<1x10000x64xf32, #tpu.memory_space<hbm>>
          %dma_start3A_367 = tpu.memref_squeeze %dma_start3A_366 : memref<1x10000x64xf32, #tpu.memory_space<hbm>> -> memref<10000x64xf32, #tpu.memory_space<hbm>>
          %dma_start3A_368 = arith.constant 0 : i32
          %dma_start3A_369 = arith.constant 0 : i32
          %dma_start3A_370 = tpu.memref_slice %dma_start3A_367[%dma_start3A_368, %dma_start3A_369] : memref<10000x64xf32, #tpu.memory_space<hbm>> -> memref<10000x64xf32, #tpu.memory_space<hbm>>
          tpu.enqueue_indirect_dma source(%dma_start3A_370 : memref<10000x64xf32, #tpu.memory_space<hbm>>) target(%arg17 : memref<64x64xf32, #tpu.memory_space<vmem>>) offsets(%dma_start3A_363 : memref<64xi32, #tpu.memory_space<vmem>>) semaphore(%arg28 : memref<!tpu.dma_semaphore, #tpu.memory_space<semaphore_mem>>)
        } else {
        }
      } else {
      }
      %jit3A_205 = arith.constant 10 : i32
      %eq3A_206 = arith.constant 0 : i32
      %eq3A_207 = arith.cmpi eq, %jit3A_205, %eq3A_206 : i32
      %jit3A_208 = arith.constant 1 : i32
      %select_n3A_209 = arith.select %eq3A_207, %jit3A_208, %jit3A_205 : i32
      %rem3A_210 = arith.remsi %scan3A_130, %select_n3A_209 : i32
      %ne3A_211 = arith.constant 0 : i32
      %ne3A_212 = arith.cmpi ne, %rem3A_210, %ne3A_211 : i32
      %lt3A_213 = arith.constant 0 : i32
      %lt3A_214 = arith.cmpi slt, %rem3A_210, %lt3A_213 : i32
      %lt3A_215 = arith.constant 0 : i32
      %lt3A_216 = arith.cmpi slt, %select_n3A_209, %lt3A_215 : i32
      %ne3A_217 = arith.xori %lt3A_214, %lt3A_216 : i1
      %and3A_218 = arith.andi %ne3A_217, %ne3A_212 : i1
      %add3A_219 = arith.addi %rem3A_210, %select_n3A_209 : i32
      %select_n3A_220 = arith.select %and3A_218, %add3A_219, %rem3A_210 : i32
      %eq3A_221 = arith.constant 4 : i32
      %eq3A_222 = arith.cmpi eq, %select_n3A_220, %eq3A_221 : i32
      %convert_element_type3A_223 = arith.extui %eq3A_222 : i1 to i32
      %cond3A_224 = arith.constant 0 : i32
      %cond3A_225 = arith.cmpi ne, %convert_element_type3A_223, %cond3A_224 : i32
      scf.if %cond3A_225 {
        %dma_wait3A_331 = arith.constant 0 : i32
        %dma_wait3A_332 = arith.constant 0 : i32
        %dma_wait3A_333 = tpu.memref_slice %arg7[%dma_wait3A_331, %dma_wait3A_332] : memref<314x64xi32, #tpu.memory_space<vmem>> -> memref<1x64xi32, #tpu.memory_space<vmem>>
        %dma_wait3A_334 = tpu.memref_squeeze %dma_wait3A_333 : memref<1x64xi32, #tpu.memory_space<vmem>> -> memref<64xi32, #tpu.memory_space<vmem>>
        %dma_wait3A_335 = arith.constant 0 : i32
        %dma_wait3A_336 = arith.constant 0 : i32
        %dma_wait3A_337 = tpu.memref_slice %arg2[%arg0, %dma_wait3A_335, %dma_wait3A_336] : memref<2x10000x64xf32, #tpu.memory_space<hbm>> -> memref<1x10000x64xf32, #tpu.memory_space<hbm>>
        %dma_wait3A_338 = tpu.memref_squeeze %dma_wait3A_337 : memref<1x10000x64xf32, #tpu.memory_space<hbm>> -> memref<10000x64xf32, #tpu.memory_space<hbm>>
        %dma_wait3A_339 = arith.constant 0 : i32
        %dma_wait3A_340 = arith.constant 0 : i32
        %dma_wait3A_341 = tpu.memref_slice %dma_wait3A_338[%dma_wait3A_339, %dma_wait3A_340] : memref<10000x64xf32, #tpu.memory_space<hbm>> -> memref<10000x64xf32, #tpu.memory_space<hbm>>
        tpu.wait_indirect_dma semaphore(%arg24 : memref<!tpu.dma_semaphore, #tpu.memory_space<semaphore_mem>>) src(%dma_wait3A_341 : memref<10000x64xf32, #tpu.memory_space<hbm>>) dst(%arg13 : memref<64x64xf32, #tpu.memory_space<vmem>>)
        %dma_start3A_342 = arith.constant 0 : i32
        %dma_start3A_343 = tpu.memref_slice %arg8[%scan3A_130, %dma_start3A_342] : memref<314x64xi32, #tpu.memory_space<vmem>> -> memref<1x64xi32, #tpu.memory_space<vmem>>
        %dma_start3A_344 = tpu.memref_squeeze %dma_start3A_343 : memref<1x64xi32, #tpu.memory_space<vmem>> -> memref<64xi32, #tpu.memory_space<vmem>>
        %dma_start3A_345 = arith.constant 0 : i32
        %dma_start3A_346 = arith.constant 0 : i32
        %dma_start3A_347 = tpu.memref_slice %arg19[%dma_start3A_345, %dma_start3A_346] : memref<10240x64xf32, #tpu.memory_space<vmem_shared>> -> memref<10240x64xf32, #tpu.memory_space<vmem_shared>>
        tpu.enqueue_indirect_dma source(%arg13 : memref<64x64xf32, #tpu.memory_space<vmem>>) target(%dma_start3A_347 : memref<10240x64xf32, #tpu.memory_space<vmem_shared>>) offsets(%dma_start3A_344 : memref<64xi32, #tpu.memory_space<vmem>>) semaphore(%arg34 : memref<!tpu.dma_semaphore, #tpu.memory_space<semaphore_mem>>) {add = true}
        %add3A_348 = arith.constant 5 : i32
        %add3A_349 = arith.addi %scan3A_130, %add3A_348 : i32
        %lt3A_350 = arith.constant 314 : i32
        %lt3A_351 = arith.cmpi slt, %add3A_349, %lt3A_350 : i32
        %convert_element_type3A_352 = arith.extui %lt3A_351 : i1 to i32
        %cond3A_353 = arith.constant 0 : i32
        %cond3A_354 = arith.cmpi ne, %convert_element_type3A_352, %cond3A_353 : i32
        scf.if %cond3A_354 {
          %ge3A = arith.constant 5 : i32
          %ge3A_355 = arith.cmpi sge, %scan3A_130, %ge3A : i32
          %convert_element_type3A_356 = arith.extui %ge3A_355 : i1 to i32
          %cond3A_357 = arith.constant 0 : i32
          %cond3A_358 = arith.cmpi ne, %convert_element_type3A_356, %cond3A_357 : i32
          scf.if %cond3A_358 {
            %dma_wait3A_371 = arith.constant 0 : i32
            %dma_wait3A_372 = arith.constant 0 : i32
            %dma_wait3A_373 = tpu.memref_slice %arg8[%dma_wait3A_371, %dma_wait3A_372] : memref<314x64xi32, #tpu.memory_space<vmem>> -> memref<1x64xi32, #tpu.memory_space<vmem>>
            %dma_wait3A_374 = tpu.memref_squeeze %dma_wait3A_373 : memref<1x64xi32, #tpu.memory_space<vmem>> -> memref<64xi32, #tpu.memory_space<vmem>>
            %dma_wait3A_375 = arith.constant 0 : i32
            %dma_wait3A_376 = arith.constant 0 : i32
            %dma_wait3A_377 = tpu.memref_slice %arg19[%dma_wait3A_375, %dma_wait3A_376] : memref<10240x64xf32, #tpu.memory_space<vmem_shared>> -> memref<10240x64xf32, #tpu.memory_space<vmem_shared>>
            tpu.wait_indirect_dma semaphore(%arg39 : memref<!tpu.dma_semaphore, #tpu.memory_space<semaphore_mem>>) src(%arg18 : memref<64x64xf32, #tpu.memory_space<vmem>>) dst(%dma_wait3A_377 : memref<10240x64xf32, #tpu.memory_space<vmem_shared>>)
          } else {
          }
          %add3A_359 = arith.constant 5 : i32
          %add3A_360 = arith.addi %scan3A_130, %add3A_359 : i32
          %dma_start3A_361 = arith.constant 0 : i32
          %dma_start3A_362 = tpu.memref_slice %arg7[%add3A_360, %dma_start3A_361] : memref<314x64xi32, #tpu.memory_space<vmem>> -> memref<1x64xi32, #tpu.memory_space<vmem>>
          %dma_start3A_363 = tpu.memref_squeeze %dma_start3A_362 : memref<1x64xi32, #tpu.memory_space<vmem>> -> memref<64xi32, #tpu.memory_space<vmem>>
          %dma_start3A_364 = arith.constant 0 : i32
          %dma_start3A_365 = arith.constant 0 : i32
          %dma_start3A_366 = tpu.memref_slice %arg2[%arg0, %dma_start3A_364, %dma_start3A_365] : memref<2x10000x64xf32, #tpu.memory_space<hbm>> -> memref<1x10000x64xf32, #tpu.memory_space<hbm>>
          %dma_start3A_367 = tpu.memref_squeeze %dma_start3A_366 : memref<1x10000x64xf32, #tpu.memory_space<hbm>> -> memref<10000x64xf32, #tpu.memory_space<hbm>>
          %dma_start3A_368 = arith.constant 0 : i32
          %dma_start3A_369 = arith.constant 0 : i32
          %dma_start3A_370 = tpu.memref_slice %dma_start3A_367[%dma_start3A_368, %dma_start3A_369] : memref<10000x64xf32, #tpu.memory_space<hbm>> -> memref<10000x64xf32, #tpu.memory_space<hbm>>
          tpu.enqueue_indirect_dma source(%dma_start3A_370 : memref<10000x64xf32, #tpu.memory_space<hbm>>) target(%arg18 : memref<64x64xf32, #tpu.memory_space<vmem>>) offsets(%dma_start3A_363 : memref<64xi32, #tpu.memory_space<vmem>>) semaphore(%arg29 : memref<!tpu.dma_semaphore, #tpu.memory_space<semaphore_mem>>)
        } else {
        }
      } else {
      }
      %jit3A_226 = arith.constant 10 : i32
      %eq3A_227 = arith.constant 0 : i32
      %eq3A_228 = arith.cmpi eq, %jit3A_226, %eq3A_227 : i32
      %jit3A_229 = arith.constant 1 : i32
      %select_n3A_230 = arith.select %eq3A_228, %jit3A_229, %jit3A_226 : i32
      %rem3A_231 = arith.remsi %scan3A_130, %select_n3A_230 : i32
      %ne3A_232 = arith.constant 0 : i32
      %ne3A_233 = arith.cmpi ne, %rem3A_231, %ne3A_232 : i32
      %lt3A_234 = arith.constant 0 : i32
      %lt3A_235 = arith.cmpi slt, %rem3A_231, %lt3A_234 : i32
      %lt3A_236 = arith.constant 0 : i32
      %lt3A_237 = arith.cmpi slt, %select_n3A_230, %lt3A_236 : i32
      %ne3A_238 = arith.xori %lt3A_235, %lt3A_237 : i1
      %and3A_239 = arith.andi %ne3A_238, %ne3A_233 : i1
      %add3A_240 = arith.addi %rem3A_231, %select_n3A_230 : i32
      %select_n3A_241 = arith.select %and3A_239, %add3A_240, %rem3A_231 : i32
      %eq3A_242 = arith.constant 5 : i32
      %eq3A_243 = arith.cmpi eq, %select_n3A_241, %eq3A_242 : i32
      %convert_element_type3A_244 = arith.extui %eq3A_243 : i1 to i32
      %cond3A_245 = arith.constant 0 : i32
      %cond3A_246 = arith.cmpi ne, %convert_element_type3A_244, %cond3A_245 : i32
      scf.if %cond3A_246 {
        %dma_wait3A_331 = arith.constant 0 : i32
        %dma_wait3A_332 = arith.constant 0 : i32
        %dma_wait3A_333 = tpu.memref_slice %arg7[%dma_wait3A_331, %dma_wait3A_332] : memref<314x64xi32, #tpu.memory_space<vmem>> -> memref<1x64xi32, #tpu.memory_space<vmem>>
        %dma_wait3A_334 = tpu.memref_squeeze %dma_wait3A_333 : memref<1x64xi32, #tpu.memory_space<vmem>> -> memref<64xi32, #tpu.memory_space<vmem>>
        %dma_wait3A_335 = arith.constant 0 : i32
        %dma_wait3A_336 = arith.constant 0 : i32
        %dma_wait3A_337 = tpu.memref_slice %arg2[%arg0, %dma_wait3A_335, %dma_wait3A_336] : memref<2x10000x64xf32, #tpu.memory_space<hbm>> -> memref<1x10000x64xf32, #tpu.memory_space<hbm>>
        %dma_wait3A_338 = tpu.memref_squeeze %dma_wait3A_337 : memref<1x10000x64xf32, #tpu.memory_space<hbm>> -> memref<10000x64xf32, #tpu.memory_space<hbm>>
        %dma_wait3A_339 = arith.constant 0 : i32
        %dma_wait3A_340 = arith.constant 0 : i32
        %dma_wait3A_341 = tpu.memref_slice %dma_wait3A_338[%dma_wait3A_339, %dma_wait3A_340] : memref<10000x64xf32, #tpu.memory_space<hbm>> -> memref<10000x64xf32, #tpu.memory_space<hbm>>
        tpu.wait_indirect_dma semaphore(%arg25 : memref<!tpu.dma_semaphore, #tpu.memory_space<semaphore_mem>>) src(%dma_wait3A_341 : memref<10000x64xf32, #tpu.memory_space<hbm>>) dst(%arg14 : memref<64x64xf32, #tpu.memory_space<vmem>>)
        %dma_start3A_342 = arith.constant 0 : i32
        %dma_start3A_343 = tpu.memref_slice %arg8[%scan3A_130, %dma_start3A_342] : memref<314x64xi32, #tpu.memory_space<vmem>> -> memref<1x64xi32, #tpu.memory_space<vmem>>
        %dma_start3A_344 = tpu.memref_squeeze %dma_start3A_343 : memref<1x64xi32, #tpu.memory_space<vmem>> -> memref<64xi32, #tpu.memory_space<vmem>>
        %dma_start3A_345 = arith.constant 0 : i32
        %dma_start3A_346 = arith.constant 0 : i32
        %dma_start3A_347 = tpu.memref_slice %arg19[%dma_start3A_345, %dma_start3A_346] : memref<10240x64xf32, #tpu.memory_space<vmem_shared>> -> memref<10240x64xf32, #tpu.memory_space<vmem_shared>>
        tpu.enqueue_indirect_dma source(%arg14 : memref<64x64xf32, #tpu.memory_space<vmem>>) target(%dma_start3A_347 : memref<10240x64xf32, #tpu.memory_space<vmem_shared>>) offsets(%dma_start3A_344 : memref<64xi32, #tpu.memory_space<vmem>>) semaphore(%arg35 : memref<!tpu.dma_semaphore, #tpu.memory_space<semaphore_mem>>) {add = true}
        %add3A_348 = arith.constant 5 : i32
        %add3A_349 = arith.addi %scan3A_130, %add3A_348 : i32
        %lt3A_350 = arith.constant 314 : i32
        %lt3A_351 = arith.cmpi slt, %add3A_349, %lt3A_350 : i32
        %convert_element_type3A_352 = arith.extui %lt3A_351 : i1 to i32
        %cond3A_353 = arith.constant 0 : i32
        %cond3A_354 = arith.cmpi ne, %convert_element_type3A_352, %cond3A_353 : i32
        scf.if %cond3A_354 {
          %ge3A = arith.constant 5 : i32
          %ge3A_355 = arith.cmpi sge, %scan3A_130, %ge3A : i32
          %convert_element_type3A_356 = arith.extui %ge3A_355 : i1 to i32
          %cond3A_357 = arith.constant 0 : i32
          %cond3A_358 = arith.cmpi ne, %convert_element_type3A_356, %cond3A_357 : i32
          scf.if %cond3A_358 {
            %dma_wait3A_371 = arith.constant 0 : i32
            %dma_wait3A_372 = arith.constant 0 : i32
            %dma_wait3A_373 = tpu.memref_slice %arg8[%dma_wait3A_371, %dma_wait3A_372] : memref<314x64xi32, #tpu.memory_space<vmem>> -> memref<1x64xi32, #tpu.memory_space<vmem>>
            %dma_wait3A_374 = tpu.memref_squeeze %dma_wait3A_373 : memref<1x64xi32, #tpu.memory_space<vmem>> -> memref<64xi32, #tpu.memory_space<vmem>>
            %dma_wait3A_375 = arith.constant 0 : i32
            %dma_wait3A_376 = arith.constant 0 : i32
            %dma_wait3A_377 = tpu.memref_slice %arg19[%dma_wait3A_375, %dma_wait3A_376] : memref<10240x64xf32, #tpu.memory_space<vmem_shared>> -> memref<10240x64xf32, #tpu.memory_space<vmem_shared>>
            tpu.wait_indirect_dma semaphore(%arg30 : memref<!tpu.dma_semaphore, #tpu.memory_space<semaphore_mem>>) src(%arg9 : memref<64x64xf32, #tpu.memory_space<vmem>>) dst(%dma_wait3A_377 : memref<10240x64xf32, #tpu.memory_space<vmem_shared>>)
          } else {
          }
          %add3A_359 = arith.constant 5 : i32
          %add3A_360 = arith.addi %scan3A_130, %add3A_359 : i32
          %dma_start3A_361 = arith.constant 0 : i32
          %dma_start3A_362 = tpu.memref_slice %arg7[%add3A_360, %dma_start3A_361] : memref<314x64xi32, #tpu.memory_space<vmem>> -> memref<1x64xi32, #tpu.memory_space<vmem>>
          %dma_start3A_363 = tpu.memref_squeeze %dma_start3A_362 : memref<1x64xi32, #tpu.memory_space<vmem>> -> memref<64xi32, #tpu.memory_space<vmem>>
          %dma_start3A_364 = arith.constant 0 : i32
          %dma_start3A_365 = arith.constant 0 : i32
          %dma_start3A_366 = tpu.memref_slice %arg2[%arg0, %dma_start3A_364, %dma_start3A_365] : memref<2x10000x64xf32, #tpu.memory_space<hbm>> -> memref<1x10000x64xf32, #tpu.memory_space<hbm>>
          %dma_start3A_367 = tpu.memref_squeeze %dma_start3A_366 : memref<1x10000x64xf32, #tpu.memory_space<hbm>> -> memref<10000x64xf32, #tpu.memory_space<hbm>>
          %dma_start3A_368 = arith.constant 0 : i32
          %dma_start3A_369 = arith.constant 0 : i32
          %dma_start3A_370 = tpu.memref_slice %dma_start3A_367[%dma_start3A_368, %dma_start3A_369] : memref<10000x64xf32, #tpu.memory_space<hbm>> -> memref<10000x64xf32, #tpu.memory_space<hbm>>
          tpu.enqueue_indirect_dma source(%dma_start3A_370 : memref<10000x64xf32, #tpu.memory_space<hbm>>) target(%arg9 : memref<64x64xf32, #tpu.memory_space<vmem>>) offsets(%dma_start3A_363 : memref<64xi32, #tpu.memory_space<vmem>>) semaphore(%arg20 : memref<!tpu.dma_semaphore, #tpu.memory_space<semaphore_mem>>)
        } else {
        }
      } else {
      }
      %jit3A_247 = arith.constant 10 : i32
      %eq3A_248 = arith.constant 0 : i32
      %eq3A_249 = arith.cmpi eq, %jit3A_247, %eq3A_248 : i32
      %jit3A_250 = arith.constant 1 : i32
      %select_n3A_251 = arith.select %eq3A_249, %jit3A_250, %jit3A_247 : i32
      %rem3A_252 = arith.remsi %scan3A_130, %select_n3A_251 : i32
      %ne3A_253 = arith.constant 0 : i32
      %ne3A_254 = arith.cmpi ne, %rem3A_252, %ne3A_253 : i32
      %lt3A_255 = arith.constant 0 : i32
      %lt3A_256 = arith.cmpi slt, %rem3A_252, %lt3A_255 : i32
      %lt3A_257 = arith.constant 0 : i32
      %lt3A_258 = arith.cmpi slt, %select_n3A_251, %lt3A_257 : i32
      %ne3A_259 = arith.xori %lt3A_256, %lt3A_258 : i1
      %and3A_260 = arith.andi %ne3A_259, %ne3A_254 : i1
      %add3A_261 = arith.addi %rem3A_252, %select_n3A_251 : i32
      %select_n3A_262 = arith.select %and3A_260, %add3A_261, %rem3A_252 : i32
      %eq3A_263 = arith.constant 6 : i32
      %eq3A_264 = arith.cmpi eq, %select_n3A_262, %eq3A_263 : i32
      %convert_element_type3A_265 = arith.extui %eq3A_264 : i1 to i32
      %cond3A_266 = arith.constant 0 : i32
      %cond3A_267 = arith.cmpi ne, %convert_element_type3A_265, %cond3A_266 : i32
      scf.if %cond3A_267 {
        %dma_wait3A_331 = arith.constant 0 : i32
        %dma_wait3A_332 = arith.constant 0 : i32
        %dma_wait3A_333 = tpu.memref_slice %arg7[%dma_wait3A_331, %dma_wait3A_332] : memref<314x64xi32, #tpu.memory_space<vmem>> -> memref<1x64xi32, #tpu.memory_space<vmem>>
        %dma_wait3A_334 = tpu.memref_squeeze %dma_wait3A_333 : memref<1x64xi32, #tpu.memory_space<vmem>> -> memref<64xi32, #tpu.memory_space<vmem>>
        %dma_wait3A_335 = arith.constant 0 : i32
        %dma_wait3A_336 = arith.constant 0 : i32
        %dma_wait3A_337 = tpu.memref_slice %arg2[%arg0, %dma_wait3A_335, %dma_wait3A_336] : memref<2x10000x64xf32, #tpu.memory_space<hbm>> -> memref<1x10000x64xf32, #tpu.memory_space<hbm>>
        %dma_wait3A_338 = tpu.memref_squeeze %dma_wait3A_337 : memref<1x10000x64xf32, #tpu.memory_space<hbm>> -> memref<10000x64xf32, #tpu.memory_space<hbm>>
        %dma_wait3A_339 = arith.constant 0 : i32
        %dma_wait3A_340 = arith.constant 0 : i32
        %dma_wait3A_341 = tpu.memref_slice %dma_wait3A_338[%dma_wait3A_339, %dma_wait3A_340] : memref<10000x64xf32, #tpu.memory_space<hbm>> -> memref<10000x64xf32, #tpu.memory_space<hbm>>
        tpu.wait_indirect_dma semaphore(%arg26 : memref<!tpu.dma_semaphore, #tpu.memory_space<semaphore_mem>>) src(%dma_wait3A_341 : memref<10000x64xf32, #tpu.memory_space<hbm>>) dst(%arg15 : memref<64x64xf32, #tpu.memory_space<vmem>>)
        %dma_start3A_342 = arith.constant 0 : i32
        %dma_start3A_343 = tpu.memref_slice %arg8[%scan3A_130, %dma_start3A_342] : memref<314x64xi32, #tpu.memory_space<vmem>> -> memref<1x64xi32, #tpu.memory_space<vmem>>
        %dma_start3A_344 = tpu.memref_squeeze %dma_start3A_343 : memref<1x64xi32, #tpu.memory_space<vmem>> -> memref<64xi32, #tpu.memory_space<vmem>>
        %dma_start3A_345 = arith.constant 0 : i32
        %dma_start3A_346 = arith.constant 0 : i32
        %dma_start3A_347 = tpu.memref_slice %arg19[%dma_start3A_345, %dma_start3A_346] : memref<10240x64xf32, #tpu.memory_space<vmem_shared>> -> memref<10240x64xf32, #tpu.memory_space<vmem_shared>>
        tpu.enqueue_indirect_dma source(%arg15 : memref<64x64xf32, #tpu.memory_space<vmem>>) target(%dma_start3A_347 : memref<10240x64xf32, #tpu.memory_space<vmem_shared>>) offsets(%dma_start3A_344 : memref<64xi32, #tpu.memory_space<vmem>>) semaphore(%arg36 : memref<!tpu.dma_semaphore, #tpu.memory_space<semaphore_mem>>) {add = true}
        %add3A_348 = arith.constant 5 : i32
        %add3A_349 = arith.addi %scan3A_130, %add3A_348 : i32
        %lt3A_350 = arith.constant 314 : i32
        %lt3A_351 = arith.cmpi slt, %add3A_349, %lt3A_350 : i32
        %convert_element_type3A_352 = arith.extui %lt3A_351 : i1 to i32
        %cond3A_353 = arith.constant 0 : i32
        %cond3A_354 = arith.cmpi ne, %convert_element_type3A_352, %cond3A_353 : i32
        scf.if %cond3A_354 {
          %ge3A = arith.constant 5 : i32
          %ge3A_355 = arith.cmpi sge, %scan3A_130, %ge3A : i32
          %convert_element_type3A_356 = arith.extui %ge3A_355 : i1 to i32
          %cond3A_357 = arith.constant 0 : i32
          %cond3A_358 = arith.cmpi ne, %convert_element_type3A_356, %cond3A_357 : i32
          scf.if %cond3A_358 {
            %dma_wait3A_371 = arith.constant 0 : i32
            %dma_wait3A_372 = arith.constant 0 : i32
            %dma_wait3A_373 = tpu.memref_slice %arg8[%dma_wait3A_371, %dma_wait3A_372] : memref<314x64xi32, #tpu.memory_space<vmem>> -> memref<1x64xi32, #tpu.memory_space<vmem>>
            %dma_wait3A_374 = tpu.memref_squeeze %dma_wait3A_373 : memref<1x64xi32, #tpu.memory_space<vmem>> -> memref<64xi32, #tpu.memory_space<vmem>>
            %dma_wait3A_375 = arith.constant 0 : i32
            %dma_wait3A_376 = arith.constant 0 : i32
            %dma_wait3A_377 = tpu.memref_slice %arg19[%dma_wait3A_375, %dma_wait3A_376] : memref<10240x64xf32, #tpu.memory_space<vmem_shared>> -> memref<10240x64xf32, #tpu.memory_space<vmem_shared>>
            tpu.wait_indirect_dma semaphore(%arg31 : memref<!tpu.dma_semaphore, #tpu.memory_space<semaphore_mem>>) src(%arg10 : memref<64x64xf32, #tpu.memory_space<vmem>>) dst(%dma_wait3A_377 : memref<10240x64xf32, #tpu.memory_space<vmem_shared>>)
          } else {
          }
          %add3A_359 = arith.constant 5 : i32
          %add3A_360 = arith.addi %scan3A_130, %add3A_359 : i32
          %dma_start3A_361 = arith.constant 0 : i32
          %dma_start3A_362 = tpu.memref_slice %arg7[%add3A_360, %dma_start3A_361] : memref<314x64xi32, #tpu.memory_space<vmem>> -> memref<1x64xi32, #tpu.memory_space<vmem>>
          %dma_start3A_363 = tpu.memref_squeeze %dma_start3A_362 : memref<1x64xi32, #tpu.memory_space<vmem>> -> memref<64xi32, #tpu.memory_space<vmem>>
          %dma_start3A_364 = arith.constant 0 : i32
          %dma_start3A_365 = arith.constant 0 : i32
          %dma_start3A_366 = tpu.memref_slice %arg2[%arg0, %dma_start3A_364, %dma_start3A_365] : memref<2x10000x64xf32, #tpu.memory_space<hbm>> -> memref<1x10000x64xf32, #tpu.memory_space<hbm>>
          %dma_start3A_367 = tpu.memref_squeeze %dma_start3A_366 : memref<1x10000x64xf32, #tpu.memory_space<hbm>> -> memref<10000x64xf32, #tpu.memory_space<hbm>>
          %dma_start3A_368 = arith.constant 0 : i32
          %dma_start3A_369 = arith.constant 0 : i32
          %dma_start3A_370 = tpu.memref_slice %dma_start3A_367[%dma_start3A_368, %dma_start3A_369] : memref<10000x64xf32, #tpu.memory_space<hbm>> -> memref<10000x64xf32, #tpu.memory_space<hbm>>
          tpu.enqueue_indirect_dma source(%dma_start3A_370 : memref<10000x64xf32, #tpu.memory_space<hbm>>) target(%arg10 : memref<64x64xf32, #tpu.memory_space<vmem>>) offsets(%dma_start3A_363 : memref<64xi32, #tpu.memory_space<vmem>>) semaphore(%arg21 : memref<!tpu.dma_semaphore, #tpu.memory_space<semaphore_mem>>)
        } else {
        }
      } else {
      }
      %jit3A_268 = arith.constant 10 : i32
      %eq3A_269 = arith.constant 0 : i32
      %eq3A_270 = arith.cmpi eq, %jit3A_268, %eq3A_269 : i32
      %jit3A_271 = arith.constant 1 : i32
      %select_n3A_272 = arith.select %eq3A_270, %jit3A_271, %jit3A_268 : i32
      %rem3A_273 = arith.remsi %scan3A_130, %select_n3A_272 : i32
      %ne3A_274 = arith.constant 0 : i32
      %ne3A_275 = arith.cmpi ne, %rem3A_273, %ne3A_274 : i32
      %lt3A_276 = arith.constant 0 : i32
      %lt3A_277 = arith.cmpi slt, %rem3A_273, %lt3A_276 : i32
      %lt3A_278 = arith.constant 0 : i32
      %lt3A_279 = arith.cmpi slt, %select_n3A_272, %lt3A_278 : i32
      %ne3A_280 = arith.xori %lt3A_277, %lt3A_279 : i1
      %and3A_281 = arith.andi %ne3A_280, %ne3A_275 : i1
      %add3A_282 = arith.addi %rem3A_273, %select_n3A_272 : i32
      %select_n3A_283 = arith.select %and3A_281, %add3A_282, %rem3A_273 : i32
      %eq3A_284 = arith.constant 7 : i32
      %eq3A_285 = arith.cmpi eq, %select_n3A_283, %eq3A_284 : i32
      %convert_element_type3A_286 = arith.extui %eq3A_285 : i1 to i32
      %cond3A_287 = arith.constant 0 : i32
      %cond3A_288 = arith.cmpi ne, %convert_element_type3A_286, %cond3A_287 : i32
      scf.if %cond3A_288 {
        %dma_wait3A_331 = arith.constant 0 : i32
        %dma_wait3A_332 = arith.constant 0 : i32
        %dma_wait3A_333 = tpu.memref_slice %arg7[%dma_wait3A_331, %dma_wait3A_332] : memref<314x64xi32, #tpu.memory_space<vmem>> -> memref<1x64xi32, #tpu.memory_space<vmem>>
        %dma_wait3A_334 = tpu.memref_squeeze %dma_wait3A_333 : memref<1x64xi32, #tpu.memory_space<vmem>> -> memref<64xi32, #tpu.memory_space<vmem>>
        %dma_wait3A_335 = arith.constant 0 : i32
        %dma_wait3A_336 = arith.constant 0 : i32
        %dma_wait3A_337 = tpu.memref_slice %arg2[%arg0, %dma_wait3A_335, %dma_wait3A_336] : memref<2x10000x64xf32, #tpu.memory_space<hbm>> -> memref<1x10000x64xf32, #tpu.memory_space<hbm>>
        %dma_wait3A_338 = tpu.memref_squeeze %dma_wait3A_337 : memref<1x10000x64xf32, #tpu.memory_space<hbm>> -> memref<10000x64xf32, #tpu.memory_space<hbm>>
        %dma_wait3A_339 = arith.constant 0 : i32
        %dma_wait3A_340 = arith.constant 0 : i32
        %dma_wait3A_341 = tpu.memref_slice %dma_wait3A_338[%dma_wait3A_339, %dma_wait3A_340] : memref<10000x64xf32, #tpu.memory_space<hbm>> -> memref<10000x64xf32, #tpu.memory_space<hbm>>
        tpu.wait_indirect_dma semaphore(%arg27 : memref<!tpu.dma_semaphore, #tpu.memory_space<semaphore_mem>>) src(%dma_wait3A_341 : memref<10000x64xf32, #tpu.memory_space<hbm>>) dst(%arg16 : memref<64x64xf32, #tpu.memory_space<vmem>>)
        %dma_start3A_342 = arith.constant 0 : i32
        %dma_start3A_343 = tpu.memref_slice %arg8[%scan3A_130, %dma_start3A_342] : memref<314x64xi32, #tpu.memory_space<vmem>> -> memref<1x64xi32, #tpu.memory_space<vmem>>
        %dma_start3A_344 = tpu.memref_squeeze %dma_start3A_343 : memref<1x64xi32, #tpu.memory_space<vmem>> -> memref<64xi32, #tpu.memory_space<vmem>>
        %dma_start3A_345 = arith.constant 0 : i32
        %dma_start3A_346 = arith.constant 0 : i32
        %dma_start3A_347 = tpu.memref_slice %arg19[%dma_start3A_345, %dma_start3A_346] : memref<10240x64xf32, #tpu.memory_space<vmem_shared>> -> memref<10240x64xf32, #tpu.memory_space<vmem_shared>>
        tpu.enqueue_indirect_dma source(%arg16 : memref<64x64xf32, #tpu.memory_space<vmem>>) target(%dma_start3A_347 : memref<10240x64xf32, #tpu.memory_space<vmem_shared>>) offsets(%dma_start3A_344 : memref<64xi32, #tpu.memory_space<vmem>>) semaphore(%arg37 : memref<!tpu.dma_semaphore, #tpu.memory_space<semaphore_mem>>) {add = true}
        %add3A_348 = arith.constant 5 : i32
        %add3A_349 = arith.addi %scan3A_130, %add3A_348 : i32
        %lt3A_350 = arith.constant 314 : i32
        %lt3A_351 = arith.cmpi slt, %add3A_349, %lt3A_350 : i32
        %convert_element_type3A_352 = arith.extui %lt3A_351 : i1 to i32
        %cond3A_353 = arith.constant 0 : i32
        %cond3A_354 = arith.cmpi ne, %convert_element_type3A_352, %cond3A_353 : i32
        scf.if %cond3A_354 {
          %ge3A = arith.constant 5 : i32
          %ge3A_355 = arith.cmpi sge, %scan3A_130, %ge3A : i32
          %convert_element_type3A_356 = arith.extui %ge3A_355 : i1 to i32
          %cond3A_357 = arith.constant 0 : i32
          %cond3A_358 = arith.cmpi ne, %convert_element_type3A_356, %cond3A_357 : i32
          scf.if %cond3A_358 {
            %dma_wait3A_371 = arith.constant 0 : i32
            %dma_wait3A_372 = arith.constant 0 : i32
            %dma_wait3A_373 = tpu.memref_slice %arg8[%dma_wait3A_371, %dma_wait3A_372] : memref<314x64xi32, #tpu.memory_space<vmem>> -> memref<1x64xi32, #tpu.memory_space<vmem>>
            %dma_wait3A_374 = tpu.memref_squeeze %dma_wait3A_373 : memref<1x64xi32, #tpu.memory_space<vmem>> -> memref<64xi32, #tpu.memory_space<vmem>>
            %dma_wait3A_375 = arith.constant 0 : i32
            %dma_wait3A_376 = arith.constant 0 : i32
            %dma_wait3A_377 = tpu.memref_slice %arg19[%dma_wait3A_375, %dma_wait3A_376] : memref<10240x64xf32, #tpu.memory_space<vmem_shared>> -> memref<10240x64xf32, #tpu.memory_space<vmem_shared>>
            tpu.wait_indirect_dma semaphore(%arg32 : memref<!tpu.dma_semaphore, #tpu.memory_space<semaphore_mem>>) src(%arg11 : memref<64x64xf32, #tpu.memory_space<vmem>>) dst(%dma_wait3A_377 : memref<10240x64xf32, #tpu.memory_space<vmem_shared>>)
          } else {
          }
          %add3A_359 = arith.constant 5 : i32
          %add3A_360 = arith.addi %scan3A_130, %add3A_359 : i32
          %dma_start3A_361 = arith.constant 0 : i32
          %dma_start3A_362 = tpu.memref_slice %arg7[%add3A_360, %dma_start3A_361] : memref<314x64xi32, #tpu.memory_space<vmem>> -> memref<1x64xi32, #tpu.memory_space<vmem>>
          %dma_start3A_363 = tpu.memref_squeeze %dma_start3A_362 : memref<1x64xi32, #tpu.memory_space<vmem>> -> memref<64xi32, #tpu.memory_space<vmem>>
          %dma_start3A_364 = arith.constant 0 : i32
          %dma_start3A_365 = arith.constant 0 : i32
          %dma_start3A_366 = tpu.memref_slice %arg2[%arg0, %dma_start3A_364, %dma_start3A_365] : memref<2x10000x64xf32, #tpu.memory_space<hbm>> -> memref<1x10000x64xf32, #tpu.memory_space<hbm>>
          %dma_start3A_367 = tpu.memref_squeeze %dma_start3A_366 : memref<1x10000x64xf32, #tpu.memory_space<hbm>> -> memref<10000x64xf32, #tpu.memory_space<hbm>>
          %dma_start3A_368 = arith.constant 0 : i32
          %dma_start3A_369 = arith.constant 0 : i32
          %dma_start3A_370 = tpu.memref_slice %dma_start3A_367[%dma_start3A_368, %dma_start3A_369] : memref<10000x64xf32, #tpu.memory_space<hbm>> -> memref<10000x64xf32, #tpu.memory_space<hbm>>
          tpu.enqueue_indirect_dma source(%dma_start3A_370 : memref<10000x64xf32, #tpu.memory_space<hbm>>) target(%arg11 : memref<64x64xf32, #tpu.memory_space<vmem>>) offsets(%dma_start3A_363 : memref<64xi32, #tpu.memory_space<vmem>>) semaphore(%arg22 : memref<!tpu.dma_semaphore, #tpu.memory_space<semaphore_mem>>)
        } else {
        }
      } else {
      }
      %jit3A_289 = arith.constant 10 : i32
      %eq3A_290 = arith.constant 0 : i32
      %eq3A_291 = arith.cmpi eq, %jit3A_289, %eq3A_290 : i32
      %jit3A_292 = arith.constant 1 : i32
      %select_n3A_293 = arith.select %eq3A_291, %jit3A_292, %jit3A_289 : i32
      %rem3A_294 = arith.remsi %scan3A_130, %select_n3A_293 : i32
      %ne3A_295 = arith.constant 0 : i32
      %ne3A_296 = arith.cmpi ne, %rem3A_294, %ne3A_295 : i32
      %lt3A_297 = arith.constant 0 : i32
      %lt3A_298 = arith.cmpi slt, %rem3A_294, %lt3A_297 : i32
      %lt3A_299 = arith.constant 0 : i32
      %lt3A_300 = arith.cmpi slt, %select_n3A_293, %lt3A_299 : i32
      %ne3A_301 = arith.xori %lt3A_298, %lt3A_300 : i1
      %and3A_302 = arith.andi %ne3A_301, %ne3A_296 : i1
      %add3A_303 = arith.addi %rem3A_294, %select_n3A_293 : i32
      %select_n3A_304 = arith.select %and3A_302, %add3A_303, %rem3A_294 : i32
      %eq3A_305 = arith.constant 8 : i32
      %eq3A_306 = arith.cmpi eq, %select_n3A_304, %eq3A_305 : i32
      %convert_element_type3A_307 = arith.extui %eq3A_306 : i1 to i32
      %cond3A_308 = arith.constant 0 : i32
      %cond3A_309 = arith.cmpi ne, %convert_element_type3A_307, %cond3A_308 : i32
      scf.if %cond3A_309 {
        %dma_wait3A_331 = arith.constant 0 : i32
        %dma_wait3A_332 = arith.constant 0 : i32
        %dma_wait3A_333 = tpu.memref_slice %arg7[%dma_wait3A_331, %dma_wait3A_332] : memref<314x64xi32, #tpu.memory_space<vmem>> -> memref<1x64xi32, #tpu.memory_space<vmem>>
        %dma_wait3A_334 = tpu.memref_squeeze %dma_wait3A_333 : memref<1x64xi32, #tpu.memory_space<vmem>> -> memref<64xi32, #tpu.memory_space<vmem>>
        %dma_wait3A_335 = arith.constant 0 : i32
        %dma_wait3A_336 = arith.constant 0 : i32
        %dma_wait3A_337 = tpu.memref_slice %arg2[%arg0, %dma_wait3A_335, %dma_wait3A_336] : memref<2x10000x64xf32, #tpu.memory_space<hbm>> -> memref<1x10000x64xf32, #tpu.memory_space<hbm>>
        %dma_wait3A_338 = tpu.memref_squeeze %dma_wait3A_337 : memref<1x10000x64xf32, #tpu.memory_space<hbm>> -> memref<10000x64xf32, #tpu.memory_space<hbm>>
        %dma_wait3A_339 = arith.constant 0 : i32
        %dma_wait3A_340 = arith.constant 0 : i32
        %dma_wait3A_341 = tpu.memref_slice %dma_wait3A_338[%dma_wait3A_339, %dma_wait3A_340] : memref<10000x64xf32, #tpu.memory_space<hbm>> -> memref<10000x64xf32, #tpu.memory_space<hbm>>
        tpu.wait_indirect_dma semaphore(%arg28 : memref<!tpu.dma_semaphore, #tpu.memory_space<semaphore_mem>>) src(%dma_wait3A_341 : memref<10000x64xf32, #tpu.memory_space<hbm>>) dst(%arg17 : memref<64x64xf32, #tpu.memory_space<vmem>>)
        %dma_start3A_342 = arith.constant 0 : i32
        %dma_start3A_343 = tpu.memref_slice %arg8[%scan3A_130, %dma_start3A_342] : memref<314x64xi32, #tpu.memory_space<vmem>> -> memref<1x64xi32, #tpu.memory_space<vmem>>
        %dma_start3A_344 = tpu.memref_squeeze %dma_start3A_343 : memref<1x64xi32, #tpu.memory_space<vmem>> -> memref<64xi32, #tpu.memory_space<vmem>>
        %dma_start3A_345 = arith.constant 0 : i32
        %dma_start3A_346 = arith.constant 0 : i32
        %dma_start3A_347 = tpu.memref_slice %arg19[%dma_start3A_345, %dma_start3A_346] : memref<10240x64xf32, #tpu.memory_space<vmem_shared>> -> memref<10240x64xf32, #tpu.memory_space<vmem_shared>>
        tpu.enqueue_indirect_dma source(%arg17 : memref<64x64xf32, #tpu.memory_space<vmem>>) target(%dma_start3A_347 : memref<10240x64xf32, #tpu.memory_space<vmem_shared>>) offsets(%dma_start3A_344 : memref<64xi32, #tpu.memory_space<vmem>>) semaphore(%arg38 : memref<!tpu.dma_semaphore, #tpu.memory_space<semaphore_mem>>) {add = true}
        %add3A_348 = arith.constant 5 : i32
        %add3A_349 = arith.addi %scan3A_130, %add3A_348 : i32
        %lt3A_350 = arith.constant 314 : i32
        %lt3A_351 = arith.cmpi slt, %add3A_349, %lt3A_350 : i32
        %convert_element_type3A_352 = arith.extui %lt3A_351 : i1 to i32
        %cond3A_353 = arith.constant 0 : i32
        %cond3A_354 = arith.cmpi ne, %convert_element_type3A_352, %cond3A_353 : i32
        scf.if %cond3A_354 {
          %ge3A = arith.constant 5 : i32
          %ge3A_355 = arith.cmpi sge, %scan3A_130, %ge3A : i32
          %convert_element_type3A_356 = arith.extui %ge3A_355 : i1 to i32
          %cond3A_357 = arith.constant 0 : i32
          %cond3A_358 = arith.cmpi ne, %convert_element_type3A_356, %cond3A_357 : i32
          scf.if %cond3A_358 {
            %dma_wait3A_371 = arith.constant 0 : i32
            %dma_wait3A_372 = arith.constant 0 : i32
            %dma_wait3A_373 = tpu.memref_slice %arg8[%dma_wait3A_371, %dma_wait3A_372] : memref<314x64xi32, #tpu.memory_space<vmem>> -> memref<1x64xi32, #tpu.memory_space<vmem>>
            %dma_wait3A_374 = tpu.memref_squeeze %dma_wait3A_373 : memref<1x64xi32, #tpu.memory_space<vmem>> -> memref<64xi32, #tpu.memory_space<vmem>>
            %dma_wait3A_375 = arith.constant 0 : i32
            %dma_wait3A_376 = arith.constant 0 : i32
            %dma_wait3A_377 = tpu.memref_slice %arg19[%dma_wait3A_375, %dma_wait3A_376] : memref<10240x64xf32, #tpu.memory_space<vmem_shared>> -> memref<10240x64xf32, #tpu.memory_space<vmem_shared>>
            tpu.wait_indirect_dma semaphore(%arg33 : memref<!tpu.dma_semaphore, #tpu.memory_space<semaphore_mem>>) src(%arg12 : memref<64x64xf32, #tpu.memory_space<vmem>>) dst(%dma_wait3A_377 : memref<10240x64xf32, #tpu.memory_space<vmem_shared>>)
          } else {
          }
          %add3A_359 = arith.constant 5 : i32
          %add3A_360 = arith.addi %scan3A_130, %add3A_359 : i32
          %dma_start3A_361 = arith.constant 0 : i32
          %dma_start3A_362 = tpu.memref_slice %arg7[%add3A_360, %dma_start3A_361] : memref<314x64xi32, #tpu.memory_space<vmem>> -> memref<1x64xi32, #tpu.memory_space<vmem>>
          %dma_start3A_363 = tpu.memref_squeeze %dma_start3A_362 : memref<1x64xi32, #tpu.memory_space<vmem>> -> memref<64xi32, #tpu.memory_space<vmem>>
          %dma_start3A_364 = arith.constant 0 : i32
          %dma_start3A_365 = arith.constant 0 : i32
          %dma_start3A_366 = tpu.memref_slice %arg2[%arg0, %dma_start3A_364, %dma_start3A_365] : memref<2x10000x64xf32, #tpu.memory_space<hbm>> -> memref<1x10000x64xf32, #tpu.memory_space<hbm>>
          %dma_start3A_367 = tpu.memref_squeeze %dma_start3A_366 : memref<1x10000x64xf32, #tpu.memory_space<hbm>> -> memref<10000x64xf32, #tpu.memory_space<hbm>>
          %dma_start3A_368 = arith.constant 0 : i32
          %dma_start3A_369 = arith.constant 0 : i32
          %dma_start3A_370 = tpu.memref_slice %dma_start3A_367[%dma_start3A_368, %dma_start3A_369] : memref<10000x64xf32, #tpu.memory_space<hbm>> -> memref<10000x64xf32, #tpu.memory_space<hbm>>
          tpu.enqueue_indirect_dma source(%dma_start3A_370 : memref<10000x64xf32, #tpu.memory_space<hbm>>) target(%arg12 : memref<64x64xf32, #tpu.memory_space<vmem>>) offsets(%dma_start3A_363 : memref<64xi32, #tpu.memory_space<vmem>>) semaphore(%arg23 : memref<!tpu.dma_semaphore, #tpu.memory_space<semaphore_mem>>)
        } else {
        }
      } else {
      }
      %jit3A_310 = arith.constant 10 : i32
      %eq3A_311 = arith.constant 0 : i32
      %eq3A_312 = arith.cmpi eq, %jit3A_310, %eq3A_311 : i32
      %jit3A_313 = arith.constant 1 : i32
      %select_n3A_314 = arith.select %eq3A_312, %jit3A_313, %jit3A_310 : i32
      %rem3A_315 = arith.remsi %scan3A_130, %select_n3A_314 : i32
      %ne3A_316 = arith.constant 0 : i32
      %ne3A_317 = arith.cmpi ne, %rem3A_315, %ne3A_316 : i32
      %lt3A_318 = arith.constant 0 : i32
      %lt3A_319 = arith.cmpi slt, %rem3A_315, %lt3A_318 : i32
      %lt3A_320 = arith.constant 0 : i32
      %lt3A_321 = arith.cmpi slt, %select_n3A_314, %lt3A_320 : i32
      %ne3A_322 = arith.xori %lt3A_319, %lt3A_321 : i1
      %and3A_323 = arith.andi %ne3A_322, %ne3A_317 : i1
      %add3A_324 = arith.addi %rem3A_315, %select_n3A_314 : i32
      %select_n3A_325 = arith.select %and3A_323, %add3A_324, %rem3A_315 : i32
      %eq3A_326 = arith.constant 9 : i32
      %eq3A_327 = arith.cmpi eq, %select_n3A_325, %eq3A_326 : i32
      %convert_element_type3A_328 = arith.extui %eq3A_327 : i1 to i32
      %cond3A_329 = arith.constant 0 : i32
      %cond3A_330 = arith.cmpi ne, %convert_element_type3A_328, %cond3A_329 : i32
      scf.if %cond3A_330 {
        %dma_wait3A_331 = arith.constant 0 : i32
        %dma_wait3A_332 = arith.constant 0 : i32
        %dma_wait3A_333 = tpu.memref_slice %arg7[%dma_wait3A_331, %dma_wait3A_332] : memref<314x64xi32, #tpu.memory_space<vmem>> -> memref<1x64xi32, #tpu.memory_space<vmem>>
        %dma_wait3A_334 = tpu.memref_squeeze %dma_wait3A_333 : memref<1x64xi32, #tpu.memory_space<vmem>> -> memref<64xi32, #tpu.memory_space<vmem>>
        %dma_wait3A_335 = arith.constant 0 : i32
        %dma_wait3A_336 = arith.constant 0 : i32
        %dma_wait3A_337 = tpu.memref_slice %arg2[%arg0, %dma_wait3A_335, %dma_wait3A_336] : memref<2x10000x64xf32, #tpu.memory_space<hbm>> -> memref<1x10000x64xf32, #tpu.memory_space<hbm>>
        %dma_wait3A_338 = tpu.memref_squeeze %dma_wait3A_337 : memref<1x10000x64xf32, #tpu.memory_space<hbm>> -> memref<10000x64xf32, #tpu.memory_space<hbm>>
        %dma_wait3A_339 = arith.constant 0 : i32
        %dma_wait3A_340 = arith.constant 0 : i32
        %dma_wait3A_341 = tpu.memref_slice %dma_wait3A_338[%dma_wait3A_339, %dma_wait3A_340] : memref<10000x64xf32, #tpu.memory_space<hbm>> -> memref<10000x64xf32, #tpu.memory_space<hbm>>
        tpu.wait_indirect_dma semaphore(%arg29 : memref<!tpu.dma_semaphore, #tpu.memory_space<semaphore_mem>>) src(%dma_wait3A_341 : memref<10000x64xf32, #tpu.memory_space<hbm>>) dst(%arg18 : memref<64x64xf32, #tpu.memory_space<vmem>>)
        %dma_start3A_342 = arith.constant 0 : i32
        %dma_start3A_343 = tpu.memref_slice %arg8[%scan3A_130, %dma_start3A_342] : memref<314x64xi32, #tpu.memory_space<vmem>> -> memref<1x64xi32, #tpu.memory_space<vmem>>
        %dma_start3A_344 = tpu.memref_squeeze %dma_start3A_343 : memref<1x64xi32, #tpu.memory_space<vmem>> -> memref<64xi32, #tpu.memory_space<vmem>>
        %dma_start3A_345 = arith.constant 0 : i32
        %dma_start3A_346 = arith.constant 0 : i32
        %dma_start3A_347 = tpu.memref_slice %arg19[%dma_start3A_345, %dma_start3A_346] : memref<10240x64xf32, #tpu.memory_space<vmem_shared>> -> memref<10240x64xf32, #tpu.memory_space<vmem_shared>>
        tpu.enqueue_indirect_dma source(%arg18 : memref<64x64xf32, #tpu.memory_space<vmem>>) target(%dma_start3A_347 : memref<10240x64xf32, #tpu.memory_space<vmem_shared>>) offsets(%dma_start3A_344 : memref<64xi32, #tpu.memory_space<vmem>>) semaphore(%arg39 : memref<!tpu.dma_semaphore, #tpu.memory_space<semaphore_mem>>) {add = true}
        %add3A_348 = arith.constant 5 : i32
        %add3A_349 = arith.addi %scan3A_130, %add3A_348 : i32
        %lt3A_350 = arith.constant 314 : i32
        %lt3A_351 = arith.cmpi slt, %add3A_349, %lt3A_350 : i32
        %convert_element_type3A_352 = arith.extui %lt3A_351 : i1 to i32
        %cond3A_353 = arith.constant 0 : i32
        %cond3A_354 = arith.cmpi ne, %convert_element_type3A_352, %cond3A_353 : i32
        scf.if %cond3A_354 {
          %ge3A = arith.constant 5 : i32
          %ge3A_355 = arith.cmpi sge, %scan3A_130, %ge3A : i32
          %convert_element_type3A_356 = arith.extui %ge3A_355 : i1 to i32
          %cond3A_357 = arith.constant 0 : i32
          %cond3A_358 = arith.cmpi ne, %convert_element_type3A_356, %cond3A_357 : i32
          scf.if %cond3A_358 {
            %dma_wait3A_371 = arith.constant 0 : i32
            %dma_wait3A_372 = arith.constant 0 : i32
            %dma_wait3A_373 = tpu.memref_slice %arg8[%dma_wait3A_371, %dma_wait3A_372] : memref<314x64xi32, #tpu.memory_space<vmem>> -> memref<1x64xi32, #tpu.memory_space<vmem>>
            %dma_wait3A_374 = tpu.memref_squeeze %dma_wait3A_373 : memref<1x64xi32, #tpu.memory_space<vmem>> -> memref<64xi32, #tpu.memory_space<vmem>>
            %dma_wait3A_375 = arith.constant 0 : i32
            %dma_wait3A_376 = arith.constant 0 : i32
            %dma_wait3A_377 = tpu.memref_slice %arg19[%dma_wait3A_375, %dma_wait3A_376] : memref<10240x64xf32, #tpu.memory_space<vmem_shared>> -> memref<10240x64xf32, #tpu.memory_space<vmem_shared>>
            tpu.wait_indirect_dma semaphore(%arg34 : memref<!tpu.dma_semaphore, #tpu.memory_space<semaphore_mem>>) src(%arg13 : memref<64x64xf32, #tpu.memory_space<vmem>>) dst(%dma_wait3A_377 : memref<10240x64xf32, #tpu.memory_space<vmem_shared>>)
          } else {
          }
          %add3A_359 = arith.constant 5 : i32
          %add3A_360 = arith.addi %scan3A_130, %add3A_359 : i32
          %dma_start3A_361 = arith.constant 0 : i32
          %dma_start3A_362 = tpu.memref_slice %arg7[%add3A_360, %dma_start3A_361] : memref<314x64xi32, #tpu.memory_space<vmem>> -> memref<1x64xi32, #tpu.memory_space<vmem>>
          %dma_start3A_363 = tpu.memref_squeeze %dma_start3A_362 : memref<1x64xi32, #tpu.memory_space<vmem>> -> memref<64xi32, #tpu.memory_space<vmem>>
          %dma_start3A_364 = arith.constant 0 : i32
          %dma_start3A_365 = arith.constant 0 : i32
          %dma_start3A_366 = tpu.memref_slice %arg2[%arg0, %dma_start3A_364, %dma_start3A_365] : memref<2x10000x64xf32, #tpu.memory_space<hbm>> -> memref<1x10000x64xf32, #tpu.memory_space<hbm>>
          %dma_start3A_367 = tpu.memref_squeeze %dma_start3A_366 : memref<1x10000x64xf32, #tpu.memory_space<hbm>> -> memref<10000x64xf32, #tpu.memory_space<hbm>>
          %dma_start3A_368 = arith.constant 0 : i32
          %dma_start3A_369 = arith.constant 0 : i32
          %dma_start3A_370 = tpu.memref_slice %dma_start3A_367[%dma_start3A_368, %dma_start3A_369] : memref<10000x64xf32, #tpu.memory_space<hbm>> -> memref<10000x64xf32, #tpu.memory_space<hbm>>
          tpu.enqueue_indirect_dma source(%dma_start3A_370 : memref<10000x64xf32, #tpu.memory_space<hbm>>) target(%arg13 : memref<64x64xf32, #tpu.memory_space<vmem>>) offsets(%dma_start3A_363 : memref<64xi32, #tpu.memory_space<vmem>>) semaphore(%arg24 : memref<!tpu.dma_semaphore, #tpu.memory_space<semaphore_mem>>)
        } else {
        }
      } else {
      }
    }
    %scan3A_59 = arith.constant 314 : i32
    %dma_wait3A = arith.constant 0 : i32
    %dma_wait3A_60 = arith.constant 0 : i32
    %dma_wait3A_61 = tpu.memref_slice %arg8[%dma_wait3A, %dma_wait3A_60] : memref<314x64xi32, #tpu.memory_space<vmem>> -> memref<1x64xi32, #tpu.memory_space<vmem>>
    %dma_wait3A_62 = tpu.memref_squeeze %dma_wait3A_61 : memref<1x64xi32, #tpu.memory_space<vmem>> -> memref<64xi32, #tpu.memory_space<vmem>>
    %dma_wait3A_63 = arith.constant 0 : i32
    %dma_wait3A_64 = arith.constant 0 : i32
    %dma_wait3A_65 = tpu.memref_slice %arg19[%dma_wait3A_63, %dma_wait3A_64] : memref<10240x64xf32, #tpu.memory_space<vmem_shared>> -> memref<10240x64xf32, #tpu.memory_space<vmem_shared>>
    tpu.wait_indirect_dma semaphore(%arg30 : memref<!tpu.dma_semaphore, #tpu.memory_space<semaphore_mem>>) src(%arg9 : memref<64x64xf32, #tpu.memory_space<vmem>>) dst(%dma_wait3A_65 : memref<10240x64xf32, #tpu.memory_space<vmem_shared>>)
    %dma_wait3A_66 = arith.constant 0 : i32
    %dma_wait3A_67 = arith.constant 0 : i32
    %dma_wait3A_68 = tpu.memref_slice %arg8[%dma_wait3A_66, %dma_wait3A_67] : memref<314x64xi32, #tpu.memory_space<vmem>> -> memref<1x64xi32, #tpu.memory_space<vmem>>
    %dma_wait3A_69 = tpu.memref_squeeze %dma_wait3A_68 : memref<1x64xi32, #tpu.memory_space<vmem>> -> memref<64xi32, #tpu.memory_space<vmem>>
    %dma_wait3A_70 = arith.constant 0 : i32
    %dma_wait3A_71 = arith.constant 0 : i32
    %dma_wait3A_72 = tpu.memref_slice %arg19[%dma_wait3A_70, %dma_wait3A_71] : memref<10240x64xf32, #tpu.memory_space<vmem_shared>> -> memref<10240x64xf32, #tpu.memory_space<vmem_shared>>
    tpu.wait_indirect_dma semaphore(%arg31 : memref<!tpu.dma_semaphore, #tpu.memory_space<semaphore_mem>>) src(%arg10 : memref<64x64xf32, #tpu.memory_space<vmem>>) dst(%dma_wait3A_72 : memref<10240x64xf32, #tpu.memory_space<vmem_shared>>)
    %dma_wait3A_73 = arith.constant 0 : i32
    %dma_wait3A_74 = arith.constant 0 : i32
    %dma_wait3A_75 = tpu.memref_slice %arg8[%dma_wait3A_73, %dma_wait3A_74] : memref<314x64xi32, #tpu.memory_space<vmem>> -> memref<1x64xi32, #tpu.memory_space<vmem>>
    %dma_wait3A_76 = tpu.memref_squeeze %dma_wait3A_75 : memref<1x64xi32, #tpu.memory_space<vmem>> -> memref<64xi32, #tpu.memory_space<vmem>>
    %dma_wait3A_77 = arith.constant 0 : i32
    %dma_wait3A_78 = arith.constant 0 : i32
    %dma_wait3A_79 = tpu.memref_slice %arg19[%dma_wait3A_77, %dma_wait3A_78] : memref<10240x64xf32, #tpu.memory_space<vmem_shared>> -> memref<10240x64xf32, #tpu.memory_space<vmem_shared>>
    tpu.wait_indirect_dma semaphore(%arg32 : memref<!tpu.dma_semaphore, #tpu.memory_space<semaphore_mem>>) src(%arg11 : memref<64x64xf32, #tpu.memory_space<vmem>>) dst(%dma_wait3A_79 : memref<10240x64xf32, #tpu.memory_space<vmem_shared>>)
    %dma_wait3A_80 = arith.constant 0 : i32
    %dma_wait3A_81 = arith.constant 0 : i32
    %dma_wait3A_82 = tpu.memref_slice %arg8[%dma_wait3A_80, %dma_wait3A_81] : memref<314x64xi32, #tpu.memory_space<vmem>> -> memref<1x64xi32, #tpu.memory_space<vmem>>
    %dma_wait3A_83 = tpu.memref_squeeze %dma_wait3A_82 : memref<1x64xi32, #tpu.memory_space<vmem>> -> memref<64xi32, #tpu.memory_space<vmem>>
    %dma_wait3A_84 = arith.constant 0 : i32
    %dma_wait3A_85 = arith.constant 0 : i32
    %dma_wait3A_86 = tpu.memref_slice %arg19[%dma_wait3A_84, %dma_wait3A_85] : memref<10240x64xf32, #tpu.memory_space<vmem_shared>> -> memref<10240x64xf32, #tpu.memory_space<vmem_shared>>
    tpu.wait_indirect_dma semaphore(%arg33 : memref<!tpu.dma_semaphore, #tpu.memory_space<semaphore_mem>>) src(%arg12 : memref<64x64xf32, #tpu.memory_space<vmem>>) dst(%dma_wait3A_86 : memref<10240x64xf32, #tpu.memory_space<vmem_shared>>)
    %dma_wait3A_87 = arith.constant 0 : i32
    %dma_wait3A_88 = arith.constant 0 : i32
    %dma_wait3A_89 = tpu.memref_slice %arg8[%dma_wait3A_87, %dma_wait3A_88] : memref<314x64xi32, #tpu.memory_space<vmem>> -> memref<1x64xi32, #tpu.memory_space<vmem>>
    %dma_wait3A_90 = tpu.memref_squeeze %dma_wait3A_89 : memref<1x64xi32, #tpu.memory_space<vmem>> -> memref<64xi32, #tpu.memory_space<vmem>>
    %dma_wait3A_91 = arith.constant 0 : i32
    %dma_wait3A_92 = arith.constant 0 : i32
    %dma_wait3A_93 = tpu.memref_slice %arg19[%dma_wait3A_91, %dma_wait3A_92] : memref<10240x64xf32, #tpu.memory_space<vmem_shared>> -> memref<10240x64xf32, #tpu.memory_space<vmem_shared>>
    tpu.wait_indirect_dma semaphore(%arg34 : memref<!tpu.dma_semaphore, #tpu.memory_space<semaphore_mem>>) src(%arg13 : memref<64x64xf32, #tpu.memory_space<vmem>>) dst(%dma_wait3A_93 : memref<10240x64xf32, #tpu.memory_space<vmem_shared>>)
    %dma_wait3A_94 = arith.constant 0 : i32
    %dma_wait3A_95 = arith.constant 0 : i32
    %dma_wait3A_96 = tpu.memref_slice %arg8[%dma_wait3A_94, %dma_wait3A_95] : memref<314x64xi32, #tpu.memory_space<vmem>> -> memref<1x64xi32, #tpu.memory_space<vmem>>
    %dma_wait3A_97 = tpu.memref_squeeze %dma_wait3A_96 : memref<1x64xi32, #tpu.memory_space<vmem>> -> memref<64xi32, #tpu.memory_space<vmem>>
    %dma_wait3A_98 = arith.constant 0 : i32
    %dma_wait3A_99 = arith.constant 0 : i32
    %dma_wait3A_100 = tpu.memref_slice %arg19[%dma_wait3A_98, %dma_wait3A_99] : memref<10240x64xf32, #tpu.memory_space<vmem_shared>> -> memref<10240x64xf32, #tpu.memory_space<vmem_shared>>
    tpu.wait_indirect_dma semaphore(%arg35 : memref<!tpu.dma_semaphore, #tpu.memory_space<semaphore_mem>>) src(%arg14 : memref<64x64xf32, #tpu.memory_space<vmem>>) dst(%dma_wait3A_100 : memref<10240x64xf32, #tpu.memory_space<vmem_shared>>)
    %dma_wait3A_101 = arith.constant 0 : i32
    %dma_wait3A_102 = arith.constant 0 : i32
    %dma_wait3A_103 = tpu.memref_slice %arg8[%dma_wait3A_101, %dma_wait3A_102] : memref<314x64xi32, #tpu.memory_space<vmem>> -> memref<1x64xi32, #tpu.memory_space<vmem>>
    %dma_wait3A_104 = tpu.memref_squeeze %dma_wait3A_103 : memref<1x64xi32, #tpu.memory_space<vmem>> -> memref<64xi32, #tpu.memory_space<vmem>>
    %dma_wait3A_105 = arith.constant 0 : i32
    %dma_wait3A_106 = arith.constant 0 : i32
    %dma_wait3A_107 = tpu.memref_slice %arg19[%dma_wait3A_105, %dma_wait3A_106] : memref<10240x64xf32, #tpu.memory_space<vmem_shared>> -> memref<10240x64xf32, #tpu.memory_space<vmem_shared>>
    tpu.wait_indirect_dma semaphore(%arg36 : memref<!tpu.dma_semaphore, #tpu.memory_space<semaphore_mem>>) src(%arg15 : memref<64x64xf32, #tpu.memory_space<vmem>>) dst(%dma_wait3A_107 : memref<10240x64xf32, #tpu.memory_space<vmem_shared>>)
    %dma_wait3A_108 = arith.constant 0 : i32
    %dma_wait3A_109 = arith.constant 0 : i32
    %dma_wait3A_110 = tpu.memref_slice %arg8[%dma_wait3A_108, %dma_wait3A_109] : memref<314x64xi32, #tpu.memory_space<vmem>> -> memref<1x64xi32, #tpu.memory_space<vmem>>
    %dma_wait3A_111 = tpu.memref_squeeze %dma_wait3A_110 : memref<1x64xi32, #tpu.memory_space<vmem>> -> memref<64xi32, #tpu.memory_space<vmem>>
    %dma_wait3A_112 = arith.constant 0 : i32
    %dma_wait3A_113 = arith.constant 0 : i32
    %dma_wait3A_114 = tpu.memref_slice %arg19[%dma_wait3A_112, %dma_wait3A_113] : memref<10240x64xf32, #tpu.memory_space<vmem_shared>> -> memref<10240x64xf32, #tpu.memory_space<vmem_shared>>
    tpu.wait_indirect_dma semaphore(%arg37 : memref<!tpu.dma_semaphore, #tpu.memory_space<semaphore_mem>>) src(%arg16 : memref<64x64xf32, #tpu.memory_space<vmem>>) dst(%dma_wait3A_114 : memref<10240x64xf32, #tpu.memory_space<vmem_shared>>)
    %dma_wait3A_115 = arith.constant 0 : i32
    %dma_wait3A_116 = arith.constant 0 : i32
    %dma_wait3A_117 = tpu.memref_slice %arg8[%dma_wait3A_115, %dma_wait3A_116] : memref<314x64xi32, #tpu.memory_space<vmem>> -> memref<1x64xi32, #tpu.memory_space<vmem>>
    %dma_wait3A_118 = tpu.memref_squeeze %dma_wait3A_117 : memref<1x64xi32, #tpu.memory_space<vmem>> -> memref<64xi32, #tpu.memory_space<vmem>>
    %dma_wait3A_119 = arith.constant 0 : i32
    %dma_wait3A_120 = arith.constant 0 : i32
    %dma_wait3A_121 = tpu.memref_slice %arg19[%dma_wait3A_119, %dma_wait3A_120] : memref<10240x64xf32, #tpu.memory_space<vmem_shared>> -> memref<10240x64xf32, #tpu.memory_space<vmem_shared>>
    tpu.wait_indirect_dma semaphore(%arg38 : memref<!tpu.dma_semaphore, #tpu.memory_space<semaphore_mem>>) src(%arg17 : memref<64x64xf32, #tpu.memory_space<vmem>>) dst(%dma_wait3A_121 : memref<10240x64xf32, #tpu.memory_space<vmem_shared>>)
    %dma_wait3A_122 = arith.constant 0 : i32
    %dma_wait3A_123 = arith.constant 0 : i32
    %dma_wait3A_124 = tpu.memref_slice %arg8[%dma_wait3A_122, %dma_wait3A_123] : memref<314x64xi32, #tpu.memory_space<vmem>> -> memref<1x64xi32, #tpu.memory_space<vmem>>
    %dma_wait3A_125 = tpu.memref_squeeze %dma_wait3A_124 : memref<1x64xi32, #tpu.memory_space<vmem>> -> memref<64xi32, #tpu.memory_space<vmem>>
    %dma_wait3A_126 = arith.constant 0 : i32
    %dma_wait3A_127 = arith.constant 0 : i32
    %dma_wait3A_128 = tpu.memref_slice %arg19[%dma_wait3A_126, %dma_wait3A_127] : memref<10240x64xf32, #tpu.memory_space<vmem_shared>> -> memref<10240x64xf32, #tpu.memory_space<vmem_shared>>
    tpu.wait_indirect_dma semaphore(%arg39 : memref<!tpu.dma_semaphore, #tpu.memory_space<semaphore_mem>>) src(%arg18 : memref<64x64xf32, #tpu.memory_space<vmem>>) dst(%dma_wait3A_128 : memref<10240x64xf32, #tpu.memory_space<vmem_shared>>)
    %barrier3A_129 = arith.constant 0 : index
    tpu.barrier barrier_id(%barrier3A_129)
    "tpu.region"() ({
      %run_scoped3A = tpu.sem_alloc : memref<!tpu.dma_semaphore, #tpu.memory_space<semaphore_mem>>
      %dma_start3A_130 = arith.constant 0 : i32
      %dma_start3A_131 = tpu.memref_slice %arg6[%arg0, %mul3A_0, %dma_start3A_130] : memref<2x10240x64xf32, #tpu.memory_space<hbm>> -> memref<1x640x64xf32, #tpu.memory_space<hbm>>
      %dma_start3A_132 = tpu.memref_squeeze %dma_start3A_131 : memref<1x640x64xf32, #tpu.memory_space<hbm>> -> memref<640x64xf32, #tpu.memory_space<hbm>>
      %dma_start3A_133 = arith.constant 0 : i32
      %dma_start3A_134 = tpu.memref_slice %arg19[%mul3A_0, %dma_start3A_133] : memref<10240x64xf32, #tpu.memory_space<vmem_shared>> -> memref<640x64xf32, #tpu.memory_space<vmem_shared>>
      tpu.enqueue_dma source(%dma_start3A_134 : memref<640x64xf32, #tpu.memory_space<vmem_shared>>) target(%dma_start3A_132 : memref<640x64xf32, #tpu.memory_space<hbm>>) target_semaphore(%run_scoped3A : memref<!tpu.dma_semaphore, #tpu.memory_space<semaphore_mem>>)
      %dma_wait3A_135 = arith.constant 0 : i32
      %dma_wait3A_136 = tpu.memref_slice %arg6[%arg0, %mul3A_0, %dma_wait3A_135] : memref<2x10240x64xf32, #tpu.memory_space<hbm>> -> memref<1x640x64xf32, #tpu.memory_space<hbm>>
      %dma_wait3A_137 = tpu.memref_squeeze %dma_wait3A_136 : memref<1x640x64xf32, #tpu.memory_space<hbm>> -> memref<640x64xf32, #tpu.memory_space<hbm>>
      %dma_wait3A_138 = arith.constant 0 : i32
      %dma_wait3A_139 = tpu.memref_slice %arg19[%mul3A_0, %dma_wait3A_138] : memref<10240x64xf32, #tpu.memory_space<vmem_shared>> -> memref<640x64xf32, #tpu.memory_space<vmem_shared>>
      tpu.wait_dma2 semaphore(%run_scoped3A : memref<!tpu.dma_semaphore, #tpu.memory_space<semaphore_mem>>) src(%dma_wait3A_139 : memref<640x64xf32, #tpu.memory_space<vmem_shared>>) dst(%dma_wait3A_137 : memref<640x64xf32, #tpu.memory_space<hbm>>)
      tpu.yield
    }) : () -> ()
    return
  }
}

#map = affine_map<(d0, d1) -> (0, 0, 0)>
#map1 = affine_map<(d0, d1) -> (0, 0)>
module attributes {stable_mosaic.version = 14 : i64} {
  func.func @k(%arg0: i32, %arg1: i32, %arg2: memref<16x314x64xi32, #tpu.memory_space<hbm>>, %arg3: memref<64x16xf32, #tpu.memory_space<hbm>>, %arg4: memref<640x16xf32, #tpu.memory_space<hbm>>, %arg5: memref<2x10240x16xf32, #tpu.memory_space<hbm>>, %arg6: memref<314x64xi32, #tpu.memory_space<vmem>>, %arg7: memref<64x16xf32, #tpu.memory_space<vmem>>, %arg8: memref<10240x16xf32, #tpu.memory_space<vmem_shared>>) attributes {dimension_semantics = [#tpu.dimension_semantics<core_parallel>, #tpu.dimension_semantics<subcore_parallel>], iteration_bounds = array<i64: 2, 16>, scalar_prefetch = 0 : i64, scratch_operands = 3 : i64, tpu.core_type = #tpu.core_type<sc_vector_subcore>, window_params = [{transform_indices = #map}, {transform_indices = #map1}, {transform_indices = #map1}, {transform_indices = #map}]} {
    %mul3A = arith.constant 640 : i32
    %mul3A_0 = arith.muli %arg1, %mul3A : i32
    "tpu.region"() ({
      %run_scoped3A = tpu.sem_alloc : memref<!tpu.dma_semaphore, #tpu.memory_space<semaphore_mem>>
      %dma_start3A = arith.constant 0 : i32
      %dma_start3A_15 = tpu.memref_slice %arg8[%mul3A_0, %dma_start3A] : memref<10240x16xf32, #tpu.memory_space<vmem_shared>> -> memref<640x16xf32, #tpu.memory_space<vmem_shared>>
      tpu.enqueue_dma source(%arg4 : memref<640x16xf32, #tpu.memory_space<hbm>>) target(%dma_start3A_15 : memref<640x16xf32, #tpu.memory_space<vmem_shared>>) target_semaphore(%run_scoped3A : memref<!tpu.dma_semaphore, #tpu.memory_space<semaphore_mem>>)
      %dma_wait3A = arith.constant 0 : i32
      %dma_wait3A_16 = tpu.memref_slice %arg8[%mul3A_0, %dma_wait3A] : memref<10240x16xf32, #tpu.memory_space<vmem_shared>> -> memref<640x16xf32, #tpu.memory_space<vmem_shared>>
      tpu.wait_dma2 semaphore(%run_scoped3A : memref<!tpu.dma_semaphore, #tpu.memory_space<semaphore_mem>>) src(%arg4 : memref<640x16xf32, #tpu.memory_space<hbm>>) dst(%dma_wait3A_16 : memref<640x16xf32, #tpu.memory_space<vmem_shared>>)
      tpu.yield
    }) : () -> ()
    "tpu.region"() ({
      %run_scoped3A = tpu.sem_alloc : memref<!tpu.dma_semaphore, #tpu.memory_space<semaphore_mem>>
      %dma_start3A = arith.constant 0 : i32
      %dma_start3A_15 = arith.constant 0 : i32
      %dma_start3A_16 = tpu.memref_slice %arg2[%arg1, %dma_start3A, %dma_start3A_15] : memref<16x314x64xi32, #tpu.memory_space<hbm>> -> memref<1x314x64xi32, #tpu.memory_space<hbm>>
      %dma_start3A_17 = tpu.memref_squeeze %dma_start3A_16 : memref<1x314x64xi32, #tpu.memory_space<hbm>> -> memref<314x64xi32, #tpu.memory_space<hbm>>
      %dma_start3A_18 = arith.constant 0 : i32
      %dma_start3A_19 = arith.constant 0 : i32
      %dma_start3A_20 = tpu.memref_slice %arg2[%arg1, %dma_start3A_18, %dma_start3A_19] : memref<16x314x64xi32, #tpu.memory_space<hbm>> -> memref<1x314x64xi32, #tpu.memory_space<hbm>>
      %dma_start3A_21 = tpu.memref_squeeze %dma_start3A_20 : memref<1x314x64xi32, #tpu.memory_space<hbm>> -> memref<314x64xi32, #tpu.memory_space<hbm>>
      tpu.enqueue_dma source(%dma_start3A_21 : memref<314x64xi32, #tpu.memory_space<hbm>>) target(%arg6 : memref<314x64xi32, #tpu.memory_space<vmem>>) target_semaphore(%run_scoped3A : memref<!tpu.dma_semaphore, #tpu.memory_space<semaphore_mem>>)
      %dma_wait3A = arith.constant 0 : i32
      %dma_wait3A_22 = arith.constant 0 : i32
      %dma_wait3A_23 = tpu.memref_slice %arg2[%arg1, %dma_wait3A, %dma_wait3A_22] : memref<16x314x64xi32, #tpu.memory_space<hbm>> -> memref<1x314x64xi32, #tpu.memory_space<hbm>>
      %dma_wait3A_24 = tpu.memref_squeeze %dma_wait3A_23 : memref<1x314x64xi32, #tpu.memory_space<hbm>> -> memref<314x64xi32, #tpu.memory_space<hbm>>
      %dma_wait3A_25 = arith.constant 0 : i32
      %dma_wait3A_26 = arith.constant 0 : i32
      %dma_wait3A_27 = tpu.memref_slice %arg2[%arg1, %dma_wait3A_25, %dma_wait3A_26] : memref<16x314x64xi32, #tpu.memory_space<hbm>> -> memref<1x314x64xi32, #tpu.memory_space<hbm>>
      %dma_wait3A_28 = tpu.memref_squeeze %dma_wait3A_27 : memref<1x314x64xi32, #tpu.memory_space<hbm>> -> memref<314x64xi32, #tpu.memory_space<hbm>>
      tpu.wait_dma2 semaphore(%run_scoped3A : memref<!tpu.dma_semaphore, #tpu.memory_space<semaphore_mem>>) src(%dma_wait3A_28 : memref<314x64xi32, #tpu.memory_space<hbm>>) dst(%arg6 : memref<314x64xi32, #tpu.memory_space<vmem>>)
      tpu.yield
    }) : () -> ()
    "tpu.region"() ({
      %run_scoped3A = tpu.sem_alloc : memref<!tpu.dma_semaphore, #tpu.memory_space<semaphore_mem>>
      tpu.enqueue_dma source(%arg3 : memref<64x16xf32, #tpu.memory_space<hbm>>) target(%arg7 : memref<64x16xf32, #tpu.memory_space<vmem>>) target_semaphore(%run_scoped3A : memref<!tpu.dma_semaphore, #tpu.memory_space<semaphore_mem>>)
      tpu.wait_dma2 semaphore(%run_scoped3A : memref<!tpu.dma_semaphore, #tpu.memory_space<semaphore_mem>>) src(%arg3 : memref<64x16xf32, #tpu.memory_space<hbm>>) dst(%arg7 : memref<64x16xf32, #tpu.memory_space<vmem>>)
      tpu.yield
    }) : () -> ()
    %barrier3A = arith.constant 0 : index
    tpu.barrier barrier_id(%barrier3A)
    %mul3A_1 = arith.constant 157 : i32
    %mul3A_2 = arith.muli %arg0, %mul3A_1 : i32
    %add3A = arith.constant 1 : i32
    %add3A_3 = arith.addi %arg0, %add3A : i32
    %mul3A_4 = arith.constant 157 : i32
    %mul3A_5 = arith.muli %add3A_3, %mul3A_4 : i32
    %while3A = arith.constant 0 : i32
    %while3A_6 = arith.subi %mul3A_5, %mul3A_2 : i32
    %while3A_7 = arith.addi %mul3A_2, %while3A_6 : i32
    %while3A_8 = arith.constant 1 : i32
    %while3A_9 = arith.divsi %while3A_6, %while3A_8 : i32
    %while3A_10 = arith.muli %while3A_9, %while3A_8 : i32
    %while3A_11 = arith.addi %mul3A_2, %while3A_10 : i32
    %while3A_12 = arith.constant 1 : i32
    scf.for %while3A_15 = %mul3A_2 to %while3A_11 step %while3A_12  : i32 {
      "tpu.region"() ({
        %run_scoped3A = tpu.sem_alloc : memref<!tpu.dma_semaphore, #tpu.memory_space<semaphore_mem>>
        %dma_start3A = arith.constant 0 : i32
        %dma_start3A_16 = tpu.memref_slice %arg6[%while3A_15, %dma_start3A] : memref<314x64xi32, #tpu.memory_space<vmem>> -> memref<1x64xi32, #tpu.memory_space<vmem>>
        %dma_start3A_17 = tpu.memref_squeeze %dma_start3A_16 : memref<1x64xi32, #tpu.memory_space<vmem>> -> memref<64xi32, #tpu.memory_space<vmem>>
        %dma_start3A_18 = arith.constant 0 : i32
        %dma_start3A_19 = arith.constant 0 : i32
        %dma_start3A_20 = tpu.memref_slice %arg8[%dma_start3A_18, %dma_start3A_19] : memref<10240x16xf32, #tpu.memory_space<vmem_shared>> -> memref<10240x16xf32, #tpu.memory_space<vmem_shared>>
        tpu.enqueue_indirect_dma source(%arg7 : memref<64x16xf32, #tpu.memory_space<vmem>>) target(%dma_start3A_20 : memref<10240x16xf32, #tpu.memory_space<vmem_shared>>) offsets(%dma_start3A_17 : memref<64xi32, #tpu.memory_space<vmem>>) semaphore(%run_scoped3A : memref<!tpu.dma_semaphore, #tpu.memory_space<semaphore_mem>>) {add = true}
        %dma_wait3A = arith.constant 0 : i32
        %dma_wait3A_21 = tpu.memref_slice %arg6[%while3A_15, %dma_wait3A] : memref<314x64xi32, #tpu.memory_space<vmem>> -> memref<1x64xi32, #tpu.memory_space<vmem>>
        %dma_wait3A_22 = tpu.memref_squeeze %dma_wait3A_21 : memref<1x64xi32, #tpu.memory_space<vmem>> -> memref<64xi32, #tpu.memory_space<vmem>>
        %dma_wait3A_23 = arith.constant 0 : i32
        %dma_wait3A_24 = arith.constant 0 : i32
        %dma_wait3A_25 = tpu.memref_slice %arg8[%dma_wait3A_23, %dma_wait3A_24] : memref<10240x16xf32, #tpu.memory_space<vmem_shared>> -> memref<10240x16xf32, #tpu.memory_space<vmem_shared>>
        tpu.wait_indirect_dma semaphore(%run_scoped3A : memref<!tpu.dma_semaphore, #tpu.memory_space<semaphore_mem>>) src(%arg7 : memref<64x16xf32, #tpu.memory_space<vmem>>) dst(%dma_wait3A_25 : memref<10240x16xf32, #tpu.memory_space<vmem_shared>>)
        tpu.yield
      }) : () -> ()
    }
    %while3A_13 = arith.constant 1 : i32
    scf.for %while3A_15 = %while3A_11 to %while3A_7 step %while3A_13  : i32 {
      "tpu.region"() ({
        %run_scoped3A = tpu.sem_alloc : memref<!tpu.dma_semaphore, #tpu.memory_space<semaphore_mem>>
        %dma_start3A = arith.constant 0 : i32
        %dma_start3A_16 = tpu.memref_slice %arg6[%while3A_15, %dma_start3A] : memref<314x64xi32, #tpu.memory_space<vmem>> -> memref<1x64xi32, #tpu.memory_space<vmem>>
        %dma_start3A_17 = tpu.memref_squeeze %dma_start3A_16 : memref<1x64xi32, #tpu.memory_space<vmem>> -> memref<64xi32, #tpu.memory_space<vmem>>
        %dma_start3A_18 = arith.constant 0 : i32
        %dma_start3A_19 = arith.constant 0 : i32
        %dma_start3A_20 = tpu.memref_slice %arg8[%dma_start3A_18, %dma_start3A_19] : memref<10240x16xf32, #tpu.memory_space<vmem_shared>> -> memref<10240x16xf32, #tpu.memory_space<vmem_shared>>
        tpu.enqueue_indirect_dma source(%arg7 : memref<64x16xf32, #tpu.memory_space<vmem>>) target(%dma_start3A_20 : memref<10240x16xf32, #tpu.memory_space<vmem_shared>>) offsets(%dma_start3A_17 : memref<64xi32, #tpu.memory_space<vmem>>) semaphore(%run_scoped3A : memref<!tpu.dma_semaphore, #tpu.memory_space<semaphore_mem>>) {add = true}
        %dma_wait3A = arith.constant 0 : i32
        %dma_wait3A_21 = tpu.memref_slice %arg6[%while3A_15, %dma_wait3A] : memref<314x64xi32, #tpu.memory_space<vmem>> -> memref<1x64xi32, #tpu.memory_space<vmem>>
        %dma_wait3A_22 = tpu.memref_squeeze %dma_wait3A_21 : memref<1x64xi32, #tpu.memory_space<vmem>> -> memref<64xi32, #tpu.memory_space<vmem>>
        %dma_wait3A_23 = arith.constant 0 : i32
        %dma_wait3A_24 = arith.constant 0 : i32
        %dma_wait3A_25 = tpu.memref_slice %arg8[%dma_wait3A_23, %dma_wait3A_24] : memref<10240x16xf32, #tpu.memory_space<vmem_shared>> -> memref<10240x16xf32, #tpu.memory_space<vmem_shared>>
        tpu.wait_indirect_dma semaphore(%run_scoped3A : memref<!tpu.dma_semaphore, #tpu.memory_space<semaphore_mem>>) src(%arg7 : memref<64x16xf32, #tpu.memory_space<vmem>>) dst(%dma_wait3A_25 : memref<10240x16xf32, #tpu.memory_space<vmem_shared>>)
        tpu.yield
      }) : () -> ()
    }
    %barrier3A_14 = arith.constant 0 : index
    tpu.barrier barrier_id(%barrier3A_14)
    "tpu.region"() ({
      %run_scoped3A = tpu.sem_alloc : memref<!tpu.dma_semaphore, #tpu.memory_space<semaphore_mem>>
      %dma_start3A = arith.constant 0 : i32
      %dma_start3A_15 = tpu.memref_slice %arg5[%arg0, %mul3A_0, %dma_start3A] : memref<2x10240x16xf32, #tpu.memory_space<hbm>> -> memref<1x640x16xf32, #tpu.memory_space<hbm>>
      %dma_start3A_16 = tpu.memref_squeeze %dma_start3A_15 : memref<1x640x16xf32, #tpu.memory_space<hbm>> -> memref<640x16xf32, #tpu.memory_space<hbm>>
      %dma_start3A_17 = arith.constant 0 : i32
      %dma_start3A_18 = tpu.memref_slice %arg8[%mul3A_0, %dma_start3A_17] : memref<10240x16xf32, #tpu.memory_space<vmem_shared>> -> memref<640x16xf32, #tpu.memory_space<vmem_shared>>
      tpu.enqueue_dma source(%dma_start3A_18 : memref<640x16xf32, #tpu.memory_space<vmem_shared>>) target(%dma_start3A_16 : memref<640x16xf32, #tpu.memory_space<hbm>>) target_semaphore(%run_scoped3A : memref<!tpu.dma_semaphore, #tpu.memory_space<semaphore_mem>>)
      %dma_wait3A = arith.constant 0 : i32
      %dma_wait3A_19 = tpu.memref_slice %arg5[%arg0, %mul3A_0, %dma_wait3A] : memref<2x10240x16xf32, #tpu.memory_space<hbm>> -> memref<1x640x16xf32, #tpu.memory_space<hbm>>
      %dma_wait3A_20 = tpu.memref_squeeze %dma_wait3A_19 : memref<1x640x16xf32, #tpu.memory_space<hbm>> -> memref<640x16xf32, #tpu.memory_space<hbm>>
      %dma_wait3A_21 = arith.constant 0 : i32
      %dma_wait3A_22 = tpu.memref_slice %arg8[%mul3A_0, %dma_wait3A_21] : memref<10240x16xf32, #tpu.memory_space<vmem_shared>> -> memref<640x16xf32, #tpu.memory_space<vmem_shared>>
      tpu.wait_dma2 semaphore(%run_scoped3A : memref<!tpu.dma_semaphore, #tpu.memory_space<semaphore_mem>>) src(%dma_wait3A_22 : memref<640x16xf32, #tpu.memory_space<vmem_shared>>) dst(%dma_wait3A_20 : memref<640x16xf32, #tpu.memory_space<hbm>>)
      tpu.yield
    }) : () -> ()
    return
  }
}

#map = affine_map<(d0, d1) -> (0, 0, 0)>
#map1 = affine_map<(d0, d1) -> (0, 0)>
module attributes {stable_mosaic.version = 14 : i64} {
  func.func @k(%arg0: i32, %arg1: i32, %arg2: memref<2x10000x64xf32, #tpu.memory_space<hbm>>, %arg3: memref<16x314x64xi32, #tpu.memory_space<hbm>>, %arg4: memref<16x314x64xi32, #tpu.memory_space<hbm>>, %arg5: memref<640x64xf32, #tpu.memory_space<hbm>>, %arg6: memref<2x10240x64xf32, #tpu.memory_space<hbm>>, %arg7: memref<314x64xi32, #tpu.memory_space<vmem>>, %arg8: memref<314x64xi32, #tpu.memory_space<vmem>>, %arg9: memref<64x64xf32, #tpu.memory_space<vmem>>, %arg10: memref<64x64xf32, #tpu.memory_space<vmem>>, %arg11: memref<64x64xf32, #tpu.memory_space<vmem>>, %arg12: memref<64x64xf32, #tpu.memory_space<vmem>>, %arg13: memref<64x64xf32, #tpu.memory_space<vmem>>, %arg14: memref<64x64xf32, #tpu.memory_space<vmem>>, %arg15: memref<64x64xf32, #tpu.memory_space<vmem>>, %arg16: memref<64x64xf32, #tpu.memory_space<vmem>>, %arg17: memref<64x64xf32, #tpu.memory_space<vmem>>, %arg18: memref<64x64xf32, #tpu.memory_space<vmem>>, %arg19: memref<10240x64xf32, #tpu.memory_space<vmem_shared>>, %arg20: memref<!tpu.dma_semaphore, #tpu.memory_space<semaphore_mem>>, %arg21: memref<!tpu.dma_semaphore, #tpu.memory_space<semaphore_mem>>, %arg22: memref<!tpu.dma_semaphore, #tpu.memory_space<semaphore_mem>>, %arg23: memref<!tpu.dma_semaphore, #tpu.memory_space<semaphore_mem>>, %arg24: memref<!tpu.dma_semaphore, #tpu.memory_space<semaphore_mem>>, %arg25: memref<!tpu.dma_semaphore, #tpu.memory_space<semaphore_mem>>, %arg26: memref<!tpu.dma_semaphore, #tpu.memory_space<semaphore_mem>>, %arg27: memref<!tpu.dma_semaphore, #tpu.memory_space<semaphore_mem>>, %arg28: memref<!tpu.dma_semaphore, #tpu.memory_space<semaphore_mem>>, %arg29: memref<!tpu.dma_semaphore, #tpu.memory_space<semaphore_mem>>, %arg30: memref<!tpu.dma_semaphore, #tpu.memory_space<semaphore_mem>>, %arg31: memref<!tpu.dma_semaphore, #tpu.memory_space<semaphore_mem>>, %arg32: memref<!tpu.dma_semaphore, #tpu.memory_space<semaphore_mem>>, %arg33: memref<!tpu.dma_semaphore, #tpu.memory_space<semaphore_mem>>, %arg34: memref<!tpu.dma_semaphore, #tpu.memory_space<semaphore_mem>>, %arg35: memref<!tpu.dma_semaphore, #tpu.memory_space<semaphore_mem>>, %arg36: memref<!tpu.dma_semaphore, #tpu.memory_space<semaphore_mem>>, %arg37: memref<!tpu.dma_semaphore, #tpu.memory_space<semaphore_mem>>, %arg38: memref<!tpu.dma_semaphore, #tpu.memory_space<semaphore_mem>>, %arg39: memref<!tpu.dma_semaphore, #tpu.memory_space<semaphore_mem>>) attributes {dimension_semantics = [#tpu.dimension_semantics<core_parallel>, #tpu.dimension_semantics<subcore_parallel>], iteration_bounds = array<i64: 2, 16>, scalar_prefetch = 0 : i64, scratch_operands = 33 : i64, tpu.core_type = #tpu.core_type<sc_vector_subcore>, window_params = [{transform_indices = #map}, {transform_indices = #map}, {transform_indices = #map}, {transform_indices = #map1}, {transform_indices = #map}]} {
    %mul3A = arith.constant 640 : i32
    %mul3A_0 = arith.muli %arg1, %mul3A : i32
    "tpu.region"() ({
      %run_scoped3A = tpu.sem_alloc : memref<!tpu.dma_semaphore, #tpu.memory_space<semaphore_mem>>
      %dma_start3A_130 = arith.constant 0 : i32
      %dma_start3A_131 = tpu.memref_slice %arg19[%mul3A_0, %dma_start3A_130] : memref<10240x64xf32, #tpu.memory_space<vmem_shared>> -> memref<640x64xf32, #tpu.memory_space<vmem_shared>>
      tpu.enqueue_dma source(%arg5 : memref<640x64xf32, #tpu.memory_space<hbm>>) target(%dma_start3A_131 : memref<640x64xf32, #tpu.memory_space<vmem_shared>>) target_semaphore(%run_scoped3A : memref<!tpu.dma_semaphore, #tpu.memory_space<semaphore_mem>>)
      %dma_wait3A_132 = arith.constant 0 : i32
      %dma_wait3A_133 = tpu.memref_slice %arg19[%mul3A_0, %dma_wait3A_132] : memref<10240x64xf32, #tpu.memory_space<vmem_shared>> -> memref<640x64xf32, #tpu.memory_space<vmem_shared>>
      tpu.wait_dma2 semaphore(%run_scoped3A : memref<!tpu.dma_semaphore, #tpu.memory_space<semaphore_mem>>) src(%arg5 : memref<640x64xf32, #tpu.memory_space<hbm>>) dst(%dma_wait3A_133 : memref<640x64xf32, #tpu.memory_space<vmem_shared>>)
      tpu.yield
    }) : () -> ()
    "tpu.region"() ({
      %run_scoped3A = tpu.sem_alloc : memref<!tpu.dma_semaphore, #tpu.memory_space<semaphore_mem>>
      %dma_start3A_130 = arith.constant 0 : i32
      %dma_start3A_131 = arith.constant 0 : i32
      %dma_start3A_132 = tpu.memref_slice %arg3[%arg1, %dma_start3A_130, %dma_start3A_131] : memref<16x314x64xi32, #tpu.memory_space<hbm>> -> memref<1x314x64xi32, #tpu.memory_space<hbm>>
      %dma_start3A_133 = tpu.memref_squeeze %dma_start3A_132 : memref<1x314x64xi32, #tpu.memory_space<hbm>> -> memref<314x64xi32, #tpu.memory_space<hbm>>
      %dma_start3A_134 = arith.constant 0 : i32
      %dma_start3A_135 = arith.constant 0 : i32
      %dma_start3A_136 = tpu.memref_slice %arg3[%arg1, %dma_start3A_134, %dma_start3A_135] : memref<16x314x64xi32, #tpu.memory_space<hbm>> -> memref<1x314x64xi32, #tpu.memory_space<hbm>>
      %dma_start3A_137 = tpu.memref_squeeze %dma_start3A_136 : memref<1x314x64xi32, #tpu.memory_space<hbm>> -> memref<314x64xi32, #tpu.memory_space<hbm>>
      tpu.enqueue_dma source(%dma_start3A_137 : memref<314x64xi32, #tpu.memory_space<hbm>>) target(%arg7 : memref<314x64xi32, #tpu.memory_space<vmem>>) target_semaphore(%run_scoped3A : memref<!tpu.dma_semaphore, #tpu.memory_space<semaphore_mem>>)
      %dma_wait3A_138 = arith.constant 0 : i32
      %dma_wait3A_139 = arith.constant 0 : i32
      %dma_wait3A_140 = tpu.memref_slice %arg3[%arg1, %dma_wait3A_138, %dma_wait3A_139] : memref<16x314x64xi32, #tpu.memory_space<hbm>> -> memref<1x314x64xi32, #tpu.memory_space<hbm>>
      %dma_wait3A_141 = tpu.memref_squeeze %dma_wait3A_140 : memref<1x314x64xi32, #tpu.memory_space<hbm>> -> memref<314x64xi32, #tpu.memory_space<hbm>>
      %dma_wait3A_142 = arith.constant 0 : i32
      %dma_wait3A_143 = arith.constant 0 : i32
      %dma_wait3A_144 = tpu.memref_slice %arg3[%arg1, %dma_wait3A_142, %dma_wait3A_143] : memref<16x314x64xi32, #tpu.memory_space<hbm>> -> memref<1x314x64xi32, #tpu.memory_space<hbm>>
      %dma_wait3A_145 = tpu.memref_squeeze %dma_wait3A_144 : memref<1x314x64xi32, #tpu.memory_space<hbm>> -> memref<314x64xi32, #tpu.memory_space<hbm>>
      tpu.wait_dma2 semaphore(%run_scoped3A : memref<!tpu.dma_semaphore, #tpu.memory_space<semaphore_mem>>) src(%dma_wait3A_145 : memref<314x64xi32, #tpu.memory_space<hbm>>) dst(%arg7 : memref<314x64xi32, #tpu.memory_space<vmem>>)
      tpu.yield
    }) : () -> ()
    "tpu.region"() ({
      %run_scoped3A = tpu.sem_alloc : memref<!tpu.dma_semaphore, #tpu.memory_space<semaphore_mem>>
      %dma_start3A_130 = arith.constant 0 : i32
      %dma_start3A_131 = arith.constant 0 : i32
      %dma_start3A_132 = tpu.memref_slice %arg4[%arg1, %dma_start3A_130, %dma_start3A_131] : memref<16x314x64xi32, #tpu.memory_space<hbm>> -> memref<1x314x64xi32, #tpu.memory_space<hbm>>
      %dma_start3A_133 = tpu.memref_squeeze %dma_start3A_132 : memref<1x314x64xi32, #tpu.memory_space<hbm>> -> memref<314x64xi32, #tpu.memory_space<hbm>>
      %dma_start3A_134 = arith.constant 0 : i32
      %dma_start3A_135 = arith.constant 0 : i32
      %dma_start3A_136 = tpu.memref_slice %arg4[%arg1, %dma_start3A_134, %dma_start3A_135] : memref<16x314x64xi32, #tpu.memory_space<hbm>> -> memref<1x314x64xi32, #tpu.memory_space<hbm>>
      %dma_start3A_137 = tpu.memref_squeeze %dma_start3A_136 : memref<1x314x64xi32, #tpu.memory_space<hbm>> -> memref<314x64xi32, #tpu.memory_space<hbm>>
      tpu.enqueue_dma source(%dma_start3A_137 : memref<314x64xi32, #tpu.memory_space<hbm>>) target(%arg8 : memref<314x64xi32, #tpu.memory_space<vmem>>) target_semaphore(%run_scoped3A : memref<!tpu.dma_semaphore, #tpu.memory_space<semaphore_mem>>)
      %dma_wait3A_138 = arith.constant 0 : i32
      %dma_wait3A_139 = arith.constant 0 : i32
      %dma_wait3A_140 = tpu.memref_slice %arg4[%arg1, %dma_wait3A_138, %dma_wait3A_139] : memref<16x314x64xi32, #tpu.memory_space<hbm>> -> memref<1x314x64xi32, #tpu.memory_space<hbm>>
      %dma_wait3A_141 = tpu.memref_squeeze %dma_wait3A_140 : memref<1x314x64xi32, #tpu.memory_space<hbm>> -> memref<314x64xi32, #tpu.memory_space<hbm>>
      %dma_wait3A_142 = arith.constant 0 : i32
      %dma_wait3A_143 = arith.constant 0 : i32
      %dma_wait3A_144 = tpu.memref_slice %arg4[%arg1, %dma_wait3A_142, %dma_wait3A_143] : memref<16x314x64xi32, #tpu.memory_space<hbm>> -> memref<1x314x64xi32, #tpu.memory_space<hbm>>
      %dma_wait3A_145 = tpu.memref_squeeze %dma_wait3A_144 : memref<1x314x64xi32, #tpu.memory_space<hbm>> -> memref<314x64xi32, #tpu.memory_space<hbm>>
      tpu.wait_dma2 semaphore(%run_scoped3A : memref<!tpu.dma_semaphore, #tpu.memory_space<semaphore_mem>>) src(%dma_wait3A_145 : memref<314x64xi32, #tpu.memory_space<hbm>>) dst(%arg8 : memref<314x64xi32, #tpu.memory_space<vmem>>)
      tpu.yield
    }) : () -> ()
    %barrier3A = arith.constant 0 : index
    tpu.barrier barrier_id(%barrier3A)
    %dma_start3A = arith.constant 0 : i32
    %dma_start3A_1 = arith.constant 0 : i32
    %dma_start3A_2 = tpu.memref_slice %arg7[%dma_start3A, %dma_start3A_1] : memref<314x64xi32, #tpu.memory_space<vmem>> -> memref<1x64xi32, #tpu.memory_space<vmem>>
    %dma_start3A_3 = tpu.memref_squeeze %dma_start3A_2 : memref<1x64xi32, #tpu.memory_space<vmem>> -> memref<64xi32, #tpu.memory_space<vmem>>
    %dma_start3A_4 = arith.constant 0 : i32
    %dma_start3A_5 = arith.constant 0 : i32
    %dma_start3A_6 = tpu.memref_slice %arg2[%arg0, %dma_start3A_4, %dma_start3A_5] : memref<2x10000x64xf32, #tpu.memory_space<hbm>> -> memref<1x10000x64xf32, #tpu.memory_space<hbm>>
    %dma_start3A_7 = tpu.memref_squeeze %dma_start3A_6 : memref<1x10000x64xf32, #tpu.memory_space<hbm>> -> memref<10000x64xf32, #tpu.memory_space<hbm>>
    %dma_start3A_8 = arith.constant 0 : i32
    %dma_start3A_9 = arith.constant 0 : i32
    %dma_start3A_10 = tpu.memref_slice %dma_start3A_7[%dma_start3A_8, %dma_start3A_9] : memref<10000x64xf32, #tpu.memory_space<hbm>> -> memref<10000x64xf32, #tpu.memory_space<hbm>>
    tpu.enqueue_indirect_dma source(%dma_start3A_10 : memref<10000x64xf32, #tpu.memory_space<hbm>>) target(%arg9 : memref<64x64xf32, #tpu.memory_space<vmem>>) offsets(%dma_start3A_3 : memref<64xi32, #tpu.memory_space<vmem>>) semaphore(%arg20 : memref<!tpu.dma_semaphore, #tpu.memory_space<semaphore_mem>>)
    %dma_start3A_11 = arith.constant 1 : i32
    %dma_start3A_12 = arith.constant 0 : i32
    %dma_start3A_13 = tpu.memref_slice %arg7[%dma_start3A_11, %dma_start3A_12] : memref<314x64xi32, #tpu.memory_space<vmem>> -> memref<1x64xi32, #tpu.memory_space<vmem>>
    %dma_start3A_14 = tpu.memref_squeeze %dma_start3A_13 : memref<1x64xi32, #tpu.memory_space<vmem>> -> memref<64xi32, #tpu.memory_space<vmem>>
    %dma_start3A_15 = arith.constant 0 : i32
    %dma_start3A_16 = arith.constant 0 : i32
    %dma_start3A_17 = tpu.memref_slice %arg2[%arg0, %dma_start3A_15, %dma_start3A_16] : memref<2x10000x64xf32, #tpu.memory_space<hbm>> -> memref<1x10000x64xf32, #tpu.memory_space<hbm>>
    %dma_start3A_18 = tpu.memref_squeeze %dma_start3A_17 : memref<1x10000x64xf32, #tpu.memory_space<hbm>> -> memref<10000x64xf32, #tpu.memory_space<hbm>>
    %dma_start3A_19 = arith.constant 0 : i32
    %dma_start3A_20 = arith.constant 0 : i32
    %dma_start3A_21 = tpu.memref_slice %dma_start3A_18[%dma_start3A_19, %dma_start3A_20] : memref<10000x64xf32, #tpu.memory_space<hbm>> -> memref<10000x64xf32, #tpu.memory_space<hbm>>
    tpu.enqueue_indirect_dma source(%dma_start3A_21 : memref<10000x64xf32, #tpu.memory_space<hbm>>) target(%arg10 : memref<64x64xf32, #tpu.memory_space<vmem>>) offsets(%dma_start3A_14 : memref<64xi32, #tpu.memory_space<vmem>>) semaphore(%arg21 : memref<!tpu.dma_semaphore, #tpu.memory_space<semaphore_mem>>)
    %dma_start3A_22 = arith.constant 2 : i32
    %dma_start3A_23 = arith.constant 0 : i32
    %dma_start3A_24 = tpu.memref_slice %arg7[%dma_start3A_22, %dma_start3A_23] : memref<314x64xi32, #tpu.memory_space<vmem>> -> memref<1x64xi32, #tpu.memory_space<vmem>>
    %dma_start3A_25 = tpu.memref_squeeze %dma_start3A_24 : memref<1x64xi32, #tpu.memory_space<vmem>> -> memref<64xi32, #tpu.memory_space<vmem>>
    %dma_start3A_26 = arith.constant 0 : i32
    %dma_start3A_27 = arith.constant 0 : i32
    %dma_start3A_28 = tpu.memref_slice %arg2[%arg0, %dma_start3A_26, %dma_start3A_27] : memref<2x10000x64xf32, #tpu.memory_space<hbm>> -> memref<1x10000x64xf32, #tpu.memory_space<hbm>>
    %dma_start3A_29 = tpu.memref_squeeze %dma_start3A_28 : memref<1x10000x64xf32, #tpu.memory_space<hbm>> -> memref<10000x64xf32, #tpu.memory_space<hbm>>
    %dma_start3A_30 = arith.constant 0 : i32
    %dma_start3A_31 = arith.constant 0 : i32
    %dma_start3A_32 = tpu.memref_slice %dma_start3A_29[%dma_start3A_30, %dma_start3A_31] : memref<10000x64xf32, #tpu.memory_space<hbm>> -> memref<10000x64xf32, #tpu.memory_space<hbm>>
    tpu.enqueue_indirect_dma source(%dma_start3A_32 : memref<10000x64xf32, #tpu.memory_space<hbm>>) target(%arg11 : memref<64x64xf32, #tpu.memory_space<vmem>>) offsets(%dma_start3A_25 : memref<64xi32, #tpu.memory_space<vmem>>) semaphore(%arg22 : memref<!tpu.dma_semaphore, #tpu.memory_space<semaphore_mem>>)
    %dma_start3A_33 = arith.constant 3 : i32
    %dma_start3A_34 = arith.constant 0 : i32
    %dma_start3A_35 = tpu.memref_slice %arg7[%dma_start3A_33, %dma_start3A_34] : memref<314x64xi32, #tpu.memory_space<vmem>> -> memref<1x64xi32, #tpu.memory_space<vmem>>
    %dma_start3A_36 = tpu.memref_squeeze %dma_start3A_35 : memref<1x64xi32, #tpu.memory_space<vmem>> -> memref<64xi32, #tpu.memory_space<vmem>>
    %dma_start3A_37 = arith.constant 0 : i32
    %dma_start3A_38 = arith.constant 0 : i32
    %dma_start3A_39 = tpu.memref_slice %arg2[%arg0, %dma_start3A_37, %dma_start3A_38] : memref<2x10000x64xf32, #tpu.memory_space<hbm>> -> memref<1x10000x64xf32, #tpu.memory_space<hbm>>
    %dma_start3A_40 = tpu.memref_squeeze %dma_start3A_39 : memref<1x10000x64xf32, #tpu.memory_space<hbm>> -> memref<10000x64xf32, #tpu.memory_space<hbm>>
    %dma_start3A_41 = arith.constant 0 : i32
    %dma_start3A_42 = arith.constant 0 : i32
    %dma_start3A_43 = tpu.memref_slice %dma_start3A_40[%dma_start3A_41, %dma_start3A_42] : memref<10000x64xf32, #tpu.memory_space<hbm>> -> memref<10000x64xf32, #tpu.memory_space<hbm>>
    tpu.enqueue_indirect_dma source(%dma_start3A_43 : memref<10000x64xf32, #tpu.memory_space<hbm>>) target(%arg12 : memref<64x64xf32, #tpu.memory_space<vmem>>) offsets(%dma_start3A_36 : memref<64xi32, #tpu.memory_space<vmem>>) semaphore(%arg23 : memref<!tpu.dma_semaphore, #tpu.memory_space<semaphore_mem>>)
    %dma_start3A_44 = arith.constant 4 : i32
    %dma_start3A_45 = arith.constant 0 : i32
    %dma_start3A_46 = tpu.memref_slice %arg7[%dma_start3A_44, %dma_start3A_45] : memref<314x64xi32, #tpu.memory_space<vmem>> -> memref<1x64xi32, #tpu.memory_space<vmem>>
    %dma_start3A_47 = tpu.memref_squeeze %dma_start3A_46 : memref<1x64xi32, #tpu.memory_space<vmem>> -> memref<64xi32, #tpu.memory_space<vmem>>
    %dma_start3A_48 = arith.constant 0 : i32
    %dma_start3A_49 = arith.constant 0 : i32
    %dma_start3A_50 = tpu.memref_slice %arg2[%arg0, %dma_start3A_48, %dma_start3A_49] : memref<2x10000x64xf32, #tpu.memory_space<hbm>> -> memref<1x10000x64xf32, #tpu.memory_space<hbm>>
    %dma_start3A_51 = tpu.memref_squeeze %dma_start3A_50 : memref<1x10000x64xf32, #tpu.memory_space<hbm>> -> memref<10000x64xf32, #tpu.memory_space<hbm>>
    %dma_start3A_52 = arith.constant 0 : i32
    %dma_start3A_53 = arith.constant 0 : i32
    %dma_start3A_54 = tpu.memref_slice %dma_start3A_51[%dma_start3A_52, %dma_start3A_53] : memref<10000x64xf32, #tpu.memory_space<hbm>> -> memref<10000x64xf32, #tpu.memory_space<hbm>>
    tpu.enqueue_indirect_dma source(%dma_start3A_54 : memref<10000x64xf32, #tpu.memory_space<hbm>>) target(%arg13 : memref<64x64xf32, #tpu.memory_space<vmem>>) offsets(%dma_start3A_47 : memref<64xi32, #tpu.memory_space<vmem>>) semaphore(%arg24 : memref<!tpu.dma_semaphore, #tpu.memory_space<semaphore_mem>>)
    %scan3A = arith.constant 0 : i32
    %scan3A_55 = arith.constant 0 : i32
    %scan3A_56 = arith.constant 314 : i32
    %scan3A_57 = arith.addi %scan3A_55, %scan3A_56 : i32
    %scan3A_58 = arith.constant 1 : i32
    scf.for %scan3A_130 = %scan3A_55 to %scan3A_57 step %scan3A_58  : i32 {
      %jit3A = arith.constant 10 : i32
      %eq3A = arith.constant 0 : i32
      %eq3A_131 = arith.cmpi eq, %jit3A, %eq3A : i32
      %jit3A_132 = arith.constant 1 : i32
      %select_n3A = arith.select %eq3A_131, %jit3A_132, %jit3A : i32
      %rem3A = arith.remsi %scan3A_130, %select_n3A : i32
      %ne3A = arith.constant 0 : i32
      %ne3A_133 = arith.cmpi ne, %rem3A, %ne3A : i32
      %lt3A = arith.constant 0 : i32
      %lt3A_134 = arith.cmpi slt, %rem3A, %lt3A : i32
      %lt3A_135 = arith.constant 0 : i32
      %lt3A_136 = arith.cmpi slt, %select_n3A, %lt3A_135 : i32
      %ne3A_137 = arith.xori %lt3A_134, %lt3A_136 : i1
      %and3A = arith.andi %ne3A_137, %ne3A_133 : i1
      %add3A = arith.addi %rem3A, %select_n3A : i32
      %select_n3A_138 = arith.select %and3A, %add3A, %rem3A : i32
      %eq3A_139 = arith.constant 0 : i32
      %eq3A_140 = arith.cmpi eq, %select_n3A_138, %eq3A_139 : i32
      %convert_element_type3A = arith.extui %eq3A_140 : i1 to i32
      %cond3A = arith.constant 0 : i32
      %cond3A_141 = arith.cmpi ne, %convert_element_type3A, %cond3A : i32
      scf.if %cond3A_141 {
        %dma_wait3A_331 = arith.constant 0 : i32
        %dma_wait3A_332 = arith.constant 0 : i32
        %dma_wait3A_333 = tpu.memref_slice %arg7[%dma_wait3A_331, %dma_wait3A_332] : memref<314x64xi32, #tpu.memory_space<vmem>> -> memref<1x64xi32, #tpu.memory_space<vmem>>
        %dma_wait3A_334 = tpu.memref_squeeze %dma_wait3A_333 : memref<1x64xi32, #tpu.memory_space<vmem>> -> memref<64xi32, #tpu.memory_space<vmem>>
        %dma_wait3A_335 = arith.constant 0 : i32
        %dma_wait3A_336 = arith.constant 0 : i32
        %dma_wait3A_337 = tpu.memref_slice %arg2[%arg0, %dma_wait3A_335, %dma_wait3A_336] : memref<2x10000x64xf32, #tpu.memory_space<hbm>> -> memref<1x10000x64xf32, #tpu.memory_space<hbm>>
        %dma_wait3A_338 = tpu.memref_squeeze %dma_wait3A_337 : memref<1x10000x64xf32, #tpu.memory_space<hbm>> -> memref<10000x64xf32, #tpu.memory_space<hbm>>
        %dma_wait3A_339 = arith.constant 0 : i32
        %dma_wait3A_340 = arith.constant 0 : i32
        %dma_wait3A_341 = tpu.memref_slice %dma_wait3A_338[%dma_wait3A_339, %dma_wait3A_340] : memref<10000x64xf32, #tpu.memory_space<hbm>> -> memref<10000x64xf32, #tpu.memory_space<hbm>>
        tpu.wait_indirect_dma semaphore(%arg20 : memref<!tpu.dma_semaphore, #tpu.memory_space<semaphore_mem>>) src(%dma_wait3A_341 : memref<10000x64xf32, #tpu.memory_space<hbm>>) dst(%arg9 : memref<64x64xf32, #tpu.memory_space<vmem>>)
        %dma_start3A_342 = arith.constant 0 : i32
        %dma_start3A_343 = tpu.memref_slice %arg8[%scan3A_130, %dma_start3A_342] : memref<314x64xi32, #tpu.memory_space<vmem>> -> memref<1x64xi32, #tpu.memory_space<vmem>>
        %dma_start3A_344 = tpu.memref_squeeze %dma_start3A_343 : memref<1x64xi32, #tpu.memory_space<vmem>> -> memref<64xi32, #tpu.memory_space<vmem>>
        %dma_start3A_345 = arith.constant 0 : i32
        %dma_start3A_346 = arith.constant 0 : i32
        %dma_start3A_347 = tpu.memref_slice %arg19[%dma_start3A_345, %dma_start3A_346] : memref<10240x64xf32, #tpu.memory_space<vmem_shared>> -> memref<10240x64xf32, #tpu.memory_space<vmem_shared>>
        tpu.enqueue_indirect_dma source(%arg9 : memref<64x64xf32, #tpu.memory_space<vmem>>) target(%dma_start3A_347 : memref<10240x64xf32, #tpu.memory_space<vmem_shared>>) offsets(%dma_start3A_344 : memref<64xi32, #tpu.memory_space<vmem>>) semaphore(%arg30 : memref<!tpu.dma_semaphore, #tpu.memory_space<semaphore_mem>>) {add = true}
        %add3A_348 = arith.constant 5 : i32
        %add3A_349 = arith.addi %scan3A_130, %add3A_348 : i32
        %lt3A_350 = arith.constant 314 : i32
        %lt3A_351 = arith.cmpi slt, %add3A_349, %lt3A_350 : i32
        %convert_element_type3A_352 = arith.extui %lt3A_351 : i1 to i32
        %cond3A_353 = arith.constant 0 : i32
        %cond3A_354 = arith.cmpi ne, %convert_element_type3A_352, %cond3A_353 : i32
        scf.if %cond3A_354 {
          %ge3A = arith.constant 5 : i32
          %ge3A_355 = arith.cmpi sge, %scan3A_130, %ge3A : i32
          %convert_element_type3A_356 = arith.extui %ge3A_355 : i1 to i32
          %cond3A_357 = arith.constant 0 : i32
          %cond3A_358 = arith.cmpi ne, %convert_element_type3A_356, %cond3A_357 : i32
          scf.if %cond3A_358 {
            %dma_wait3A_371 = arith.constant 0 : i32
            %dma_wait3A_372 = arith.constant 0 : i32
            %dma_wait3A_373 = tpu.memref_slice %arg8[%dma_wait3A_371, %dma_wait3A_372] : memref<314x64xi32, #tpu.memory_space<vmem>> -> memref<1x64xi32, #tpu.memory_space<vmem>>
            %dma_wait3A_374 = tpu.memref_squeeze %dma_wait3A_373 : memref<1x64xi32, #tpu.memory_space<vmem>> -> memref<64xi32, #tpu.memory_space<vmem>>
            %dma_wait3A_375 = arith.constant 0 : i32
            %dma_wait3A_376 = arith.constant 0 : i32
            %dma_wait3A_377 = tpu.memref_slice %arg19[%dma_wait3A_375, %dma_wait3A_376] : memref<10240x64xf32, #tpu.memory_space<vmem_shared>> -> memref<10240x64xf32, #tpu.memory_space<vmem_shared>>
            tpu.wait_indirect_dma semaphore(%arg35 : memref<!tpu.dma_semaphore, #tpu.memory_space<semaphore_mem>>) src(%arg14 : memref<64x64xf32, #tpu.memory_space<vmem>>) dst(%dma_wait3A_377 : memref<10240x64xf32, #tpu.memory_space<vmem_shared>>)
          } else {
          }
          %add3A_359 = arith.constant 5 : i32
          %add3A_360 = arith.addi %scan3A_130, %add3A_359 : i32
          %dma_start3A_361 = arith.constant 0 : i32
          %dma_start3A_362 = tpu.memref_slice %arg7[%add3A_360, %dma_start3A_361] : memref<314x64xi32, #tpu.memory_space<vmem>> -> memref<1x64xi32, #tpu.memory_space<vmem>>
          %dma_start3A_363 = tpu.memref_squeeze %dma_start3A_362 : memref<1x64xi32, #tpu.memory_space<vmem>> -> memref<64xi32, #tpu.memory_space<vmem>>
          %dma_start3A_364 = arith.constant 0 : i32
          %dma_start3A_365 = arith.constant 0 : i32
          %dma_start3A_366 = tpu.memref_slice %arg2[%arg0, %dma_start3A_364, %dma_start3A_365] : memref<2x10000x64xf32, #tpu.memory_space<hbm>> -> memref<1x10000x64xf32, #tpu.memory_space<hbm>>
          %dma_start3A_367 = tpu.memref_squeeze %dma_start3A_366 : memref<1x10000x64xf32, #tpu.memory_space<hbm>> -> memref<10000x64xf32, #tpu.memory_space<hbm>>
          %dma_start3A_368 = arith.constant 0 : i32
          %dma_start3A_369 = arith.constant 0 : i32
          %dma_start3A_370 = tpu.memref_slice %dma_start3A_367[%dma_start3A_368, %dma_start3A_369] : memref<10000x64xf32, #tpu.memory_space<hbm>> -> memref<10000x64xf32, #tpu.memory_space<hbm>>
          tpu.enqueue_indirect_dma source(%dma_start3A_370 : memref<10000x64xf32, #tpu.memory_space<hbm>>) target(%arg14 : memref<64x64xf32, #tpu.memory_space<vmem>>) offsets(%dma_start3A_363 : memref<64xi32, #tpu.memory_space<vmem>>) semaphore(%arg25 : memref<!tpu.dma_semaphore, #tpu.memory_space<semaphore_mem>>)
        } else {
        }
      } else {
      }
      %jit3A_142 = arith.constant 10 : i32
      %eq3A_143 = arith.constant 0 : i32
      %eq3A_144 = arith.cmpi eq, %jit3A_142, %eq3A_143 : i32
      %jit3A_145 = arith.constant 1 : i32
      %select_n3A_146 = arith.select %eq3A_144, %jit3A_145, %jit3A_142 : i32
      %rem3A_147 = arith.remsi %scan3A_130, %select_n3A_146 : i32
      %ne3A_148 = arith.constant 0 : i32
      %ne3A_149 = arith.cmpi ne, %rem3A_147, %ne3A_148 : i32
      %lt3A_150 = arith.constant 0 : i32
      %lt3A_151 = arith.cmpi slt, %rem3A_147, %lt3A_150 : i32
      %lt3A_152 = arith.constant 0 : i32
      %lt3A_153 = arith.cmpi slt, %select_n3A_146, %lt3A_152 : i32
      %ne3A_154 = arith.xori %lt3A_151, %lt3A_153 : i1
      %and3A_155 = arith.andi %ne3A_154, %ne3A_149 : i1
      %add3A_156 = arith.addi %rem3A_147, %select_n3A_146 : i32
      %select_n3A_157 = arith.select %and3A_155, %add3A_156, %rem3A_147 : i32
      %eq3A_158 = arith.constant 1 : i32
      %eq3A_159 = arith.cmpi eq, %select_n3A_157, %eq3A_158 : i32
      %convert_element_type3A_160 = arith.extui %eq3A_159 : i1 to i32
      %cond3A_161 = arith.constant 0 : i32
      %cond3A_162 = arith.cmpi ne, %convert_element_type3A_160, %cond3A_161 : i32
      scf.if %cond3A_162 {
        %dma_wait3A_331 = arith.constant 0 : i32
        %dma_wait3A_332 = arith.constant 0 : i32
        %dma_wait3A_333 = tpu.memref_slice %arg7[%dma_wait3A_331, %dma_wait3A_332] : memref<314x64xi32, #tpu.memory_space<vmem>> -> memref<1x64xi32, #tpu.memory_space<vmem>>
        %dma_wait3A_334 = tpu.memref_squeeze %dma_wait3A_333 : memref<1x64xi32, #tpu.memory_space<vmem>> -> memref<64xi32, #tpu.memory_space<vmem>>
        %dma_wait3A_335 = arith.constant 0 : i32
        %dma_wait3A_336 = arith.constant 0 : i32
        %dma_wait3A_337 = tpu.memref_slice %arg2[%arg0, %dma_wait3A_335, %dma_wait3A_336] : memref<2x10000x64xf32, #tpu.memory_space<hbm>> -> memref<1x10000x64xf32, #tpu.memory_space<hbm>>
        %dma_wait3A_338 = tpu.memref_squeeze %dma_wait3A_337 : memref<1x10000x64xf32, #tpu.memory_space<hbm>> -> memref<10000x64xf32, #tpu.memory_space<hbm>>
        %dma_wait3A_339 = arith.constant 0 : i32
        %dma_wait3A_340 = arith.constant 0 : i32
        %dma_wait3A_341 = tpu.memref_slice %dma_wait3A_338[%dma_wait3A_339, %dma_wait3A_340] : memref<10000x64xf32, #tpu.memory_space<hbm>> -> memref<10000x64xf32, #tpu.memory_space<hbm>>
        tpu.wait_indirect_dma semaphore(%arg21 : memref<!tpu.dma_semaphore, #tpu.memory_space<semaphore_mem>>) src(%dma_wait3A_341 : memref<10000x64xf32, #tpu.memory_space<hbm>>) dst(%arg10 : memref<64x64xf32, #tpu.memory_space<vmem>>)
        %dma_start3A_342 = arith.constant 0 : i32
        %dma_start3A_343 = tpu.memref_slice %arg8[%scan3A_130, %dma_start3A_342] : memref<314x64xi32, #tpu.memory_space<vmem>> -> memref<1x64xi32, #tpu.memory_space<vmem>>
        %dma_start3A_344 = tpu.memref_squeeze %dma_start3A_343 : memref<1x64xi32, #tpu.memory_space<vmem>> -> memref<64xi32, #tpu.memory_space<vmem>>
        %dma_start3A_345 = arith.constant 0 : i32
        %dma_start3A_346 = arith.constant 0 : i32
        %dma_start3A_347 = tpu.memref_slice %arg19[%dma_start3A_345, %dma_start3A_346] : memref<10240x64xf32, #tpu.memory_space<vmem_shared>> -> memref<10240x64xf32, #tpu.memory_space<vmem_shared>>
        tpu.enqueue_indirect_dma source(%arg10 : memref<64x64xf32, #tpu.memory_space<vmem>>) target(%dma_start3A_347 : memref<10240x64xf32, #tpu.memory_space<vmem_shared>>) offsets(%dma_start3A_344 : memref<64xi32, #tpu.memory_space<vmem>>) semaphore(%arg31 : memref<!tpu.dma_semaphore, #tpu.memory_space<semaphore_mem>>) {add = true}
        %add3A_348 = arith.constant 5 : i32
        %add3A_349 = arith.addi %scan3A_130, %add3A_348 : i32
        %lt3A_350 = arith.constant 314 : i32
        %lt3A_351 = arith.cmpi slt, %add3A_349, %lt3A_350 : i32
        %convert_element_type3A_352 = arith.extui %lt3A_351 : i1 to i32
        %cond3A_353 = arith.constant 0 : i32
        %cond3A_354 = arith.cmpi ne, %convert_element_type3A_352, %cond3A_353 : i32
        scf.if %cond3A_354 {
          %ge3A = arith.constant 5 : i32
          %ge3A_355 = arith.cmpi sge, %scan3A_130, %ge3A : i32
          %convert_element_type3A_356 = arith.extui %ge3A_355 : i1 to i32
          %cond3A_357 = arith.constant 0 : i32
          %cond3A_358 = arith.cmpi ne, %convert_element_type3A_356, %cond3A_357 : i32
          scf.if %cond3A_358 {
            %dma_wait3A_371 = arith.constant 0 : i32
            %dma_wait3A_372 = arith.constant 0 : i32
            %dma_wait3A_373 = tpu.memref_slice %arg8[%dma_wait3A_371, %dma_wait3A_372] : memref<314x64xi32, #tpu.memory_space<vmem>> -> memref<1x64xi32, #tpu.memory_space<vmem>>
            %dma_wait3A_374 = tpu.memref_squeeze %dma_wait3A_373 : memref<1x64xi32, #tpu.memory_space<vmem>> -> memref<64xi32, #tpu.memory_space<vmem>>
            %dma_wait3A_375 = arith.constant 0 : i32
            %dma_wait3A_376 = arith.constant 0 : i32
            %dma_wait3A_377 = tpu.memref_slice %arg19[%dma_wait3A_375, %dma_wait3A_376] : memref<10240x64xf32, #tpu.memory_space<vmem_shared>> -> memref<10240x64xf32, #tpu.memory_space<vmem_shared>>
            tpu.wait_indirect_dma semaphore(%arg36 : memref<!tpu.dma_semaphore, #tpu.memory_space<semaphore_mem>>) src(%arg15 : memref<64x64xf32, #tpu.memory_space<vmem>>) dst(%dma_wait3A_377 : memref<10240x64xf32, #tpu.memory_space<vmem_shared>>)
          } else {
          }
          %add3A_359 = arith.constant 5 : i32
          %add3A_360 = arith.addi %scan3A_130, %add3A_359 : i32
          %dma_start3A_361 = arith.constant 0 : i32
          %dma_start3A_362 = tpu.memref_slice %arg7[%add3A_360, %dma_start3A_361] : memref<314x64xi32, #tpu.memory_space<vmem>> -> memref<1x64xi32, #tpu.memory_space<vmem>>
          %dma_start3A_363 = tpu.memref_squeeze %dma_start3A_362 : memref<1x64xi32, #tpu.memory_space<vmem>> -> memref<64xi32, #tpu.memory_space<vmem>>
          %dma_start3A_364 = arith.constant 0 : i32
          %dma_start3A_365 = arith.constant 0 : i32
          %dma_start3A_366 = tpu.memref_slice %arg2[%arg0, %dma_start3A_364, %dma_start3A_365] : memref<2x10000x64xf32, #tpu.memory_space<hbm>> -> memref<1x10000x64xf32, #tpu.memory_space<hbm>>
          %dma_start3A_367 = tpu.memref_squeeze %dma_start3A_366 : memref<1x10000x64xf32, #tpu.memory_space<hbm>> -> memref<10000x64xf32, #tpu.memory_space<hbm>>
          %dma_start3A_368 = arith.constant 0 : i32
          %dma_start3A_369 = arith.constant 0 : i32
          %dma_start3A_370 = tpu.memref_slice %dma_start3A_367[%dma_start3A_368, %dma_start3A_369] : memref<10000x64xf32, #tpu.memory_space<hbm>> -> memref<10000x64xf32, #tpu.memory_space<hbm>>
          tpu.enqueue_indirect_dma source(%dma_start3A_370 : memref<10000x64xf32, #tpu.memory_space<hbm>>) target(%arg15 : memref<64x64xf32, #tpu.memory_space<vmem>>) offsets(%dma_start3A_363 : memref<64xi32, #tpu.memory_space<vmem>>) semaphore(%arg26 : memref<!tpu.dma_semaphore, #tpu.memory_space<semaphore_mem>>)
        } else {
        }
      } else {
      }
      %jit3A_163 = arith.constant 10 : i32
      %eq3A_164 = arith.constant 0 : i32
      %eq3A_165 = arith.cmpi eq, %jit3A_163, %eq3A_164 : i32
      %jit3A_166 = arith.constant 1 : i32
      %select_n3A_167 = arith.select %eq3A_165, %jit3A_166, %jit3A_163 : i32
      %rem3A_168 = arith.remsi %scan3A_130, %select_n3A_167 : i32
      %ne3A_169 = arith.constant 0 : i32
      %ne3A_170 = arith.cmpi ne, %rem3A_168, %ne3A_169 : i32
      %lt3A_171 = arith.constant 0 : i32
      %lt3A_172 = arith.cmpi slt, %rem3A_168, %lt3A_171 : i32
      %lt3A_173 = arith.constant 0 : i32
      %lt3A_174 = arith.cmpi slt, %select_n3A_167, %lt3A_173 : i32
      %ne3A_175 = arith.xori %lt3A_172, %lt3A_174 : i1
      %and3A_176 = arith.andi %ne3A_175, %ne3A_170 : i1
      %add3A_177 = arith.addi %rem3A_168, %select_n3A_167 : i32
      %select_n3A_178 = arith.select %and3A_176, %add3A_177, %rem3A_168 : i32
      %eq3A_179 = arith.constant 2 : i32
      %eq3A_180 = arith.cmpi eq, %select_n3A_178, %eq3A_179 : i32
      %convert_element_type3A_181 = arith.extui %eq3A_180 : i1 to i32
      %cond3A_182 = arith.constant 0 : i32
      %cond3A_183 = arith.cmpi ne, %convert_element_type3A_181, %cond3A_182 : i32
      scf.if %cond3A_183 {
        %dma_wait3A_331 = arith.constant 0 : i32
        %dma_wait3A_332 = arith.constant 0 : i32
        %dma_wait3A_333 = tpu.memref_slice %arg7[%dma_wait3A_331, %dma_wait3A_332] : memref<314x64xi32, #tpu.memory_space<vmem>> -> memref<1x64xi32, #tpu.memory_space<vmem>>
        %dma_wait3A_334 = tpu.memref_squeeze %dma_wait3A_333 : memref<1x64xi32, #tpu.memory_space<vmem>> -> memref<64xi32, #tpu.memory_space<vmem>>
        %dma_wait3A_335 = arith.constant 0 : i32
        %dma_wait3A_336 = arith.constant 0 : i32
        %dma_wait3A_337 = tpu.memref_slice %arg2[%arg0, %dma_wait3A_335, %dma_wait3A_336] : memref<2x10000x64xf32, #tpu.memory_space<hbm>> -> memref<1x10000x64xf32, #tpu.memory_space<hbm>>
        %dma_wait3A_338 = tpu.memref_squeeze %dma_wait3A_337 : memref<1x10000x64xf32, #tpu.memory_space<hbm>> -> memref<10000x64xf32, #tpu.memory_space<hbm>>
        %dma_wait3A_339 = arith.constant 0 : i32
        %dma_wait3A_340 = arith.constant 0 : i32
        %dma_wait3A_341 = tpu.memref_slice %dma_wait3A_338[%dma_wait3A_339, %dma_wait3A_340] : memref<10000x64xf32, #tpu.memory_space<hbm>> -> memref<10000x64xf32, #tpu.memory_space<hbm>>
        tpu.wait_indirect_dma semaphore(%arg22 : memref<!tpu.dma_semaphore, #tpu.memory_space<semaphore_mem>>) src(%dma_wait3A_341 : memref<10000x64xf32, #tpu.memory_space<hbm>>) dst(%arg11 : memref<64x64xf32, #tpu.memory_space<vmem>>)
        %dma_start3A_342 = arith.constant 0 : i32
        %dma_start3A_343 = tpu.memref_slice %arg8[%scan3A_130, %dma_start3A_342] : memref<314x64xi32, #tpu.memory_space<vmem>> -> memref<1x64xi32, #tpu.memory_space<vmem>>
        %dma_start3A_344 = tpu.memref_squeeze %dma_start3A_343 : memref<1x64xi32, #tpu.memory_space<vmem>> -> memref<64xi32, #tpu.memory_space<vmem>>
        %dma_start3A_345 = arith.constant 0 : i32
        %dma_start3A_346 = arith.constant 0 : i32
        %dma_start3A_347 = tpu.memref_slice %arg19[%dma_start3A_345, %dma_start3A_346] : memref<10240x64xf32, #tpu.memory_space<vmem_shared>> -> memref<10240x64xf32, #tpu.memory_space<vmem_shared>>
        tpu.enqueue_indirect_dma source(%arg11 : memref<64x64xf32, #tpu.memory_space<vmem>>) target(%dma_start3A_347 : memref<10240x64xf32, #tpu.memory_space<vmem_shared>>) offsets(%dma_start3A_344 : memref<64xi32, #tpu.memory_space<vmem>>) semaphore(%arg32 : memref<!tpu.dma_semaphore, #tpu.memory_space<semaphore_mem>>) {add = true}
        %add3A_348 = arith.constant 5 : i32
        %add3A_349 = arith.addi %scan3A_130, %add3A_348 : i32
        %lt3A_350 = arith.constant 314 : i32
        %lt3A_351 = arith.cmpi slt, %add3A_349, %lt3A_350 : i32
        %convert_element_type3A_352 = arith.extui %lt3A_351 : i1 to i32
        %cond3A_353 = arith.constant 0 : i32
        %cond3A_354 = arith.cmpi ne, %convert_element_type3A_352, %cond3A_353 : i32
        scf.if %cond3A_354 {
          %ge3A = arith.constant 5 : i32
          %ge3A_355 = arith.cmpi sge, %scan3A_130, %ge3A : i32
          %convert_element_type3A_356 = arith.extui %ge3A_355 : i1 to i32
          %cond3A_357 = arith.constant 0 : i32
          %cond3A_358 = arith.cmpi ne, %convert_element_type3A_356, %cond3A_357 : i32
          scf.if %cond3A_358 {
            %dma_wait3A_371 = arith.constant 0 : i32
            %dma_wait3A_372 = arith.constant 0 : i32
            %dma_wait3A_373 = tpu.memref_slice %arg8[%dma_wait3A_371, %dma_wait3A_372] : memref<314x64xi32, #tpu.memory_space<vmem>> -> memref<1x64xi32, #tpu.memory_space<vmem>>
            %dma_wait3A_374 = tpu.memref_squeeze %dma_wait3A_373 : memref<1x64xi32, #tpu.memory_space<vmem>> -> memref<64xi32, #tpu.memory_space<vmem>>
            %dma_wait3A_375 = arith.constant 0 : i32
            %dma_wait3A_376 = arith.constant 0 : i32
            %dma_wait3A_377 = tpu.memref_slice %arg19[%dma_wait3A_375, %dma_wait3A_376] : memref<10240x64xf32, #tpu.memory_space<vmem_shared>> -> memref<10240x64xf32, #tpu.memory_space<vmem_shared>>
            tpu.wait_indirect_dma semaphore(%arg37 : memref<!tpu.dma_semaphore, #tpu.memory_space<semaphore_mem>>) src(%arg16 : memref<64x64xf32, #tpu.memory_space<vmem>>) dst(%dma_wait3A_377 : memref<10240x64xf32, #tpu.memory_space<vmem_shared>>)
          } else {
          }
          %add3A_359 = arith.constant 5 : i32
          %add3A_360 = arith.addi %scan3A_130, %add3A_359 : i32
          %dma_start3A_361 = arith.constant 0 : i32
          %dma_start3A_362 = tpu.memref_slice %arg7[%add3A_360, %dma_start3A_361] : memref<314x64xi32, #tpu.memory_space<vmem>> -> memref<1x64xi32, #tpu.memory_space<vmem>>
          %dma_start3A_363 = tpu.memref_squeeze %dma_start3A_362 : memref<1x64xi32, #tpu.memory_space<vmem>> -> memref<64xi32, #tpu.memory_space<vmem>>
          %dma_start3A_364 = arith.constant 0 : i32
          %dma_start3A_365 = arith.constant 0 : i32
          %dma_start3A_366 = tpu.memref_slice %arg2[%arg0, %dma_start3A_364, %dma_start3A_365] : memref<2x10000x64xf32, #tpu.memory_space<hbm>> -> memref<1x10000x64xf32, #tpu.memory_space<hbm>>
          %dma_start3A_367 = tpu.memref_squeeze %dma_start3A_366 : memref<1x10000x64xf32, #tpu.memory_space<hbm>> -> memref<10000x64xf32, #tpu.memory_space<hbm>>
          %dma_start3A_368 = arith.constant 0 : i32
          %dma_start3A_369 = arith.constant 0 : i32
          %dma_start3A_370 = tpu.memref_slice %dma_start3A_367[%dma_start3A_368, %dma_start3A_369] : memref<10000x64xf32, #tpu.memory_space<hbm>> -> memref<10000x64xf32, #tpu.memory_space<hbm>>
          tpu.enqueue_indirect_dma source(%dma_start3A_370 : memref<10000x64xf32, #tpu.memory_space<hbm>>) target(%arg16 : memref<64x64xf32, #tpu.memory_space<vmem>>) offsets(%dma_start3A_363 : memref<64xi32, #tpu.memory_space<vmem>>) semaphore(%arg27 : memref<!tpu.dma_semaphore, #tpu.memory_space<semaphore_mem>>)
        } else {
        }
      } else {
      }
      %jit3A_184 = arith.constant 10 : i32
      %eq3A_185 = arith.constant 0 : i32
      %eq3A_186 = arith.cmpi eq, %jit3A_184, %eq3A_185 : i32
      %jit3A_187 = arith.constant 1 : i32
      %select_n3A_188 = arith.select %eq3A_186, %jit3A_187, %jit3A_184 : i32
      %rem3A_189 = arith.remsi %scan3A_130, %select_n3A_188 : i32
      %ne3A_190 = arith.constant 0 : i32
      %ne3A_191 = arith.cmpi ne, %rem3A_189, %ne3A_190 : i32
      %lt3A_192 = arith.constant 0 : i32
      %lt3A_193 = arith.cmpi slt, %rem3A_189, %lt3A_192 : i32
      %lt3A_194 = arith.constant 0 : i32
      %lt3A_195 = arith.cmpi slt, %select_n3A_188, %lt3A_194 : i32
      %ne3A_196 = arith.xori %lt3A_193, %lt3A_195 : i1
      %and3A_197 = arith.andi %ne3A_196, %ne3A_191 : i1
      %add3A_198 = arith.addi %rem3A_189, %select_n3A_188 : i32
      %select_n3A_199 = arith.select %and3A_197, %add3A_198, %rem3A_189 : i32
      %eq3A_200 = arith.constant 3 : i32
      %eq3A_201 = arith.cmpi eq, %select_n3A_199, %eq3A_200 : i32
      %convert_element_type3A_202 = arith.extui %eq3A_201 : i1 to i32
      %cond3A_203 = arith.constant 0 : i32
      %cond3A_204 = arith.cmpi ne, %convert_element_type3A_202, %cond3A_203 : i32
      scf.if %cond3A_204 {
        %dma_wait3A_331 = arith.constant 0 : i32
        %dma_wait3A_332 = arith.constant 0 : i32
        %dma_wait3A_333 = tpu.memref_slice %arg7[%dma_wait3A_331, %dma_wait3A_332] : memref<314x64xi32, #tpu.memory_space<vmem>> -> memref<1x64xi32, #tpu.memory_space<vmem>>
        %dma_wait3A_334 = tpu.memref_squeeze %dma_wait3A_333 : memref<1x64xi32, #tpu.memory_space<vmem>> -> memref<64xi32, #tpu.memory_space<vmem>>
        %dma_wait3A_335 = arith.constant 0 : i32
        %dma_wait3A_336 = arith.constant 0 : i32
        %dma_wait3A_337 = tpu.memref_slice %arg2[%arg0, %dma_wait3A_335, %dma_wait3A_336] : memref<2x10000x64xf32, #tpu.memory_space<hbm>> -> memref<1x10000x64xf32, #tpu.memory_space<hbm>>
        %dma_wait3A_338 = tpu.memref_squeeze %dma_wait3A_337 : memref<1x10000x64xf32, #tpu.memory_space<hbm>> -> memref<10000x64xf32, #tpu.memory_space<hbm>>
        %dma_wait3A_339 = arith.constant 0 : i32
        %dma_wait3A_340 = arith.constant 0 : i32
        %dma_wait3A_341 = tpu.memref_slice %dma_wait3A_338[%dma_wait3A_339, %dma_wait3A_340] : memref<10000x64xf32, #tpu.memory_space<hbm>> -> memref<10000x64xf32, #tpu.memory_space<hbm>>
        tpu.wait_indirect_dma semaphore(%arg23 : memref<!tpu.dma_semaphore, #tpu.memory_space<semaphore_mem>>) src(%dma_wait3A_341 : memref<10000x64xf32, #tpu.memory_space<hbm>>) dst(%arg12 : memref<64x64xf32, #tpu.memory_space<vmem>>)
        %dma_start3A_342 = arith.constant 0 : i32
        %dma_start3A_343 = tpu.memref_slice %arg8[%scan3A_130, %dma_start3A_342] : memref<314x64xi32, #tpu.memory_space<vmem>> -> memref<1x64xi32, #tpu.memory_space<vmem>>
        %dma_start3A_344 = tpu.memref_squeeze %dma_start3A_343 : memref<1x64xi32, #tpu.memory_space<vmem>> -> memref<64xi32, #tpu.memory_space<vmem>>
        %dma_start3A_345 = arith.constant 0 : i32
        %dma_start3A_346 = arith.constant 0 : i32
        %dma_start3A_347 = tpu.memref_slice %arg19[%dma_start3A_345, %dma_start3A_346] : memref<10240x64xf32, #tpu.memory_space<vmem_shared>> -> memref<10240x64xf32, #tpu.memory_space<vmem_shared>>
        tpu.enqueue_indirect_dma source(%arg12 : memref<64x64xf32, #tpu.memory_space<vmem>>) target(%dma_start3A_347 : memref<10240x64xf32, #tpu.memory_space<vmem_shared>>) offsets(%dma_start3A_344 : memref<64xi32, #tpu.memory_space<vmem>>) semaphore(%arg33 : memref<!tpu.dma_semaphore, #tpu.memory_space<semaphore_mem>>) {add = true}
        %add3A_348 = arith.constant 5 : i32
        %add3A_349 = arith.addi %scan3A_130, %add3A_348 : i32
        %lt3A_350 = arith.constant 314 : i32
        %lt3A_351 = arith.cmpi slt, %add3A_349, %lt3A_350 : i32
        %convert_element_type3A_352 = arith.extui %lt3A_351 : i1 to i32
        %cond3A_353 = arith.constant 0 : i32
        %cond3A_354 = arith.cmpi ne, %convert_element_type3A_352, %cond3A_353 : i32
        scf.if %cond3A_354 {
          %ge3A = arith.constant 5 : i32
          %ge3A_355 = arith.cmpi sge, %scan3A_130, %ge3A : i32
          %convert_element_type3A_356 = arith.extui %ge3A_355 : i1 to i32
          %cond3A_357 = arith.constant 0 : i32
          %cond3A_358 = arith.cmpi ne, %convert_element_type3A_356, %cond3A_357 : i32
          scf.if %cond3A_358 {
            %dma_wait3A_371 = arith.constant 0 : i32
            %dma_wait3A_372 = arith.constant 0 : i32
            %dma_wait3A_373 = tpu.memref_slice %arg8[%dma_wait3A_371, %dma_wait3A_372] : memref<314x64xi32, #tpu.memory_space<vmem>> -> memref<1x64xi32, #tpu.memory_space<vmem>>
            %dma_wait3A_374 = tpu.memref_squeeze %dma_wait3A_373 : memref<1x64xi32, #tpu.memory_space<vmem>> -> memref<64xi32, #tpu.memory_space<vmem>>
            %dma_wait3A_375 = arith.constant 0 : i32
            %dma_wait3A_376 = arith.constant 0 : i32
            %dma_wait3A_377 = tpu.memref_slice %arg19[%dma_wait3A_375, %dma_wait3A_376] : memref<10240x64xf32, #tpu.memory_space<vmem_shared>> -> memref<10240x64xf32, #tpu.memory_space<vmem_shared>>
            tpu.wait_indirect_dma semaphore(%arg38 : memref<!tpu.dma_semaphore, #tpu.memory_space<semaphore_mem>>) src(%arg17 : memref<64x64xf32, #tpu.memory_space<vmem>>) dst(%dma_wait3A_377 : memref<10240x64xf32, #tpu.memory_space<vmem_shared>>)
          } else {
          }
          %add3A_359 = arith.constant 5 : i32
          %add3A_360 = arith.addi %scan3A_130, %add3A_359 : i32
          %dma_start3A_361 = arith.constant 0 : i32
          %dma_start3A_362 = tpu.memref_slice %arg7[%add3A_360, %dma_start3A_361] : memref<314x64xi32, #tpu.memory_space<vmem>> -> memref<1x64xi32, #tpu.memory_space<vmem>>
          %dma_start3A_363 = tpu.memref_squeeze %dma_start3A_362 : memref<1x64xi32, #tpu.memory_space<vmem>> -> memref<64xi32, #tpu.memory_space<vmem>>
          %dma_start3A_364 = arith.constant 0 : i32
          %dma_start3A_365 = arith.constant 0 : i32
          %dma_start3A_366 = tpu.memref_slice %arg2[%arg0, %dma_start3A_364, %dma_start3A_365] : memref<2x10000x64xf32, #tpu.memory_space<hbm>> -> memref<1x10000x64xf32, #tpu.memory_space<hbm>>
          %dma_start3A_367 = tpu.memref_squeeze %dma_start3A_366 : memref<1x10000x64xf32, #tpu.memory_space<hbm>> -> memref<10000x64xf32, #tpu.memory_space<hbm>>
          %dma_start3A_368 = arith.constant 0 : i32
          %dma_start3A_369 = arith.constant 0 : i32
          %dma_start3A_370 = tpu.memref_slice %dma_start3A_367[%dma_start3A_368, %dma_start3A_369] : memref<10000x64xf32, #tpu.memory_space<hbm>> -> memref<10000x64xf32, #tpu.memory_space<hbm>>
          tpu.enqueue_indirect_dma source(%dma_start3A_370 : memref<10000x64xf32, #tpu.memory_space<hbm>>) target(%arg17 : memref<64x64xf32, #tpu.memory_space<vmem>>) offsets(%dma_start3A_363 : memref<64xi32, #tpu.memory_space<vmem>>) semaphore(%arg28 : memref<!tpu.dma_semaphore, #tpu.memory_space<semaphore_mem>>)
        } else {
        }
      } else {
      }
      %jit3A_205 = arith.constant 10 : i32
      %eq3A_206 = arith.constant 0 : i32
      %eq3A_207 = arith.cmpi eq, %jit3A_205, %eq3A_206 : i32
      %jit3A_208 = arith.constant 1 : i32
      %select_n3A_209 = arith.select %eq3A_207, %jit3A_208, %jit3A_205 : i32
      %rem3A_210 = arith.remsi %scan3A_130, %select_n3A_209 : i32
      %ne3A_211 = arith.constant 0 : i32
      %ne3A_212 = arith.cmpi ne, %rem3A_210, %ne3A_211 : i32
      %lt3A_213 = arith.constant 0 : i32
      %lt3A_214 = arith.cmpi slt, %rem3A_210, %lt3A_213 : i32
      %lt3A_215 = arith.constant 0 : i32
      %lt3A_216 = arith.cmpi slt, %select_n3A_209, %lt3A_215 : i32
      %ne3A_217 = arith.xori %lt3A_214, %lt3A_216 : i1
      %and3A_218 = arith.andi %ne3A_217, %ne3A_212 : i1
      %add3A_219 = arith.addi %rem3A_210, %select_n3A_209 : i32
      %select_n3A_220 = arith.select %and3A_218, %add3A_219, %rem3A_210 : i32
      %eq3A_221 = arith.constant 4 : i32
      %eq3A_222 = arith.cmpi eq, %select_n3A_220, %eq3A_221 : i32
      %convert_element_type3A_223 = arith.extui %eq3A_222 : i1 to i32
      %cond3A_224 = arith.constant 0 : i32
      %cond3A_225 = arith.cmpi ne, %convert_element_type3A_223, %cond3A_224 : i32
      scf.if %cond3A_225 {
        %dma_wait3A_331 = arith.constant 0 : i32
        %dma_wait3A_332 = arith.constant 0 : i32
        %dma_wait3A_333 = tpu.memref_slice %arg7[%dma_wait3A_331, %dma_wait3A_332] : memref<314x64xi32, #tpu.memory_space<vmem>> -> memref<1x64xi32, #tpu.memory_space<vmem>>
        %dma_wait3A_334 = tpu.memref_squeeze %dma_wait3A_333 : memref<1x64xi32, #tpu.memory_space<vmem>> -> memref<64xi32, #tpu.memory_space<vmem>>
        %dma_wait3A_335 = arith.constant 0 : i32
        %dma_wait3A_336 = arith.constant 0 : i32
        %dma_wait3A_337 = tpu.memref_slice %arg2[%arg0, %dma_wait3A_335, %dma_wait3A_336] : memref<2x10000x64xf32, #tpu.memory_space<hbm>> -> memref<1x10000x64xf32, #tpu.memory_space<hbm>>
        %dma_wait3A_338 = tpu.memref_squeeze %dma_wait3A_337 : memref<1x10000x64xf32, #tpu.memory_space<hbm>> -> memref<10000x64xf32, #tpu.memory_space<hbm>>
        %dma_wait3A_339 = arith.constant 0 : i32
        %dma_wait3A_340 = arith.constant 0 : i32
        %dma_wait3A_341 = tpu.memref_slice %dma_wait3A_338[%dma_wait3A_339, %dma_wait3A_340] : memref<10000x64xf32, #tpu.memory_space<hbm>> -> memref<10000x64xf32, #tpu.memory_space<hbm>>
        tpu.wait_indirect_dma semaphore(%arg24 : memref<!tpu.dma_semaphore, #tpu.memory_space<semaphore_mem>>) src(%dma_wait3A_341 : memref<10000x64xf32, #tpu.memory_space<hbm>>) dst(%arg13 : memref<64x64xf32, #tpu.memory_space<vmem>>)
        %dma_start3A_342 = arith.constant 0 : i32
        %dma_start3A_343 = tpu.memref_slice %arg8[%scan3A_130, %dma_start3A_342] : memref<314x64xi32, #tpu.memory_space<vmem>> -> memref<1x64xi32, #tpu.memory_space<vmem>>
        %dma_start3A_344 = tpu.memref_squeeze %dma_start3A_343 : memref<1x64xi32, #tpu.memory_space<vmem>> -> memref<64xi32, #tpu.memory_space<vmem>>
        %dma_start3A_345 = arith.constant 0 : i32
        %dma_start3A_346 = arith.constant 0 : i32
        %dma_start3A_347 = tpu.memref_slice %arg19[%dma_start3A_345, %dma_start3A_346] : memref<10240x64xf32, #tpu.memory_space<vmem_shared>> -> memref<10240x64xf32, #tpu.memory_space<vmem_shared>>
        tpu.enqueue_indirect_dma source(%arg13 : memref<64x64xf32, #tpu.memory_space<vmem>>) target(%dma_start3A_347 : memref<10240x64xf32, #tpu.memory_space<vmem_shared>>) offsets(%dma_start3A_344 : memref<64xi32, #tpu.memory_space<vmem>>) semaphore(%arg34 : memref<!tpu.dma_semaphore, #tpu.memory_space<semaphore_mem>>) {add = true}
        %add3A_348 = arith.constant 5 : i32
        %add3A_349 = arith.addi %scan3A_130, %add3A_348 : i32
        %lt3A_350 = arith.constant 314 : i32
        %lt3A_351 = arith.cmpi slt, %add3A_349, %lt3A_350 : i32
        %convert_element_type3A_352 = arith.extui %lt3A_351 : i1 to i32
        %cond3A_353 = arith.constant 0 : i32
        %cond3A_354 = arith.cmpi ne, %convert_element_type3A_352, %cond3A_353 : i32
        scf.if %cond3A_354 {
          %ge3A = arith.constant 5 : i32
          %ge3A_355 = arith.cmpi sge, %scan3A_130, %ge3A : i32
          %convert_element_type3A_356 = arith.extui %ge3A_355 : i1 to i32
          %cond3A_357 = arith.constant 0 : i32
          %cond3A_358 = arith.cmpi ne, %convert_element_type3A_356, %cond3A_357 : i32
          scf.if %cond3A_358 {
            %dma_wait3A_371 = arith.constant 0 : i32
            %dma_wait3A_372 = arith.constant 0 : i32
            %dma_wait3A_373 = tpu.memref_slice %arg8[%dma_wait3A_371, %dma_wait3A_372] : memref<314x64xi32, #tpu.memory_space<vmem>> -> memref<1x64xi32, #tpu.memory_space<vmem>>
            %dma_wait3A_374 = tpu.memref_squeeze %dma_wait3A_373 : memref<1x64xi32, #tpu.memory_space<vmem>> -> memref<64xi32, #tpu.memory_space<vmem>>
            %dma_wait3A_375 = arith.constant 0 : i32
            %dma_wait3A_376 = arith.constant 0 : i32
            %dma_wait3A_377 = tpu.memref_slice %arg19[%dma_wait3A_375, %dma_wait3A_376] : memref<10240x64xf32, #tpu.memory_space<vmem_shared>> -> memref<10240x64xf32, #tpu.memory_space<vmem_shared>>
            tpu.wait_indirect_dma semaphore(%arg39 : memref<!tpu.dma_semaphore, #tpu.memory_space<semaphore_mem>>) src(%arg18 : memref<64x64xf32, #tpu.memory_space<vmem>>) dst(%dma_wait3A_377 : memref<10240x64xf32, #tpu.memory_space<vmem_shared>>)
          } else {
          }
          %add3A_359 = arith.constant 5 : i32
          %add3A_360 = arith.addi %scan3A_130, %add3A_359 : i32
          %dma_start3A_361 = arith.constant 0 : i32
          %dma_start3A_362 = tpu.memref_slice %arg7[%add3A_360, %dma_start3A_361] : memref<314x64xi32, #tpu.memory_space<vmem>> -> memref<1x64xi32, #tpu.memory_space<vmem>>
          %dma_start3A_363 = tpu.memref_squeeze %dma_start3A_362 : memref<1x64xi32, #tpu.memory_space<vmem>> -> memref<64xi32, #tpu.memory_space<vmem>>
          %dma_start3A_364 = arith.constant 0 : i32
          %dma_start3A_365 = arith.constant 0 : i32
          %dma_start3A_366 = tpu.memref_slice %arg2[%arg0, %dma_start3A_364, %dma_start3A_365] : memref<2x10000x64xf32, #tpu.memory_space<hbm>> -> memref<1x10000x64xf32, #tpu.memory_space<hbm>>
          %dma_start3A_367 = tpu.memref_squeeze %dma_start3A_366 : memref<1x10000x64xf32, #tpu.memory_space<hbm>> -> memref<10000x64xf32, #tpu.memory_space<hbm>>
          %dma_start3A_368 = arith.constant 0 : i32
          %dma_start3A_369 = arith.constant 0 : i32
          %dma_start3A_370 = tpu.memref_slice %dma_start3A_367[%dma_start3A_368, %dma_start3A_369] : memref<10000x64xf32, #tpu.memory_space<hbm>> -> memref<10000x64xf32, #tpu.memory_space<hbm>>
          tpu.enqueue_indirect_dma source(%dma_start3A_370 : memref<10000x64xf32, #tpu.memory_space<hbm>>) target(%arg18 : memref<64x64xf32, #tpu.memory_space<vmem>>) offsets(%dma_start3A_363 : memref<64xi32, #tpu.memory_space<vmem>>) semaphore(%arg29 : memref<!tpu.dma_semaphore, #tpu.memory_space<semaphore_mem>>)
        } else {
        }
      } else {
      }
      %jit3A_226 = arith.constant 10 : i32
      %eq3A_227 = arith.constant 0 : i32
      %eq3A_228 = arith.cmpi eq, %jit3A_226, %eq3A_227 : i32
      %jit3A_229 = arith.constant 1 : i32
      %select_n3A_230 = arith.select %eq3A_228, %jit3A_229, %jit3A_226 : i32
      %rem3A_231 = arith.remsi %scan3A_130, %select_n3A_230 : i32
      %ne3A_232 = arith.constant 0 : i32
      %ne3A_233 = arith.cmpi ne, %rem3A_231, %ne3A_232 : i32
      %lt3A_234 = arith.constant 0 : i32
      %lt3A_235 = arith.cmpi slt, %rem3A_231, %lt3A_234 : i32
      %lt3A_236 = arith.constant 0 : i32
      %lt3A_237 = arith.cmpi slt, %select_n3A_230, %lt3A_236 : i32
      %ne3A_238 = arith.xori %lt3A_235, %lt3A_237 : i1
      %and3A_239 = arith.andi %ne3A_238, %ne3A_233 : i1
      %add3A_240 = arith.addi %rem3A_231, %select_n3A_230 : i32
      %select_n3A_241 = arith.select %and3A_239, %add3A_240, %rem3A_231 : i32
      %eq3A_242 = arith.constant 5 : i32
      %eq3A_243 = arith.cmpi eq, %select_n3A_241, %eq3A_242 : i32
      %convert_element_type3A_244 = arith.extui %eq3A_243 : i1 to i32
      %cond3A_245 = arith.constant 0 : i32
      %cond3A_246 = arith.cmpi ne, %convert_element_type3A_244, %cond3A_245 : i32
      scf.if %cond3A_246 {
        %dma_wait3A_331 = arith.constant 0 : i32
        %dma_wait3A_332 = arith.constant 0 : i32
        %dma_wait3A_333 = tpu.memref_slice %arg7[%dma_wait3A_331, %dma_wait3A_332] : memref<314x64xi32, #tpu.memory_space<vmem>> -> memref<1x64xi32, #tpu.memory_space<vmem>>
        %dma_wait3A_334 = tpu.memref_squeeze %dma_wait3A_333 : memref<1x64xi32, #tpu.memory_space<vmem>> -> memref<64xi32, #tpu.memory_space<vmem>>
        %dma_wait3A_335 = arith.constant 0 : i32
        %dma_wait3A_336 = arith.constant 0 : i32
        %dma_wait3A_337 = tpu.memref_slice %arg2[%arg0, %dma_wait3A_335, %dma_wait3A_336] : memref<2x10000x64xf32, #tpu.memory_space<hbm>> -> memref<1x10000x64xf32, #tpu.memory_space<hbm>>
        %dma_wait3A_338 = tpu.memref_squeeze %dma_wait3A_337 : memref<1x10000x64xf32, #tpu.memory_space<hbm>> -> memref<10000x64xf32, #tpu.memory_space<hbm>>
        %dma_wait3A_339 = arith.constant 0 : i32
        %dma_wait3A_340 = arith.constant 0 : i32
        %dma_wait3A_341 = tpu.memref_slice %dma_wait3A_338[%dma_wait3A_339, %dma_wait3A_340] : memref<10000x64xf32, #tpu.memory_space<hbm>> -> memref<10000x64xf32, #tpu.memory_space<hbm>>
        tpu.wait_indirect_dma semaphore(%arg25 : memref<!tpu.dma_semaphore, #tpu.memory_space<semaphore_mem>>) src(%dma_wait3A_341 : memref<10000x64xf32, #tpu.memory_space<hbm>>) dst(%arg14 : memref<64x64xf32, #tpu.memory_space<vmem>>)
        %dma_start3A_342 = arith.constant 0 : i32
        %dma_start3A_343 = tpu.memref_slice %arg8[%scan3A_130, %dma_start3A_342] : memref<314x64xi32, #tpu.memory_space<vmem>> -> memref<1x64xi32, #tpu.memory_space<vmem>>
        %dma_start3A_344 = tpu.memref_squeeze %dma_start3A_343 : memref<1x64xi32, #tpu.memory_space<vmem>> -> memref<64xi32, #tpu.memory_space<vmem>>
        %dma_start3A_345 = arith.constant 0 : i32
        %dma_start3A_346 = arith.constant 0 : i32
        %dma_start3A_347 = tpu.memref_slice %arg19[%dma_start3A_345, %dma_start3A_346] : memref<10240x64xf32, #tpu.memory_space<vmem_shared>> -> memref<10240x64xf32, #tpu.memory_space<vmem_shared>>
        tpu.enqueue_indirect_dma source(%arg14 : memref<64x64xf32, #tpu.memory_space<vmem>>) target(%dma_start3A_347 : memref<10240x64xf32, #tpu.memory_space<vmem_shared>>) offsets(%dma_start3A_344 : memref<64xi32, #tpu.memory_space<vmem>>) semaphore(%arg35 : memref<!tpu.dma_semaphore, #tpu.memory_space<semaphore_mem>>) {add = true}
        %add3A_348 = arith.constant 5 : i32
        %add3A_349 = arith.addi %scan3A_130, %add3A_348 : i32
        %lt3A_350 = arith.constant 314 : i32
        %lt3A_351 = arith.cmpi slt, %add3A_349, %lt3A_350 : i32
        %convert_element_type3A_352 = arith.extui %lt3A_351 : i1 to i32
        %cond3A_353 = arith.constant 0 : i32
        %cond3A_354 = arith.cmpi ne, %convert_element_type3A_352, %cond3A_353 : i32
        scf.if %cond3A_354 {
          %ge3A = arith.constant 5 : i32
          %ge3A_355 = arith.cmpi sge, %scan3A_130, %ge3A : i32
          %convert_element_type3A_356 = arith.extui %ge3A_355 : i1 to i32
          %cond3A_357 = arith.constant 0 : i32
          %cond3A_358 = arith.cmpi ne, %convert_element_type3A_356, %cond3A_357 : i32
          scf.if %cond3A_358 {
            %dma_wait3A_371 = arith.constant 0 : i32
            %dma_wait3A_372 = arith.constant 0 : i32
            %dma_wait3A_373 = tpu.memref_slice %arg8[%dma_wait3A_371, %dma_wait3A_372] : memref<314x64xi32, #tpu.memory_space<vmem>> -> memref<1x64xi32, #tpu.memory_space<vmem>>
            %dma_wait3A_374 = tpu.memref_squeeze %dma_wait3A_373 : memref<1x64xi32, #tpu.memory_space<vmem>> -> memref<64xi32, #tpu.memory_space<vmem>>
            %dma_wait3A_375 = arith.constant 0 : i32
            %dma_wait3A_376 = arith.constant 0 : i32
            %dma_wait3A_377 = tpu.memref_slice %arg19[%dma_wait3A_375, %dma_wait3A_376] : memref<10240x64xf32, #tpu.memory_space<vmem_shared>> -> memref<10240x64xf32, #tpu.memory_space<vmem_shared>>
            tpu.wait_indirect_dma semaphore(%arg30 : memref<!tpu.dma_semaphore, #tpu.memory_space<semaphore_mem>>) src(%arg9 : memref<64x64xf32, #tpu.memory_space<vmem>>) dst(%dma_wait3A_377 : memref<10240x64xf32, #tpu.memory_space<vmem_shared>>)
          } else {
          }
          %add3A_359 = arith.constant 5 : i32
          %add3A_360 = arith.addi %scan3A_130, %add3A_359 : i32
          %dma_start3A_361 = arith.constant 0 : i32
          %dma_start3A_362 = tpu.memref_slice %arg7[%add3A_360, %dma_start3A_361] : memref<314x64xi32, #tpu.memory_space<vmem>> -> memref<1x64xi32, #tpu.memory_space<vmem>>
          %dma_start3A_363 = tpu.memref_squeeze %dma_start3A_362 : memref<1x64xi32, #tpu.memory_space<vmem>> -> memref<64xi32, #tpu.memory_space<vmem>>
          %dma_start3A_364 = arith.constant 0 : i32
          %dma_start3A_365 = arith.constant 0 : i32
          %dma_start3A_366 = tpu.memref_slice %arg2[%arg0, %dma_start3A_364, %dma_start3A_365] : memref<2x10000x64xf32, #tpu.memory_space<hbm>> -> memref<1x10000x64xf32, #tpu.memory_space<hbm>>
          %dma_start3A_367 = tpu.memref_squeeze %dma_start3A_366 : memref<1x10000x64xf32, #tpu.memory_space<hbm>> -> memref<10000x64xf32, #tpu.memory_space<hbm>>
          %dma_start3A_368 = arith.constant 0 : i32
          %dma_start3A_369 = arith.constant 0 : i32
          %dma_start3A_370 = tpu.memref_slice %dma_start3A_367[%dma_start3A_368, %dma_start3A_369] : memref<10000x64xf32, #tpu.memory_space<hbm>> -> memref<10000x64xf32, #tpu.memory_space<hbm>>
          tpu.enqueue_indirect_dma source(%dma_start3A_370 : memref<10000x64xf32, #tpu.memory_space<hbm>>) target(%arg9 : memref<64x64xf32, #tpu.memory_space<vmem>>) offsets(%dma_start3A_363 : memref<64xi32, #tpu.memory_space<vmem>>) semaphore(%arg20 : memref<!tpu.dma_semaphore, #tpu.memory_space<semaphore_mem>>)
        } else {
        }
      } else {
      }
      %jit3A_247 = arith.constant 10 : i32
      %eq3A_248 = arith.constant 0 : i32
      %eq3A_249 = arith.cmpi eq, %jit3A_247, %eq3A_248 : i32
      %jit3A_250 = arith.constant 1 : i32
      %select_n3A_251 = arith.select %eq3A_249, %jit3A_250, %jit3A_247 : i32
      %rem3A_252 = arith.remsi %scan3A_130, %select_n3A_251 : i32
      %ne3A_253 = arith.constant 0 : i32
      %ne3A_254 = arith.cmpi ne, %rem3A_252, %ne3A_253 : i32
      %lt3A_255 = arith.constant 0 : i32
      %lt3A_256 = arith.cmpi slt, %rem3A_252, %lt3A_255 : i32
      %lt3A_257 = arith.constant 0 : i32
      %lt3A_258 = arith.cmpi slt, %select_n3A_251, %lt3A_257 : i32
      %ne3A_259 = arith.xori %lt3A_256, %lt3A_258 : i1
      %and3A_260 = arith.andi %ne3A_259, %ne3A_254 : i1
      %add3A_261 = arith.addi %rem3A_252, %select_n3A_251 : i32
      %select_n3A_262 = arith.select %and3A_260, %add3A_261, %rem3A_252 : i32
      %eq3A_263 = arith.constant 6 : i32
      %eq3A_264 = arith.cmpi eq, %select_n3A_262, %eq3A_263 : i32
      %convert_element_type3A_265 = arith.extui %eq3A_264 : i1 to i32
      %cond3A_266 = arith.constant 0 : i32
      %cond3A_267 = arith.cmpi ne, %convert_element_type3A_265, %cond3A_266 : i32
      scf.if %cond3A_267 {
        %dma_wait3A_331 = arith.constant 0 : i32
        %dma_wait3A_332 = arith.constant 0 : i32
        %dma_wait3A_333 = tpu.memref_slice %arg7[%dma_wait3A_331, %dma_wait3A_332] : memref<314x64xi32, #tpu.memory_space<vmem>> -> memref<1x64xi32, #tpu.memory_space<vmem>>
        %dma_wait3A_334 = tpu.memref_squeeze %dma_wait3A_333 : memref<1x64xi32, #tpu.memory_space<vmem>> -> memref<64xi32, #tpu.memory_space<vmem>>
        %dma_wait3A_335 = arith.constant 0 : i32
        %dma_wait3A_336 = arith.constant 0 : i32
        %dma_wait3A_337 = tpu.memref_slice %arg2[%arg0, %dma_wait3A_335, %dma_wait3A_336] : memref<2x10000x64xf32, #tpu.memory_space<hbm>> -> memref<1x10000x64xf32, #tpu.memory_space<hbm>>
        %dma_wait3A_338 = tpu.memref_squeeze %dma_wait3A_337 : memref<1x10000x64xf32, #tpu.memory_space<hbm>> -> memref<10000x64xf32, #tpu.memory_space<hbm>>
        %dma_wait3A_339 = arith.constant 0 : i32
        %dma_wait3A_340 = arith.constant 0 : i32
        %dma_wait3A_341 = tpu.memref_slice %dma_wait3A_338[%dma_wait3A_339, %dma_wait3A_340] : memref<10000x64xf32, #tpu.memory_space<hbm>> -> memref<10000x64xf32, #tpu.memory_space<hbm>>
        tpu.wait_indirect_dma semaphore(%arg26 : memref<!tpu.dma_semaphore, #tpu.memory_space<semaphore_mem>>) src(%dma_wait3A_341 : memref<10000x64xf32, #tpu.memory_space<hbm>>) dst(%arg15 : memref<64x64xf32, #tpu.memory_space<vmem>>)
        %dma_start3A_342 = arith.constant 0 : i32
        %dma_start3A_343 = tpu.memref_slice %arg8[%scan3A_130, %dma_start3A_342] : memref<314x64xi32, #tpu.memory_space<vmem>> -> memref<1x64xi32, #tpu.memory_space<vmem>>
        %dma_start3A_344 = tpu.memref_squeeze %dma_start3A_343 : memref<1x64xi32, #tpu.memory_space<vmem>> -> memref<64xi32, #tpu.memory_space<vmem>>
        %dma_start3A_345 = arith.constant 0 : i32
        %dma_start3A_346 = arith.constant 0 : i32
        %dma_start3A_347 = tpu.memref_slice %arg19[%dma_start3A_345, %dma_start3A_346] : memref<10240x64xf32, #tpu.memory_space<vmem_shared>> -> memref<10240x64xf32, #tpu.memory_space<vmem_shared>>
        tpu.enqueue_indirect_dma source(%arg15 : memref<64x64xf32, #tpu.memory_space<vmem>>) target(%dma_start3A_347 : memref<10240x64xf32, #tpu.memory_space<vmem_shared>>) offsets(%dma_start3A_344 : memref<64xi32, #tpu.memory_space<vmem>>) semaphore(%arg36 : memref<!tpu.dma_semaphore, #tpu.memory_space<semaphore_mem>>) {add = true}
        %add3A_348 = arith.constant 5 : i32
        %add3A_349 = arith.addi %scan3A_130, %add3A_348 : i32
        %lt3A_350 = arith.constant 314 : i32
        %lt3A_351 = arith.cmpi slt, %add3A_349, %lt3A_350 : i32
        %convert_element_type3A_352 = arith.extui %lt3A_351 : i1 to i32
        %cond3A_353 = arith.constant 0 : i32
        %cond3A_354 = arith.cmpi ne, %convert_element_type3A_352, %cond3A_353 : i32
        scf.if %cond3A_354 {
          %ge3A = arith.constant 5 : i32
          %ge3A_355 = arith.cmpi sge, %scan3A_130, %ge3A : i32
          %convert_element_type3A_356 = arith.extui %ge3A_355 : i1 to i32
          %cond3A_357 = arith.constant 0 : i32
          %cond3A_358 = arith.cmpi ne, %convert_element_type3A_356, %cond3A_357 : i32
          scf.if %cond3A_358 {
            %dma_wait3A_371 = arith.constant 0 : i32
            %dma_wait3A_372 = arith.constant 0 : i32
            %dma_wait3A_373 = tpu.memref_slice %arg8[%dma_wait3A_371, %dma_wait3A_372] : memref<314x64xi32, #tpu.memory_space<vmem>> -> memref<1x64xi32, #tpu.memory_space<vmem>>
            %dma_wait3A_374 = tpu.memref_squeeze %dma_wait3A_373 : memref<1x64xi32, #tpu.memory_space<vmem>> -> memref<64xi32, #tpu.memory_space<vmem>>
            %dma_wait3A_375 = arith.constant 0 : i32
            %dma_wait3A_376 = arith.constant 0 : i32
            %dma_wait3A_377 = tpu.memref_slice %arg19[%dma_wait3A_375, %dma_wait3A_376] : memref<10240x64xf32, #tpu.memory_space<vmem_shared>> -> memref<10240x64xf32, #tpu.memory_space<vmem_shared>>
            tpu.wait_indirect_dma semaphore(%arg31 : memref<!tpu.dma_semaphore, #tpu.memory_space<semaphore_mem>>) src(%arg10 : memref<64x64xf32, #tpu.memory_space<vmem>>) dst(%dma_wait3A_377 : memref<10240x64xf32, #tpu.memory_space<vmem_shared>>)
          } else {
          }
          %add3A_359 = arith.constant 5 : i32
          %add3A_360 = arith.addi %scan3A_130, %add3A_359 : i32
          %dma_start3A_361 = arith.constant 0 : i32
          %dma_start3A_362 = tpu.memref_slice %arg7[%add3A_360, %dma_start3A_361] : memref<314x64xi32, #tpu.memory_space<vmem>> -> memref<1x64xi32, #tpu.memory_space<vmem>>
          %dma_start3A_363 = tpu.memref_squeeze %dma_start3A_362 : memref<1x64xi32, #tpu.memory_space<vmem>> -> memref<64xi32, #tpu.memory_space<vmem>>
          %dma_start3A_364 = arith.constant 0 : i32
          %dma_start3A_365 = arith.constant 0 : i32
          %dma_start3A_366 = tpu.memref_slice %arg2[%arg0, %dma_start3A_364, %dma_start3A_365] : memref<2x10000x64xf32, #tpu.memory_space<hbm>> -> memref<1x10000x64xf32, #tpu.memory_space<hbm>>
          %dma_start3A_367 = tpu.memref_squeeze %dma_start3A_366 : memref<1x10000x64xf32, #tpu.memory_space<hbm>> -> memref<10000x64xf32, #tpu.memory_space<hbm>>
          %dma_start3A_368 = arith.constant 0 : i32
          %dma_start3A_369 = arith.constant 0 : i32
          %dma_start3A_370 = tpu.memref_slice %dma_start3A_367[%dma_start3A_368, %dma_start3A_369] : memref<10000x64xf32, #tpu.memory_space<hbm>> -> memref<10000x64xf32, #tpu.memory_space<hbm>>
          tpu.enqueue_indirect_dma source(%dma_start3A_370 : memref<10000x64xf32, #tpu.memory_space<hbm>>) target(%arg10 : memref<64x64xf32, #tpu.memory_space<vmem>>) offsets(%dma_start3A_363 : memref<64xi32, #tpu.memory_space<vmem>>) semaphore(%arg21 : memref<!tpu.dma_semaphore, #tpu.memory_space<semaphore_mem>>)
        } else {
        }
      } else {
      }
      %jit3A_268 = arith.constant 10 : i32
      %eq3A_269 = arith.constant 0 : i32
      %eq3A_270 = arith.cmpi eq, %jit3A_268, %eq3A_269 : i32
      %jit3A_271 = arith.constant 1 : i32
      %select_n3A_272 = arith.select %eq3A_270, %jit3A_271, %jit3A_268 : i32
      %rem3A_273 = arith.remsi %scan3A_130, %select_n3A_272 : i32
      %ne3A_274 = arith.constant 0 : i32
      %ne3A_275 = arith.cmpi ne, %rem3A_273, %ne3A_274 : i32
      %lt3A_276 = arith.constant 0 : i32
      %lt3A_277 = arith.cmpi slt, %rem3A_273, %lt3A_276 : i32
      %lt3A_278 = arith.constant 0 : i32
      %lt3A_279 = arith.cmpi slt, %select_n3A_272, %lt3A_278 : i32
      %ne3A_280 = arith.xori %lt3A_277, %lt3A_279 : i1
      %and3A_281 = arith.andi %ne3A_280, %ne3A_275 : i1
      %add3A_282 = arith.addi %rem3A_273, %select_n3A_272 : i32
      %select_n3A_283 = arith.select %and3A_281, %add3A_282, %rem3A_273 : i32
      %eq3A_284 = arith.constant 7 : i32
      %eq3A_285 = arith.cmpi eq, %select_n3A_283, %eq3A_284 : i32
      %convert_element_type3A_286 = arith.extui %eq3A_285 : i1 to i32
      %cond3A_287 = arith.constant 0 : i32
      %cond3A_288 = arith.cmpi ne, %convert_element_type3A_286, %cond3A_287 : i32
      scf.if %cond3A_288 {
        %dma_wait3A_331 = arith.constant 0 : i32
        %dma_wait3A_332 = arith.constant 0 : i32
        %dma_wait3A_333 = tpu.memref_slice %arg7[%dma_wait3A_331, %dma_wait3A_332] : memref<314x64xi32, #tpu.memory_space<vmem>> -> memref<1x64xi32, #tpu.memory_space<vmem>>
        %dma_wait3A_334 = tpu.memref_squeeze %dma_wait3A_333 : memref<1x64xi32, #tpu.memory_space<vmem>> -> memref<64xi32, #tpu.memory_space<vmem>>
        %dma_wait3A_335 = arith.constant 0 : i32
        %dma_wait3A_336 = arith.constant 0 : i32
        %dma_wait3A_337 = tpu.memref_slice %arg2[%arg0, %dma_wait3A_335, %dma_wait3A_336] : memref<2x10000x64xf32, #tpu.memory_space<hbm>> -> memref<1x10000x64xf32, #tpu.memory_space<hbm>>
        %dma_wait3A_338 = tpu.memref_squeeze %dma_wait3A_337 : memref<1x10000x64xf32, #tpu.memory_space<hbm>> -> memref<10000x64xf32, #tpu.memory_space<hbm>>
        %dma_wait3A_339 = arith.constant 0 : i32
        %dma_wait3A_340 = arith.constant 0 : i32
        %dma_wait3A_341 = tpu.memref_slice %dma_wait3A_338[%dma_wait3A_339, %dma_wait3A_340] : memref<10000x64xf32, #tpu.memory_space<hbm>> -> memref<10000x64xf32, #tpu.memory_space<hbm>>
        tpu.wait_indirect_dma semaphore(%arg27 : memref<!tpu.dma_semaphore, #tpu.memory_space<semaphore_mem>>) src(%dma_wait3A_341 : memref<10000x64xf32, #tpu.memory_space<hbm>>) dst(%arg16 : memref<64x64xf32, #tpu.memory_space<vmem>>)
        %dma_start3A_342 = arith.constant 0 : i32
        %dma_start3A_343 = tpu.memref_slice %arg8[%scan3A_130, %dma_start3A_342] : memref<314x64xi32, #tpu.memory_space<vmem>> -> memref<1x64xi32, #tpu.memory_space<vmem>>
        %dma_start3A_344 = tpu.memref_squeeze %dma_start3A_343 : memref<1x64xi32, #tpu.memory_space<vmem>> -> memref<64xi32, #tpu.memory_space<vmem>>
        %dma_start3A_345 = arith.constant 0 : i32
        %dma_start3A_346 = arith.constant 0 : i32
        %dma_start3A_347 = tpu.memref_slice %arg19[%dma_start3A_345, %dma_start3A_346] : memref<10240x64xf32, #tpu.memory_space<vmem_shared>> -> memref<10240x64xf32, #tpu.memory_space<vmem_shared>>
        tpu.enqueue_indirect_dma source(%arg16 : memref<64x64xf32, #tpu.memory_space<vmem>>) target(%dma_start3A_347 : memref<10240x64xf32, #tpu.memory_space<vmem_shared>>) offsets(%dma_start3A_344 : memref<64xi32, #tpu.memory_space<vmem>>) semaphore(%arg37 : memref<!tpu.dma_semaphore, #tpu.memory_space<semaphore_mem>>) {add = true}
        %add3A_348 = arith.constant 5 : i32
        %add3A_349 = arith.addi %scan3A_130, %add3A_348 : i32
        %lt3A_350 = arith.constant 314 : i32
        %lt3A_351 = arith.cmpi slt, %add3A_349, %lt3A_350 : i32
        %convert_element_type3A_352 = arith.extui %lt3A_351 : i1 to i32
        %cond3A_353 = arith.constant 0 : i32
        %cond3A_354 = arith.cmpi ne, %convert_element_type3A_352, %cond3A_353 : i32
        scf.if %cond3A_354 {
          %ge3A = arith.constant 5 : i32
          %ge3A_355 = arith.cmpi sge, %scan3A_130, %ge3A : i32
          %convert_element_type3A_356 = arith.extui %ge3A_355 : i1 to i32
          %cond3A_357 = arith.constant 0 : i32
          %cond3A_358 = arith.cmpi ne, %convert_element_type3A_356, %cond3A_357 : i32
          scf.if %cond3A_358 {
            %dma_wait3A_371 = arith.constant 0 : i32
            %dma_wait3A_372 = arith.constant 0 : i32
            %dma_wait3A_373 = tpu.memref_slice %arg8[%dma_wait3A_371, %dma_wait3A_372] : memref<314x64xi32, #tpu.memory_space<vmem>> -> memref<1x64xi32, #tpu.memory_space<vmem>>
            %dma_wait3A_374 = tpu.memref_squeeze %dma_wait3A_373 : memref<1x64xi32, #tpu.memory_space<vmem>> -> memref<64xi32, #tpu.memory_space<vmem>>
            %dma_wait3A_375 = arith.constant 0 : i32
            %dma_wait3A_376 = arith.constant 0 : i32
            %dma_wait3A_377 = tpu.memref_slice %arg19[%dma_wait3A_375, %dma_wait3A_376] : memref<10240x64xf32, #tpu.memory_space<vmem_shared>> -> memref<10240x64xf32, #tpu.memory_space<vmem_shared>>
            tpu.wait_indirect_dma semaphore(%arg32 : memref<!tpu.dma_semaphore, #tpu.memory_space<semaphore_mem>>) src(%arg11 : memref<64x64xf32, #tpu.memory_space<vmem>>) dst(%dma_wait3A_377 : memref<10240x64xf32, #tpu.memory_space<vmem_shared>>)
          } else {
          }
          %add3A_359 = arith.constant 5 : i32
          %add3A_360 = arith.addi %scan3A_130, %add3A_359 : i32
          %dma_start3A_361 = arith.constant 0 : i32
          %dma_start3A_362 = tpu.memref_slice %arg7[%add3A_360, %dma_start3A_361] : memref<314x64xi32, #tpu.memory_space<vmem>> -> memref<1x64xi32, #tpu.memory_space<vmem>>
          %dma_start3A_363 = tpu.memref_squeeze %dma_start3A_362 : memref<1x64xi32, #tpu.memory_space<vmem>> -> memref<64xi32, #tpu.memory_space<vmem>>
          %dma_start3A_364 = arith.constant 0 : i32
          %dma_start3A_365 = arith.constant 0 : i32
          %dma_start3A_366 = tpu.memref_slice %arg2[%arg0, %dma_start3A_364, %dma_start3A_365] : memref<2x10000x64xf32, #tpu.memory_space<hbm>> -> memref<1x10000x64xf32, #tpu.memory_space<hbm>>
          %dma_start3A_367 = tpu.memref_squeeze %dma_start3A_366 : memref<1x10000x64xf32, #tpu.memory_space<hbm>> -> memref<10000x64xf32, #tpu.memory_space<hbm>>
          %dma_start3A_368 = arith.constant 0 : i32
          %dma_start3A_369 = arith.constant 0 : i32
          %dma_start3A_370 = tpu.memref_slice %dma_start3A_367[%dma_start3A_368, %dma_start3A_369] : memref<10000x64xf32, #tpu.memory_space<hbm>> -> memref<10000x64xf32, #tpu.memory_space<hbm>>
          tpu.enqueue_indirect_dma source(%dma_start3A_370 : memref<10000x64xf32, #tpu.memory_space<hbm>>) target(%arg11 : memref<64x64xf32, #tpu.memory_space<vmem>>) offsets(%dma_start3A_363 : memref<64xi32, #tpu.memory_space<vmem>>) semaphore(%arg22 : memref<!tpu.dma_semaphore, #tpu.memory_space<semaphore_mem>>)
        } else {
        }
      } else {
      }
      %jit3A_289 = arith.constant 10 : i32
      %eq3A_290 = arith.constant 0 : i32
      %eq3A_291 = arith.cmpi eq, %jit3A_289, %eq3A_290 : i32
      %jit3A_292 = arith.constant 1 : i32
      %select_n3A_293 = arith.select %eq3A_291, %jit3A_292, %jit3A_289 : i32
      %rem3A_294 = arith.remsi %scan3A_130, %select_n3A_293 : i32
      %ne3A_295 = arith.constant 0 : i32
      %ne3A_296 = arith.cmpi ne, %rem3A_294, %ne3A_295 : i32
      %lt3A_297 = arith.constant 0 : i32
      %lt3A_298 = arith.cmpi slt, %rem3A_294, %lt3A_297 : i32
      %lt3A_299 = arith.constant 0 : i32
      %lt3A_300 = arith.cmpi slt, %select_n3A_293, %lt3A_299 : i32
      %ne3A_301 = arith.xori %lt3A_298, %lt3A_300 : i1
      %and3A_302 = arith.andi %ne3A_301, %ne3A_296 : i1
      %add3A_303 = arith.addi %rem3A_294, %select_n3A_293 : i32
      %select_n3A_304 = arith.select %and3A_302, %add3A_303, %rem3A_294 : i32
      %eq3A_305 = arith.constant 8 : i32
      %eq3A_306 = arith.cmpi eq, %select_n3A_304, %eq3A_305 : i32
      %convert_element_type3A_307 = arith.extui %eq3A_306 : i1 to i32
      %cond3A_308 = arith.constant 0 : i32
      %cond3A_309 = arith.cmpi ne, %convert_element_type3A_307, %cond3A_308 : i32
      scf.if %cond3A_309 {
        %dma_wait3A_331 = arith.constant 0 : i32
        %dma_wait3A_332 = arith.constant 0 : i32
        %dma_wait3A_333 = tpu.memref_slice %arg7[%dma_wait3A_331, %dma_wait3A_332] : memref<314x64xi32, #tpu.memory_space<vmem>> -> memref<1x64xi32, #tpu.memory_space<vmem>>
        %dma_wait3A_334 = tpu.memref_squeeze %dma_wait3A_333 : memref<1x64xi32, #tpu.memory_space<vmem>> -> memref<64xi32, #tpu.memory_space<vmem>>
        %dma_wait3A_335 = arith.constant 0 : i32
        %dma_wait3A_336 = arith.constant 0 : i32
        %dma_wait3A_337 = tpu.memref_slice %arg2[%arg0, %dma_wait3A_335, %dma_wait3A_336] : memref<2x10000x64xf32, #tpu.memory_space<hbm>> -> memref<1x10000x64xf32, #tpu.memory_space<hbm>>
        %dma_wait3A_338 = tpu.memref_squeeze %dma_wait3A_337 : memref<1x10000x64xf32, #tpu.memory_space<hbm>> -> memref<10000x64xf32, #tpu.memory_space<hbm>>
        %dma_wait3A_339 = arith.constant 0 : i32
        %dma_wait3A_340 = arith.constant 0 : i32
        %dma_wait3A_341 = tpu.memref_slice %dma_wait3A_338[%dma_wait3A_339, %dma_wait3A_340] : memref<10000x64xf32, #tpu.memory_space<hbm>> -> memref<10000x64xf32, #tpu.memory_space<hbm>>
        tpu.wait_indirect_dma semaphore(%arg28 : memref<!tpu.dma_semaphore, #tpu.memory_space<semaphore_mem>>) src(%dma_wait3A_341 : memref<10000x64xf32, #tpu.memory_space<hbm>>) dst(%arg17 : memref<64x64xf32, #tpu.memory_space<vmem>>)
        %dma_start3A_342 = arith.constant 0 : i32
        %dma_start3A_343 = tpu.memref_slice %arg8[%scan3A_130, %dma_start3A_342] : memref<314x64xi32, #tpu.memory_space<vmem>> -> memref<1x64xi32, #tpu.memory_space<vmem>>
        %dma_start3A_344 = tpu.memref_squeeze %dma_start3A_343 : memref<1x64xi32, #tpu.memory_space<vmem>> -> memref<64xi32, #tpu.memory_space<vmem>>
        %dma_start3A_345 = arith.constant 0 : i32
        %dma_start3A_346 = arith.constant 0 : i32
        %dma_start3A_347 = tpu.memref_slice %arg19[%dma_start3A_345, %dma_start3A_346] : memref<10240x64xf32, #tpu.memory_space<vmem_shared>> -> memref<10240x64xf32, #tpu.memory_space<vmem_shared>>
        tpu.enqueue_indirect_dma source(%arg17 : memref<64x64xf32, #tpu.memory_space<vmem>>) target(%dma_start3A_347 : memref<10240x64xf32, #tpu.memory_space<vmem_shared>>) offsets(%dma_start3A_344 : memref<64xi32, #tpu.memory_space<vmem>>) semaphore(%arg38 : memref<!tpu.dma_semaphore, #tpu.memory_space<semaphore_mem>>) {add = true}
        %add3A_348 = arith.constant 5 : i32
        %add3A_349 = arith.addi %scan3A_130, %add3A_348 : i32
        %lt3A_350 = arith.constant 314 : i32
        %lt3A_351 = arith.cmpi slt, %add3A_349, %lt3A_350 : i32
        %convert_element_type3A_352 = arith.extui %lt3A_351 : i1 to i32
        %cond3A_353 = arith.constant 0 : i32
        %cond3A_354 = arith.cmpi ne, %convert_element_type3A_352, %cond3A_353 : i32
        scf.if %cond3A_354 {
          %ge3A = arith.constant 5 : i32
          %ge3A_355 = arith.cmpi sge, %scan3A_130, %ge3A : i32
          %convert_element_type3A_356 = arith.extui %ge3A_355 : i1 to i32
          %cond3A_357 = arith.constant 0 : i32
          %cond3A_358 = arith.cmpi ne, %convert_element_type3A_356, %cond3A_357 : i32
          scf.if %cond3A_358 {
            %dma_wait3A_371 = arith.constant 0 : i32
            %dma_wait3A_372 = arith.constant 0 : i32
            %dma_wait3A_373 = tpu.memref_slice %arg8[%dma_wait3A_371, %dma_wait3A_372] : memref<314x64xi32, #tpu.memory_space<vmem>> -> memref<1x64xi32, #tpu.memory_space<vmem>>
            %dma_wait3A_374 = tpu.memref_squeeze %dma_wait3A_373 : memref<1x64xi32, #tpu.memory_space<vmem>> -> memref<64xi32, #tpu.memory_space<vmem>>
            %dma_wait3A_375 = arith.constant 0 : i32
            %dma_wait3A_376 = arith.constant 0 : i32
            %dma_wait3A_377 = tpu.memref_slice %arg19[%dma_wait3A_375, %dma_wait3A_376] : memref<10240x64xf32, #tpu.memory_space<vmem_shared>> -> memref<10240x64xf32, #tpu.memory_space<vmem_shared>>
            tpu.wait_indirect_dma semaphore(%arg33 : memref<!tpu.dma_semaphore, #tpu.memory_space<semaphore_mem>>) src(%arg12 : memref<64x64xf32, #tpu.memory_space<vmem>>) dst(%dma_wait3A_377 : memref<10240x64xf32, #tpu.memory_space<vmem_shared>>)
          } else {
          }
          %add3A_359 = arith.constant 5 : i32
          %add3A_360 = arith.addi %scan3A_130, %add3A_359 : i32
          %dma_start3A_361 = arith.constant 0 : i32
          %dma_start3A_362 = tpu.memref_slice %arg7[%add3A_360, %dma_start3A_361] : memref<314x64xi32, #tpu.memory_space<vmem>> -> memref<1x64xi32, #tpu.memory_space<vmem>>
          %dma_start3A_363 = tpu.memref_squeeze %dma_start3A_362 : memref<1x64xi32, #tpu.memory_space<vmem>> -> memref<64xi32, #tpu.memory_space<vmem>>
          %dma_start3A_364 = arith.constant 0 : i32
          %dma_start3A_365 = arith.constant 0 : i32
          %dma_start3A_366 = tpu.memref_slice %arg2[%arg0, %dma_start3A_364, %dma_start3A_365] : memref<2x10000x64xf32, #tpu.memory_space<hbm>> -> memref<1x10000x64xf32, #tpu.memory_space<hbm>>
          %dma_start3A_367 = tpu.memref_squeeze %dma_start3A_366 : memref<1x10000x64xf32, #tpu.memory_space<hbm>> -> memref<10000x64xf32, #tpu.memory_space<hbm>>
          %dma_start3A_368 = arith.constant 0 : i32
          %dma_start3A_369 = arith.constant 0 : i32
          %dma_start3A_370 = tpu.memref_slice %dma_start3A_367[%dma_start3A_368, %dma_start3A_369] : memref<10000x64xf32, #tpu.memory_space<hbm>> -> memref<10000x64xf32, #tpu.memory_space<hbm>>
          tpu.enqueue_indirect_dma source(%dma_start3A_370 : memref<10000x64xf32, #tpu.memory_space<hbm>>) target(%arg12 : memref<64x64xf32, #tpu.memory_space<vmem>>) offsets(%dma_start3A_363 : memref<64xi32, #tpu.memory_space<vmem>>) semaphore(%arg23 : memref<!tpu.dma_semaphore, #tpu.memory_space<semaphore_mem>>)
        } else {
        }
      } else {
      }
      %jit3A_310 = arith.constant 10 : i32
      %eq3A_311 = arith.constant 0 : i32
      %eq3A_312 = arith.cmpi eq, %jit3A_310, %eq3A_311 : i32
      %jit3A_313 = arith.constant 1 : i32
      %select_n3A_314 = arith.select %eq3A_312, %jit3A_313, %jit3A_310 : i32
      %rem3A_315 = arith.remsi %scan3A_130, %select_n3A_314 : i32
      %ne3A_316 = arith.constant 0 : i32
      %ne3A_317 = arith.cmpi ne, %rem3A_315, %ne3A_316 : i32
      %lt3A_318 = arith.constant 0 : i32
      %lt3A_319 = arith.cmpi slt, %rem3A_315, %lt3A_318 : i32
      %lt3A_320 = arith.constant 0 : i32
      %lt3A_321 = arith.cmpi slt, %select_n3A_314, %lt3A_320 : i32
      %ne3A_322 = arith.xori %lt3A_319, %lt3A_321 : i1
      %and3A_323 = arith.andi %ne3A_322, %ne3A_317 : i1
      %add3A_324 = arith.addi %rem3A_315, %select_n3A_314 : i32
      %select_n3A_325 = arith.select %and3A_323, %add3A_324, %rem3A_315 : i32
      %eq3A_326 = arith.constant 9 : i32
      %eq3A_327 = arith.cmpi eq, %select_n3A_325, %eq3A_326 : i32
      %convert_element_type3A_328 = arith.extui %eq3A_327 : i1 to i32
      %cond3A_329 = arith.constant 0 : i32
      %cond3A_330 = arith.cmpi ne, %convert_element_type3A_328, %cond3A_329 : i32
      scf.if %cond3A_330 {
        %dma_wait3A_331 = arith.constant 0 : i32
        %dma_wait3A_332 = arith.constant 0 : i32
        %dma_wait3A_333 = tpu.memref_slice %arg7[%dma_wait3A_331, %dma_wait3A_332] : memref<314x64xi32, #tpu.memory_space<vmem>> -> memref<1x64xi32, #tpu.memory_space<vmem>>
        %dma_wait3A_334 = tpu.memref_squeeze %dma_wait3A_333 : memref<1x64xi32, #tpu.memory_space<vmem>> -> memref<64xi32, #tpu.memory_space<vmem>>
        %dma_wait3A_335 = arith.constant 0 : i32
        %dma_wait3A_336 = arith.constant 0 : i32
        %dma_wait3A_337 = tpu.memref_slice %arg2[%arg0, %dma_wait3A_335, %dma_wait3A_336] : memref<2x10000x64xf32, #tpu.memory_space<hbm>> -> memref<1x10000x64xf32, #tpu.memory_space<hbm>>
        %dma_wait3A_338 = tpu.memref_squeeze %dma_wait3A_337 : memref<1x10000x64xf32, #tpu.memory_space<hbm>> -> memref<10000x64xf32, #tpu.memory_space<hbm>>
        %dma_wait3A_339 = arith.constant 0 : i32
        %dma_wait3A_340 = arith.constant 0 : i32
        %dma_wait3A_341 = tpu.memref_slice %dma_wait3A_338[%dma_wait3A_339, %dma_wait3A_340] : memref<10000x64xf32, #tpu.memory_space<hbm>> -> memref<10000x64xf32, #tpu.memory_space<hbm>>
        tpu.wait_indirect_dma semaphore(%arg29 : memref<!tpu.dma_semaphore, #tpu.memory_space<semaphore_mem>>) src(%dma_wait3A_341 : memref<10000x64xf32, #tpu.memory_space<hbm>>) dst(%arg18 : memref<64x64xf32, #tpu.memory_space<vmem>>)
        %dma_start3A_342 = arith.constant 0 : i32
        %dma_start3A_343 = tpu.memref_slice %arg8[%scan3A_130, %dma_start3A_342] : memref<314x64xi32, #tpu.memory_space<vmem>> -> memref<1x64xi32, #tpu.memory_space<vmem>>
        %dma_start3A_344 = tpu.memref_squeeze %dma_start3A_343 : memref<1x64xi32, #tpu.memory_space<vmem>> -> memref<64xi32, #tpu.memory_space<vmem>>
        %dma_start3A_345 = arith.constant 0 : i32
        %dma_start3A_346 = arith.constant 0 : i32
        %dma_start3A_347 = tpu.memref_slice %arg19[%dma_start3A_345, %dma_start3A_346] : memref<10240x64xf32, #tpu.memory_space<vmem_shared>> -> memref<10240x64xf32, #tpu.memory_space<vmem_shared>>
        tpu.enqueue_indirect_dma source(%arg18 : memref<64x64xf32, #tpu.memory_space<vmem>>) target(%dma_start3A_347 : memref<10240x64xf32, #tpu.memory_space<vmem_shared>>) offsets(%dma_start3A_344 : memref<64xi32, #tpu.memory_space<vmem>>) semaphore(%arg39 : memref<!tpu.dma_semaphore, #tpu.memory_space<semaphore_mem>>) {add = true}
        %add3A_348 = arith.constant 5 : i32
        %add3A_349 = arith.addi %scan3A_130, %add3A_348 : i32
        %lt3A_350 = arith.constant 314 : i32
        %lt3A_351 = arith.cmpi slt, %add3A_349, %lt3A_350 : i32
        %convert_element_type3A_352 = arith.extui %lt3A_351 : i1 to i32
        %cond3A_353 = arith.constant 0 : i32
        %cond3A_354 = arith.cmpi ne, %convert_element_type3A_352, %cond3A_353 : i32
        scf.if %cond3A_354 {
          %ge3A = arith.constant 5 : i32
          %ge3A_355 = arith.cmpi sge, %scan3A_130, %ge3A : i32
          %convert_element_type3A_356 = arith.extui %ge3A_355 : i1 to i32
          %cond3A_357 = arith.constant 0 : i32
          %cond3A_358 = arith.cmpi ne, %convert_element_type3A_356, %cond3A_357 : i32
          scf.if %cond3A_358 {
            %dma_wait3A_371 = arith.constant 0 : i32
            %dma_wait3A_372 = arith.constant 0 : i32
            %dma_wait3A_373 = tpu.memref_slice %arg8[%dma_wait3A_371, %dma_wait3A_372] : memref<314x64xi32, #tpu.memory_space<vmem>> -> memref<1x64xi32, #tpu.memory_space<vmem>>
            %dma_wait3A_374 = tpu.memref_squeeze %dma_wait3A_373 : memref<1x64xi32, #tpu.memory_space<vmem>> -> memref<64xi32, #tpu.memory_space<vmem>>
            %dma_wait3A_375 = arith.constant 0 : i32
            %dma_wait3A_376 = arith.constant 0 : i32
            %dma_wait3A_377 = tpu.memref_slice %arg19[%dma_wait3A_375, %dma_wait3A_376] : memref<10240x64xf32, #tpu.memory_space<vmem_shared>> -> memref<10240x64xf32, #tpu.memory_space<vmem_shared>>
            tpu.wait_indirect_dma semaphore(%arg34 : memref<!tpu.dma_semaphore, #tpu.memory_space<semaphore_mem>>) src(%arg13 : memref<64x64xf32, #tpu.memory_space<vmem>>) dst(%dma_wait3A_377 : memref<10240x64xf32, #tpu.memory_space<vmem_shared>>)
          } else {
          }
          %add3A_359 = arith.constant 5 : i32
          %add3A_360 = arith.addi %scan3A_130, %add3A_359 : i32
          %dma_start3A_361 = arith.constant 0 : i32
          %dma_start3A_362 = tpu.memref_slice %arg7[%add3A_360, %dma_start3A_361] : memref<314x64xi32, #tpu.memory_space<vmem>> -> memref<1x64xi32, #tpu.memory_space<vmem>>
          %dma_start3A_363 = tpu.memref_squeeze %dma_start3A_362 : memref<1x64xi32, #tpu.memory_space<vmem>> -> memref<64xi32, #tpu.memory_space<vmem>>
          %dma_start3A_364 = arith.constant 0 : i32
          %dma_start3A_365 = arith.constant 0 : i32
          %dma_start3A_366 = tpu.memref_slice %arg2[%arg0, %dma_start3A_364, %dma_start3A_365] : memref<2x10000x64xf32, #tpu.memory_space<hbm>> -> memref<1x10000x64xf32, #tpu.memory_space<hbm>>
          %dma_start3A_367 = tpu.memref_squeeze %dma_start3A_366 : memref<1x10000x64xf32, #tpu.memory_space<hbm>> -> memref<10000x64xf32, #tpu.memory_space<hbm>>
          %dma_start3A_368 = arith.constant 0 : i32
          %dma_start3A_369 = arith.constant 0 : i32
          %dma_start3A_370 = tpu.memref_slice %dma_start3A_367[%dma_start3A_368, %dma_start3A_369] : memref<10000x64xf32, #tpu.memory_space<hbm>> -> memref<10000x64xf32, #tpu.memory_space<hbm>>
          tpu.enqueue_indirect_dma source(%dma_start3A_370 : memref<10000x64xf32, #tpu.memory_space<hbm>>) target(%arg13 : memref<64x64xf32, #tpu.memory_space<vmem>>) offsets(%dma_start3A_363 : memref<64xi32, #tpu.memory_space<vmem>>) semaphore(%arg24 : memref<!tpu.dma_semaphore, #tpu.memory_space<semaphore_mem>>)
        } else {
        }
      } else {
      }
    }
    %scan3A_59 = arith.constant 314 : i32
    %dma_wait3A = arith.constant 0 : i32
    %dma_wait3A_60 = arith.constant 0 : i32
    %dma_wait3A_61 = tpu.memref_slice %arg8[%dma_wait3A, %dma_wait3A_60] : memref<314x64xi32, #tpu.memory_space<vmem>> -> memref<1x64xi32, #tpu.memory_space<vmem>>
    %dma_wait3A_62 = tpu.memref_squeeze %dma_wait3A_61 : memref<1x64xi32, #tpu.memory_space<vmem>> -> memref<64xi32, #tpu.memory_space<vmem>>
    %dma_wait3A_63 = arith.constant 0 : i32
    %dma_wait3A_64 = arith.constant 0 : i32
    %dma_wait3A_65 = tpu.memref_slice %arg19[%dma_wait3A_63, %dma_wait3A_64] : memref<10240x64xf32, #tpu.memory_space<vmem_shared>> -> memref<10240x64xf32, #tpu.memory_space<vmem_shared>>
    tpu.wait_indirect_dma semaphore(%arg30 : memref<!tpu.dma_semaphore, #tpu.memory_space<semaphore_mem>>) src(%arg9 : memref<64x64xf32, #tpu.memory_space<vmem>>) dst(%dma_wait3A_65 : memref<10240x64xf32, #tpu.memory_space<vmem_shared>>)
    %dma_wait3A_66 = arith.constant 0 : i32
    %dma_wait3A_67 = arith.constant 0 : i32
    %dma_wait3A_68 = tpu.memref_slice %arg8[%dma_wait3A_66, %dma_wait3A_67] : memref<314x64xi32, #tpu.memory_space<vmem>> -> memref<1x64xi32, #tpu.memory_space<vmem>>
    %dma_wait3A_69 = tpu.memref_squeeze %dma_wait3A_68 : memref<1x64xi32, #tpu.memory_space<vmem>> -> memref<64xi32, #tpu.memory_space<vmem>>
    %dma_wait3A_70 = arith.constant 0 : i32
    %dma_wait3A_71 = arith.constant 0 : i32
    %dma_wait3A_72 = tpu.memref_slice %arg19[%dma_wait3A_70, %dma_wait3A_71] : memref<10240x64xf32, #tpu.memory_space<vmem_shared>> -> memref<10240x64xf32, #tpu.memory_space<vmem_shared>>
    tpu.wait_indirect_dma semaphore(%arg31 : memref<!tpu.dma_semaphore, #tpu.memory_space<semaphore_mem>>) src(%arg10 : memref<64x64xf32, #tpu.memory_space<vmem>>) dst(%dma_wait3A_72 : memref<10240x64xf32, #tpu.memory_space<vmem_shared>>)
    %dma_wait3A_73 = arith.constant 0 : i32
    %dma_wait3A_74 = arith.constant 0 : i32
    %dma_wait3A_75 = tpu.memref_slice %arg8[%dma_wait3A_73, %dma_wait3A_74] : memref<314x64xi32, #tpu.memory_space<vmem>> -> memref<1x64xi32, #tpu.memory_space<vmem>>
    %dma_wait3A_76 = tpu.memref_squeeze %dma_wait3A_75 : memref<1x64xi32, #tpu.memory_space<vmem>> -> memref<64xi32, #tpu.memory_space<vmem>>
    %dma_wait3A_77 = arith.constant 0 : i32
    %dma_wait3A_78 = arith.constant 0 : i32
    %dma_wait3A_79 = tpu.memref_slice %arg19[%dma_wait3A_77, %dma_wait3A_78] : memref<10240x64xf32, #tpu.memory_space<vmem_shared>> -> memref<10240x64xf32, #tpu.memory_space<vmem_shared>>
    tpu.wait_indirect_dma semaphore(%arg32 : memref<!tpu.dma_semaphore, #tpu.memory_space<semaphore_mem>>) src(%arg11 : memref<64x64xf32, #tpu.memory_space<vmem>>) dst(%dma_wait3A_79 : memref<10240x64xf32, #tpu.memory_space<vmem_shared>>)
    %dma_wait3A_80 = arith.constant 0 : i32
    %dma_wait3A_81 = arith.constant 0 : i32
    %dma_wait3A_82 = tpu.memref_slice %arg8[%dma_wait3A_80, %dma_wait3A_81] : memref<314x64xi32, #tpu.memory_space<vmem>> -> memref<1x64xi32, #tpu.memory_space<vmem>>
    %dma_wait3A_83 = tpu.memref_squeeze %dma_wait3A_82 : memref<1x64xi32, #tpu.memory_space<vmem>> -> memref<64xi32, #tpu.memory_space<vmem>>
    %dma_wait3A_84 = arith.constant 0 : i32
    %dma_wait3A_85 = arith.constant 0 : i32
    %dma_wait3A_86 = tpu.memref_slice %arg19[%dma_wait3A_84, %dma_wait3A_85] : memref<10240x64xf32, #tpu.memory_space<vmem_shared>> -> memref<10240x64xf32, #tpu.memory_space<vmem_shared>>
    tpu.wait_indirect_dma semaphore(%arg33 : memref<!tpu.dma_semaphore, #tpu.memory_space<semaphore_mem>>) src(%arg12 : memref<64x64xf32, #tpu.memory_space<vmem>>) dst(%dma_wait3A_86 : memref<10240x64xf32, #tpu.memory_space<vmem_shared>>)
    %dma_wait3A_87 = arith.constant 0 : i32
    %dma_wait3A_88 = arith.constant 0 : i32
    %dma_wait3A_89 = tpu.memref_slice %arg8[%dma_wait3A_87, %dma_wait3A_88] : memref<314x64xi32, #tpu.memory_space<vmem>> -> memref<1x64xi32, #tpu.memory_space<vmem>>
    %dma_wait3A_90 = tpu.memref_squeeze %dma_wait3A_89 : memref<1x64xi32, #tpu.memory_space<vmem>> -> memref<64xi32, #tpu.memory_space<vmem>>
    %dma_wait3A_91 = arith.constant 0 : i32
    %dma_wait3A_92 = arith.constant 0 : i32
    %dma_wait3A_93 = tpu.memref_slice %arg19[%dma_wait3A_91, %dma_wait3A_92] : memref<10240x64xf32, #tpu.memory_space<vmem_shared>> -> memref<10240x64xf32, #tpu.memory_space<vmem_shared>>
    tpu.wait_indirect_dma semaphore(%arg34 : memref<!tpu.dma_semaphore, #tpu.memory_space<semaphore_mem>>) src(%arg13 : memref<64x64xf32, #tpu.memory_space<vmem>>) dst(%dma_wait3A_93 : memref<10240x64xf32, #tpu.memory_space<vmem_shared>>)
    %dma_wait3A_94 = arith.constant 0 : i32
    %dma_wait3A_95 = arith.constant 0 : i32
    %dma_wait3A_96 = tpu.memref_slice %arg8[%dma_wait3A_94, %dma_wait3A_95] : memref<314x64xi32, #tpu.memory_space<vmem>> -> memref<1x64xi32, #tpu.memory_space<vmem>>
    %dma_wait3A_97 = tpu.memref_squeeze %dma_wait3A_96 : memref<1x64xi32, #tpu.memory_space<vmem>> -> memref<64xi32, #tpu.memory_space<vmem>>
    %dma_wait3A_98 = arith.constant 0 : i32
    %dma_wait3A_99 = arith.constant 0 : i32
    %dma_wait3A_100 = tpu.memref_slice %arg19[%dma_wait3A_98, %dma_wait3A_99] : memref<10240x64xf32, #tpu.memory_space<vmem_shared>> -> memref<10240x64xf32, #tpu.memory_space<vmem_shared>>
    tpu.wait_indirect_dma semaphore(%arg35 : memref<!tpu.dma_semaphore, #tpu.memory_space<semaphore_mem>>) src(%arg14 : memref<64x64xf32, #tpu.memory_space<vmem>>) dst(%dma_wait3A_100 : memref<10240x64xf32, #tpu.memory_space<vmem_shared>>)
    %dma_wait3A_101 = arith.constant 0 : i32
    %dma_wait3A_102 = arith.constant 0 : i32
    %dma_wait3A_103 = tpu.memref_slice %arg8[%dma_wait3A_101, %dma_wait3A_102] : memref<314x64xi32, #tpu.memory_space<vmem>> -> memref<1x64xi32, #tpu.memory_space<vmem>>
    %dma_wait3A_104 = tpu.memref_squeeze %dma_wait3A_103 : memref<1x64xi32, #tpu.memory_space<vmem>> -> memref<64xi32, #tpu.memory_space<vmem>>
    %dma_wait3A_105 = arith.constant 0 : i32
    %dma_wait3A_106 = arith.constant 0 : i32
    %dma_wait3A_107 = tpu.memref_slice %arg19[%dma_wait3A_105, %dma_wait3A_106] : memref<10240x64xf32, #tpu.memory_space<vmem_shared>> -> memref<10240x64xf32, #tpu.memory_space<vmem_shared>>
    tpu.wait_indirect_dma semaphore(%arg36 : memref<!tpu.dma_semaphore, #tpu.memory_space<semaphore_mem>>) src(%arg15 : memref<64x64xf32, #tpu.memory_space<vmem>>) dst(%dma_wait3A_107 : memref<10240x64xf32, #tpu.memory_space<vmem_shared>>)
    %dma_wait3A_108 = arith.constant 0 : i32
    %dma_wait3A_109 = arith.constant 0 : i32
    %dma_wait3A_110 = tpu.memref_slice %arg8[%dma_wait3A_108, %dma_wait3A_109] : memref<314x64xi32, #tpu.memory_space<vmem>> -> memref<1x64xi32, #tpu.memory_space<vmem>>
    %dma_wait3A_111 = tpu.memref_squeeze %dma_wait3A_110 : memref<1x64xi32, #tpu.memory_space<vmem>> -> memref<64xi32, #tpu.memory_space<vmem>>
    %dma_wait3A_112 = arith.constant 0 : i32
    %dma_wait3A_113 = arith.constant 0 : i32
    %dma_wait3A_114 = tpu.memref_slice %arg19[%dma_wait3A_112, %dma_wait3A_113] : memref<10240x64xf32, #tpu.memory_space<vmem_shared>> -> memref<10240x64xf32, #tpu.memory_space<vmem_shared>>
    tpu.wait_indirect_dma semaphore(%arg37 : memref<!tpu.dma_semaphore, #tpu.memory_space<semaphore_mem>>) src(%arg16 : memref<64x64xf32, #tpu.memory_space<vmem>>) dst(%dma_wait3A_114 : memref<10240x64xf32, #tpu.memory_space<vmem_shared>>)
    %dma_wait3A_115 = arith.constant 0 : i32
    %dma_wait3A_116 = arith.constant 0 : i32
    %dma_wait3A_117 = tpu.memref_slice %arg8[%dma_wait3A_115, %dma_wait3A_116] : memref<314x64xi32, #tpu.memory_space<vmem>> -> memref<1x64xi32, #tpu.memory_space<vmem>>
    %dma_wait3A_118 = tpu.memref_squeeze %dma_wait3A_117 : memref<1x64xi32, #tpu.memory_space<vmem>> -> memref<64xi32, #tpu.memory_space<vmem>>
    %dma_wait3A_119 = arith.constant 0 : i32
    %dma_wait3A_120 = arith.constant 0 : i32
    %dma_wait3A_121 = tpu.memref_slice %arg19[%dma_wait3A_119, %dma_wait3A_120] : memref<10240x64xf32, #tpu.memory_space<vmem_shared>> -> memref<10240x64xf32, #tpu.memory_space<vmem_shared>>
    tpu.wait_indirect_dma semaphore(%arg38 : memref<!tpu.dma_semaphore, #tpu.memory_space<semaphore_mem>>) src(%arg17 : memref<64x64xf32, #tpu.memory_space<vmem>>) dst(%dma_wait3A_121 : memref<10240x64xf32, #tpu.memory_space<vmem_shared>>)
    %dma_wait3A_122 = arith.constant 0 : i32
    %dma_wait3A_123 = arith.constant 0 : i32
    %dma_wait3A_124 = tpu.memref_slice %arg8[%dma_wait3A_122, %dma_wait3A_123] : memref<314x64xi32, #tpu.memory_space<vmem>> -> memref<1x64xi32, #tpu.memory_space<vmem>>
    %dma_wait3A_125 = tpu.memref_squeeze %dma_wait3A_124 : memref<1x64xi32, #tpu.memory_space<vmem>> -> memref<64xi32, #tpu.memory_space<vmem>>
    %dma_wait3A_126 = arith.constant 0 : i32
    %dma_wait3A_127 = arith.constant 0 : i32
    %dma_wait3A_128 = tpu.memref_slice %arg19[%dma_wait3A_126, %dma_wait3A_127] : memref<10240x64xf32, #tpu.memory_space<vmem_shared>> -> memref<10240x64xf32, #tpu.memory_space<vmem_shared>>
    tpu.wait_indirect_dma semaphore(%arg39 : memref<!tpu.dma_semaphore, #tpu.memory_space<semaphore_mem>>) src(%arg18 : memref<64x64xf32, #tpu.memory_space<vmem>>) dst(%dma_wait3A_128 : memref<10240x64xf32, #tpu.memory_space<vmem_shared>>)
    %barrier3A_129 = arith.constant 0 : index
    tpu.barrier barrier_id(%barrier3A_129)
    "tpu.region"() ({
      %run_scoped3A = tpu.sem_alloc : memref<!tpu.dma_semaphore, #tpu.memory_space<semaphore_mem>>
      %dma_start3A_130 = arith.constant 0 : i32
      %dma_start3A_131 = tpu.memref_slice %arg6[%arg0, %mul3A_0, %dma_start3A_130] : memref<2x10240x64xf32, #tpu.memory_space<hbm>> -> memref<1x640x64xf32, #tpu.memory_space<hbm>>
      %dma_start3A_132 = tpu.memref_squeeze %dma_start3A_131 : memref<1x640x64xf32, #tpu.memory_space<hbm>> -> memref<640x64xf32, #tpu.memory_space<hbm>>
      %dma_start3A_133 = arith.constant 0 : i32
      %dma_start3A_134 = tpu.memref_slice %arg19[%mul3A_0, %dma_start3A_133] : memref<10240x64xf32, #tpu.memory_space<vmem_shared>> -> memref<640x64xf32, #tpu.memory_space<vmem_shared>>
      tpu.enqueue_dma source(%dma_start3A_134 : memref<640x64xf32, #tpu.memory_space<vmem_shared>>) target(%dma_start3A_132 : memref<640x64xf32, #tpu.memory_space<hbm>>) target_semaphore(%run_scoped3A : memref<!tpu.dma_semaphore, #tpu.memory_space<semaphore_mem>>)
      %dma_wait3A_135 = arith.constant 0 : i32
      %dma_wait3A_136 = tpu.memref_slice %arg6[%arg0, %mul3A_0, %dma_wait3A_135] : memref<2x10240x64xf32, #tpu.memory_space<hbm>> -> memref<1x640x64xf32, #tpu.memory_space<hbm>>
      %dma_wait3A_137 = tpu.memref_squeeze %dma_wait3A_136 : memref<1x640x64xf32, #tpu.memory_space<hbm>> -> memref<640x64xf32, #tpu.memory_space<hbm>>
      %dma_wait3A_138 = arith.constant 0 : i32
      %dma_wait3A_139 = tpu.memref_slice %arg19[%mul3A_0, %dma_wait3A_138] : memref<10240x64xf32, #tpu.memory_space<vmem_shared>> -> memref<640x64xf32, #tpu.memory_space<vmem_shared>>
      tpu.wait_dma2 semaphore(%run_scoped3A : memref<!tpu.dma_semaphore, #tpu.memory_space<semaphore_mem>>) src(%dma_wait3A_139 : memref<640x64xf32, #tpu.memory_space<vmem_shared>>) dst(%dma_wait3A_137 : memref<640x64xf32, #tpu.memory_space<hbm>>)
      tpu.yield
    }) : () -> ()
    return
  }
}

#map = affine_map<(d0, d1) -> (0, 0, 0)>
#map1 = affine_map<(d0, d1) -> (0, 0)>
module attributes {stable_mosaic.version = 14 : i64} {
  func.func @k(%arg0: i32, %arg1: i32, %arg2: memref<2x10000x64xf32, #tpu.memory_space<hbm>>, %arg3: memref<16x314x64xi32, #tpu.memory_space<hbm>>, %arg4: memref<16x314x64xi32, #tpu.memory_space<hbm>>, %arg5: memref<640x64xf32, #tpu.memory_space<hbm>>, %arg6: memref<2x10240x64xf32, #tpu.memory_space<hbm>>, %arg7: memref<314x64xi32, #tpu.memory_space<vmem>>, %arg8: memref<314x64xi32, #tpu.memory_space<vmem>>, %arg9: memref<64x64xf32, #tpu.memory_space<vmem>>, %arg10: memref<64x64xf32, #tpu.memory_space<vmem>>, %arg11: memref<64x64xf32, #tpu.memory_space<vmem>>, %arg12: memref<64x64xf32, #tpu.memory_space<vmem>>, %arg13: memref<64x64xf32, #tpu.memory_space<vmem>>, %arg14: memref<64x64xf32, #tpu.memory_space<vmem>>, %arg15: memref<64x64xf32, #tpu.memory_space<vmem>>, %arg16: memref<64x64xf32, #tpu.memory_space<vmem>>, %arg17: memref<64x64xf32, #tpu.memory_space<vmem>>, %arg18: memref<64x64xf32, #tpu.memory_space<vmem>>, %arg19: memref<10240x64xf32, #tpu.memory_space<vmem_shared>>, %arg20: memref<!tpu.dma_semaphore, #tpu.memory_space<semaphore_mem>>, %arg21: memref<!tpu.dma_semaphore, #tpu.memory_space<semaphore_mem>>, %arg22: memref<!tpu.dma_semaphore, #tpu.memory_space<semaphore_mem>>, %arg23: memref<!tpu.dma_semaphore, #tpu.memory_space<semaphore_mem>>, %arg24: memref<!tpu.dma_semaphore, #tpu.memory_space<semaphore_mem>>, %arg25: memref<!tpu.dma_semaphore, #tpu.memory_space<semaphore_mem>>, %arg26: memref<!tpu.dma_semaphore, #tpu.memory_space<semaphore_mem>>, %arg27: memref<!tpu.dma_semaphore, #tpu.memory_space<semaphore_mem>>, %arg28: memref<!tpu.dma_semaphore, #tpu.memory_space<semaphore_mem>>, %arg29: memref<!tpu.dma_semaphore, #tpu.memory_space<semaphore_mem>>, %arg30: memref<!tpu.dma_semaphore, #tpu.memory_space<semaphore_mem>>, %arg31: memref<!tpu.dma_semaphore, #tpu.memory_space<semaphore_mem>>, %arg32: memref<!tpu.dma_semaphore, #tpu.memory_space<semaphore_mem>>, %arg33: memref<!tpu.dma_semaphore, #tpu.memory_space<semaphore_mem>>, %arg34: memref<!tpu.dma_semaphore, #tpu.memory_space<semaphore_mem>>, %arg35: memref<!tpu.dma_semaphore, #tpu.memory_space<semaphore_mem>>, %arg36: memref<!tpu.dma_semaphore, #tpu.memory_space<semaphore_mem>>, %arg37: memref<!tpu.dma_semaphore, #tpu.memory_space<semaphore_mem>>, %arg38: memref<!tpu.dma_semaphore, #tpu.memory_space<semaphore_mem>>, %arg39: memref<!tpu.dma_semaphore, #tpu.memory_space<semaphore_mem>>) attributes {dimension_semantics = [#tpu.dimension_semantics<core_parallel>, #tpu.dimension_semantics<subcore_parallel>], iteration_bounds = array<i64: 2, 16>, scalar_prefetch = 0 : i64, scratch_operands = 33 : i64, tpu.core_type = #tpu.core_type<sc_vector_subcore>, window_params = [{transform_indices = #map}, {transform_indices = #map}, {transform_indices = #map}, {transform_indices = #map1}, {transform_indices = #map}]} {
    %mul3A = arith.constant 640 : i32
    %mul3A_0 = arith.muli %arg1, %mul3A : i32
    "tpu.region"() ({
      %run_scoped3A = tpu.sem_alloc : memref<!tpu.dma_semaphore, #tpu.memory_space<semaphore_mem>>
      %dma_start3A_130 = arith.constant 0 : i32
      %dma_start3A_131 = tpu.memref_slice %arg19[%mul3A_0, %dma_start3A_130] : memref<10240x64xf32, #tpu.memory_space<vmem_shared>> -> memref<640x64xf32, #tpu.memory_space<vmem_shared>>
      tpu.enqueue_dma source(%arg5 : memref<640x64xf32, #tpu.memory_space<hbm>>) target(%dma_start3A_131 : memref<640x64xf32, #tpu.memory_space<vmem_shared>>) target_semaphore(%run_scoped3A : memref<!tpu.dma_semaphore, #tpu.memory_space<semaphore_mem>>)
      %dma_wait3A_132 = arith.constant 0 : i32
      %dma_wait3A_133 = tpu.memref_slice %arg19[%mul3A_0, %dma_wait3A_132] : memref<10240x64xf32, #tpu.memory_space<vmem_shared>> -> memref<640x64xf32, #tpu.memory_space<vmem_shared>>
      tpu.wait_dma2 semaphore(%run_scoped3A : memref<!tpu.dma_semaphore, #tpu.memory_space<semaphore_mem>>) src(%arg5 : memref<640x64xf32, #tpu.memory_space<hbm>>) dst(%dma_wait3A_133 : memref<640x64xf32, #tpu.memory_space<vmem_shared>>)
      tpu.yield
    }) : () -> ()
    "tpu.region"() ({
      %run_scoped3A = tpu.sem_alloc : memref<!tpu.dma_semaphore, #tpu.memory_space<semaphore_mem>>
      %dma_start3A_130 = arith.constant 0 : i32
      %dma_start3A_131 = arith.constant 0 : i32
      %dma_start3A_132 = tpu.memref_slice %arg3[%arg1, %dma_start3A_130, %dma_start3A_131] : memref<16x314x64xi32, #tpu.memory_space<hbm>> -> memref<1x314x64xi32, #tpu.memory_space<hbm>>
      %dma_start3A_133 = tpu.memref_squeeze %dma_start3A_132 : memref<1x314x64xi32, #tpu.memory_space<hbm>> -> memref<314x64xi32, #tpu.memory_space<hbm>>
      %dma_start3A_134 = arith.constant 0 : i32
      %dma_start3A_135 = arith.constant 0 : i32
      %dma_start3A_136 = tpu.memref_slice %arg3[%arg1, %dma_start3A_134, %dma_start3A_135] : memref<16x314x64xi32, #tpu.memory_space<hbm>> -> memref<1x314x64xi32, #tpu.memory_space<hbm>>
      %dma_start3A_137 = tpu.memref_squeeze %dma_start3A_136 : memref<1x314x64xi32, #tpu.memory_space<hbm>> -> memref<314x64xi32, #tpu.memory_space<hbm>>
      tpu.enqueue_dma source(%dma_start3A_137 : memref<314x64xi32, #tpu.memory_space<hbm>>) target(%arg7 : memref<314x64xi32, #tpu.memory_space<vmem>>) target_semaphore(%run_scoped3A : memref<!tpu.dma_semaphore, #tpu.memory_space<semaphore_mem>>)
      %dma_wait3A_138 = arith.constant 0 : i32
      %dma_wait3A_139 = arith.constant 0 : i32
      %dma_wait3A_140 = tpu.memref_slice %arg3[%arg1, %dma_wait3A_138, %dma_wait3A_139] : memref<16x314x64xi32, #tpu.memory_space<hbm>> -> memref<1x314x64xi32, #tpu.memory_space<hbm>>
      %dma_wait3A_141 = tpu.memref_squeeze %dma_wait3A_140 : memref<1x314x64xi32, #tpu.memory_space<hbm>> -> memref<314x64xi32, #tpu.memory_space<hbm>>
      %dma_wait3A_142 = arith.constant 0 : i32
      %dma_wait3A_143 = arith.constant 0 : i32
      %dma_wait3A_144 = tpu.memref_slice %arg3[%arg1, %dma_wait3A_142, %dma_wait3A_143] : memref<16x314x64xi32, #tpu.memory_space<hbm>> -> memref<1x314x64xi32, #tpu.memory_space<hbm>>
      %dma_wait3A_145 = tpu.memref_squeeze %dma_wait3A_144 : memref<1x314x64xi32, #tpu.memory_space<hbm>> -> memref<314x64xi32, #tpu.memory_space<hbm>>
      tpu.wait_dma2 semaphore(%run_scoped3A : memref<!tpu.dma_semaphore, #tpu.memory_space<semaphore_mem>>) src(%dma_wait3A_145 : memref<314x64xi32, #tpu.memory_space<hbm>>) dst(%arg7 : memref<314x64xi32, #tpu.memory_space<vmem>>)
      tpu.yield
    }) : () -> ()
    "tpu.region"() ({
      %run_scoped3A = tpu.sem_alloc : memref<!tpu.dma_semaphore, #tpu.memory_space<semaphore_mem>>
      %dma_start3A_130 = arith.constant 0 : i32
      %dma_start3A_131 = arith.constant 0 : i32
      %dma_start3A_132 = tpu.memref_slice %arg4[%arg1, %dma_start3A_130, %dma_start3A_131] : memref<16x314x64xi32, #tpu.memory_space<hbm>> -> memref<1x314x64xi32, #tpu.memory_space<hbm>>
      %dma_start3A_133 = tpu.memref_squeeze %dma_start3A_132 : memref<1x314x64xi32, #tpu.memory_space<hbm>> -> memref<314x64xi32, #tpu.memory_space<hbm>>
      %dma_start3A_134 = arith.constant 0 : i32
      %dma_start3A_135 = arith.constant 0 : i32
      %dma_start3A_136 = tpu.memref_slice %arg4[%arg1, %dma_start3A_134, %dma_start3A_135] : memref<16x314x64xi32, #tpu.memory_space<hbm>> -> memref<1x314x64xi32, #tpu.memory_space<hbm>>
      %dma_start3A_137 = tpu.memref_squeeze %dma_start3A_136 : memref<1x314x64xi32, #tpu.memory_space<hbm>> -> memref<314x64xi32, #tpu.memory_space<hbm>>
      tpu.enqueue_dma source(%dma_start3A_137 : memref<314x64xi32, #tpu.memory_space<hbm>>) target(%arg8 : memref<314x64xi32, #tpu.memory_space<vmem>>) target_semaphore(%run_scoped3A : memref<!tpu.dma_semaphore, #tpu.memory_space<semaphore_mem>>)
      %dma_wait3A_138 = arith.constant 0 : i32
      %dma_wait3A_139 = arith.constant 0 : i32
      %dma_wait3A_140 = tpu.memref_slice %arg4[%arg1, %dma_wait3A_138, %dma_wait3A_139] : memref<16x314x64xi32, #tpu.memory_space<hbm>> -> memref<1x314x64xi32, #tpu.memory_space<hbm>>
      %dma_wait3A_141 = tpu.memref_squeeze %dma_wait3A_140 : memref<1x314x64xi32, #tpu.memory_space<hbm>> -> memref<314x64xi32, #tpu.memory_space<hbm>>
      %dma_wait3A_142 = arith.constant 0 : i32
      %dma_wait3A_143 = arith.constant 0 : i32
      %dma_wait3A_144 = tpu.memref_slice %arg4[%arg1, %dma_wait3A_142, %dma_wait3A_143] : memref<16x314x64xi32, #tpu.memory_space<hbm>> -> memref<1x314x64xi32, #tpu.memory_space<hbm>>
      %dma_wait3A_145 = tpu.memref_squeeze %dma_wait3A_144 : memref<1x314x64xi32, #tpu.memory_space<hbm>> -> memref<314x64xi32, #tpu.memory_space<hbm>>
      tpu.wait_dma2 semaphore(%run_scoped3A : memref<!tpu.dma_semaphore, #tpu.memory_space<semaphore_mem>>) src(%dma_wait3A_145 : memref<314x64xi32, #tpu.memory_space<hbm>>) dst(%arg8 : memref<314x64xi32, #tpu.memory_space<vmem>>)
      tpu.yield
    }) : () -> ()
    %barrier3A = arith.constant 0 : index
    tpu.barrier barrier_id(%barrier3A)
    %dma_start3A = arith.constant 0 : i32
    %dma_start3A_1 = arith.constant 0 : i32
    %dma_start3A_2 = tpu.memref_slice %arg7[%dma_start3A, %dma_start3A_1] : memref<314x64xi32, #tpu.memory_space<vmem>> -> memref<1x64xi32, #tpu.memory_space<vmem>>
    %dma_start3A_3 = tpu.memref_squeeze %dma_start3A_2 : memref<1x64xi32, #tpu.memory_space<vmem>> -> memref<64xi32, #tpu.memory_space<vmem>>
    %dma_start3A_4 = arith.constant 0 : i32
    %dma_start3A_5 = arith.constant 0 : i32
    %dma_start3A_6 = tpu.memref_slice %arg2[%arg0, %dma_start3A_4, %dma_start3A_5] : memref<2x10000x64xf32, #tpu.memory_space<hbm>> -> memref<1x10000x64xf32, #tpu.memory_space<hbm>>
    %dma_start3A_7 = tpu.memref_squeeze %dma_start3A_6 : memref<1x10000x64xf32, #tpu.memory_space<hbm>> -> memref<10000x64xf32, #tpu.memory_space<hbm>>
    %dma_start3A_8 = arith.constant 0 : i32
    %dma_start3A_9 = arith.constant 0 : i32
    %dma_start3A_10 = tpu.memref_slice %dma_start3A_7[%dma_start3A_8, %dma_start3A_9] : memref<10000x64xf32, #tpu.memory_space<hbm>> -> memref<10000x64xf32, #tpu.memory_space<hbm>>
    tpu.enqueue_indirect_dma source(%dma_start3A_10 : memref<10000x64xf32, #tpu.memory_space<hbm>>) target(%arg9 : memref<64x64xf32, #tpu.memory_space<vmem>>) offsets(%dma_start3A_3 : memref<64xi32, #tpu.memory_space<vmem>>) semaphore(%arg20 : memref<!tpu.dma_semaphore, #tpu.memory_space<semaphore_mem>>)
    %dma_start3A_11 = arith.constant 1 : i32
    %dma_start3A_12 = arith.constant 0 : i32
    %dma_start3A_13 = tpu.memref_slice %arg7[%dma_start3A_11, %dma_start3A_12] : memref<314x64xi32, #tpu.memory_space<vmem>> -> memref<1x64xi32, #tpu.memory_space<vmem>>
    %dma_start3A_14 = tpu.memref_squeeze %dma_start3A_13 : memref<1x64xi32, #tpu.memory_space<vmem>> -> memref<64xi32, #tpu.memory_space<vmem>>
    %dma_start3A_15 = arith.constant 0 : i32
    %dma_start3A_16 = arith.constant 0 : i32
    %dma_start3A_17 = tpu.memref_slice %arg2[%arg0, %dma_start3A_15, %dma_start3A_16] : memref<2x10000x64xf32, #tpu.memory_space<hbm>> -> memref<1x10000x64xf32, #tpu.memory_space<hbm>>
    %dma_start3A_18 = tpu.memref_squeeze %dma_start3A_17 : memref<1x10000x64xf32, #tpu.memory_space<hbm>> -> memref<10000x64xf32, #tpu.memory_space<hbm>>
    %dma_start3A_19 = arith.constant 0 : i32
    %dma_start3A_20 = arith.constant 0 : i32
    %dma_start3A_21 = tpu.memref_slice %dma_start3A_18[%dma_start3A_19, %dma_start3A_20] : memref<10000x64xf32, #tpu.memory_space<hbm>> -> memref<10000x64xf32, #tpu.memory_space<hbm>>
    tpu.enqueue_indirect_dma source(%dma_start3A_21 : memref<10000x64xf32, #tpu.memory_space<hbm>>) target(%arg10 : memref<64x64xf32, #tpu.memory_space<vmem>>) offsets(%dma_start3A_14 : memref<64xi32, #tpu.memory_space<vmem>>) semaphore(%arg21 : memref<!tpu.dma_semaphore, #tpu.memory_space<semaphore_mem>>)
    %dma_start3A_22 = arith.constant 2 : i32
    %dma_start3A_23 = arith.constant 0 : i32
    %dma_start3A_24 = tpu.memref_slice %arg7[%dma_start3A_22, %dma_start3A_23] : memref<314x64xi32, #tpu.memory_space<vmem>> -> memref<1x64xi32, #tpu.memory_space<vmem>>
    %dma_start3A_25 = tpu.memref_squeeze %dma_start3A_24 : memref<1x64xi32, #tpu.memory_space<vmem>> -> memref<64xi32, #tpu.memory_space<vmem>>
    %dma_start3A_26 = arith.constant 0 : i32
    %dma_start3A_27 = arith.constant 0 : i32
    %dma_start3A_28 = tpu.memref_slice %arg2[%arg0, %dma_start3A_26, %dma_start3A_27] : memref<2x10000x64xf32, #tpu.memory_space<hbm>> -> memref<1x10000x64xf32, #tpu.memory_space<hbm>>
    %dma_start3A_29 = tpu.memref_squeeze %dma_start3A_28 : memref<1x10000x64xf32, #tpu.memory_space<hbm>> -> memref<10000x64xf32, #tpu.memory_space<hbm>>
    %dma_start3A_30 = arith.constant 0 : i32
    %dma_start3A_31 = arith.constant 0 : i32
    %dma_start3A_32 = tpu.memref_slice %dma_start3A_29[%dma_start3A_30, %dma_start3A_31] : memref<10000x64xf32, #tpu.memory_space<hbm>> -> memref<10000x64xf32, #tpu.memory_space<hbm>>
    tpu.enqueue_indirect_dma source(%dma_start3A_32 : memref<10000x64xf32, #tpu.memory_space<hbm>>) target(%arg11 : memref<64x64xf32, #tpu.memory_space<vmem>>) offsets(%dma_start3A_25 : memref<64xi32, #tpu.memory_space<vmem>>) semaphore(%arg22 : memref<!tpu.dma_semaphore, #tpu.memory_space<semaphore_mem>>)
    %dma_start3A_33 = arith.constant 3 : i32
    %dma_start3A_34 = arith.constant 0 : i32
    %dma_start3A_35 = tpu.memref_slice %arg7[%dma_start3A_33, %dma_start3A_34] : memref<314x64xi32, #tpu.memory_space<vmem>> -> memref<1x64xi32, #tpu.memory_space<vmem>>
    %dma_start3A_36 = tpu.memref_squeeze %dma_start3A_35 : memref<1x64xi32, #tpu.memory_space<vmem>> -> memref<64xi32, #tpu.memory_space<vmem>>
    %dma_start3A_37 = arith.constant 0 : i32
    %dma_start3A_38 = arith.constant 0 : i32
    %dma_start3A_39 = tpu.memref_slice %arg2[%arg0, %dma_start3A_37, %dma_start3A_38] : memref<2x10000x64xf32, #tpu.memory_space<hbm>> -> memref<1x10000x64xf32, #tpu.memory_space<hbm>>
    %dma_start3A_40 = tpu.memref_squeeze %dma_start3A_39 : memref<1x10000x64xf32, #tpu.memory_space<hbm>> -> memref<10000x64xf32, #tpu.memory_space<hbm>>
    %dma_start3A_41 = arith.constant 0 : i32
    %dma_start3A_42 = arith.constant 0 : i32
    %dma_start3A_43 = tpu.memref_slice %dma_start3A_40[%dma_start3A_41, %dma_start3A_42] : memref<10000x64xf32, #tpu.memory_space<hbm>> -> memref<10000x64xf32, #tpu.memory_space<hbm>>
    tpu.enqueue_indirect_dma source(%dma_start3A_43 : memref<10000x64xf32, #tpu.memory_space<hbm>>) target(%arg12 : memref<64x64xf32, #tpu.memory_space<vmem>>) offsets(%dma_start3A_36 : memref<64xi32, #tpu.memory_space<vmem>>) semaphore(%arg23 : memref<!tpu.dma_semaphore, #tpu.memory_space<semaphore_mem>>)
    %dma_start3A_44 = arith.constant 4 : i32
    %dma_start3A_45 = arith.constant 0 : i32
    %dma_start3A_46 = tpu.memref_slice %arg7[%dma_start3A_44, %dma_start3A_45] : memref<314x64xi32, #tpu.memory_space<vmem>> -> memref<1x64xi32, #tpu.memory_space<vmem>>
    %dma_start3A_47 = tpu.memref_squeeze %dma_start3A_46 : memref<1x64xi32, #tpu.memory_space<vmem>> -> memref<64xi32, #tpu.memory_space<vmem>>
    %dma_start3A_48 = arith.constant 0 : i32
    %dma_start3A_49 = arith.constant 0 : i32
    %dma_start3A_50 = tpu.memref_slice %arg2[%arg0, %dma_start3A_48, %dma_start3A_49] : memref<2x10000x64xf32, #tpu.memory_space<hbm>> -> memref<1x10000x64xf32, #tpu.memory_space<hbm>>
    %dma_start3A_51 = tpu.memref_squeeze %dma_start3A_50 : memref<1x10000x64xf32, #tpu.memory_space<hbm>> -> memref<10000x64xf32, #tpu.memory_space<hbm>>
    %dma_start3A_52 = arith.constant 0 : i32
    %dma_start3A_53 = arith.constant 0 : i32
    %dma_start3A_54 = tpu.memref_slice %dma_start3A_51[%dma_start3A_52, %dma_start3A_53] : memref<10000x64xf32, #tpu.memory_space<hbm>> -> memref<10000x64xf32, #tpu.memory_space<hbm>>
    tpu.enqueue_indirect_dma source(%dma_start3A_54 : memref<10000x64xf32, #tpu.memory_space<hbm>>) target(%arg13 : memref<64x64xf32, #tpu.memory_space<vmem>>) offsets(%dma_start3A_47 : memref<64xi32, #tpu.memory_space<vmem>>) semaphore(%arg24 : memref<!tpu.dma_semaphore, #tpu.memory_space<semaphore_mem>>)
    %scan3A = arith.constant 0 : i32
    %scan3A_55 = arith.constant 0 : i32
    %scan3A_56 = arith.constant 314 : i32
    %scan3A_57 = arith.addi %scan3A_55, %scan3A_56 : i32
    %scan3A_58 = arith.constant 1 : i32
    scf.for %scan3A_130 = %scan3A_55 to %scan3A_57 step %scan3A_58  : i32 {
      %jit3A = arith.constant 10 : i32
      %eq3A = arith.constant 0 : i32
      %eq3A_131 = arith.cmpi eq, %jit3A, %eq3A : i32
      %jit3A_132 = arith.constant 1 : i32
      %select_n3A = arith.select %eq3A_131, %jit3A_132, %jit3A : i32
      %rem3A = arith.remsi %scan3A_130, %select_n3A : i32
      %ne3A = arith.constant 0 : i32
      %ne3A_133 = arith.cmpi ne, %rem3A, %ne3A : i32
      %lt3A = arith.constant 0 : i32
      %lt3A_134 = arith.cmpi slt, %rem3A, %lt3A : i32
      %lt3A_135 = arith.constant 0 : i32
      %lt3A_136 = arith.cmpi slt, %select_n3A, %lt3A_135 : i32
      %ne3A_137 = arith.xori %lt3A_134, %lt3A_136 : i1
      %and3A = arith.andi %ne3A_137, %ne3A_133 : i1
      %add3A = arith.addi %rem3A, %select_n3A : i32
      %select_n3A_138 = arith.select %and3A, %add3A, %rem3A : i32
      %eq3A_139 = arith.constant 0 : i32
      %eq3A_140 = arith.cmpi eq, %select_n3A_138, %eq3A_139 : i32
      %convert_element_type3A = arith.extui %eq3A_140 : i1 to i32
      %cond3A = arith.constant 0 : i32
      %cond3A_141 = arith.cmpi ne, %convert_element_type3A, %cond3A : i32
      scf.if %cond3A_141 {
        %dma_wait3A_331 = arith.constant 0 : i32
        %dma_wait3A_332 = arith.constant 0 : i32
        %dma_wait3A_333 = tpu.memref_slice %arg7[%dma_wait3A_331, %dma_wait3A_332] : memref<314x64xi32, #tpu.memory_space<vmem>> -> memref<1x64xi32, #tpu.memory_space<vmem>>
        %dma_wait3A_334 = tpu.memref_squeeze %dma_wait3A_333 : memref<1x64xi32, #tpu.memory_space<vmem>> -> memref<64xi32, #tpu.memory_space<vmem>>
        %dma_wait3A_335 = arith.constant 0 : i32
        %dma_wait3A_336 = arith.constant 0 : i32
        %dma_wait3A_337 = tpu.memref_slice %arg2[%arg0, %dma_wait3A_335, %dma_wait3A_336] : memref<2x10000x64xf32, #tpu.memory_space<hbm>> -> memref<1x10000x64xf32, #tpu.memory_space<hbm>>
        %dma_wait3A_338 = tpu.memref_squeeze %dma_wait3A_337 : memref<1x10000x64xf32, #tpu.memory_space<hbm>> -> memref<10000x64xf32, #tpu.memory_space<hbm>>
        %dma_wait3A_339 = arith.constant 0 : i32
        %dma_wait3A_340 = arith.constant 0 : i32
        %dma_wait3A_341 = tpu.memref_slice %dma_wait3A_338[%dma_wait3A_339, %dma_wait3A_340] : memref<10000x64xf32, #tpu.memory_space<hbm>> -> memref<10000x64xf32, #tpu.memory_space<hbm>>
        tpu.wait_indirect_dma semaphore(%arg20 : memref<!tpu.dma_semaphore, #tpu.memory_space<semaphore_mem>>) src(%dma_wait3A_341 : memref<10000x64xf32, #tpu.memory_space<hbm>>) dst(%arg9 : memref<64x64xf32, #tpu.memory_space<vmem>>)
        %dma_start3A_342 = arith.constant 0 : i32
        %dma_start3A_343 = tpu.memref_slice %arg8[%scan3A_130, %dma_start3A_342] : memref<314x64xi32, #tpu.memory_space<vmem>> -> memref<1x64xi32, #tpu.memory_space<vmem>>
        %dma_start3A_344 = tpu.memref_squeeze %dma_start3A_343 : memref<1x64xi32, #tpu.memory_space<vmem>> -> memref<64xi32, #tpu.memory_space<vmem>>
        %dma_start3A_345 = arith.constant 0 : i32
        %dma_start3A_346 = arith.constant 0 : i32
        %dma_start3A_347 = tpu.memref_slice %arg19[%dma_start3A_345, %dma_start3A_346] : memref<10240x64xf32, #tpu.memory_space<vmem_shared>> -> memref<10240x64xf32, #tpu.memory_space<vmem_shared>>
        tpu.enqueue_indirect_dma source(%arg9 : memref<64x64xf32, #tpu.memory_space<vmem>>) target(%dma_start3A_347 : memref<10240x64xf32, #tpu.memory_space<vmem_shared>>) offsets(%dma_start3A_344 : memref<64xi32, #tpu.memory_space<vmem>>) semaphore(%arg30 : memref<!tpu.dma_semaphore, #tpu.memory_space<semaphore_mem>>) {add = true}
        %add3A_348 = arith.constant 5 : i32
        %add3A_349 = arith.addi %scan3A_130, %add3A_348 : i32
        %lt3A_350 = arith.constant 314 : i32
        %lt3A_351 = arith.cmpi slt, %add3A_349, %lt3A_350 : i32
        %convert_element_type3A_352 = arith.extui %lt3A_351 : i1 to i32
        %cond3A_353 = arith.constant 0 : i32
        %cond3A_354 = arith.cmpi ne, %convert_element_type3A_352, %cond3A_353 : i32
        scf.if %cond3A_354 {
          %ge3A = arith.constant 5 : i32
          %ge3A_355 = arith.cmpi sge, %scan3A_130, %ge3A : i32
          %convert_element_type3A_356 = arith.extui %ge3A_355 : i1 to i32
          %cond3A_357 = arith.constant 0 : i32
          %cond3A_358 = arith.cmpi ne, %convert_element_type3A_356, %cond3A_357 : i32
          scf.if %cond3A_358 {
            %dma_wait3A_371 = arith.constant 0 : i32
            %dma_wait3A_372 = arith.constant 0 : i32
            %dma_wait3A_373 = tpu.memref_slice %arg8[%dma_wait3A_371, %dma_wait3A_372] : memref<314x64xi32, #tpu.memory_space<vmem>> -> memref<1x64xi32, #tpu.memory_space<vmem>>
            %dma_wait3A_374 = tpu.memref_squeeze %dma_wait3A_373 : memref<1x64xi32, #tpu.memory_space<vmem>> -> memref<64xi32, #tpu.memory_space<vmem>>
            %dma_wait3A_375 = arith.constant 0 : i32
            %dma_wait3A_376 = arith.constant 0 : i32
            %dma_wait3A_377 = tpu.memref_slice %arg19[%dma_wait3A_375, %dma_wait3A_376] : memref<10240x64xf32, #tpu.memory_space<vmem_shared>> -> memref<10240x64xf32, #tpu.memory_space<vmem_shared>>
            tpu.wait_indirect_dma semaphore(%arg35 : memref<!tpu.dma_semaphore, #tpu.memory_space<semaphore_mem>>) src(%arg14 : memref<64x64xf32, #tpu.memory_space<vmem>>) dst(%dma_wait3A_377 : memref<10240x64xf32, #tpu.memory_space<vmem_shared>>)
          } else {
          }
          %add3A_359 = arith.constant 5 : i32
          %add3A_360 = arith.addi %scan3A_130, %add3A_359 : i32
          %dma_start3A_361 = arith.constant 0 : i32
          %dma_start3A_362 = tpu.memref_slice %arg7[%add3A_360, %dma_start3A_361] : memref<314x64xi32, #tpu.memory_space<vmem>> -> memref<1x64xi32, #tpu.memory_space<vmem>>
          %dma_start3A_363 = tpu.memref_squeeze %dma_start3A_362 : memref<1x64xi32, #tpu.memory_space<vmem>> -> memref<64xi32, #tpu.memory_space<vmem>>
          %dma_start3A_364 = arith.constant 0 : i32
          %dma_start3A_365 = arith.constant 0 : i32
          %dma_start3A_366 = tpu.memref_slice %arg2[%arg0, %dma_start3A_364, %dma_start3A_365] : memref<2x10000x64xf32, #tpu.memory_space<hbm>> -> memref<1x10000x64xf32, #tpu.memory_space<hbm>>
          %dma_start3A_367 = tpu.memref_squeeze %dma_start3A_366 : memref<1x10000x64xf32, #tpu.memory_space<hbm>> -> memref<10000x64xf32, #tpu.memory_space<hbm>>
          %dma_start3A_368 = arith.constant 0 : i32
          %dma_start3A_369 = arith.constant 0 : i32
          %dma_start3A_370 = tpu.memref_slice %dma_start3A_367[%dma_start3A_368, %dma_start3A_369] : memref<10000x64xf32, #tpu.memory_space<hbm>> -> memref<10000x64xf32, #tpu.memory_space<hbm>>
          tpu.enqueue_indirect_dma source(%dma_start3A_370 : memref<10000x64xf32, #tpu.memory_space<hbm>>) target(%arg14 : memref<64x64xf32, #tpu.memory_space<vmem>>) offsets(%dma_start3A_363 : memref<64xi32, #tpu.memory_space<vmem>>) semaphore(%arg25 : memref<!tpu.dma_semaphore, #tpu.memory_space<semaphore_mem>>)
        } else {
        }
      } else {
      }
      %jit3A_142 = arith.constant 10 : i32
      %eq3A_143 = arith.constant 0 : i32
      %eq3A_144 = arith.cmpi eq, %jit3A_142, %eq3A_143 : i32
      %jit3A_145 = arith.constant 1 : i32
      %select_n3A_146 = arith.select %eq3A_144, %jit3A_145, %jit3A_142 : i32
      %rem3A_147 = arith.remsi %scan3A_130, %select_n3A_146 : i32
      %ne3A_148 = arith.constant 0 : i32
      %ne3A_149 = arith.cmpi ne, %rem3A_147, %ne3A_148 : i32
      %lt3A_150 = arith.constant 0 : i32
      %lt3A_151 = arith.cmpi slt, %rem3A_147, %lt3A_150 : i32
      %lt3A_152 = arith.constant 0 : i32
      %lt3A_153 = arith.cmpi slt, %select_n3A_146, %lt3A_152 : i32
      %ne3A_154 = arith.xori %lt3A_151, %lt3A_153 : i1
      %and3A_155 = arith.andi %ne3A_154, %ne3A_149 : i1
      %add3A_156 = arith.addi %rem3A_147, %select_n3A_146 : i32
      %select_n3A_157 = arith.select %and3A_155, %add3A_156, %rem3A_147 : i32
      %eq3A_158 = arith.constant 1 : i32
      %eq3A_159 = arith.cmpi eq, %select_n3A_157, %eq3A_158 : i32
      %convert_element_type3A_160 = arith.extui %eq3A_159 : i1 to i32
      %cond3A_161 = arith.constant 0 : i32
      %cond3A_162 = arith.cmpi ne, %convert_element_type3A_160, %cond3A_161 : i32
      scf.if %cond3A_162 {
        %dma_wait3A_331 = arith.constant 0 : i32
        %dma_wait3A_332 = arith.constant 0 : i32
        %dma_wait3A_333 = tpu.memref_slice %arg7[%dma_wait3A_331, %dma_wait3A_332] : memref<314x64xi32, #tpu.memory_space<vmem>> -> memref<1x64xi32, #tpu.memory_space<vmem>>
        %dma_wait3A_334 = tpu.memref_squeeze %dma_wait3A_333 : memref<1x64xi32, #tpu.memory_space<vmem>> -> memref<64xi32, #tpu.memory_space<vmem>>
        %dma_wait3A_335 = arith.constant 0 : i32
        %dma_wait3A_336 = arith.constant 0 : i32
        %dma_wait3A_337 = tpu.memref_slice %arg2[%arg0, %dma_wait3A_335, %dma_wait3A_336] : memref<2x10000x64xf32, #tpu.memory_space<hbm>> -> memref<1x10000x64xf32, #tpu.memory_space<hbm>>
        %dma_wait3A_338 = tpu.memref_squeeze %dma_wait3A_337 : memref<1x10000x64xf32, #tpu.memory_space<hbm>> -> memref<10000x64xf32, #tpu.memory_space<hbm>>
        %dma_wait3A_339 = arith.constant 0 : i32
        %dma_wait3A_340 = arith.constant 0 : i32
        %dma_wait3A_341 = tpu.memref_slice %dma_wait3A_338[%dma_wait3A_339, %dma_wait3A_340] : memref<10000x64xf32, #tpu.memory_space<hbm>> -> memref<10000x64xf32, #tpu.memory_space<hbm>>
        tpu.wait_indirect_dma semaphore(%arg21 : memref<!tpu.dma_semaphore, #tpu.memory_space<semaphore_mem>>) src(%dma_wait3A_341 : memref<10000x64xf32, #tpu.memory_space<hbm>>) dst(%arg10 : memref<64x64xf32, #tpu.memory_space<vmem>>)
        %dma_start3A_342 = arith.constant 0 : i32
        %dma_start3A_343 = tpu.memref_slice %arg8[%scan3A_130, %dma_start3A_342] : memref<314x64xi32, #tpu.memory_space<vmem>> -> memref<1x64xi32, #tpu.memory_space<vmem>>
        %dma_start3A_344 = tpu.memref_squeeze %dma_start3A_343 : memref<1x64xi32, #tpu.memory_space<vmem>> -> memref<64xi32, #tpu.memory_space<vmem>>
        %dma_start3A_345 = arith.constant 0 : i32
        %dma_start3A_346 = arith.constant 0 : i32
        %dma_start3A_347 = tpu.memref_slice %arg19[%dma_start3A_345, %dma_start3A_346] : memref<10240x64xf32, #tpu.memory_space<vmem_shared>> -> memref<10240x64xf32, #tpu.memory_space<vmem_shared>>
        tpu.enqueue_indirect_dma source(%arg10 : memref<64x64xf32, #tpu.memory_space<vmem>>) target(%dma_start3A_347 : memref<10240x64xf32, #tpu.memory_space<vmem_shared>>) offsets(%dma_start3A_344 : memref<64xi32, #tpu.memory_space<vmem>>) semaphore(%arg31 : memref<!tpu.dma_semaphore, #tpu.memory_space<semaphore_mem>>) {add = true}
        %add3A_348 = arith.constant 5 : i32
        %add3A_349 = arith.addi %scan3A_130, %add3A_348 : i32
        %lt3A_350 = arith.constant 314 : i32
        %lt3A_351 = arith.cmpi slt, %add3A_349, %lt3A_350 : i32
        %convert_element_type3A_352 = arith.extui %lt3A_351 : i1 to i32
        %cond3A_353 = arith.constant 0 : i32
        %cond3A_354 = arith.cmpi ne, %convert_element_type3A_352, %cond3A_353 : i32
        scf.if %cond3A_354 {
          %ge3A = arith.constant 5 : i32
          %ge3A_355 = arith.cmpi sge, %scan3A_130, %ge3A : i32
          %convert_element_type3A_356 = arith.extui %ge3A_355 : i1 to i32
          %cond3A_357 = arith.constant 0 : i32
          %cond3A_358 = arith.cmpi ne, %convert_element_type3A_356, %cond3A_357 : i32
          scf.if %cond3A_358 {
            %dma_wait3A_371 = arith.constant 0 : i32
            %dma_wait3A_372 = arith.constant 0 : i32
            %dma_wait3A_373 = tpu.memref_slice %arg8[%dma_wait3A_371, %dma_wait3A_372] : memref<314x64xi32, #tpu.memory_space<vmem>> -> memref<1x64xi32, #tpu.memory_space<vmem>>
            %dma_wait3A_374 = tpu.memref_squeeze %dma_wait3A_373 : memref<1x64xi32, #tpu.memory_space<vmem>> -> memref<64xi32, #tpu.memory_space<vmem>>
            %dma_wait3A_375 = arith.constant 0 : i32
            %dma_wait3A_376 = arith.constant 0 : i32
            %dma_wait3A_377 = tpu.memref_slice %arg19[%dma_wait3A_375, %dma_wait3A_376] : memref<10240x64xf32, #tpu.memory_space<vmem_shared>> -> memref<10240x64xf32, #tpu.memory_space<vmem_shared>>
            tpu.wait_indirect_dma semaphore(%arg36 : memref<!tpu.dma_semaphore, #tpu.memory_space<semaphore_mem>>) src(%arg15 : memref<64x64xf32, #tpu.memory_space<vmem>>) dst(%dma_wait3A_377 : memref<10240x64xf32, #tpu.memory_space<vmem_shared>>)
          } else {
          }
          %add3A_359 = arith.constant 5 : i32
          %add3A_360 = arith.addi %scan3A_130, %add3A_359 : i32
          %dma_start3A_361 = arith.constant 0 : i32
          %dma_start3A_362 = tpu.memref_slice %arg7[%add3A_360, %dma_start3A_361] : memref<314x64xi32, #tpu.memory_space<vmem>> -> memref<1x64xi32, #tpu.memory_space<vmem>>
          %dma_start3A_363 = tpu.memref_squeeze %dma_start3A_362 : memref<1x64xi32, #tpu.memory_space<vmem>> -> memref<64xi32, #tpu.memory_space<vmem>>
          %dma_start3A_364 = arith.constant 0 : i32
          %dma_start3A_365 = arith.constant 0 : i32
          %dma_start3A_366 = tpu.memref_slice %arg2[%arg0, %dma_start3A_364, %dma_start3A_365] : memref<2x10000x64xf32, #tpu.memory_space<hbm>> -> memref<1x10000x64xf32, #tpu.memory_space<hbm>>
          %dma_start3A_367 = tpu.memref_squeeze %dma_start3A_366 : memref<1x10000x64xf32, #tpu.memory_space<hbm>> -> memref<10000x64xf32, #tpu.memory_space<hbm>>
          %dma_start3A_368 = arith.constant 0 : i32
          %dma_start3A_369 = arith.constant 0 : i32
          %dma_start3A_370 = tpu.memref_slice %dma_start3A_367[%dma_start3A_368, %dma_start3A_369] : memref<10000x64xf32, #tpu.memory_space<hbm>> -> memref<10000x64xf32, #tpu.memory_space<hbm>>
          tpu.enqueue_indirect_dma source(%dma_start3A_370 : memref<10000x64xf32, #tpu.memory_space<hbm>>) target(%arg15 : memref<64x64xf32, #tpu.memory_space<vmem>>) offsets(%dma_start3A_363 : memref<64xi32, #tpu.memory_space<vmem>>) semaphore(%arg26 : memref<!tpu.dma_semaphore, #tpu.memory_space<semaphore_mem>>)
        } else {
        }
      } else {
      }
      %jit3A_163 = arith.constant 10 : i32
      %eq3A_164 = arith.constant 0 : i32
      %eq3A_165 = arith.cmpi eq, %jit3A_163, %eq3A_164 : i32
      %jit3A_166 = arith.constant 1 : i32
      %select_n3A_167 = arith.select %eq3A_165, %jit3A_166, %jit3A_163 : i32
      %rem3A_168 = arith.remsi %scan3A_130, %select_n3A_167 : i32
      %ne3A_169 = arith.constant 0 : i32
      %ne3A_170 = arith.cmpi ne, %rem3A_168, %ne3A_169 : i32
      %lt3A_171 = arith.constant 0 : i32
      %lt3A_172 = arith.cmpi slt, %rem3A_168, %lt3A_171 : i32
      %lt3A_173 = arith.constant 0 : i32
      %lt3A_174 = arith.cmpi slt, %select_n3A_167, %lt3A_173 : i32
      %ne3A_175 = arith.xori %lt3A_172, %lt3A_174 : i1
      %and3A_176 = arith.andi %ne3A_175, %ne3A_170 : i1
      %add3A_177 = arith.addi %rem3A_168, %select_n3A_167 : i32
      %select_n3A_178 = arith.select %and3A_176, %add3A_177, %rem3A_168 : i32
      %eq3A_179 = arith.constant 2 : i32
      %eq3A_180 = arith.cmpi eq, %select_n3A_178, %eq3A_179 : i32
      %convert_element_type3A_181 = arith.extui %eq3A_180 : i1 to i32
      %cond3A_182 = arith.constant 0 : i32
      %cond3A_183 = arith.cmpi ne, %convert_element_type3A_181, %cond3A_182 : i32
      scf.if %cond3A_183 {
        %dma_wait3A_331 = arith.constant 0 : i32
        %dma_wait3A_332 = arith.constant 0 : i32
        %dma_wait3A_333 = tpu.memref_slice %arg7[%dma_wait3A_331, %dma_wait3A_332] : memref<314x64xi32, #tpu.memory_space<vmem>> -> memref<1x64xi32, #tpu.memory_space<vmem>>
        %dma_wait3A_334 = tpu.memref_squeeze %dma_wait3A_333 : memref<1x64xi32, #tpu.memory_space<vmem>> -> memref<64xi32, #tpu.memory_space<vmem>>
        %dma_wait3A_335 = arith.constant 0 : i32
        %dma_wait3A_336 = arith.constant 0 : i32
        %dma_wait3A_337 = tpu.memref_slice %arg2[%arg0, %dma_wait3A_335, %dma_wait3A_336] : memref<2x10000x64xf32, #tpu.memory_space<hbm>> -> memref<1x10000x64xf32, #tpu.memory_space<hbm>>
        %dma_wait3A_338 = tpu.memref_squeeze %dma_wait3A_337 : memref<1x10000x64xf32, #tpu.memory_space<hbm>> -> memref<10000x64xf32, #tpu.memory_space<hbm>>
        %dma_wait3A_339 = arith.constant 0 : i32
        %dma_wait3A_340 = arith.constant 0 : i32
        %dma_wait3A_341 = tpu.memref_slice %dma_wait3A_338[%dma_wait3A_339, %dma_wait3A_340] : memref<10000x64xf32, #tpu.memory_space<hbm>> -> memref<10000x64xf32, #tpu.memory_space<hbm>>
        tpu.wait_indirect_dma semaphore(%arg22 : memref<!tpu.dma_semaphore, #tpu.memory_space<semaphore_mem>>) src(%dma_wait3A_341 : memref<10000x64xf32, #tpu.memory_space<hbm>>) dst(%arg11 : memref<64x64xf32, #tpu.memory_space<vmem>>)
        %dma_start3A_342 = arith.constant 0 : i32
        %dma_start3A_343 = tpu.memref_slice %arg8[%scan3A_130, %dma_start3A_342] : memref<314x64xi32, #tpu.memory_space<vmem>> -> memref<1x64xi32, #tpu.memory_space<vmem>>
        %dma_start3A_344 = tpu.memref_squeeze %dma_start3A_343 : memref<1x64xi32, #tpu.memory_space<vmem>> -> memref<64xi32, #tpu.memory_space<vmem>>
        %dma_start3A_345 = arith.constant 0 : i32
        %dma_start3A_346 = arith.constant 0 : i32
        %dma_start3A_347 = tpu.memref_slice %arg19[%dma_start3A_345, %dma_start3A_346] : memref<10240x64xf32, #tpu.memory_space<vmem_shared>> -> memref<10240x64xf32, #tpu.memory_space<vmem_shared>>
        tpu.enqueue_indirect_dma source(%arg11 : memref<64x64xf32, #tpu.memory_space<vmem>>) target(%dma_start3A_347 : memref<10240x64xf32, #tpu.memory_space<vmem_shared>>) offsets(%dma_start3A_344 : memref<64xi32, #tpu.memory_space<vmem>>) semaphore(%arg32 : memref<!tpu.dma_semaphore, #tpu.memory_space<semaphore_mem>>) {add = true}
        %add3A_348 = arith.constant 5 : i32
        %add3A_349 = arith.addi %scan3A_130, %add3A_348 : i32
        %lt3A_350 = arith.constant 314 : i32
        %lt3A_351 = arith.cmpi slt, %add3A_349, %lt3A_350 : i32
        %convert_element_type3A_352 = arith.extui %lt3A_351 : i1 to i32
        %cond3A_353 = arith.constant 0 : i32
        %cond3A_354 = arith.cmpi ne, %convert_element_type3A_352, %cond3A_353 : i32
        scf.if %cond3A_354 {
          %ge3A = arith.constant 5 : i32
          %ge3A_355 = arith.cmpi sge, %scan3A_130, %ge3A : i32
          %convert_element_type3A_356 = arith.extui %ge3A_355 : i1 to i32
          %cond3A_357 = arith.constant 0 : i32
          %cond3A_358 = arith.cmpi ne, %convert_element_type3A_356, %cond3A_357 : i32
          scf.if %cond3A_358 {
            %dma_wait3A_371 = arith.constant 0 : i32
            %dma_wait3A_372 = arith.constant 0 : i32
            %dma_wait3A_373 = tpu.memref_slice %arg8[%dma_wait3A_371, %dma_wait3A_372] : memref<314x64xi32, #tpu.memory_space<vmem>> -> memref<1x64xi32, #tpu.memory_space<vmem>>
            %dma_wait3A_374 = tpu.memref_squeeze %dma_wait3A_373 : memref<1x64xi32, #tpu.memory_space<vmem>> -> memref<64xi32, #tpu.memory_space<vmem>>
            %dma_wait3A_375 = arith.constant 0 : i32
            %dma_wait3A_376 = arith.constant 0 : i32
            %dma_wait3A_377 = tpu.memref_slice %arg19[%dma_wait3A_375, %dma_wait3A_376] : memref<10240x64xf32, #tpu.memory_space<vmem_shared>> -> memref<10240x64xf32, #tpu.memory_space<vmem_shared>>
            tpu.wait_indirect_dma semaphore(%arg37 : memref<!tpu.dma_semaphore, #tpu.memory_space<semaphore_mem>>) src(%arg16 : memref<64x64xf32, #tpu.memory_space<vmem>>) dst(%dma_wait3A_377 : memref<10240x64xf32, #tpu.memory_space<vmem_shared>>)
          } else {
          }
          %add3A_359 = arith.constant 5 : i32
          %add3A_360 = arith.addi %scan3A_130, %add3A_359 : i32
          %dma_start3A_361 = arith.constant 0 : i32
          %dma_start3A_362 = tpu.memref_slice %arg7[%add3A_360, %dma_start3A_361] : memref<314x64xi32, #tpu.memory_space<vmem>> -> memref<1x64xi32, #tpu.memory_space<vmem>>
          %dma_start3A_363 = tpu.memref_squeeze %dma_start3A_362 : memref<1x64xi32, #tpu.memory_space<vmem>> -> memref<64xi32, #tpu.memory_space<vmem>>
          %dma_start3A_364 = arith.constant 0 : i32
          %dma_start3A_365 = arith.constant 0 : i32
          %dma_start3A_366 = tpu.memref_slice %arg2[%arg0, %dma_start3A_364, %dma_start3A_365] : memref<2x10000x64xf32, #tpu.memory_space<hbm>> -> memref<1x10000x64xf32, #tpu.memory_space<hbm>>
          %dma_start3A_367 = tpu.memref_squeeze %dma_start3A_366 : memref<1x10000x64xf32, #tpu.memory_space<hbm>> -> memref<10000x64xf32, #tpu.memory_space<hbm>>
          %dma_start3A_368 = arith.constant 0 : i32
          %dma_start3A_369 = arith.constant 0 : i32
          %dma_start3A_370 = tpu.memref_slice %dma_start3A_367[%dma_start3A_368, %dma_start3A_369] : memref<10000x64xf32, #tpu.memory_space<hbm>> -> memref<10000x64xf32, #tpu.memory_space<hbm>>
          tpu.enqueue_indirect_dma source(%dma_start3A_370 : memref<10000x64xf32, #tpu.memory_space<hbm>>) target(%arg16 : memref<64x64xf32, #tpu.memory_space<vmem>>) offsets(%dma_start3A_363 : memref<64xi32, #tpu.memory_space<vmem>>) semaphore(%arg27 : memref<!tpu.dma_semaphore, #tpu.memory_space<semaphore_mem>>)
        } else {
        }
      } else {
      }
      %jit3A_184 = arith.constant 10 : i32
      %eq3A_185 = arith.constant 0 : i32
      %eq3A_186 = arith.cmpi eq, %jit3A_184, %eq3A_185 : i32
      %jit3A_187 = arith.constant 1 : i32
      %select_n3A_188 = arith.select %eq3A_186, %jit3A_187, %jit3A_184 : i32
      %rem3A_189 = arith.remsi %scan3A_130, %select_n3A_188 : i32
      %ne3A_190 = arith.constant 0 : i32
      %ne3A_191 = arith.cmpi ne, %rem3A_189, %ne3A_190 : i32
      %lt3A_192 = arith.constant 0 : i32
      %lt3A_193 = arith.cmpi slt, %rem3A_189, %lt3A_192 : i32
      %lt3A_194 = arith.constant 0 : i32
      %lt3A_195 = arith.cmpi slt, %select_n3A_188, %lt3A_194 : i32
      %ne3A_196 = arith.xori %lt3A_193, %lt3A_195 : i1
      %and3A_197 = arith.andi %ne3A_196, %ne3A_191 : i1
      %add3A_198 = arith.addi %rem3A_189, %select_n3A_188 : i32
      %select_n3A_199 = arith.select %and3A_197, %add3A_198, %rem3A_189 : i32
      %eq3A_200 = arith.constant 3 : i32
      %eq3A_201 = arith.cmpi eq, %select_n3A_199, %eq3A_200 : i32
      %convert_element_type3A_202 = arith.extui %eq3A_201 : i1 to i32
      %cond3A_203 = arith.constant 0 : i32
      %cond3A_204 = arith.cmpi ne, %convert_element_type3A_202, %cond3A_203 : i32
      scf.if %cond3A_204 {
        %dma_wait3A_331 = arith.constant 0 : i32
        %dma_wait3A_332 = arith.constant 0 : i32
        %dma_wait3A_333 = tpu.memref_slice %arg7[%dma_wait3A_331, %dma_wait3A_332] : memref<314x64xi32, #tpu.memory_space<vmem>> -> memref<1x64xi32, #tpu.memory_space<vmem>>
        %dma_wait3A_334 = tpu.memref_squeeze %dma_wait3A_333 : memref<1x64xi32, #tpu.memory_space<vmem>> -> memref<64xi32, #tpu.memory_space<vmem>>
        %dma_wait3A_335 = arith.constant 0 : i32
        %dma_wait3A_336 = arith.constant 0 : i32
        %dma_wait3A_337 = tpu.memref_slice %arg2[%arg0, %dma_wait3A_335, %dma_wait3A_336] : memref<2x10000x64xf32, #tpu.memory_space<hbm>> -> memref<1x10000x64xf32, #tpu.memory_space<hbm>>
        %dma_wait3A_338 = tpu.memref_squeeze %dma_wait3A_337 : memref<1x10000x64xf32, #tpu.memory_space<hbm>> -> memref<10000x64xf32, #tpu.memory_space<hbm>>
        %dma_wait3A_339 = arith.constant 0 : i32
        %dma_wait3A_340 = arith.constant 0 : i32
        %dma_wait3A_341 = tpu.memref_slice %dma_wait3A_338[%dma_wait3A_339, %dma_wait3A_340] : memref<10000x64xf32, #tpu.memory_space<hbm>> -> memref<10000x64xf32, #tpu.memory_space<hbm>>
        tpu.wait_indirect_dma semaphore(%arg23 : memref<!tpu.dma_semaphore, #tpu.memory_space<semaphore_mem>>) src(%dma_wait3A_341 : memref<10000x64xf32, #tpu.memory_space<hbm>>) dst(%arg12 : memref<64x64xf32, #tpu.memory_space<vmem>>)
        %dma_start3A_342 = arith.constant 0 : i32
        %dma_start3A_343 = tpu.memref_slice %arg8[%scan3A_130, %dma_start3A_342] : memref<314x64xi32, #tpu.memory_space<vmem>> -> memref<1x64xi32, #tpu.memory_space<vmem>>
        %dma_start3A_344 = tpu.memref_squeeze %dma_start3A_343 : memref<1x64xi32, #tpu.memory_space<vmem>> -> memref<64xi32, #tpu.memory_space<vmem>>
        %dma_start3A_345 = arith.constant 0 : i32
        %dma_start3A_346 = arith.constant 0 : i32
        %dma_start3A_347 = tpu.memref_slice %arg19[%dma_start3A_345, %dma_start3A_346] : memref<10240x64xf32, #tpu.memory_space<vmem_shared>> -> memref<10240x64xf32, #tpu.memory_space<vmem_shared>>
        tpu.enqueue_indirect_dma source(%arg12 : memref<64x64xf32, #tpu.memory_space<vmem>>) target(%dma_start3A_347 : memref<10240x64xf32, #tpu.memory_space<vmem_shared>>) offsets(%dma_start3A_344 : memref<64xi32, #tpu.memory_space<vmem>>) semaphore(%arg33 : memref<!tpu.dma_semaphore, #tpu.memory_space<semaphore_mem>>) {add = true}
        %add3A_348 = arith.constant 5 : i32
        %add3A_349 = arith.addi %scan3A_130, %add3A_348 : i32
        %lt3A_350 = arith.constant 314 : i32
        %lt3A_351 = arith.cmpi slt, %add3A_349, %lt3A_350 : i32
        %convert_element_type3A_352 = arith.extui %lt3A_351 : i1 to i32
        %cond3A_353 = arith.constant 0 : i32
        %cond3A_354 = arith.cmpi ne, %convert_element_type3A_352, %cond3A_353 : i32
        scf.if %cond3A_354 {
          %ge3A = arith.constant 5 : i32
          %ge3A_355 = arith.cmpi sge, %scan3A_130, %ge3A : i32
          %convert_element_type3A_356 = arith.extui %ge3A_355 : i1 to i32
          %cond3A_357 = arith.constant 0 : i32
          %cond3A_358 = arith.cmpi ne, %convert_element_type3A_356, %cond3A_357 : i32
          scf.if %cond3A_358 {
            %dma_wait3A_371 = arith.constant 0 : i32
            %dma_wait3A_372 = arith.constant 0 : i32
            %dma_wait3A_373 = tpu.memref_slice %arg8[%dma_wait3A_371, %dma_wait3A_372] : memref<314x64xi32, #tpu.memory_space<vmem>> -> memref<1x64xi32, #tpu.memory_space<vmem>>
            %dma_wait3A_374 = tpu.memref_squeeze %dma_wait3A_373 : memref<1x64xi32, #tpu.memory_space<vmem>> -> memref<64xi32, #tpu.memory_space<vmem>>
            %dma_wait3A_375 = arith.constant 0 : i32
            %dma_wait3A_376 = arith.constant 0 : i32
            %dma_wait3A_377 = tpu.memref_slice %arg19[%dma_wait3A_375, %dma_wait3A_376] : memref<10240x64xf32, #tpu.memory_space<vmem_shared>> -> memref<10240x64xf32, #tpu.memory_space<vmem_shared>>
            tpu.wait_indirect_dma semaphore(%arg38 : memref<!tpu.dma_semaphore, #tpu.memory_space<semaphore_mem>>) src(%arg17 : memref<64x64xf32, #tpu.memory_space<vmem>>) dst(%dma_wait3A_377 : memref<10240x64xf32, #tpu.memory_space<vmem_shared>>)
          } else {
          }
          %add3A_359 = arith.constant 5 : i32
          %add3A_360 = arith.addi %scan3A_130, %add3A_359 : i32
          %dma_start3A_361 = arith.constant 0 : i32
          %dma_start3A_362 = tpu.memref_slice %arg7[%add3A_360, %dma_start3A_361] : memref<314x64xi32, #tpu.memory_space<vmem>> -> memref<1x64xi32, #tpu.memory_space<vmem>>
          %dma_start3A_363 = tpu.memref_squeeze %dma_start3A_362 : memref<1x64xi32, #tpu.memory_space<vmem>> -> memref<64xi32, #tpu.memory_space<vmem>>
          %dma_start3A_364 = arith.constant 0 : i32
          %dma_start3A_365 = arith.constant 0 : i32
          %dma_start3A_366 = tpu.memref_slice %arg2[%arg0, %dma_start3A_364, %dma_start3A_365] : memref<2x10000x64xf32, #tpu.memory_space<hbm>> -> memref<1x10000x64xf32, #tpu.memory_space<hbm>>
          %dma_start3A_367 = tpu.memref_squeeze %dma_start3A_366 : memref<1x10000x64xf32, #tpu.memory_space<hbm>> -> memref<10000x64xf32, #tpu.memory_space<hbm>>
          %dma_start3A_368 = arith.constant 0 : i32
          %dma_start3A_369 = arith.constant 0 : i32
          %dma_start3A_370 = tpu.memref_slice %dma_start3A_367[%dma_start3A_368, %dma_start3A_369] : memref<10000x64xf32, #tpu.memory_space<hbm>> -> memref<10000x64xf32, #tpu.memory_space<hbm>>
          tpu.enqueue_indirect_dma source(%dma_start3A_370 : memref<10000x64xf32, #tpu.memory_space<hbm>>) target(%arg17 : memref<64x64xf32, #tpu.memory_space<vmem>>) offsets(%dma_start3A_363 : memref<64xi32, #tpu.memory_space<vmem>>) semaphore(%arg28 : memref<!tpu.dma_semaphore, #tpu.memory_space<semaphore_mem>>)
        } else {
        }
      } else {
      }
      %jit3A_205 = arith.constant 10 : i32
      %eq3A_206 = arith.constant 0 : i32
      %eq3A_207 = arith.cmpi eq, %jit3A_205, %eq3A_206 : i32
      %jit3A_208 = arith.constant 1 : i32
      %select_n3A_209 = arith.select %eq3A_207, %jit3A_208, %jit3A_205 : i32
      %rem3A_210 = arith.remsi %scan3A_130, %select_n3A_209 : i32
      %ne3A_211 = arith.constant 0 : i32
      %ne3A_212 = arith.cmpi ne, %rem3A_210, %ne3A_211 : i32
      %lt3A_213 = arith.constant 0 : i32
      %lt3A_214 = arith.cmpi slt, %rem3A_210, %lt3A_213 : i32
      %lt3A_215 = arith.constant 0 : i32
      %lt3A_216 = arith.cmpi slt, %select_n3A_209, %lt3A_215 : i32
      %ne3A_217 = arith.xori %lt3A_214, %lt3A_216 : i1
      %and3A_218 = arith.andi %ne3A_217, %ne3A_212 : i1
      %add3A_219 = arith.addi %rem3A_210, %select_n3A_209 : i32
      %select_n3A_220 = arith.select %and3A_218, %add3A_219, %rem3A_210 : i32
      %eq3A_221 = arith.constant 4 : i32
      %eq3A_222 = arith.cmpi eq, %select_n3A_220, %eq3A_221 : i32
      %convert_element_type3A_223 = arith.extui %eq3A_222 : i1 to i32
      %cond3A_224 = arith.constant 0 : i32
      %cond3A_225 = arith.cmpi ne, %convert_element_type3A_223, %cond3A_224 : i32
      scf.if %cond3A_225 {
        %dma_wait3A_331 = arith.constant 0 : i32
        %dma_wait3A_332 = arith.constant 0 : i32
        %dma_wait3A_333 = tpu.memref_slice %arg7[%dma_wait3A_331, %dma_wait3A_332] : memref<314x64xi32, #tpu.memory_space<vmem>> -> memref<1x64xi32, #tpu.memory_space<vmem>>
        %dma_wait3A_334 = tpu.memref_squeeze %dma_wait3A_333 : memref<1x64xi32, #tpu.memory_space<vmem>> -> memref<64xi32, #tpu.memory_space<vmem>>
        %dma_wait3A_335 = arith.constant 0 : i32
        %dma_wait3A_336 = arith.constant 0 : i32
        %dma_wait3A_337 = tpu.memref_slice %arg2[%arg0, %dma_wait3A_335, %dma_wait3A_336] : memref<2x10000x64xf32, #tpu.memory_space<hbm>> -> memref<1x10000x64xf32, #tpu.memory_space<hbm>>
        %dma_wait3A_338 = tpu.memref_squeeze %dma_wait3A_337 : memref<1x10000x64xf32, #tpu.memory_space<hbm>> -> memref<10000x64xf32, #tpu.memory_space<hbm>>
        %dma_wait3A_339 = arith.constant 0 : i32
        %dma_wait3A_340 = arith.constant 0 : i32
        %dma_wait3A_341 = tpu.memref_slice %dma_wait3A_338[%dma_wait3A_339, %dma_wait3A_340] : memref<10000x64xf32, #tpu.memory_space<hbm>> -> memref<10000x64xf32, #tpu.memory_space<hbm>>
        tpu.wait_indirect_dma semaphore(%arg24 : memref<!tpu.dma_semaphore, #tpu.memory_space<semaphore_mem>>) src(%dma_wait3A_341 : memref<10000x64xf32, #tpu.memory_space<hbm>>) dst(%arg13 : memref<64x64xf32, #tpu.memory_space<vmem>>)
        %dma_start3A_342 = arith.constant 0 : i32
        %dma_start3A_343 = tpu.memref_slice %arg8[%scan3A_130, %dma_start3A_342] : memref<314x64xi32, #tpu.memory_space<vmem>> -> memref<1x64xi32, #tpu.memory_space<vmem>>
        %dma_start3A_344 = tpu.memref_squeeze %dma_start3A_343 : memref<1x64xi32, #tpu.memory_space<vmem>> -> memref<64xi32, #tpu.memory_space<vmem>>
        %dma_start3A_345 = arith.constant 0 : i32
        %dma_start3A_346 = arith.constant 0 : i32
        %dma_start3A_347 = tpu.memref_slice %arg19[%dma_start3A_345, %dma_start3A_346] : memref<10240x64xf32, #tpu.memory_space<vmem_shared>> -> memref<10240x64xf32, #tpu.memory_space<vmem_shared>>
        tpu.enqueue_indirect_dma source(%arg13 : memref<64x64xf32, #tpu.memory_space<vmem>>) target(%dma_start3A_347 : memref<10240x64xf32, #tpu.memory_space<vmem_shared>>) offsets(%dma_start3A_344 : memref<64xi32, #tpu.memory_space<vmem>>) semaphore(%arg34 : memref<!tpu.dma_semaphore, #tpu.memory_space<semaphore_mem>>) {add = true}
        %add3A_348 = arith.constant 5 : i32
        %add3A_349 = arith.addi %scan3A_130, %add3A_348 : i32
        %lt3A_350 = arith.constant 314 : i32
        %lt3A_351 = arith.cmpi slt, %add3A_349, %lt3A_350 : i32
        %convert_element_type3A_352 = arith.extui %lt3A_351 : i1 to i32
        %cond3A_353 = arith.constant 0 : i32
        %cond3A_354 = arith.cmpi ne, %convert_element_type3A_352, %cond3A_353 : i32
        scf.if %cond3A_354 {
          %ge3A = arith.constant 5 : i32
          %ge3A_355 = arith.cmpi sge, %scan3A_130, %ge3A : i32
          %convert_element_type3A_356 = arith.extui %ge3A_355 : i1 to i32
          %cond3A_357 = arith.constant 0 : i32
          %cond3A_358 = arith.cmpi ne, %convert_element_type3A_356, %cond3A_357 : i32
          scf.if %cond3A_358 {
            %dma_wait3A_371 = arith.constant 0 : i32
            %dma_wait3A_372 = arith.constant 0 : i32
            %dma_wait3A_373 = tpu.memref_slice %arg8[%dma_wait3A_371, %dma_wait3A_372] : memref<314x64xi32, #tpu.memory_space<vmem>> -> memref<1x64xi32, #tpu.memory_space<vmem>>
            %dma_wait3A_374 = tpu.memref_squeeze %dma_wait3A_373 : memref<1x64xi32, #tpu.memory_space<vmem>> -> memref<64xi32, #tpu.memory_space<vmem>>
            %dma_wait3A_375 = arith.constant 0 : i32
            %dma_wait3A_376 = arith.constant 0 : i32
            %dma_wait3A_377 = tpu.memref_slice %arg19[%dma_wait3A_375, %dma_wait3A_376] : memref<10240x64xf32, #tpu.memory_space<vmem_shared>> -> memref<10240x64xf32, #tpu.memory_space<vmem_shared>>
            tpu.wait_indirect_dma semaphore(%arg39 : memref<!tpu.dma_semaphore, #tpu.memory_space<semaphore_mem>>) src(%arg18 : memref<64x64xf32, #tpu.memory_space<vmem>>) dst(%dma_wait3A_377 : memref<10240x64xf32, #tpu.memory_space<vmem_shared>>)
          } else {
          }
          %add3A_359 = arith.constant 5 : i32
          %add3A_360 = arith.addi %scan3A_130, %add3A_359 : i32
          %dma_start3A_361 = arith.constant 0 : i32
          %dma_start3A_362 = tpu.memref_slice %arg7[%add3A_360, %dma_start3A_361] : memref<314x64xi32, #tpu.memory_space<vmem>> -> memref<1x64xi32, #tpu.memory_space<vmem>>
          %dma_start3A_363 = tpu.memref_squeeze %dma_start3A_362 : memref<1x64xi32, #tpu.memory_space<vmem>> -> memref<64xi32, #tpu.memory_space<vmem>>
          %dma_start3A_364 = arith.constant 0 : i32
          %dma_start3A_365 = arith.constant 0 : i32
          %dma_start3A_366 = tpu.memref_slice %arg2[%arg0, %dma_start3A_364, %dma_start3A_365] : memref<2x10000x64xf32, #tpu.memory_space<hbm>> -> memref<1x10000x64xf32, #tpu.memory_space<hbm>>
          %dma_start3A_367 = tpu.memref_squeeze %dma_start3A_366 : memref<1x10000x64xf32, #tpu.memory_space<hbm>> -> memref<10000x64xf32, #tpu.memory_space<hbm>>
          %dma_start3A_368 = arith.constant 0 : i32
          %dma_start3A_369 = arith.constant 0 : i32
          %dma_start3A_370 = tpu.memref_slice %dma_start3A_367[%dma_start3A_368, %dma_start3A_369] : memref<10000x64xf32, #tpu.memory_space<hbm>> -> memref<10000x64xf32, #tpu.memory_space<hbm>>
          tpu.enqueue_indirect_dma source(%dma_start3A_370 : memref<10000x64xf32, #tpu.memory_space<hbm>>) target(%arg18 : memref<64x64xf32, #tpu.memory_space<vmem>>) offsets(%dma_start3A_363 : memref<64xi32, #tpu.memory_space<vmem>>) semaphore(%arg29 : memref<!tpu.dma_semaphore, #tpu.memory_space<semaphore_mem>>)
        } else {
        }
      } else {
      }
      %jit3A_226 = arith.constant 10 : i32
      %eq3A_227 = arith.constant 0 : i32
      %eq3A_228 = arith.cmpi eq, %jit3A_226, %eq3A_227 : i32
      %jit3A_229 = arith.constant 1 : i32
      %select_n3A_230 = arith.select %eq3A_228, %jit3A_229, %jit3A_226 : i32
      %rem3A_231 = arith.remsi %scan3A_130, %select_n3A_230 : i32
      %ne3A_232 = arith.constant 0 : i32
      %ne3A_233 = arith.cmpi ne, %rem3A_231, %ne3A_232 : i32
      %lt3A_234 = arith.constant 0 : i32
      %lt3A_235 = arith.cmpi slt, %rem3A_231, %lt3A_234 : i32
      %lt3A_236 = arith.constant 0 : i32
      %lt3A_237 = arith.cmpi slt, %select_n3A_230, %lt3A_236 : i32
      %ne3A_238 = arith.xori %lt3A_235, %lt3A_237 : i1
      %and3A_239 = arith.andi %ne3A_238, %ne3A_233 : i1
      %add3A_240 = arith.addi %rem3A_231, %select_n3A_230 : i32
      %select_n3A_241 = arith.select %and3A_239, %add3A_240, %rem3A_231 : i32
      %eq3A_242 = arith.constant 5 : i32
      %eq3A_243 = arith.cmpi eq, %select_n3A_241, %eq3A_242 : i32
      %convert_element_type3A_244 = arith.extui %eq3A_243 : i1 to i32
      %cond3A_245 = arith.constant 0 : i32
      %cond3A_246 = arith.cmpi ne, %convert_element_type3A_244, %cond3A_245 : i32
      scf.if %cond3A_246 {
        %dma_wait3A_331 = arith.constant 0 : i32
        %dma_wait3A_332 = arith.constant 0 : i32
        %dma_wait3A_333 = tpu.memref_slice %arg7[%dma_wait3A_331, %dma_wait3A_332] : memref<314x64xi32, #tpu.memory_space<vmem>> -> memref<1x64xi32, #tpu.memory_space<vmem>>
        %dma_wait3A_334 = tpu.memref_squeeze %dma_wait3A_333 : memref<1x64xi32, #tpu.memory_space<vmem>> -> memref<64xi32, #tpu.memory_space<vmem>>
        %dma_wait3A_335 = arith.constant 0 : i32
        %dma_wait3A_336 = arith.constant 0 : i32
        %dma_wait3A_337 = tpu.memref_slice %arg2[%arg0, %dma_wait3A_335, %dma_wait3A_336] : memref<2x10000x64xf32, #tpu.memory_space<hbm>> -> memref<1x10000x64xf32, #tpu.memory_space<hbm>>
        %dma_wait3A_338 = tpu.memref_squeeze %dma_wait3A_337 : memref<1x10000x64xf32, #tpu.memory_space<hbm>> -> memref<10000x64xf32, #tpu.memory_space<hbm>>
        %dma_wait3A_339 = arith.constant 0 : i32
        %dma_wait3A_340 = arith.constant 0 : i32
        %dma_wait3A_341 = tpu.memref_slice %dma_wait3A_338[%dma_wait3A_339, %dma_wait3A_340] : memref<10000x64xf32, #tpu.memory_space<hbm>> -> memref<10000x64xf32, #tpu.memory_space<hbm>>
        tpu.wait_indirect_dma semaphore(%arg25 : memref<!tpu.dma_semaphore, #tpu.memory_space<semaphore_mem>>) src(%dma_wait3A_341 : memref<10000x64xf32, #tpu.memory_space<hbm>>) dst(%arg14 : memref<64x64xf32, #tpu.memory_space<vmem>>)
        %dma_start3A_342 = arith.constant 0 : i32
        %dma_start3A_343 = tpu.memref_slice %arg8[%scan3A_130, %dma_start3A_342] : memref<314x64xi32, #tpu.memory_space<vmem>> -> memref<1x64xi32, #tpu.memory_space<vmem>>
        %dma_start3A_344 = tpu.memref_squeeze %dma_start3A_343 : memref<1x64xi32, #tpu.memory_space<vmem>> -> memref<64xi32, #tpu.memory_space<vmem>>
        %dma_start3A_345 = arith.constant 0 : i32
        %dma_start3A_346 = arith.constant 0 : i32
        %dma_start3A_347 = tpu.memref_slice %arg19[%dma_start3A_345, %dma_start3A_346] : memref<10240x64xf32, #tpu.memory_space<vmem_shared>> -> memref<10240x64xf32, #tpu.memory_space<vmem_shared>>
        tpu.enqueue_indirect_dma source(%arg14 : memref<64x64xf32, #tpu.memory_space<vmem>>) target(%dma_start3A_347 : memref<10240x64xf32, #tpu.memory_space<vmem_shared>>) offsets(%dma_start3A_344 : memref<64xi32, #tpu.memory_space<vmem>>) semaphore(%arg35 : memref<!tpu.dma_semaphore, #tpu.memory_space<semaphore_mem>>) {add = true}
        %add3A_348 = arith.constant 5 : i32
        %add3A_349 = arith.addi %scan3A_130, %add3A_348 : i32
        %lt3A_350 = arith.constant 314 : i32
        %lt3A_351 = arith.cmpi slt, %add3A_349, %lt3A_350 : i32
        %convert_element_type3A_352 = arith.extui %lt3A_351 : i1 to i32
        %cond3A_353 = arith.constant 0 : i32
        %cond3A_354 = arith.cmpi ne, %convert_element_type3A_352, %cond3A_353 : i32
        scf.if %cond3A_354 {
          %ge3A = arith.constant 5 : i32
          %ge3A_355 = arith.cmpi sge, %scan3A_130, %ge3A : i32
          %convert_element_type3A_356 = arith.extui %ge3A_355 : i1 to i32
          %cond3A_357 = arith.constant 0 : i32
          %cond3A_358 = arith.cmpi ne, %convert_element_type3A_356, %cond3A_357 : i32
          scf.if %cond3A_358 {
            %dma_wait3A_371 = arith.constant 0 : i32
            %dma_wait3A_372 = arith.constant 0 : i32
            %dma_wait3A_373 = tpu.memref_slice %arg8[%dma_wait3A_371, %dma_wait3A_372] : memref<314x64xi32, #tpu.memory_space<vmem>> -> memref<1x64xi32, #tpu.memory_space<vmem>>
            %dma_wait3A_374 = tpu.memref_squeeze %dma_wait3A_373 : memref<1x64xi32, #tpu.memory_space<vmem>> -> memref<64xi32, #tpu.memory_space<vmem>>
            %dma_wait3A_375 = arith.constant 0 : i32
            %dma_wait3A_376 = arith.constant 0 : i32
            %dma_wait3A_377 = tpu.memref_slice %arg19[%dma_wait3A_375, %dma_wait3A_376] : memref<10240x64xf32, #tpu.memory_space<vmem_shared>> -> memref<10240x64xf32, #tpu.memory_space<vmem_shared>>
            tpu.wait_indirect_dma semaphore(%arg30 : memref<!tpu.dma_semaphore, #tpu.memory_space<semaphore_mem>>) src(%arg9 : memref<64x64xf32, #tpu.memory_space<vmem>>) dst(%dma_wait3A_377 : memref<10240x64xf32, #tpu.memory_space<vmem_shared>>)
          } else {
          }
          %add3A_359 = arith.constant 5 : i32
          %add3A_360 = arith.addi %scan3A_130, %add3A_359 : i32
          %dma_start3A_361 = arith.constant 0 : i32
          %dma_start3A_362 = tpu.memref_slice %arg7[%add3A_360, %dma_start3A_361] : memref<314x64xi32, #tpu.memory_space<vmem>> -> memref<1x64xi32, #tpu.memory_space<vmem>>
          %dma_start3A_363 = tpu.memref_squeeze %dma_start3A_362 : memref<1x64xi32, #tpu.memory_space<vmem>> -> memref<64xi32, #tpu.memory_space<vmem>>
          %dma_start3A_364 = arith.constant 0 : i32
          %dma_start3A_365 = arith.constant 0 : i32
          %dma_start3A_366 = tpu.memref_slice %arg2[%arg0, %dma_start3A_364, %dma_start3A_365] : memref<2x10000x64xf32, #tpu.memory_space<hbm>> -> memref<1x10000x64xf32, #tpu.memory_space<hbm>>
          %dma_start3A_367 = tpu.memref_squeeze %dma_start3A_366 : memref<1x10000x64xf32, #tpu.memory_space<hbm>> -> memref<10000x64xf32, #tpu.memory_space<hbm>>
          %dma_start3A_368 = arith.constant 0 : i32
          %dma_start3A_369 = arith.constant 0 : i32
          %dma_start3A_370 = tpu.memref_slice %dma_start3A_367[%dma_start3A_368, %dma_start3A_369] : memref<10000x64xf32, #tpu.memory_space<hbm>> -> memref<10000x64xf32, #tpu.memory_space<hbm>>
          tpu.enqueue_indirect_dma source(%dma_start3A_370 : memref<10000x64xf32, #tpu.memory_space<hbm>>) target(%arg9 : memref<64x64xf32, #tpu.memory_space<vmem>>) offsets(%dma_start3A_363 : memref<64xi32, #tpu.memory_space<vmem>>) semaphore(%arg20 : memref<!tpu.dma_semaphore, #tpu.memory_space<semaphore_mem>>)
        } else {
        }
      } else {
      }
      %jit3A_247 = arith.constant 10 : i32
      %eq3A_248 = arith.constant 0 : i32
      %eq3A_249 = arith.cmpi eq, %jit3A_247, %eq3A_248 : i32
      %jit3A_250 = arith.constant 1 : i32
      %select_n3A_251 = arith.select %eq3A_249, %jit3A_250, %jit3A_247 : i32
      %rem3A_252 = arith.remsi %scan3A_130, %select_n3A_251 : i32
      %ne3A_253 = arith.constant 0 : i32
      %ne3A_254 = arith.cmpi ne, %rem3A_252, %ne3A_253 : i32
      %lt3A_255 = arith.constant 0 : i32
      %lt3A_256 = arith.cmpi slt, %rem3A_252, %lt3A_255 : i32
      %lt3A_257 = arith.constant 0 : i32
      %lt3A_258 = arith.cmpi slt, %select_n3A_251, %lt3A_257 : i32
      %ne3A_259 = arith.xori %lt3A_256, %lt3A_258 : i1
      %and3A_260 = arith.andi %ne3A_259, %ne3A_254 : i1
      %add3A_261 = arith.addi %rem3A_252, %select_n3A_251 : i32
      %select_n3A_262 = arith.select %and3A_260, %add3A_261, %rem3A_252 : i32
      %eq3A_263 = arith.constant 6 : i32
      %eq3A_264 = arith.cmpi eq, %select_n3A_262, %eq3A_263 : i32
      %convert_element_type3A_265 = arith.extui %eq3A_264 : i1 to i32
      %cond3A_266 = arith.constant 0 : i32
      %cond3A_267 = arith.cmpi ne, %convert_element_type3A_265, %cond3A_266 : i32
      scf.if %cond3A_267 {
        %dma_wait3A_331 = arith.constant 0 : i32
        %dma_wait3A_332 = arith.constant 0 : i32
        %dma_wait3A_333 = tpu.memref_slice %arg7[%dma_wait3A_331, %dma_wait3A_332] : memref<314x64xi32, #tpu.memory_space<vmem>> -> memref<1x64xi32, #tpu.memory_space<vmem>>
        %dma_wait3A_334 = tpu.memref_squeeze %dma_wait3A_333 : memref<1x64xi32, #tpu.memory_space<vmem>> -> memref<64xi32, #tpu.memory_space<vmem>>
        %dma_wait3A_335 = arith.constant 0 : i32
        %dma_wait3A_336 = arith.constant 0 : i32
        %dma_wait3A_337 = tpu.memref_slice %arg2[%arg0, %dma_wait3A_335, %dma_wait3A_336] : memref<2x10000x64xf32, #tpu.memory_space<hbm>> -> memref<1x10000x64xf32, #tpu.memory_space<hbm>>
        %dma_wait3A_338 = tpu.memref_squeeze %dma_wait3A_337 : memref<1x10000x64xf32, #tpu.memory_space<hbm>> -> memref<10000x64xf32, #tpu.memory_space<hbm>>
        %dma_wait3A_339 = arith.constant 0 : i32
        %dma_wait3A_340 = arith.constant 0 : i32
        %dma_wait3A_341 = tpu.memref_slice %dma_wait3A_338[%dma_wait3A_339, %dma_wait3A_340] : memref<10000x64xf32, #tpu.memory_space<hbm>> -> memref<10000x64xf32, #tpu.memory_space<hbm>>
        tpu.wait_indirect_dma semaphore(%arg26 : memref<!tpu.dma_semaphore, #tpu.memory_space<semaphore_mem>>) src(%dma_wait3A_341 : memref<10000x64xf32, #tpu.memory_space<hbm>>) dst(%arg15 : memref<64x64xf32, #tpu.memory_space<vmem>>)
        %dma_start3A_342 = arith.constant 0 : i32
        %dma_start3A_343 = tpu.memref_slice %arg8[%scan3A_130, %dma_start3A_342] : memref<314x64xi32, #tpu.memory_space<vmem>> -> memref<1x64xi32, #tpu.memory_space<vmem>>
        %dma_start3A_344 = tpu.memref_squeeze %dma_start3A_343 : memref<1x64xi32, #tpu.memory_space<vmem>> -> memref<64xi32, #tpu.memory_space<vmem>>
        %dma_start3A_345 = arith.constant 0 : i32
        %dma_start3A_346 = arith.constant 0 : i32
        %dma_start3A_347 = tpu.memref_slice %arg19[%dma_start3A_345, %dma_start3A_346] : memref<10240x64xf32, #tpu.memory_space<vmem_shared>> -> memref<10240x64xf32, #tpu.memory_space<vmem_shared>>
        tpu.enqueue_indirect_dma source(%arg15 : memref<64x64xf32, #tpu.memory_space<vmem>>) target(%dma_start3A_347 : memref<10240x64xf32, #tpu.memory_space<vmem_shared>>) offsets(%dma_start3A_344 : memref<64xi32, #tpu.memory_space<vmem>>) semaphore(%arg36 : memref<!tpu.dma_semaphore, #tpu.memory_space<semaphore_mem>>) {add = true}
        %add3A_348 = arith.constant 5 : i32
        %add3A_349 = arith.addi %scan3A_130, %add3A_348 : i32
        %lt3A_350 = arith.constant 314 : i32
        %lt3A_351 = arith.cmpi slt, %add3A_349, %lt3A_350 : i32
        %convert_element_type3A_352 = arith.extui %lt3A_351 : i1 to i32
        %cond3A_353 = arith.constant 0 : i32
        %cond3A_354 = arith.cmpi ne, %convert_element_type3A_352, %cond3A_353 : i32
        scf.if %cond3A_354 {
          %ge3A = arith.constant 5 : i32
          %ge3A_355 = arith.cmpi sge, %scan3A_130, %ge3A : i32
          %convert_element_type3A_356 = arith.extui %ge3A_355 : i1 to i32
          %cond3A_357 = arith.constant 0 : i32
          %cond3A_358 = arith.cmpi ne, %convert_element_type3A_356, %cond3A_357 : i32
          scf.if %cond3A_358 {
            %dma_wait3A_371 = arith.constant 0 : i32
            %dma_wait3A_372 = arith.constant 0 : i32
            %dma_wait3A_373 = tpu.memref_slice %arg8[%dma_wait3A_371, %dma_wait3A_372] : memref<314x64xi32, #tpu.memory_space<vmem>> -> memref<1x64xi32, #tpu.memory_space<vmem>>
            %dma_wait3A_374 = tpu.memref_squeeze %dma_wait3A_373 : memref<1x64xi32, #tpu.memory_space<vmem>> -> memref<64xi32, #tpu.memory_space<vmem>>
            %dma_wait3A_375 = arith.constant 0 : i32
            %dma_wait3A_376 = arith.constant 0 : i32
            %dma_wait3A_377 = tpu.memref_slice %arg19[%dma_wait3A_375, %dma_wait3A_376] : memref<10240x64xf32, #tpu.memory_space<vmem_shared>> -> memref<10240x64xf32, #tpu.memory_space<vmem_shared>>
            tpu.wait_indirect_dma semaphore(%arg31 : memref<!tpu.dma_semaphore, #tpu.memory_space<semaphore_mem>>) src(%arg10 : memref<64x64xf32, #tpu.memory_space<vmem>>) dst(%dma_wait3A_377 : memref<10240x64xf32, #tpu.memory_space<vmem_shared>>)
          } else {
          }
          %add3A_359 = arith.constant 5 : i32
          %add3A_360 = arith.addi %scan3A_130, %add3A_359 : i32
          %dma_start3A_361 = arith.constant 0 : i32
          %dma_start3A_362 = tpu.memref_slice %arg7[%add3A_360, %dma_start3A_361] : memref<314x64xi32, #tpu.memory_space<vmem>> -> memref<1x64xi32, #tpu.memory_space<vmem>>
          %dma_start3A_363 = tpu.memref_squeeze %dma_start3A_362 : memref<1x64xi32, #tpu.memory_space<vmem>> -> memref<64xi32, #tpu.memory_space<vmem>>
          %dma_start3A_364 = arith.constant 0 : i32
          %dma_start3A_365 = arith.constant 0 : i32
          %dma_start3A_366 = tpu.memref_slice %arg2[%arg0, %dma_start3A_364, %dma_start3A_365] : memref<2x10000x64xf32, #tpu.memory_space<hbm>> -> memref<1x10000x64xf32, #tpu.memory_space<hbm>>
          %dma_start3A_367 = tpu.memref_squeeze %dma_start3A_366 : memref<1x10000x64xf32, #tpu.memory_space<hbm>> -> memref<10000x64xf32, #tpu.memory_space<hbm>>
          %dma_start3A_368 = arith.constant 0 : i32
          %dma_start3A_369 = arith.constant 0 : i32
          %dma_start3A_370 = tpu.memref_slice %dma_start3A_367[%dma_start3A_368, %dma_start3A_369] : memref<10000x64xf32, #tpu.memory_space<hbm>> -> memref<10000x64xf32, #tpu.memory_space<hbm>>
          tpu.enqueue_indirect_dma source(%dma_start3A_370 : memref<10000x64xf32, #tpu.memory_space<hbm>>) target(%arg10 : memref<64x64xf32, #tpu.memory_space<vmem>>) offsets(%dma_start3A_363 : memref<64xi32, #tpu.memory_space<vmem>>) semaphore(%arg21 : memref<!tpu.dma_semaphore, #tpu.memory_space<semaphore_mem>>)
        } else {
        }
      } else {
      }
      %jit3A_268 = arith.constant 10 : i32
      %eq3A_269 = arith.constant 0 : i32
      %eq3A_270 = arith.cmpi eq, %jit3A_268, %eq3A_269 : i32
      %jit3A_271 = arith.constant 1 : i32
      %select_n3A_272 = arith.select %eq3A_270, %jit3A_271, %jit3A_268 : i32
      %rem3A_273 = arith.remsi %scan3A_130, %select_n3A_272 : i32
      %ne3A_274 = arith.constant 0 : i32
      %ne3A_275 = arith.cmpi ne, %rem3A_273, %ne3A_274 : i32
      %lt3A_276 = arith.constant 0 : i32
      %lt3A_277 = arith.cmpi slt, %rem3A_273, %lt3A_276 : i32
      %lt3A_278 = arith.constant 0 : i32
      %lt3A_279 = arith.cmpi slt, %select_n3A_272, %lt3A_278 : i32
      %ne3A_280 = arith.xori %lt3A_277, %lt3A_279 : i1
      %and3A_281 = arith.andi %ne3A_280, %ne3A_275 : i1
      %add3A_282 = arith.addi %rem3A_273, %select_n3A_272 : i32
      %select_n3A_283 = arith.select %and3A_281, %add3A_282, %rem3A_273 : i32
      %eq3A_284 = arith.constant 7 : i32
      %eq3A_285 = arith.cmpi eq, %select_n3A_283, %eq3A_284 : i32
      %convert_element_type3A_286 = arith.extui %eq3A_285 : i1 to i32
      %cond3A_287 = arith.constant 0 : i32
      %cond3A_288 = arith.cmpi ne, %convert_element_type3A_286, %cond3A_287 : i32
      scf.if %cond3A_288 {
        %dma_wait3A_331 = arith.constant 0 : i32
        %dma_wait3A_332 = arith.constant 0 : i32
        %dma_wait3A_333 = tpu.memref_slice %arg7[%dma_wait3A_331, %dma_wait3A_332] : memref<314x64xi32, #tpu.memory_space<vmem>> -> memref<1x64xi32, #tpu.memory_space<vmem>>
        %dma_wait3A_334 = tpu.memref_squeeze %dma_wait3A_333 : memref<1x64xi32, #tpu.memory_space<vmem>> -> memref<64xi32, #tpu.memory_space<vmem>>
        %dma_wait3A_335 = arith.constant 0 : i32
        %dma_wait3A_336 = arith.constant 0 : i32
        %dma_wait3A_337 = tpu.memref_slice %arg2[%arg0, %dma_wait3A_335, %dma_wait3A_336] : memref<2x10000x64xf32, #tpu.memory_space<hbm>> -> memref<1x10000x64xf32, #tpu.memory_space<hbm>>
        %dma_wait3A_338 = tpu.memref_squeeze %dma_wait3A_337 : memref<1x10000x64xf32, #tpu.memory_space<hbm>> -> memref<10000x64xf32, #tpu.memory_space<hbm>>
        %dma_wait3A_339 = arith.constant 0 : i32
        %dma_wait3A_340 = arith.constant 0 : i32
        %dma_wait3A_341 = tpu.memref_slice %dma_wait3A_338[%dma_wait3A_339, %dma_wait3A_340] : memref<10000x64xf32, #tpu.memory_space<hbm>> -> memref<10000x64xf32, #tpu.memory_space<hbm>>
        tpu.wait_indirect_dma semaphore(%arg27 : memref<!tpu.dma_semaphore, #tpu.memory_space<semaphore_mem>>) src(%dma_wait3A_341 : memref<10000x64xf32, #tpu.memory_space<hbm>>) dst(%arg16 : memref<64x64xf32, #tpu.memory_space<vmem>>)
        %dma_start3A_342 = arith.constant 0 : i32
        %dma_start3A_343 = tpu.memref_slice %arg8[%scan3A_130, %dma_start3A_342] : memref<314x64xi32, #tpu.memory_space<vmem>> -> memref<1x64xi32, #tpu.memory_space<vmem>>
        %dma_start3A_344 = tpu.memref_squeeze %dma_start3A_343 : memref<1x64xi32, #tpu.memory_space<vmem>> -> memref<64xi32, #tpu.memory_space<vmem>>
        %dma_start3A_345 = arith.constant 0 : i32
        %dma_start3A_346 = arith.constant 0 : i32
        %dma_start3A_347 = tpu.memref_slice %arg19[%dma_start3A_345, %dma_start3A_346] : memref<10240x64xf32, #tpu.memory_space<vmem_shared>> -> memref<10240x64xf32, #tpu.memory_space<vmem_shared>>
        tpu.enqueue_indirect_dma source(%arg16 : memref<64x64xf32, #tpu.memory_space<vmem>>) target(%dma_start3A_347 : memref<10240x64xf32, #tpu.memory_space<vmem_shared>>) offsets(%dma_start3A_344 : memref<64xi32, #tpu.memory_space<vmem>>) semaphore(%arg37 : memref<!tpu.dma_semaphore, #tpu.memory_space<semaphore_mem>>) {add = true}
        %add3A_348 = arith.constant 5 : i32
        %add3A_349 = arith.addi %scan3A_130, %add3A_348 : i32
        %lt3A_350 = arith.constant 314 : i32
        %lt3A_351 = arith.cmpi slt, %add3A_349, %lt3A_350 : i32
        %convert_element_type3A_352 = arith.extui %lt3A_351 : i1 to i32
        %cond3A_353 = arith.constant 0 : i32
        %cond3A_354 = arith.cmpi ne, %convert_element_type3A_352, %cond3A_353 : i32
        scf.if %cond3A_354 {
          %ge3A = arith.constant 5 : i32
          %ge3A_355 = arith.cmpi sge, %scan3A_130, %ge3A : i32
          %convert_element_type3A_356 = arith.extui %ge3A_355 : i1 to i32
          %cond3A_357 = arith.constant 0 : i32
          %cond3A_358 = arith.cmpi ne, %convert_element_type3A_356, %cond3A_357 : i32
          scf.if %cond3A_358 {
            %dma_wait3A_371 = arith.constant 0 : i32
            %dma_wait3A_372 = arith.constant 0 : i32
            %dma_wait3A_373 = tpu.memref_slice %arg8[%dma_wait3A_371, %dma_wait3A_372] : memref<314x64xi32, #tpu.memory_space<vmem>> -> memref<1x64xi32, #tpu.memory_space<vmem>>
            %dma_wait3A_374 = tpu.memref_squeeze %dma_wait3A_373 : memref<1x64xi32, #tpu.memory_space<vmem>> -> memref<64xi32, #tpu.memory_space<vmem>>
            %dma_wait3A_375 = arith.constant 0 : i32
            %dma_wait3A_376 = arith.constant 0 : i32
            %dma_wait3A_377 = tpu.memref_slice %arg19[%dma_wait3A_375, %dma_wait3A_376] : memref<10240x64xf32, #tpu.memory_space<vmem_shared>> -> memref<10240x64xf32, #tpu.memory_space<vmem_shared>>
            tpu.wait_indirect_dma semaphore(%arg32 : memref<!tpu.dma_semaphore, #tpu.memory_space<semaphore_mem>>) src(%arg11 : memref<64x64xf32, #tpu.memory_space<vmem>>) dst(%dma_wait3A_377 : memref<10240x64xf32, #tpu.memory_space<vmem_shared>>)
          } else {
          }
          %add3A_359 = arith.constant 5 : i32
          %add3A_360 = arith.addi %scan3A_130, %add3A_359 : i32
          %dma_start3A_361 = arith.constant 0 : i32
          %dma_start3A_362 = tpu.memref_slice %arg7[%add3A_360, %dma_start3A_361] : memref<314x64xi32, #tpu.memory_space<vmem>> -> memref<1x64xi32, #tpu.memory_space<vmem>>
          %dma_start3A_363 = tpu.memref_squeeze %dma_start3A_362 : memref<1x64xi32, #tpu.memory_space<vmem>> -> memref<64xi32, #tpu.memory_space<vmem>>
          %dma_start3A_364 = arith.constant 0 : i32
          %dma_start3A_365 = arith.constant 0 : i32
          %dma_start3A_366 = tpu.memref_slice %arg2[%arg0, %dma_start3A_364, %dma_start3A_365] : memref<2x10000x64xf32, #tpu.memory_space<hbm>> -> memref<1x10000x64xf32, #tpu.memory_space<hbm>>
          %dma_start3A_367 = tpu.memref_squeeze %dma_start3A_366 : memref<1x10000x64xf32, #tpu.memory_space<hbm>> -> memref<10000x64xf32, #tpu.memory_space<hbm>>
          %dma_start3A_368 = arith.constant 0 : i32
          %dma_start3A_369 = arith.constant 0 : i32
          %dma_start3A_370 = tpu.memref_slice %dma_start3A_367[%dma_start3A_368, %dma_start3A_369] : memref<10000x64xf32, #tpu.memory_space<hbm>> -> memref<10000x64xf32, #tpu.memory_space<hbm>>
          tpu.enqueue_indirect_dma source(%dma_start3A_370 : memref<10000x64xf32, #tpu.memory_space<hbm>>) target(%arg11 : memref<64x64xf32, #tpu.memory_space<vmem>>) offsets(%dma_start3A_363 : memref<64xi32, #tpu.memory_space<vmem>>) semaphore(%arg22 : memref<!tpu.dma_semaphore, #tpu.memory_space<semaphore_mem>>)
        } else {
        }
      } else {
      }
      %jit3A_289 = arith.constant 10 : i32
      %eq3A_290 = arith.constant 0 : i32
      %eq3A_291 = arith.cmpi eq, %jit3A_289, %eq3A_290 : i32
      %jit3A_292 = arith.constant 1 : i32
      %select_n3A_293 = arith.select %eq3A_291, %jit3A_292, %jit3A_289 : i32
      %rem3A_294 = arith.remsi %scan3A_130, %select_n3A_293 : i32
      %ne3A_295 = arith.constant 0 : i32
      %ne3A_296 = arith.cmpi ne, %rem3A_294, %ne3A_295 : i32
      %lt3A_297 = arith.constant 0 : i32
      %lt3A_298 = arith.cmpi slt, %rem3A_294, %lt3A_297 : i32
      %lt3A_299 = arith.constant 0 : i32
      %lt3A_300 = arith.cmpi slt, %select_n3A_293, %lt3A_299 : i32
      %ne3A_301 = arith.xori %lt3A_298, %lt3A_300 : i1
      %and3A_302 = arith.andi %ne3A_301, %ne3A_296 : i1
      %add3A_303 = arith.addi %rem3A_294, %select_n3A_293 : i32
      %select_n3A_304 = arith.select %and3A_302, %add3A_303, %rem3A_294 : i32
      %eq3A_305 = arith.constant 8 : i32
      %eq3A_306 = arith.cmpi eq, %select_n3A_304, %eq3A_305 : i32
      %convert_element_type3A_307 = arith.extui %eq3A_306 : i1 to i32
      %cond3A_308 = arith.constant 0 : i32
      %cond3A_309 = arith.cmpi ne, %convert_element_type3A_307, %cond3A_308 : i32
      scf.if %cond3A_309 {
        %dma_wait3A_331 = arith.constant 0 : i32
        %dma_wait3A_332 = arith.constant 0 : i32
        %dma_wait3A_333 = tpu.memref_slice %arg7[%dma_wait3A_331, %dma_wait3A_332] : memref<314x64xi32, #tpu.memory_space<vmem>> -> memref<1x64xi32, #tpu.memory_space<vmem>>
        %dma_wait3A_334 = tpu.memref_squeeze %dma_wait3A_333 : memref<1x64xi32, #tpu.memory_space<vmem>> -> memref<64xi32, #tpu.memory_space<vmem>>
        %dma_wait3A_335 = arith.constant 0 : i32
        %dma_wait3A_336 = arith.constant 0 : i32
        %dma_wait3A_337 = tpu.memref_slice %arg2[%arg0, %dma_wait3A_335, %dma_wait3A_336] : memref<2x10000x64xf32, #tpu.memory_space<hbm>> -> memref<1x10000x64xf32, #tpu.memory_space<hbm>>
        %dma_wait3A_338 = tpu.memref_squeeze %dma_wait3A_337 : memref<1x10000x64xf32, #tpu.memory_space<hbm>> -> memref<10000x64xf32, #tpu.memory_space<hbm>>
        %dma_wait3A_339 = arith.constant 0 : i32
        %dma_wait3A_340 = arith.constant 0 : i32
        %dma_wait3A_341 = tpu.memref_slice %dma_wait3A_338[%dma_wait3A_339, %dma_wait3A_340] : memref<10000x64xf32, #tpu.memory_space<hbm>> -> memref<10000x64xf32, #tpu.memory_space<hbm>>
        tpu.wait_indirect_dma semaphore(%arg28 : memref<!tpu.dma_semaphore, #tpu.memory_space<semaphore_mem>>) src(%dma_wait3A_341 : memref<10000x64xf32, #tpu.memory_space<hbm>>) dst(%arg17 : memref<64x64xf32, #tpu.memory_space<vmem>>)
        %dma_start3A_342 = arith.constant 0 : i32
        %dma_start3A_343 = tpu.memref_slice %arg8[%scan3A_130, %dma_start3A_342] : memref<314x64xi32, #tpu.memory_space<vmem>> -> memref<1x64xi32, #tpu.memory_space<vmem>>
        %dma_start3A_344 = tpu.memref_squeeze %dma_start3A_343 : memref<1x64xi32, #tpu.memory_space<vmem>> -> memref<64xi32, #tpu.memory_space<vmem>>
        %dma_start3A_345 = arith.constant 0 : i32
        %dma_start3A_346 = arith.constant 0 : i32
        %dma_start3A_347 = tpu.memref_slice %arg19[%dma_start3A_345, %dma_start3A_346] : memref<10240x64xf32, #tpu.memory_space<vmem_shared>> -> memref<10240x64xf32, #tpu.memory_space<vmem_shared>>
        tpu.enqueue_indirect_dma source(%arg17 : memref<64x64xf32, #tpu.memory_space<vmem>>) target(%dma_start3A_347 : memref<10240x64xf32, #tpu.memory_space<vmem_shared>>) offsets(%dma_start3A_344 : memref<64xi32, #tpu.memory_space<vmem>>) semaphore(%arg38 : memref<!tpu.dma_semaphore, #tpu.memory_space<semaphore_mem>>) {add = true}
        %add3A_348 = arith.constant 5 : i32
        %add3A_349 = arith.addi %scan3A_130, %add3A_348 : i32
        %lt3A_350 = arith.constant 314 : i32
        %lt3A_351 = arith.cmpi slt, %add3A_349, %lt3A_350 : i32
        %convert_element_type3A_352 = arith.extui %lt3A_351 : i1 to i32
        %cond3A_353 = arith.constant 0 : i32
        %cond3A_354 = arith.cmpi ne, %convert_element_type3A_352, %cond3A_353 : i32
        scf.if %cond3A_354 {
          %ge3A = arith.constant 5 : i32
          %ge3A_355 = arith.cmpi sge, %scan3A_130, %ge3A : i32
          %convert_element_type3A_356 = arith.extui %ge3A_355 : i1 to i32
          %cond3A_357 = arith.constant 0 : i32
          %cond3A_358 = arith.cmpi ne, %convert_element_type3A_356, %cond3A_357 : i32
          scf.if %cond3A_358 {
            %dma_wait3A_371 = arith.constant 0 : i32
            %dma_wait3A_372 = arith.constant 0 : i32
            %dma_wait3A_373 = tpu.memref_slice %arg8[%dma_wait3A_371, %dma_wait3A_372] : memref<314x64xi32, #tpu.memory_space<vmem>> -> memref<1x64xi32, #tpu.memory_space<vmem>>
            %dma_wait3A_374 = tpu.memref_squeeze %dma_wait3A_373 : memref<1x64xi32, #tpu.memory_space<vmem>> -> memref<64xi32, #tpu.memory_space<vmem>>
            %dma_wait3A_375 = arith.constant 0 : i32
            %dma_wait3A_376 = arith.constant 0 : i32
            %dma_wait3A_377 = tpu.memref_slice %arg19[%dma_wait3A_375, %dma_wait3A_376] : memref<10240x64xf32, #tpu.memory_space<vmem_shared>> -> memref<10240x64xf32, #tpu.memory_space<vmem_shared>>
            tpu.wait_indirect_dma semaphore(%arg33 : memref<!tpu.dma_semaphore, #tpu.memory_space<semaphore_mem>>) src(%arg12 : memref<64x64xf32, #tpu.memory_space<vmem>>) dst(%dma_wait3A_377 : memref<10240x64xf32, #tpu.memory_space<vmem_shared>>)
          } else {
          }
          %add3A_359 = arith.constant 5 : i32
          %add3A_360 = arith.addi %scan3A_130, %add3A_359 : i32
          %dma_start3A_361 = arith.constant 0 : i32
          %dma_start3A_362 = tpu.memref_slice %arg7[%add3A_360, %dma_start3A_361] : memref<314x64xi32, #tpu.memory_space<vmem>> -> memref<1x64xi32, #tpu.memory_space<vmem>>
          %dma_start3A_363 = tpu.memref_squeeze %dma_start3A_362 : memref<1x64xi32, #tpu.memory_space<vmem>> -> memref<64xi32, #tpu.memory_space<vmem>>
          %dma_start3A_364 = arith.constant 0 : i32
          %dma_start3A_365 = arith.constant 0 : i32
          %dma_start3A_366 = tpu.memref_slice %arg2[%arg0, %dma_start3A_364, %dma_start3A_365] : memref<2x10000x64xf32, #tpu.memory_space<hbm>> -> memref<1x10000x64xf32, #tpu.memory_space<hbm>>
          %dma_start3A_367 = tpu.memref_squeeze %dma_start3A_366 : memref<1x10000x64xf32, #tpu.memory_space<hbm>> -> memref<10000x64xf32, #tpu.memory_space<hbm>>
          %dma_start3A_368 = arith.constant 0 : i32
          %dma_start3A_369 = arith.constant 0 : i32
          %dma_start3A_370 = tpu.memref_slice %dma_start3A_367[%dma_start3A_368, %dma_start3A_369] : memref<10000x64xf32, #tpu.memory_space<hbm>> -> memref<10000x64xf32, #tpu.memory_space<hbm>>
          tpu.enqueue_indirect_dma source(%dma_start3A_370 : memref<10000x64xf32, #tpu.memory_space<hbm>>) target(%arg12 : memref<64x64xf32, #tpu.memory_space<vmem>>) offsets(%dma_start3A_363 : memref<64xi32, #tpu.memory_space<vmem>>) semaphore(%arg23 : memref<!tpu.dma_semaphore, #tpu.memory_space<semaphore_mem>>)
        } else {
        }
      } else {
      }
      %jit3A_310 = arith.constant 10 : i32
      %eq3A_311 = arith.constant 0 : i32
      %eq3A_312 = arith.cmpi eq, %jit3A_310, %eq3A_311 : i32
      %jit3A_313 = arith.constant 1 : i32
      %select_n3A_314 = arith.select %eq3A_312, %jit3A_313, %jit3A_310 : i32
      %rem3A_315 = arith.remsi %scan3A_130, %select_n3A_314 : i32
      %ne3A_316 = arith.constant 0 : i32
      %ne3A_317 = arith.cmpi ne, %rem3A_315, %ne3A_316 : i32
      %lt3A_318 = arith.constant 0 : i32
      %lt3A_319 = arith.cmpi slt, %rem3A_315, %lt3A_318 : i32
      %lt3A_320 = arith.constant 0 : i32
      %lt3A_321 = arith.cmpi slt, %select_n3A_314, %lt3A_320 : i32
      %ne3A_322 = arith.xori %lt3A_319, %lt3A_321 : i1
      %and3A_323 = arith.andi %ne3A_322, %ne3A_317 : i1
      %add3A_324 = arith.addi %rem3A_315, %select_n3A_314 : i32
      %select_n3A_325 = arith.select %and3A_323, %add3A_324, %rem3A_315 : i32
      %eq3A_326 = arith.constant 9 : i32
      %eq3A_327 = arith.cmpi eq, %select_n3A_325, %eq3A_326 : i32
      %convert_element_type3A_328 = arith.extui %eq3A_327 : i1 to i32
      %cond3A_329 = arith.constant 0 : i32
      %cond3A_330 = arith.cmpi ne, %convert_element_type3A_328, %cond3A_329 : i32
      scf.if %cond3A_330 {
        %dma_wait3A_331 = arith.constant 0 : i32
        %dma_wait3A_332 = arith.constant 0 : i32
        %dma_wait3A_333 = tpu.memref_slice %arg7[%dma_wait3A_331, %dma_wait3A_332] : memref<314x64xi32, #tpu.memory_space<vmem>> -> memref<1x64xi32, #tpu.memory_space<vmem>>
        %dma_wait3A_334 = tpu.memref_squeeze %dma_wait3A_333 : memref<1x64xi32, #tpu.memory_space<vmem>> -> memref<64xi32, #tpu.memory_space<vmem>>
        %dma_wait3A_335 = arith.constant 0 : i32
        %dma_wait3A_336 = arith.constant 0 : i32
        %dma_wait3A_337 = tpu.memref_slice %arg2[%arg0, %dma_wait3A_335, %dma_wait3A_336] : memref<2x10000x64xf32, #tpu.memory_space<hbm>> -> memref<1x10000x64xf32, #tpu.memory_space<hbm>>
        %dma_wait3A_338 = tpu.memref_squeeze %dma_wait3A_337 : memref<1x10000x64xf32, #tpu.memory_space<hbm>> -> memref<10000x64xf32, #tpu.memory_space<hbm>>
        %dma_wait3A_339 = arith.constant 0 : i32
        %dma_wait3A_340 = arith.constant 0 : i32
        %dma_wait3A_341 = tpu.memref_slice %dma_wait3A_338[%dma_wait3A_339, %dma_wait3A_340] : memref<10000x64xf32, #tpu.memory_space<hbm>> -> memref<10000x64xf32, #tpu.memory_space<hbm>>
        tpu.wait_indirect_dma semaphore(%arg29 : memref<!tpu.dma_semaphore, #tpu.memory_space<semaphore_mem>>) src(%dma_wait3A_341 : memref<10000x64xf32, #tpu.memory_space<hbm>>) dst(%arg18 : memref<64x64xf32, #tpu.memory_space<vmem>>)
        %dma_start3A_342 = arith.constant 0 : i32
        %dma_start3A_343 = tpu.memref_slice %arg8[%scan3A_130, %dma_start3A_342] : memref<314x64xi32, #tpu.memory_space<vmem>> -> memref<1x64xi32, #tpu.memory_space<vmem>>
        %dma_start3A_344 = tpu.memref_squeeze %dma_start3A_343 : memref<1x64xi32, #tpu.memory_space<vmem>> -> memref<64xi32, #tpu.memory_space<vmem>>
        %dma_start3A_345 = arith.constant 0 : i32
        %dma_start3A_346 = arith.constant 0 : i32
        %dma_start3A_347 = tpu.memref_slice %arg19[%dma_start3A_345, %dma_start3A_346] : memref<10240x64xf32, #tpu.memory_space<vmem_shared>> -> memref<10240x64xf32, #tpu.memory_space<vmem_shared>>
        tpu.enqueue_indirect_dma source(%arg18 : memref<64x64xf32, #tpu.memory_space<vmem>>) target(%dma_start3A_347 : memref<10240x64xf32, #tpu.memory_space<vmem_shared>>) offsets(%dma_start3A_344 : memref<64xi32, #tpu.memory_space<vmem>>) semaphore(%arg39 : memref<!tpu.dma_semaphore, #tpu.memory_space<semaphore_mem>>) {add = true}
        %add3A_348 = arith.constant 5 : i32
        %add3A_349 = arith.addi %scan3A_130, %add3A_348 : i32
        %lt3A_350 = arith.constant 314 : i32
        %lt3A_351 = arith.cmpi slt, %add3A_349, %lt3A_350 : i32
        %convert_element_type3A_352 = arith.extui %lt3A_351 : i1 to i32
        %cond3A_353 = arith.constant 0 : i32
        %cond3A_354 = arith.cmpi ne, %convert_element_type3A_352, %cond3A_353 : i32
        scf.if %cond3A_354 {
          %ge3A = arith.constant 5 : i32
          %ge3A_355 = arith.cmpi sge, %scan3A_130, %ge3A : i32
          %convert_element_type3A_356 = arith.extui %ge3A_355 : i1 to i32
          %cond3A_357 = arith.constant 0 : i32
          %cond3A_358 = arith.cmpi ne, %convert_element_type3A_356, %cond3A_357 : i32
          scf.if %cond3A_358 {
            %dma_wait3A_371 = arith.constant 0 : i32
            %dma_wait3A_372 = arith.constant 0 : i32
            %dma_wait3A_373 = tpu.memref_slice %arg8[%dma_wait3A_371, %dma_wait3A_372] : memref<314x64xi32, #tpu.memory_space<vmem>> -> memref<1x64xi32, #tpu.memory_space<vmem>>
            %dma_wait3A_374 = tpu.memref_squeeze %dma_wait3A_373 : memref<1x64xi32, #tpu.memory_space<vmem>> -> memref<64xi32, #tpu.memory_space<vmem>>
            %dma_wait3A_375 = arith.constant 0 : i32
            %dma_wait3A_376 = arith.constant 0 : i32
            %dma_wait3A_377 = tpu.memref_slice %arg19[%dma_wait3A_375, %dma_wait3A_376] : memref<10240x64xf32, #tpu.memory_space<vmem_shared>> -> memref<10240x64xf32, #tpu.memory_space<vmem_shared>>
            tpu.wait_indirect_dma semaphore(%arg34 : memref<!tpu.dma_semaphore, #tpu.memory_space<semaphore_mem>>) src(%arg13 : memref<64x64xf32, #tpu.memory_space<vmem>>) dst(%dma_wait3A_377 : memref<10240x64xf32, #tpu.memory_space<vmem_shared>>)
          } else {
          }
          %add3A_359 = arith.constant 5 : i32
          %add3A_360 = arith.addi %scan3A_130, %add3A_359 : i32
          %dma_start3A_361 = arith.constant 0 : i32
          %dma_start3A_362 = tpu.memref_slice %arg7[%add3A_360, %dma_start3A_361] : memref<314x64xi32, #tpu.memory_space<vmem>> -> memref<1x64xi32, #tpu.memory_space<vmem>>
          %dma_start3A_363 = tpu.memref_squeeze %dma_start3A_362 : memref<1x64xi32, #tpu.memory_space<vmem>> -> memref<64xi32, #tpu.memory_space<vmem>>
          %dma_start3A_364 = arith.constant 0 : i32
          %dma_start3A_365 = arith.constant 0 : i32
          %dma_start3A_366 = tpu.memref_slice %arg2[%arg0, %dma_start3A_364, %dma_start3A_365] : memref<2x10000x64xf32, #tpu.memory_space<hbm>> -> memref<1x10000x64xf32, #tpu.memory_space<hbm>>
          %dma_start3A_367 = tpu.memref_squeeze %dma_start3A_366 : memref<1x10000x64xf32, #tpu.memory_space<hbm>> -> memref<10000x64xf32, #tpu.memory_space<hbm>>
          %dma_start3A_368 = arith.constant 0 : i32
          %dma_start3A_369 = arith.constant 0 : i32
          %dma_start3A_370 = tpu.memref_slice %dma_start3A_367[%dma_start3A_368, %dma_start3A_369] : memref<10000x64xf32, #tpu.memory_space<hbm>> -> memref<10000x64xf32, #tpu.memory_space<hbm>>
          tpu.enqueue_indirect_dma source(%dma_start3A_370 : memref<10000x64xf32, #tpu.memory_space<hbm>>) target(%arg13 : memref<64x64xf32, #tpu.memory_space<vmem>>) offsets(%dma_start3A_363 : memref<64xi32, #tpu.memory_space<vmem>>) semaphore(%arg24 : memref<!tpu.dma_semaphore, #tpu.memory_space<semaphore_mem>>)
        } else {
        }
      } else {
      }
    }
    %scan3A_59 = arith.constant 314 : i32
    %dma_wait3A = arith.constant 0 : i32
    %dma_wait3A_60 = arith.constant 0 : i32
    %dma_wait3A_61 = tpu.memref_slice %arg8[%dma_wait3A, %dma_wait3A_60] : memref<314x64xi32, #tpu.memory_space<vmem>> -> memref<1x64xi32, #tpu.memory_space<vmem>>
    %dma_wait3A_62 = tpu.memref_squeeze %dma_wait3A_61 : memref<1x64xi32, #tpu.memory_space<vmem>> -> memref<64xi32, #tpu.memory_space<vmem>>
    %dma_wait3A_63 = arith.constant 0 : i32
    %dma_wait3A_64 = arith.constant 0 : i32
    %dma_wait3A_65 = tpu.memref_slice %arg19[%dma_wait3A_63, %dma_wait3A_64] : memref<10240x64xf32, #tpu.memory_space<vmem_shared>> -> memref<10240x64xf32, #tpu.memory_space<vmem_shared>>
    tpu.wait_indirect_dma semaphore(%arg30 : memref<!tpu.dma_semaphore, #tpu.memory_space<semaphore_mem>>) src(%arg9 : memref<64x64xf32, #tpu.memory_space<vmem>>) dst(%dma_wait3A_65 : memref<10240x64xf32, #tpu.memory_space<vmem_shared>>)
    %dma_wait3A_66 = arith.constant 0 : i32
    %dma_wait3A_67 = arith.constant 0 : i32
    %dma_wait3A_68 = tpu.memref_slice %arg8[%dma_wait3A_66, %dma_wait3A_67] : memref<314x64xi32, #tpu.memory_space<vmem>> -> memref<1x64xi32, #tpu.memory_space<vmem>>
    %dma_wait3A_69 = tpu.memref_squeeze %dma_wait3A_68 : memref<1x64xi32, #tpu.memory_space<vmem>> -> memref<64xi32, #tpu.memory_space<vmem>>
    %dma_wait3A_70 = arith.constant 0 : i32
    %dma_wait3A_71 = arith.constant 0 : i32
    %dma_wait3A_72 = tpu.memref_slice %arg19[%dma_wait3A_70, %dma_wait3A_71] : memref<10240x64xf32, #tpu.memory_space<vmem_shared>> -> memref<10240x64xf32, #tpu.memory_space<vmem_shared>>
    tpu.wait_indirect_dma semaphore(%arg31 : memref<!tpu.dma_semaphore, #tpu.memory_space<semaphore_mem>>) src(%arg10 : memref<64x64xf32, #tpu.memory_space<vmem>>) dst(%dma_wait3A_72 : memref<10240x64xf32, #tpu.memory_space<vmem_shared>>)
    %dma_wait3A_73 = arith.constant 0 : i32
    %dma_wait3A_74 = arith.constant 0 : i32
    %dma_wait3A_75 = tpu.memref_slice %arg8[%dma_wait3A_73, %dma_wait3A_74] : memref<314x64xi32, #tpu.memory_space<vmem>> -> memref<1x64xi32, #tpu.memory_space<vmem>>
    %dma_wait3A_76 = tpu.memref_squeeze %dma_wait3A_75 : memref<1x64xi32, #tpu.memory_space<vmem>> -> memref<64xi32, #tpu.memory_space<vmem>>
    %dma_wait3A_77 = arith.constant 0 : i32
    %dma_wait3A_78 = arith.constant 0 : i32
    %dma_wait3A_79 = tpu.memref_slice %arg19[%dma_wait3A_77, %dma_wait3A_78] : memref<10240x64xf32, #tpu.memory_space<vmem_shared>> -> memref<10240x64xf32, #tpu.memory_space<vmem_shared>>
    tpu.wait_indirect_dma semaphore(%arg32 : memref<!tpu.dma_semaphore, #tpu.memory_space<semaphore_mem>>) src(%arg11 : memref<64x64xf32, #tpu.memory_space<vmem>>) dst(%dma_wait3A_79 : memref<10240x64xf32, #tpu.memory_space<vmem_shared>>)
    %dma_wait3A_80 = arith.constant 0 : i32
    %dma_wait3A_81 = arith.constant 0 : i32
    %dma_wait3A_82 = tpu.memref_slice %arg8[%dma_wait3A_80, %dma_wait3A_81] : memref<314x64xi32, #tpu.memory_space<vmem>> -> memref<1x64xi32, #tpu.memory_space<vmem>>
    %dma_wait3A_83 = tpu.memref_squeeze %dma_wait3A_82 : memref<1x64xi32, #tpu.memory_space<vmem>> -> memref<64xi32, #tpu.memory_space<vmem>>
    %dma_wait3A_84 = arith.constant 0 : i32
    %dma_wait3A_85 = arith.constant 0 : i32
    %dma_wait3A_86 = tpu.memref_slice %arg19[%dma_wait3A_84, %dma_wait3A_85] : memref<10240x64xf32, #tpu.memory_space<vmem_shared>> -> memref<10240x64xf32, #tpu.memory_space<vmem_shared>>
    tpu.wait_indirect_dma semaphore(%arg33 : memref<!tpu.dma_semaphore, #tpu.memory_space<semaphore_mem>>) src(%arg12 : memref<64x64xf32, #tpu.memory_space<vmem>>) dst(%dma_wait3A_86 : memref<10240x64xf32, #tpu.memory_space<vmem_shared>>)
    %dma_wait3A_87 = arith.constant 0 : i32
    %dma_wait3A_88 = arith.constant 0 : i32
    %dma_wait3A_89 = tpu.memref_slice %arg8[%dma_wait3A_87, %dma_wait3A_88] : memref<314x64xi32, #tpu.memory_space<vmem>> -> memref<1x64xi32, #tpu.memory_space<vmem>>
    %dma_wait3A_90 = tpu.memref_squeeze %dma_wait3A_89 : memref<1x64xi32, #tpu.memory_space<vmem>> -> memref<64xi32, #tpu.memory_space<vmem>>
    %dma_wait3A_91 = arith.constant 0 : i32
    %dma_wait3A_92 = arith.constant 0 : i32
    %dma_wait3A_93 = tpu.memref_slice %arg19[%dma_wait3A_91, %dma_wait3A_92] : memref<10240x64xf32, #tpu.memory_space<vmem_shared>> -> memref<10240x64xf32, #tpu.memory_space<vmem_shared>>
    tpu.wait_indirect_dma semaphore(%arg34 : memref<!tpu.dma_semaphore, #tpu.memory_space<semaphore_mem>>) src(%arg13 : memref<64x64xf32, #tpu.memory_space<vmem>>) dst(%dma_wait3A_93 : memref<10240x64xf32, #tpu.memory_space<vmem_shared>>)
    %dma_wait3A_94 = arith.constant 0 : i32
    %dma_wait3A_95 = arith.constant 0 : i32
    %dma_wait3A_96 = tpu.memref_slice %arg8[%dma_wait3A_94, %dma_wait3A_95] : memref<314x64xi32, #tpu.memory_space<vmem>> -> memref<1x64xi32, #tpu.memory_space<vmem>>
    %dma_wait3A_97 = tpu.memref_squeeze %dma_wait3A_96 : memref<1x64xi32, #tpu.memory_space<vmem>> -> memref<64xi32, #tpu.memory_space<vmem>>
    %dma_wait3A_98 = arith.constant 0 : i32
    %dma_wait3A_99 = arith.constant 0 : i32
    %dma_wait3A_100 = tpu.memref_slice %arg19[%dma_wait3A_98, %dma_wait3A_99] : memref<10240x64xf32, #tpu.memory_space<vmem_shared>> -> memref<10240x64xf32, #tpu.memory_space<vmem_shared>>
    tpu.wait_indirect_dma semaphore(%arg35 : memref<!tpu.dma_semaphore, #tpu.memory_space<semaphore_mem>>) src(%arg14 : memref<64x64xf32, #tpu.memory_space<vmem>>) dst(%dma_wait3A_100 : memref<10240x64xf32, #tpu.memory_space<vmem_shared>>)
    %dma_wait3A_101 = arith.constant 0 : i32
    %dma_wait3A_102 = arith.constant 0 : i32
    %dma_wait3A_103 = tpu.memref_slice %arg8[%dma_wait3A_101, %dma_wait3A_102] : memref<314x64xi32, #tpu.memory_space<vmem>> -> memref<1x64xi32, #tpu.memory_space<vmem>>
    %dma_wait3A_104 = tpu.memref_squeeze %dma_wait3A_103 : memref<1x64xi32, #tpu.memory_space<vmem>> -> memref<64xi32, #tpu.memory_space<vmem>>
    %dma_wait3A_105 = arith.constant 0 : i32
    %dma_wait3A_106 = arith.constant 0 : i32
    %dma_wait3A_107 = tpu.memref_slice %arg19[%dma_wait3A_105, %dma_wait3A_106] : memref<10240x64xf32, #tpu.memory_space<vmem_shared>> -> memref<10240x64xf32, #tpu.memory_space<vmem_shared>>
    tpu.wait_indirect_dma semaphore(%arg36 : memref<!tpu.dma_semaphore, #tpu.memory_space<semaphore_mem>>) src(%arg15 : memref<64x64xf32, #tpu.memory_space<vmem>>) dst(%dma_wait3A_107 : memref<10240x64xf32, #tpu.memory_space<vmem_shared>>)
    %dma_wait3A_108 = arith.constant 0 : i32
    %dma_wait3A_109 = arith.constant 0 : i32
    %dma_wait3A_110 = tpu.memref_slice %arg8[%dma_wait3A_108, %dma_wait3A_109] : memref<314x64xi32, #tpu.memory_space<vmem>> -> memref<1x64xi32, #tpu.memory_space<vmem>>
    %dma_wait3A_111 = tpu.memref_squeeze %dma_wait3A_110 : memref<1x64xi32, #tpu.memory_space<vmem>> -> memref<64xi32, #tpu.memory_space<vmem>>
    %dma_wait3A_112 = arith.constant 0 : i32
    %dma_wait3A_113 = arith.constant 0 : i32
    %dma_wait3A_114 = tpu.memref_slice %arg19[%dma_wait3A_112, %dma_wait3A_113] : memref<10240x64xf32, #tpu.memory_space<vmem_shared>> -> memref<10240x64xf32, #tpu.memory_space<vmem_shared>>
    tpu.wait_indirect_dma semaphore(%arg37 : memref<!tpu.dma_semaphore, #tpu.memory_space<semaphore_mem>>) src(%arg16 : memref<64x64xf32, #tpu.memory_space<vmem>>) dst(%dma_wait3A_114 : memref<10240x64xf32, #tpu.memory_space<vmem_shared>>)
    %dma_wait3A_115 = arith.constant 0 : i32
    %dma_wait3A_116 = arith.constant 0 : i32
    %dma_wait3A_117 = tpu.memref_slice %arg8[%dma_wait3A_115, %dma_wait3A_116] : memref<314x64xi32, #tpu.memory_space<vmem>> -> memref<1x64xi32, #tpu.memory_space<vmem>>
    %dma_wait3A_118 = tpu.memref_squeeze %dma_wait3A_117 : memref<1x64xi32, #tpu.memory_space<vmem>> -> memref<64xi32, #tpu.memory_space<vmem>>
    %dma_wait3A_119 = arith.constant 0 : i32
    %dma_wait3A_120 = arith.constant 0 : i32
    %dma_wait3A_121 = tpu.memref_slice %arg19[%dma_wait3A_119, %dma_wait3A_120] : memref<10240x64xf32, #tpu.memory_space<vmem_shared>> -> memref<10240x64xf32, #tpu.memory_space<vmem_shared>>
    tpu.wait_indirect_dma semaphore(%arg38 : memref<!tpu.dma_semaphore, #tpu.memory_space<semaphore_mem>>) src(%arg17 : memref<64x64xf32, #tpu.memory_space<vmem>>) dst(%dma_wait3A_121 : memref<10240x64xf32, #tpu.memory_space<vmem_shared>>)
    %dma_wait3A_122 = arith.constant 0 : i32
    %dma_wait3A_123 = arith.constant 0 : i32
    %dma_wait3A_124 = tpu.memref_slice %arg8[%dma_wait3A_122, %dma_wait3A_123] : memref<314x64xi32, #tpu.memory_space<vmem>> -> memref<1x64xi32, #tpu.memory_space<vmem>>
    %dma_wait3A_125 = tpu.memref_squeeze %dma_wait3A_124 : memref<1x64xi32, #tpu.memory_space<vmem>> -> memref<64xi32, #tpu.memory_space<vmem>>
    %dma_wait3A_126 = arith.constant 0 : i32
    %dma_wait3A_127 = arith.constant 0 : i32
    %dma_wait3A_128 = tpu.memref_slice %arg19[%dma_wait3A_126, %dma_wait3A_127] : memref<10240x64xf32, #tpu.memory_space<vmem_shared>> -> memref<10240x64xf32, #tpu.memory_space<vmem_shared>>
    tpu.wait_indirect_dma semaphore(%arg39 : memref<!tpu.dma_semaphore, #tpu.memory_space<semaphore_mem>>) src(%arg18 : memref<64x64xf32, #tpu.memory_space<vmem>>) dst(%dma_wait3A_128 : memref<10240x64xf32, #tpu.memory_space<vmem_shared>>)
    %barrier3A_129 = arith.constant 0 : index
    tpu.barrier barrier_id(%barrier3A_129)
    "tpu.region"() ({
      %run_scoped3A = tpu.sem_alloc : memref<!tpu.dma_semaphore, #tpu.memory_space<semaphore_mem>>
      %dma_start3A_130 = arith.constant 0 : i32
      %dma_start3A_131 = tpu.memref_slice %arg6[%arg0, %mul3A_0, %dma_start3A_130] : memref<2x10240x64xf32, #tpu.memory_space<hbm>> -> memref<1x640x64xf32, #tpu.memory_space<hbm>>
      %dma_start3A_132 = tpu.memref_squeeze %dma_start3A_131 : memref<1x640x64xf32, #tpu.memory_space<hbm>> -> memref<640x64xf32, #tpu.memory_space<hbm>>
      %dma_start3A_133 = arith.constant 0 : i32
      %dma_start3A_134 = tpu.memref_slice %arg19[%mul3A_0, %dma_start3A_133] : memref<10240x64xf32, #tpu.memory_space<vmem_shared>> -> memref<640x64xf32, #tpu.memory_space<vmem_shared>>
      tpu.enqueue_dma source(%dma_start3A_134 : memref<640x64xf32, #tpu.memory_space<vmem_shared>>) target(%dma_start3A_132 : memref<640x64xf32, #tpu.memory_space<hbm>>) target_semaphore(%run_scoped3A : memref<!tpu.dma_semaphore, #tpu.memory_space<semaphore_mem>>)
      %dma_wait3A_135 = arith.constant 0 : i32
      %dma_wait3A_136 = tpu.memref_slice %arg6[%arg0, %mul3A_0, %dma_wait3A_135] : memref<2x10240x64xf32, #tpu.memory_space<hbm>> -> memref<1x640x64xf32, #tpu.memory_space<hbm>>
      %dma_wait3A_137 = tpu.memref_squeeze %dma_wait3A_136 : memref<1x640x64xf32, #tpu.memory_space<hbm>> -> memref<640x64xf32, #tpu.memory_space<hbm>>
      %dma_wait3A_138 = arith.constant 0 : i32
      %dma_wait3A_139 = tpu.memref_slice %arg19[%mul3A_0, %dma_wait3A_138] : memref<10240x64xf32, #tpu.memory_space<vmem_shared>> -> memref<640x64xf32, #tpu.memory_space<vmem_shared>>
      tpu.wait_dma2 semaphore(%run_scoped3A : memref<!tpu.dma_semaphore, #tpu.memory_space<semaphore_mem>>) src(%dma_wait3A_139 : memref<640x64xf32, #tpu.memory_space<vmem_shared>>) dst(%dma_wait3A_137 : memref<640x64xf32, #tpu.memory_space<hbm>>)
      tpu.yield
    }) : () -> ()
    return
  }
}

module attributes {stable_mosaic.version = 14 : i64} {
  func.func @body(%arg0: memref<10000x128xf32, #tpu.memory_space<vmem>>, %arg1: memref<128x128xf32, #tpu.memory_space<vmem>>, %arg2: memref<10000x1xf32, #tpu.memory_space<vmem>>, %arg3: memref<10000x1xf32, #tpu.memory_space<vmem>>, %arg4: memref<2x10000x64xf32, #tpu.memory_space<vmem>>, %arg5: memref<10000x1xf32, #tpu.memory_space<vmem>>) attributes {dimension_semantics = [], scalar_prefetch = 0 : i64, scratch_operands = 0 : i64, tpu.core_type = #tpu.core_type<tc>} {
    %get3A = arith.constant 0 : index
    %get3A_0 = arith.constant 0 : index
    %get3A_1 = vector.load %arg2[%get3A, %get3A_0] : memref<10000x1xf32, #tpu.memory_space<vmem>>, vector<10000x1xf32>
    %get3A_2 = arith.constant 0 : index
    %get3A_3 = arith.constant 0 : index
    %get3A_4 = vector.load %arg3[%get3A_2, %get3A_3] : memref<10000x1xf32, #tpu.memory_space<vmem>>, vector<10000x1xf32>
    %add3A = arith.addf %get3A_1, %get3A_4 : vector<10000x1xf32>
    %add3A_5 = arith.constant 1.000000e+00 : f32
    %add3A_6 = vector.broadcast %add3A_5 : f32 to vector<10000x1xf32>
    %add3A_7 = arith.addf %add3A, %add3A_6 : vector<10000x1xf32>
    %max3A = arith.constant 9.99999996E-13 : f32
    %max3A_8 = vector.broadcast %max3A : f32 to vector<10000x1xf32>
    %max3A_9 = arith.maximumf %add3A_7, %max3A_8 : vector<10000x1xf32>
    %rsqrt3A = math.rsqrt %max3A_9 : vector<10000x1xf32>
    %swap3A = arith.constant 0 : index
    %swap3A_10 = arith.constant 0 : index
    %swap3A_11 = vector.load %arg5[%swap3A, %swap3A_10] : memref<10000x1xf32, #tpu.memory_space<vmem>>, vector<10000x1xf32>
    tpu.vector_store %arg5[%swap3A, %swap3A_10], %rsqrt3A {strides = array<i32>} : memref<10000x1xf32, #tpu.memory_space<vmem>>, vector<10000x1xf32>,
    %get3A_12 = arith.constant 0 : index
    %get3A_13 = arith.constant 0 : index
    %get3A_14 = vector.load %arg0[%get3A_12, %get3A_13] : memref<10000x128xf32, #tpu.memory_space<vmem>>, vector<10000x128xf32>
    %get3A_15 = arith.constant 0 : index
    %get3A_16 = arith.constant 0 : index
    %get3A_17 = vector.load %arg1[%get3A_15, %get3A_16] : memref<128x128xf32, #tpu.memory_space<vmem>>, vector<128x128xf32>
    %dot_general3A = arith.constant dense<0.000000e+00> : vector<10000x128xf32>
    %dot_general3A_18 = tpu.matmul %get3A_14, %get3A_17, %dot_general3A {dimension_numbers = #tpu.dot_dimension_numbers<[1], [0], [0], [1], [0, 0, 1, 1], [], []>, transpose_lhs_hint = false} : vector<10000x128xf32>, vector<128x128xf32>, vector<10000x128xf32> -> vector<10000x128xf32>
    %mul3A = vector.broadcast %rsqrt3A : vector<10000x1xf32> to vector<10000x128xf32>
    %mul3A_19 = arith.mulf %dot_general3A_18, %mul3A : vector<10000x128xf32>
    %slice3A = vector.extract_strided_slice %mul3A_19 {offsets = [0, 0], sizes = [10000, 64], strides = [1, 1]} : vector<10000x128xf32> to vector<10000x64xf32>
    %swap3A_20 = arith.constant 0 : index
    %swap3A_21 = arith.constant 0 : index
    %swap3A_22 = arith.constant 0 : index
    %swap3A_23 = vector.load %arg4[%swap3A_20, %swap3A_21, %swap3A_22] : memref<2x10000x64xf32, #tpu.memory_space<vmem>>, vector<1x10000x64xf32>
    %swap3A_24 = vector.shape_cast %swap3A_23 : vector<1x10000x64xf32> to vector<10000x64xf32>
    %swap3A_25 = vector.shape_cast %slice3A : vector<10000x64xf32> to vector<1x10000x64xf32>
    tpu.vector_store %arg4[%swap3A_20, %swap3A_21, %swap3A_22], %swap3A_25 {strides = array<i32>} : memref<2x10000x64xf32, #tpu.memory_space<vmem>>, vector<1x10000x64xf32>,
    %slice3A_26 = vector.extract_strided_slice %mul3A_19 {offsets = [0, 64], sizes = [10000, 64], strides = [1, 1]} : vector<10000x128xf32> to vector<10000x64xf32>
    %swap3A_27 = arith.constant 1 : index
    %swap3A_28 = arith.constant 0 : index
    %swap3A_29 = arith.constant 0 : index
    %swap3A_30 = vector.load %arg4[%swap3A_27, %swap3A_28, %swap3A_29] : memref<2x10000x64xf32, #tpu.memory_space<vmem>>, vector<1x10000x64xf32>
    %swap3A_31 = vector.shape_cast %swap3A_30 : vector<1x10000x64xf32> to vector<10000x64xf32>
    %swap3A_32 = vector.shape_cast %slice3A_26 : vector<10000x64xf32> to vector<1x10000x64xf32>
    tpu.vector_store %arg4[%swap3A_27, %swap3A_28, %swap3A_29], %swap3A_32 {strides = array<i32>} : memref<2x10000x64xf32, #tpu.memory_space<vmem>>, vector<1x10000x64xf32>,
    return
  }
}

module attributes {stable_mosaic.version = 14 : i64} {
  func.func @body(%arg0: memref<10000x64xf32, #tpu.memory_space<vmem>>, %arg1: memref<10000x64xf32, #tpu.memory_space<vmem>>, %arg2: memref<2x10000x64xf32, #tpu.memory_space<vmem>>, %arg3: memref<10000x1xf32, #tpu.memory_space<vmem>>, %arg4: memref<1x128xf32, #tpu.memory_space<vmem>>, %arg5: memref<128x128xf32, #tpu.memory_space<vmem>>, %arg6: memref<2x10000x64xf32, #tpu.memory_space<vmem>>) attributes {dimension_semantics = [], scalar_prefetch = 0 : i64, scratch_operands = 0 : i64, tpu.core_type = #tpu.core_type<tc>} {
    %get3A = arith.constant 0 : index
    %get3A_0 = arith.constant 0 : index
    %get3A_1 = vector.load %arg3[%get3A, %get3A_0] : memref<10000x1xf32, #tpu.memory_space<vmem>>, vector<10000x1xf32>
    %get3A_2 = arith.constant 0 : index
    %get3A_3 = arith.constant 0 : index
    %get3A_4 = vector.load %arg0[%get3A_2, %get3A_3] : memref<10000x64xf32, #tpu.memory_space<vmem>>, vector<10000x64xf32>
    %get3A_5 = arith.constant 0 : index
    %get3A_6 = arith.constant 0 : index
    %get3A_7 = arith.constant 0 : index
    %get3A_8 = vector.load %arg2[%get3A_5, %get3A_6, %get3A_7] : memref<2x10000x64xf32, #tpu.memory_space<vmem>>, vector<1x10000x64xf32>
    %get3A_9 = vector.shape_cast %get3A_8 : vector<1x10000x64xf32> to vector<10000x64xf32>
    %add3A = arith.addf %get3A_4, %get3A_9 : vector<10000x64xf32>
    %get3A_10 = arith.constant 0 : index
    %get3A_11 = arith.constant 0 : index
    %get3A_12 = vector.load %arg1[%get3A_10, %get3A_11] : memref<10000x64xf32, #tpu.memory_space<vmem>>, vector<10000x64xf32>
    %get3A_13 = arith.constant 1 : index
    %get3A_14 = arith.constant 0 : index
    %get3A_15 = arith.constant 0 : index
    %get3A_16 = vector.load %arg2[%get3A_13, %get3A_14, %get3A_15] : memref<2x10000x64xf32, #tpu.memory_space<vmem>>, vector<1x10000x64xf32>
    %get3A_17 = vector.shape_cast %get3A_16 : vector<1x10000x64xf32> to vector<10000x64xf32>
    %add3A_18 = arith.addf %get3A_12, %get3A_17 : vector<10000x64xf32>
    %concatenate3A = tpu.concatenate %add3A, %add3A_18 in 1 : vector<10000x64xf32>, vector<10000x64xf32> -> vector<10000x128xf32>
    %mul3A = vector.broadcast %get3A_1 : vector<10000x1xf32> to vector<10000x128xf32>
    %mul3A_19 = arith.mulf %concatenate3A, %mul3A : vector<10000x128xf32>
    %get3A_20 = arith.constant 0 : index
    %get3A_21 = arith.constant 0 : index
    %get3A_22 = vector.load %arg4[%get3A_20, %get3A_21] : memref<1x128xf32, #tpu.memory_space<vmem>>, vector<1x128xf32>
    %add3A_23 = vector.broadcast %get3A_22 : vector<1x128xf32> to vector<10000x128xf32>
    %add3A_24 = arith.addf %mul3A_19, %add3A_23 : vector<10000x128xf32>
    %max3A = arith.constant 0.000000e+00 : f32
    %max3A_25 = vector.broadcast %max3A : f32 to vector<10000x128xf32>
    %max3A_26 = arith.maximumf %add3A_24, %max3A_25 : vector<10000x128xf32>
    %get3A_27 = arith.constant 0 : index
    %get3A_28 = arith.constant 0 : index
    %get3A_29 = vector.load %arg5[%get3A_27, %get3A_28] : memref<128x128xf32, #tpu.memory_space<vmem>>, vector<128x128xf32>
    %dot_general3A = arith.constant dense<0.000000e+00> : vector<10000x128xf32>
    %dot_general3A_30 = tpu.matmul %max3A_26, %get3A_29, %dot_general3A {dimension_numbers = #tpu.dot_dimension_numbers<[1], [0], [0], [1], [0, 0, 1, 1], [], []>, transpose_lhs_hint = false} : vector<10000x128xf32>, vector<128x128xf32>, vector<10000x128xf32> -> vector<10000x128xf32>
    %mul3A_31 = vector.broadcast %get3A_1 : vector<10000x1xf32> to vector<10000x128xf32>
    %mul3A_32 = arith.mulf %dot_general3A_30, %mul3A_31 : vector<10000x128xf32>
    %slice3A = vector.extract_strided_slice %mul3A_32 {offsets = [0, 0], sizes = [10000, 64], strides = [1, 1]} : vector<10000x128xf32> to vector<10000x64xf32>
    %swap3A = arith.constant 0 : index
    %swap3A_33 = arith.constant 0 : index
    %swap3A_34 = arith.constant 0 : index
    %swap3A_35 = vector.load %arg6[%swap3A, %swap3A_33, %swap3A_34] : memref<2x10000x64xf32, #tpu.memory_space<vmem>>, vector<1x10000x64xf32>
    %swap3A_36 = vector.shape_cast %swap3A_35 : vector<1x10000x64xf32> to vector<10000x64xf32>
    %swap3A_37 = vector.shape_cast %slice3A : vector<10000x64xf32> to vector<1x10000x64xf32>
    tpu.vector_store %arg6[%swap3A, %swap3A_33, %swap3A_34], %swap3A_37 {strides = array<i32>} : memref<2x10000x64xf32, #tpu.memory_space<vmem>>, vector<1x10000x64xf32>,
    %slice3A_38 = vector.extract_strided_slice %mul3A_32 {offsets = [0, 64], sizes = [10000, 64], strides = [1, 1]} : vector<10000x128xf32> to vector<10000x64xf32>
    %swap3A_39 = arith.constant 1 : index
    %swap3A_40 = arith.constant 0 : index
    %swap3A_41 = arith.constant 0 : index
    %swap3A_42 = vector.load %arg6[%swap3A_39, %swap3A_40, %swap3A_41] : memref<2x10000x64xf32, #tpu.memory_space<vmem>>, vector<1x10000x64xf32>
    %swap3A_43 = vector.shape_cast %swap3A_42 : vector<1x10000x64xf32> to vector<10000x64xf32>
    %swap3A_44 = vector.shape_cast %slice3A_38 : vector<10000x64xf32> to vector<1x10000x64xf32>
    tpu.vector_store %arg6[%swap3A_39, %swap3A_40, %swap3A_41], %swap3A_44 {strides = array<i32>} : memref<2x10000x64xf32, #tpu.memory_space<vmem>>, vector<1x10000x64xf32>,
    return
  }
}

module attributes {stable_mosaic.version = 14 : i64} {
  func.func @body(%arg0: memref<10000x64xf32, #tpu.memory_space<vmem>>, %arg1: memref<10000x64xf32, #tpu.memory_space<vmem>>, %arg2: memref<2x10000x64xf32, #tpu.memory_space<vmem>>, %arg3: memref<10000x1xf32, #tpu.memory_space<vmem>>, %arg4: memref<1x128xf32, #tpu.memory_space<vmem>>, %arg5: memref<1x10000xi32, #tpu.memory_space<vmem>>, %arg6: memref<128x64xf32, #tpu.memory_space<vmem>>, %arg7: memref<1x64xf32, #tpu.memory_space<vmem>>, %arg8: memref<64x10xf32, #tpu.memory_space<vmem>>, %arg9: memref<1x10xf32, #tpu.memory_space<vmem>>, %arg10: memref<64x10xf32, #tpu.memory_space<vmem>>) attributes {dimension_semantics = [], scalar_prefetch = 0 : i64, scratch_operands = 0 : i64, tpu.core_type = #tpu.core_type<tc>} {
    %get3A = arith.constant 0 : index
    %get3A_0 = arith.constant 0 : index
    %get3A_1 = vector.load %arg3[%get3A, %get3A_0] : memref<10000x1xf32, #tpu.memory_space<vmem>>, vector<10000x1xf32>
    %get3A_2 = arith.constant 0 : index
    %get3A_3 = arith.constant 0 : index
    %get3A_4 = vector.load %arg0[%get3A_2, %get3A_3] : memref<10000x64xf32, #tpu.memory_space<vmem>>, vector<10000x64xf32>
    %get3A_5 = arith.constant 0 : index
    %get3A_6 = arith.constant 0 : index
    %get3A_7 = arith.constant 0 : index
    %get3A_8 = vector.load %arg2[%get3A_5, %get3A_6, %get3A_7] : memref<2x10000x64xf32, #tpu.memory_space<vmem>>, vector<1x10000x64xf32>
    %get3A_9 = vector.shape_cast %get3A_8 : vector<1x10000x64xf32> to vector<10000x64xf32>
    %add3A = arith.addf %get3A_4, %get3A_9 : vector<10000x64xf32>
    %get3A_10 = arith.constant 0 : index
    %get3A_11 = arith.constant 0 : index
    %get3A_12 = vector.load %arg1[%get3A_10, %get3A_11] : memref<10000x64xf32, #tpu.memory_space<vmem>>, vector<10000x64xf32>
    %get3A_13 = arith.constant 1 : index
    %get3A_14 = arith.constant 0 : index
    %get3A_15 = arith.constant 0 : index
    %get3A_16 = vector.load %arg2[%get3A_13, %get3A_14, %get3A_15] : memref<2x10000x64xf32, #tpu.memory_space<vmem>>, vector<1x10000x64xf32>
    %get3A_17 = vector.shape_cast %get3A_16 : vector<1x10000x64xf32> to vector<10000x64xf32>
    %add3A_18 = arith.addf %get3A_12, %get3A_17 : vector<10000x64xf32>
    %concatenate3A = tpu.concatenate %add3A, %add3A_18 in 1 : vector<10000x64xf32>, vector<10000x64xf32> -> vector<10000x128xf32>
    %mul3A = vector.broadcast %get3A_1 : vector<10000x1xf32> to vector<10000x128xf32>
    %mul3A_19 = arith.mulf %concatenate3A, %mul3A : vector<10000x128xf32>
    %get3A_20 = arith.constant 0 : index
    %get3A_21 = arith.constant 0 : index
    %get3A_22 = vector.load %arg4[%get3A_20, %get3A_21] : memref<1x128xf32, #tpu.memory_space<vmem>>, vector<1x128xf32>
    %add3A_23 = vector.broadcast %get3A_22 : vector<1x128xf32> to vector<10000x128xf32>
    %add3A_24 = arith.addf %mul3A_19, %add3A_23 : vector<10000x128xf32>
    %max3A = arith.constant 0.000000e+00 : f32
    %max3A_25 = vector.broadcast %max3A : f32 to vector<10000x128xf32>
    %max3A_26 = arith.maximumf %add3A_24, %max3A_25 : vector<10000x128xf32>
    %iota3A = tpu.iota {dimensions = array<i32: 0>} : vector<64x10000xi32>
    %get3A_27 = arith.constant 0 : index
    %get3A_28 = arith.constant 0 : index
    %get3A_29 = vector.load %arg5[%get3A_27, %get3A_28] : memref<1x10000xi32, #tpu.memory_space<vmem>>, vector<1x10000xi32>
    %eq3A = vector.broadcast %get3A_29 : vector<1x10000xi32> to vector<64x10000xi32>
    %eq3A_30 = arith.cmpi eq, %iota3A, %eq3A : vector<64x10000xi32>
    %convert_element_type3A = arith.extui %eq3A_30 : vector<64x10000xi1> to vector<64x10000xi32>
    %convert_element_type3A_31 = arith.sitofp %convert_element_type3A : vector<64x10000xi32> to vector<64x10000xf32>
    %dot_general3A = arith.constant dense<0.000000e+00> : vector<64x128xf32>
    %dot_general3A_32 = tpu.matmul %convert_element_type3A_31, %max3A_26, %dot_general3A {dimension_numbers = #tpu.dot_dimension_numbers<[1], [0], [0], [1], [0, 0, 1, 1], [], []>, transpose_lhs_hint = false} : vector<64x10000xf32>, vector<10000x128xf32>, vector<64x128xf32> -> vector<64x128xf32>
    %reduce_sum3A = arith.constant dense<0.000000e+00> : vector<64xf32>
    %reduce_sum3A_33 = vector.multi_reduction <add>, %convert_element_type3A_31, %reduce_sum3A [1] : vector<64x10000xf32> to vector<64xf32>
    %broadcast_in_dim3A = vector.shape_cast %reduce_sum3A_33 : vector<64xf32> to vector<64x1xf32>
    %max3A_34 = arith.constant 1.000000e+00 : f32
    %max3A_35 = vector.broadcast %max3A_34 : f32 to vector<64x1xf32>
    %max3A_36 = arith.maximumf %broadcast_in_dim3A, %max3A_35 : vector<64x1xf32>
    %div3A = vector.broadcast %max3A_36 : vector<64x1xf32> to vector<64x128xf32>
    %div3A_37 = arith.divf %dot_general3A_32, %div3A : vector<64x128xf32>
    %get3A_38 = arith.constant 0 : index
    %get3A_39 = arith.constant 0 : index
    %get3A_40 = vector.load %arg6[%get3A_38, %get3A_39] : memref<128x64xf32, #tpu.memory_space<vmem>>, vector<128x64xf32>
    %dot_general3A_41 = arith.constant dense<0.000000e+00> : vector<64x64xf32>
    %dot_general3A_42 = tpu.matmul %div3A_37, %get3A_40, %dot_general3A_41 {dimension_numbers = #tpu.dot_dimension_numbers<[1], [0], [0], [1], [0, 0, 1, 1], [], []>, transpose_lhs_hint = false} : vector<64x128xf32>, vector<128x64xf32>, vector<64x64xf32> -> vector<64x64xf32>
    %get3A_43 = arith.constant 0 : index
    %get3A_44 = arith.constant 0 : index
    %get3A_45 = vector.load %arg7[%get3A_43, %get3A_44] : memref<1x64xf32, #tpu.memory_space<vmem>>, vector<1x64xf32>
    %add3A_46 = vector.broadcast %get3A_45 : vector<1x64xf32> to vector<64x64xf32>
    %add3A_47 = arith.addf %dot_general3A_42, %add3A_46 : vector<64x64xf32>
    %max3A_48 = arith.constant 0.000000e+00 : f32
    %max3A_49 = vector.broadcast %max3A_48 : f32 to vector<64x64xf32>
    %max3A_50 = arith.maximumf %add3A_47, %max3A_49 : vector<64x64xf32>
    %get3A_51 = arith.constant 0 : index
    %get3A_52 = arith.constant 0 : index
    %get3A_53 = vector.load %arg8[%get3A_51, %get3A_52] : memref<64x10xf32, #tpu.memory_space<vmem>>, vector<64x10xf32>
    %dot_general3A_54 = arith.constant dense<0.000000e+00> : vector<64x10xf32>
    %dot_general3A_55 = tpu.matmul %max3A_50, %get3A_53, %dot_general3A_54 {dimension_numbers = #tpu.dot_dimension_numbers<[1], [0], [0], [1], [0, 0, 1, 1], [], []>, transpose_lhs_hint = false} : vector<64x64xf32>, vector<64x10xf32>, vector<64x10xf32> -> vector<64x10xf32>
    %get3A_56 = arith.constant 0 : index
    %get3A_57 = arith.constant 0 : index
    %get3A_58 = vector.load %arg9[%get3A_56, %get3A_57] : memref<1x10xf32, #tpu.memory_space<vmem>>, vector<1x10xf32>
    %add3A_59 = vector.broadcast %get3A_58 : vector<1x10xf32> to vector<64x10xf32>
    %add3A_60 = arith.addf %dot_general3A_55, %add3A_59 : vector<64x10xf32>
    %reduce_max3A = arith.constant dense<0xFF800000> : vector<64xf32>
    %reduce_max3A_61 = vector.multi_reduction <maximumf>, %add3A_60, %reduce_max3A [1] : vector<64x10xf32> to vector<64xf32>
    %broadcast_in_dim3A_62 = vector.shape_cast %reduce_max3A_61 : vector<64xf32> to vector<64x1xf32>
    %sub3A = vector.broadcast %broadcast_in_dim3A_62 : vector<64x1xf32> to vector<64x10xf32>
    %sub3A_63 = arith.subf %add3A_60, %sub3A : vector<64x10xf32>
    %exp3A = math.exp %sub3A_63 : vector<64x10xf32>
    %reduce_sum3A_64 = arith.constant dense<0.000000e+00> : vector<64xf32>
    %reduce_sum3A_65 = vector.multi_reduction <add>, %exp3A, %reduce_sum3A_64 [1] : vector<64x10xf32> to vector<64xf32>
    %broadcast_in_dim3A_66 = vector.shape_cast %reduce_sum3A_65 : vector<64xf32> to vector<64x1xf32>
    %log3A = math.log %broadcast_in_dim3A_66 : vector<64x1xf32>
    %sub3A_67 = vector.broadcast %log3A : vector<64x1xf32> to vector<64x10xf32>
    %sub3A_68 = arith.subf %sub3A_63, %sub3A_67 : vector<64x10xf32>
    %swap3A = arith.constant 0 : index
    %swap3A_69 = arith.constant 0 : index
    %swap3A_70 = vector.load %arg10[%swap3A, %swap3A_69] : memref<64x10xf32, #tpu.memory_space<vmem>>, vector<64x10xf32>
    tpu.vector_store %arg10[%swap3A, %swap3A_69], %sub3A_68 {strides = array<i32>} : memref<64x10xf32, #tpu.memory_space<vmem>>, vector<64x10xf32>,
    return
  }
}

</mosaic_0001>

<sc_bundles>
// kernel: kernel.10.cloned.1.call-start
scs
__scs_entry_jumppad:
0x0: {  	(pc) =	sbr.rel $0x88, $3  }
0x1: {  	(tag) =	ssettag $0x0;
	lr =	simm.s32 $0x1  }
0x2: {  	[smem:$0x3F94] =	sst lr;
	_ =	strace $0xD0000000  }
0x3: {  	_ = 	snop  }
0x4: {  	_ = 	snop  }
0x5: {  	_ = 	snop  }
0x6: {  	_ = 	snop  }
0x7: {  	_ = 	snop  }
__scs_overlays_trampoline_lowered:
0x8: {  	[smem:$0x3FA3] =	sst s0  }
0x9: {  	[smem:$0x3FA4] =	sst s1  }
0xa: {  	[smem:$0x3FA5] =	sst s2  }
0xb: {  	[smem:$0x3FA6] =	sst s3  }
0xc: {  	[smem:$0x3FA7] =	sst s4  }
0xd: {  	[smem:$0x3FA8] =	sst s5  }
0xe: {  	[smem:$0x3FA9] =	sst s6  }
0xf: {  	[smem:$0x3FAA] =	sst s7  }
0x10: {  	[smem:$0x3FAB] =	sst s8  }
0x11: {  	[smem:$0x3FAC] =	sst s9;
	s0 =	simm.s32 @!p0 $0x0  }
0x12: {  	s1 =	sld [smem:$0x3F92];
	s0 =	simm.s32 @p0 $0x1  }
0x13: {  	[smem:$0x3FAD] =	sst s0;
	s0 =	simm.s32 @!p1 $0x0  }
0x14: {  	s2 =	sld [smem:$0x3F91];
	s0 =	simm.s32 @p1 $0x1  }
0x15: {  	[smem:$0x3FAE] =	sst s0;
	s0 =	simm.s32 @!p2 $0x0  }
0x16: {  	s3 =	sld [smem:$0x3FDB];
	s0 =	simm.s32 @p2 $0x1  }
0x17: {  	s4 =	simm.s32 $0x1BF5;
	[smem:$0x3FB0] =	sst s0  }
0x18: {  	s0 =	sld [smem:$0x3F93];
	_ =	swait.ge [sflag:s4], $0x0  }
0x19: {  	s7 =	sld [smem:$0x3F94]  }
0x1a: {  	s8 =	sadd.s32 $0xFFFFE003, lr  }
0x1b: {  	s9 =	sadd.s32 $0xFFFFFEF7, lr;
	s5 =	simm.s32 $0xFFFFFFFF;
	p2 =	slt.u32 s8, $0xFFFFF086  }
0x1c: {  	p1 =	slt.u32 s9, $0xF7A;
	s5 =	simm.s32 @!p2 $0x0  }
0x1d: {  	s5 =	simm.s32 @p1 $0x1;
	p0 =	seq.s32 s7, s2  }
0x1e: {  	s7 =	smul.u32 @!p0 $0xF7A, s2;
	p2 =	seq.s32 @!p0 s5, $0x0  }
0x1f: {  	s9 =	smul.u32 $0xF7A, s1;
	s8 =	simm.s32 @!p0 $0x1BF5;
	p2 =	por !p2, p0  }
0x20: {  	[sflag:s8] =	ssyncset.s32 @!p0 $0xFFFFF086;
	s6 =	sadd.s32 @!p0 s3, s7;
	s7 =	simm.s32 @!p0 $0x108  }
0x21: {  	s3 =	sadd.s32 s3, s9;
	s6 =	sadd.s32 @!p0 $0x88, s6;
	s7 =	simm.s32 @p2 $0x1082  }
0x22: {  	[simem:s7], [sflag:s8] =	dma.local @!p0 [hbm:s6], $0xF7A  }
0x23: {  	s9 =	sor.u32 $0xD0000000, s2;
	s6 =	simm.s32 $0x108;
	_ =	swait.ge @!p0 [sflag:s8], $0x0  }
0x24: {  	s3 =	sadd.s32 $0x88, s3;
	s6 =	simm.s32 @!p1 $0x1082;
	[sflag:s4] =	ssyncset.s32 $0xFFFFF086  }
0x25: {  	[simem:s6], [sflag:s4] =	dma.local [hbm:s3], $0xF7A  }
0x26: {  	[smem:$0x3F94] =	sst s1;
	(tag) =	ssettag s2;
	_ =	strace s9  }
0x27: {  	s1 =	sld [smem:$0x3FA4]  }
0x28: {  	s2 =	sld [smem:$0x3FA5]  }
0x29: {  	s4 =	sld [smem:$0x3FA7]  }
0x2a: {  	p0 =	seq.s32 s5, $0x0;
	s5 =	sld [smem:$0x3FA8]  }
0x2b: {  	s6 =	sld [smem:$0x3FA9]  }
0x2c: {  	s7 =	sld [smem:$0x3FAA]  }
0x2d: {  	s3 =	simm.s32 $0x108;
	s8 =	sld [smem:$0x3FAB]  }
0x2e: {  	s3 =	simm.s32 @!p0 $0x1082;
	s9 =	sld [smem:$0x3FAC]  }
0x2f: {  	lr =	sadd.s32 s0, s3;
	s0 =	sld [smem:$0x3FA3]  }
0x30: {  	s3 =	sld [smem:$0x3FA6]  }
0x31: {  	[smem:$0x3FAF] =	sst s10  }
0x32: {  	s10 =	sld [smem:$0x3FAD];
	_ =	sdelay $0x3  }
0x33: {  	p0 =	seq.s32 s10, $0x1;
	s10 =	sld [smem:$0x3FAF];
	_ =	sdelay $0x3  }
0x34: {  	[smem:$0x3FAF] =	sst s10  }
0x35: {  	s10 =	sld [smem:$0x3FAE];
	_ =	sdelay $0x3  }
0x36: {  	p1 =	seq.s32 s10, $0x1;
	s10 =	sld [smem:$0x3FAF];
	_ =	sdelay $0x3  }
0x37: {  	[smem:$0x3FAF] =	sst s10  }
0x38: {  	s10 =	sld [smem:$0x3FB0]  }
0x39: {  	_ = 	snop;
	(pc) =	sbr.ind lr, $3  }
0x3a: {  	_ = 	snop  }
0x3b: {  	_ = 	snop  }
0x3c: {  	p2 =	seq.s32 s10, $0x1;
	s10 =	sld [smem:$0x3FAF]  }
0x3d: {  	_ =	shalt  }
0x3e: {  	_ =	shalt  }
0x3f: {  	_ =	shalt  }
0x40: {  	_ =	shalt  }
0x41: {  	_ =	shalt  }
0x42: {  	_ =	shalt  }
0x43: {  	_ =	shalt  }
0x44: {  	_ =	shalt  }
0x45: {  	_ =	shalt  }
0x46: {  	_ =	shalt  }
0x47: {  	_ =	shalt  }
0x48: {  	_ =	shalt  }
0x49: {  	_ =	shalt  }
0x4a: {  	_ =	shalt  }
0x4b: {  	_ =	shalt  }
0x4c: {  	_ =	shalt  }
0x4d: {  	_ =	shalt  }
0x4e: {  	_ =	shalt  }
0x4f: {  	_ =	shalt  }
0x50: {  	_ =	shalt  }
0x51: {  	_ =	shalt  }
0x52: {  	_ =	shalt  }
0x53: {  	_ =	shalt  }
0x54: {  	_ =	shalt  }
0x55: {  	_ =	shalt  }
0x56: {  	_ =	shalt  }
0x57: {  	_ =	shalt  }
0x58: {  	_ =	shalt  }
0x59: {  	_ =	shalt  }
0x5a: {  	_ =	shalt  }
0x5b: {  	_ =	shalt  }
0x5c: {  	_ =	shalt  }
0x5d: {  	_ =	shalt  }
0x5e: {  	_ =	shalt  }
0x5f: {  	_ =	shalt  }
0x60: {  	_ =	shalt  }
0x61: {  	_ =	shalt  }
0x62: {  	_ =	shalt  }
0x63: {  	_ =	shalt  }
0x64: {  	_ =	shalt  }
0x65: {  	_ =	shalt  }
0x66: {  	_ =	shalt  }
0x67: {  	_ =	shalt  }
0x68: {  	_ =	shalt  }
0x69: {  	_ =	shalt  }
0x6a: {  	_ =	shalt  }
0x6b: {  	_ =	shalt  }
0x6c: {  	_ =	shalt  }
0x6d: {  	_ =	shalt  }
0x6e: {  	_ =	shalt  }
0x6f: {  	_ =	shalt  }
0x70: {  	_ =	shalt  }
0x71: {  	_ =	shalt  }
0x72: {  	_ =	shalt  }
0x73: {  	_ =	shalt  }
0x74: {  	_ =	shalt  }
0x75: {  	_ =	shalt  }
0x76: {  	_ =	shalt  }
0x77: {  	_ =	shalt  }
0x78: {  	_ =	shalt  }
0x79: {  	_ =	shalt  }
0x7a: {  	_ =	shalt  }
0x7b: {  	_ =	shalt  }
0x7c: {  	_ =	shalt  }
0x7d: {  	_ =	shalt  }
0x7e: {  	_ =	shalt  }
0x7f: {  	_ =	shalt  }
0x80: {  	_ =	shalt  }
0x81: {  	_ =	shalt  }
0x82: {  	_ =	shalt  }
0x83: {  	_ =	shalt  }
0x84: {  	_ =	shalt  }
0x85: {  	_ =	shalt  }
0x86: {  	_ =	shalt  }
0x87: {  	_ =	shalt  }
.Lfunc_end0:
.L_simem_size_0:
called_computation_lowered:
.L_overlay_start_0:
0x88: {  	s2 =	sld [smem:$0x3FD9]  }
0x89: {  	s3 =	sld [smem:$0x3FFE];
	_ =	sdelay $0x1  }
0x8a: {  	s1 =	srdreg.scid  }
0x8b: {  	s0 =	sand.u32 $0x1, s1  }
0x8c: {  	s17 =	sshll.u32 s0, $0xA;
	s2 =	sadd.s32 s3, s2  }
0x8d: {  	s2 =	sadd.s32 s2, s17  }
0x8e: {  	[smem:$0x3FBB] =	sst s2  }
0x8f: {  	_ = 	snop  }
0x90: {  	s2 =	sld [smem:$0x3FD0];
	(tm) =	ssettm $0x1  }
0x91: {  	s18 =	sld [smem:$0x3FFB];
	_ =	sdelay $0x3  }
0x92: {  	_ =	strace s18  }
0x93: {  	s3 =	sld [smem:$0x3FFC];
	_ =	sdelay $0x3  }
0x94: {  	_ =	strace s3  }
0x95: {  	s3 =	sld [smem:$0x3FFD];
	_ =	sdelay $0x3  }
0x96: {  	_ =	strace s3  }
0x97: {  	_ =	strace $0x8FFFFFFF  }
0x98: {  	s19 =	sld [smem:$0x3FDB];
	_ =	sdelay $0x1  }
0x99: {  	s4 =	simm.s32 $_scs_section_size  }
0x9a: {  	s5 =	simm.s32 $_size__tile_overlayer_lowered;
	s6 =	simm.s32 $_tile_overlayer_lowered  }
0x9b: {  	s22 =	simm.s32 $0x1BFF;
	s21 =	sshll.u32 s6, $0x1;
	s3 =	sadd.s32 s4, s19  }
0x9c: {  	s7 =	simm.s32 $0x0;
	s20 =	sshll.u32 s5, $0x1;
	s5 =	sadd.s32 s21, s3  }
0x9d: {  	[timem:s7], [sflag:s22] =	dma.local [hbm:s5], s20  }
0x9e: {  	_ =	swait.ge [sflag:s22], s20  }
0x9f: {  	s4 =	ssub.s32 $0x0, s20;
	[sflag:s22] =	ssyncset.done $0x0  }
0xa0: {  	[sflag:s22] =	ssyncadd.s32 s4;
	_ =	sdelay $0x1  }
0xa1: {  	s23 =	simm.s32 $0x1B8B  }
0xa2: {  	_ =	swait.ge [sflag:s23], $0x1  }
0xa3: {  	[sflag:s23] =	ssyncset.done $0x0  }
0xa4: {  	s25 =	simm.s32 $0x1B8E;
	s24 =	sld [smem:$0x3FFE];
	[sflag:s23] =	ssyncadd.s32 $0xFFFFFFFF  }
0xa5: {  	s26 =	simm.s32 $execute0_lowered;
	[smem:$0x3FD2] =	sst s25  }
0xa6: {  	s5 =	sshll.u32 s26, $0x1;
	_ =	strace $0x80000046;
	[dreg:$0x1] =	wrdreg $0xFFFFFFFF  }
0xa7: {  	s28 =	simm.s32 $_size_execute0_lowered;
	s3 =	sadd.s32 s3, s5;
	[dreg:$0x0] =	wrdreg $0x0  }
0xa8: {  	s5 =	sshll.u32 s28, $0x1;
	[dreg:$0x2] =	wrdreg s3  }
0xa9: {  	[dreg:$0x3] =	wrdreg s5  }
0xaa: {  	[dreg:$0x4] =	wrdreg $0xC0  }
0xab: {  	_ =	task [dreg:s7], $0x5FFFF  }
0xac: {  	[dreg:$0x1] =	wrdreg $0xFFFFFFFF  }
0xad: {  	[dreg:$0x0] =	wrdreg $0x60  }
0xae: {  	[dreg:$0x2] =	wrdreg s24  }
0xaf: {  	[dreg:$0x3] =	wrdreg s2  }
0xb0: {  	[dreg:$0x4] =	wrdreg $0x52800  }
0xb1: {  	[dreg:$0x5] =	wrdreg $0x9  }
0xb2: {  	_ =	task.clear_ibuf [dreg:s7], $0x6FFFF;
	_ =	strace $0x90000046  }
0xb3: {  	s29 =	simm.s32 $0x9;
	_ =	strace $0x80000048  }
0xb4: {  	_ =	swait.ge [sflag:s29], $0x1  }
0xb5: {  	[sflag:s29] =	ssyncadd.s32 $0xFFFFFFFF  }
0xb6: {  	_ =	strace $0x90000048  }
0xb7: {  	_ =	sfence  }
0xb8: {  	s30 =	sld [smem:$0x0];
	_ =	sdelay $0x2  }
0xb9: {  	s31 =	sshll.u32 s1, $0xD;
	s1 =	sshrl.u32 s1, $0x2  }
0xba: {  	s3 =	sand.u32 $0x4000, s31;
	s1 =	sadd.s32 s1, s30  }
0xbb: {  	s0 =	sor.u32 s3, s0;
	s1 =	sshll.u32 s1, $0x11  }
0xbc: {  	s0 =	sor.u32 s1, s0  }
0xbd: {  	s0 =	sadd.s32 $0x8F2B, s0  }
0xbe: {  	[sflag:s0] =	ssyncadd.remote.s32 $0x1  }
0xbf: {  	_ =	sfence.sel $0xFFFF  }
0xc0: {  	[dreg:$0x0] =	wrdreg $0xFFFFFFFF;
	(pc) =	sbr.abs _section_cstart, $3  }
0xc1: {  	[dreg:$0x1] =	wrdreg $0xFFFFFFFF  }
0xc2: {  	_ =	task.clear_ibuf [dreg:s7], $0x2FFFF;
	_ =	strace $0x9FFFFFFF  }
0xc3: {  	(tm) =	ssettm $0x7FFFFFFF  }
tec
execute0_lowered:
.L_overlay_start_1:
0x0: {  	(tag) =	ssettag $0x1  }
0x1: {  	s6 =	rddreg [dreg:$0x0]  }
0x2: {  	s2 =	rddreg [dreg:$0x1]  }
0x3: {  	s3 =	rddreg [dreg:$0x2]  }
0x4: {  	s0 =	rddreg [dreg:$0x3]  }
0x5: {  	s1 =	stileid.u32;
	s7 =	srdreg.scid;
	s4 =	simm.s32 $0x0  }
0x6: {  	s14 =	simm.s32 $0x40;
	s15 =	simm.s32 $0x0;
	s5 =	smul.u32 $0x9D0, s1  }
0x7: {  	s7 =	sand.u32 $0x1, s7;
	s8 =	smul.u32 $0x2800, s1;
	[smem:$0x7FF] =	sst s4  }
0x8: {  	s30 =	sshll.u32 s1, $0x6;
	s9 =	smul.u32 $0x28000, s7;
	_ =	strace $0x80000047  }
0x9: {  	s11 =	ssub.s32 $0x2, s7;
	s13 =	smul.u32 $0x9D00, s7;
	s10 =	sadd.s32 s5, s6  }
0xa: {  	s5 =	sadd.s32 $0xCE00, s6;
	s12 =	sshrl.u32 s11, $0x1;
	s31 =	sadd.s32 s8, s3  }
0xb: {  	s9 =	sadd.s32 s8, s9;
	s11 =	ssub.s32 s11, s12;
	s7 =	sadd.s32 $0x3000, s10  }
0xc: {  	s10 =	sshrl.u32 s13, $0x2;
	s12 =	simm.s32 $0x1;
	s9 =	sshrl.u32 s9, $0x3  }
0xd: {  	s13 =	simm.s32 $0x4E80;
	s9 =	sadd.s32 s9, s6;
	s6 =	sor.u32 $0x1C01, s30  }
0xe: {  	s8 =	sadd.s32 $0xD400, s9;
	s9 =	smax.u32 s11, $0x1;
	s11 =	sshrl.u32 s31, $0x3  }
.LBB2_1:
0xf: {  	[spmem:s11], [sflag:s6] =	dma.local [hbm:s5], $0x500  }
0x10: {  	_ =	swait.ge [sflag:s12], $0x500  }
0x11: {  	[sflag:s12] =	ssyncset.done $0x0  }
0x12: {  	[sflag:s12] =	ssyncadd.s32 $0xFFFFFB00  }
0x13: {  	[tilespmem:s4], [sflag:$0x1] =	stream.linear.gather [hbm4b:s7+s4], $0x4E80, $0x38;
	[tilespmem:$0x7A80] =	vst v63  }
0x14: {  	_ =	swait.ge [sflag:s12], $0x4E80  }
0x15: {  	[sflag:s12] =	ssyncset.done $0x0  }
0x16: {  	[sflag:s12] =	ssyncadd.s32 $0xFFFFB180  }
0x17: {  	[tilespmem:s13], [sflag:$0x1] =	stream.linear.gather [hbm4b:s2+s4], $0x400, $0x38;
	[tilespmem:$0x7A80] =	vst v63  }
0x18: {  	_ =	swait.ge [sflag:s12], $0x400  }
0x19: {  	[sflag:s12] =	ssyncset.done $0x0  }
0x1a: {  	[sflag:s12] =	ssyncadd.s32 $0xFFFFFC00  }
0x1b: {  	s16 =	sadd.s32 $0x0, s10;
	[bflag:$0x0] =	sbarrier.arrive $0xFFFF  }
0x1c: {  	[spmem:s3] =	stream.indirect.scatter.add.f32 [tilespmem:s13], [sflag:$0x1], $0x10, s16, s14, $0xb8;
	[tilespmem:$0x7A80] =	vst v63  }
0x1d: {  	s16 =	simm.s32 $0x100;
	_ =	swait.ge [sflag:s12], $0x400  }
.LBB2_2:
0x1e: {  	s17 =	sshra.s32 s16, $0x2;
	[sflag:s12] =	ssyncset.done $0x0;
	p0 =	sne.s32 s16, $0x9C00  }
.Ltmp0:
0x1f: {  	s17 =	sadd.s32 s17, s10;
	[sflag:s12] =	ssyncadd.s32 $0xFFFFFC00;
	(pc) =	sbr.rel @p0 .LBB2_2-.Ltmp0, $3  }
0x20: {  	[spmem:s3] =	stream.indirect.scatter.add.f32 [tilespmem:s13], [sflag:$0x1], $0x10, s17, s14, $0xb8;
	[tilespmem:$0x7A80] =	vst v63  }
0x21: {  	s16 =	sadd.s32 $0x100, s16;
	_ =	sdelay $0x1  }
0x22: {  	_ =	swait.ge [sflag:s12], $0x400  }
0x23: {  	[sflag:s12] =	ssyncset.done $0x0;
	s15 =	sadd.s32 $0x1, s15  }
0x24: {  	[sflag:s12] =	ssyncadd.s32 $0xFFFFFC00;
	p0 =	sne.s32 s15, s9  }
.Ltmp1:
0x25: {  	[bflag:$0x0] =	sbarrier.arrive $0xFFFF;
	(pc) =	sbr.rel @p0 .LBB2_1-.Ltmp1, $4  }
0x26: {  	[hbm:s8], [sflag:s6] =	dma.local [spmem:s11], $0x500  }
0x27: {  	_ =	swait.ge [sflag:s12], $0x500  }
0x28: {  	[sflag:s12] =	ssyncset.done $0x0  }
0x29: {  	[sflag:s12] =	ssyncadd.s32 $0xFFFFFB00  }
0x2a: {  	_ =	sfence.sel $0x180000  }
0x2b: {  	[bflag:$0x0] =	sbarrier.arrive $0xFFFF  }
0x2c: {  	p0 =	sne.s32 s1, $0x0;
	_ =	strace $0x90000047  }
0x2d: {  	s0 =	sadd.s32 @!p0 $0x100000, s0;
	[bflag:$0x2] =	sbarrier.arrive $0xFFFF  }
0x2e: {  	[sflag:s0] =	ssyncadd.tile.s32 @!p0 $0x1;
	_ =	shalt  }
.Lfunc_end2:
_tile_overlayer_lowered:
.L_overlay_start_2:
0x2f: {  	(tag) =	ssettag $0x2  }
0x30: {  	s0 =	rddreg [dreg:$0x0];
	s2 =	stileid.u32  }
0x31: {  	s1 =	rddreg [dreg:$0x1];
	p0 =	sne.s32 s2, $0x0  }
0x32: {  	s3 =	rddreg [dreg:$0x2];
	[bflag:$0x3] =	sbarrier.arrive $0xFFFF;
	s2 =	simm.s32 @!p0 $0x1C01  }
0x33: {  	[timem:s3], [sflag:s2] =	dma.local @!p0 [hbm:s0], s1  }
0x34: {  	s0 =	simm.s32 @!p0 $0x1  }
0x35: {  	_ =	swait.ge @!p0 [sflag:s0], s1  }
0x36: {  	s1 =	ssub.s32 @!p0 $0x0, s1;
	[sflag:s0] =	ssyncset.done @!p0 $0x0  }
0x37: {  	[sflag:s0] =	ssyncadd.s32 @!p0 s1  }
0x38: {  	[bflag:$0x3] =	sbarrier.arrive $0xFFFF  }
0x39: {  	_ =	shalt  }

// kernel: kernel.13.cloned.1.call-start
scs
__scs_entry_jumppad:
0x0: {  	(pc) =	sbr.rel $0x88, $3  }
0x1: {  	(tag) =	ssettag $0x0;
	lr =	simm.s32 $0x1  }
0x2: {  	[smem:$0x3F94] =	sst lr;
	_ =	strace $0xD0000000  }
0x3: {  	_ = 	snop  }
0x4: {  	_ = 	snop  }
0x5: {  	_ = 	snop  }
0x6: {  	_ = 	snop  }
0x7: {  	_ = 	snop  }
__scs_overlays_trampoline_lowered:
0x8: {  	[smem:$0x3FA3] =	sst s0  }
0x9: {  	[smem:$0x3FA4] =	sst s1  }
0xa: {  	[smem:$0x3FA5] =	sst s2  }
0xb: {  	[smem:$0x3FA6] =	sst s3  }
0xc: {  	[smem:$0x3FA7] =	sst s4  }
0xd: {  	[smem:$0x3FA8] =	sst s5  }
0xe: {  	[smem:$0x3FA9] =	sst s6  }
0xf: {  	[smem:$0x3FAA] =	sst s7  }
0x10: {  	[smem:$0x3FAB] =	sst s8  }
0x11: {  	[smem:$0x3FAC] =	sst s9;
	s0 =	simm.s32 @!p0 $0x0  }
0x12: {  	s1 =	sld [smem:$0x3F92];
	s0 =	simm.s32 @p0 $0x1  }
0x13: {  	[smem:$0x3FAD] =	sst s0;
	s0 =	simm.s32 @!p1 $0x0  }
0x14: {  	s2 =	sld [smem:$0x3F91];
	s0 =	simm.s32 @p1 $0x1  }
0x15: {  	[smem:$0x3FAE] =	sst s0;
	s0 =	simm.s32 @!p2 $0x0  }
0x16: {  	s3 =	sld [smem:$0x3FDB];
	s0 =	simm.s32 @p2 $0x1  }
0x17: {  	s4 =	simm.s32 $0x1BF5;
	[smem:$0x3FB0] =	sst s0  }
0x18: {  	s0 =	sld [smem:$0x3F93];
	_ =	swait.ge [sflag:s4], $0x0  }
0x19: {  	s7 =	sld [smem:$0x3F94]  }
0x1a: {  	s8 =	sadd.s32 $0xFFFFE003, lr  }
0x1b: {  	s9 =	sadd.s32 $0xFFFFFEF7, lr;
	s5 =	simm.s32 $0xFFFFFFFF;
	p2 =	slt.u32 s8, $0xFFFFF086  }
0x1c: {  	p1 =	slt.u32 s9, $0xF7A;
	s5 =	simm.s32 @!p2 $0x0  }
0x1d: {  	s5 =	simm.s32 @p1 $0x1;
	p0 =	seq.s32 s7, s2  }
0x1e: {  	s7 =	smul.u32 @!p0 $0xF7A, s2;
	p2 =	seq.s32 @!p0 s5, $0x0  }
0x1f: {  	s9 =	smul.u32 $0xF7A, s1;
	s8 =	simm.s32 @!p0 $0x1BF5;
	p2 =	por !p2, p0  }
0x20: {  	[sflag:s8] =	ssyncset.s32 @!p0 $0xFFFFF086;
	s6 =	sadd.s32 @!p0 s3, s7;
	s7 =	simm.s32 @!p0 $0x108  }
0x21: {  	s3 =	sadd.s32 s3, s9;
	s6 =	sadd.s32 @!p0 $0x88, s6;
	s7 =	simm.s32 @p2 $0x1082  }
0x22: {  	[simem:s7], [sflag:s8] =	dma.local @!p0 [hbm:s6], $0xF7A  }
0x23: {  	s9 =	sor.u32 $0xD0000000, s2;
	s6 =	simm.s32 $0x108;
	_ =	swait.ge @!p0 [sflag:s8], $0x0  }
0x24: {  	s3 =	sadd.s32 $0x88, s3;
	s6 =	simm.s32 @!p1 $0x1082;
	[sflag:s4] =	ssyncset.s32 $0xFFFFF086  }
0x25: {  	[simem:s6], [sflag:s4] =	dma.local [hbm:s3], $0xF7A  }
0x26: {  	[smem:$0x3F94] =	sst s1;
	(tag) =	ssettag s2;
	_ =	strace s9  }
0x27: {  	s1 =	sld [smem:$0x3FA4]  }
0x28: {  	s2 =	sld [smem:$0x3FA5]  }
0x29: {  	s4 =	sld [smem:$0x3FA7]  }
0x2a: {  	p0 =	seq.s32 s5, $0x0;
	s5 =	sld [smem:$0x3FA8]  }
0x2b: {  	s6 =	sld [smem:$0x3FA9]  }
0x2c: {  	s7 =	sld [smem:$0x3FAA]  }
0x2d: {  	s3 =	simm.s32 $0x108;
	s8 =	sld [smem:$0x3FAB]  }
0x2e: {  	s3 =	simm.s32 @!p0 $0x1082;
	s9 =	sld [smem:$0x3FAC]  }
0x2f: {  	lr =	sadd.s32 s0, s3;
	s0 =	sld [smem:$0x3FA3]  }
0x30: {  	s3 =	sld [smem:$0x3FA6]  }
0x31: {  	[smem:$0x3FAF] =	sst s10  }
0x32: {  	s10 =	sld [smem:$0x3FAD];
	_ =	sdelay $0x3  }
0x33: {  	p0 =	seq.s32 s10, $0x1;
	s10 =	sld [smem:$0x3FAF];
	_ =	sdelay $0x3  }
0x34: {  	[smem:$0x3FAF] =	sst s10  }
0x35: {  	s10 =	sld [smem:$0x3FAE];
	_ =	sdelay $0x3  }
0x36: {  	p1 =	seq.s32 s10, $0x1;
	s10 =	sld [smem:$0x3FAF];
	_ =	sdelay $0x3  }
0x37: {  	[smem:$0x3FAF] =	sst s10  }
0x38: {  	s10 =	sld [smem:$0x3FB0]  }
0x39: {  	_ = 	snop;
	(pc) =	sbr.ind lr, $3  }
0x3a: {  	_ = 	snop  }
0x3b: {  	_ = 	snop  }
0x3c: {  	p2 =	seq.s32 s10, $0x1;
	s10 =	sld [smem:$0x3FAF]  }
0x3d: {  	_ =	shalt  }
0x3e: {  	_ =	shalt  }
0x3f: {  	_ =	shalt  }
0x40: {  	_ =	shalt  }
0x41: {  	_ =	shalt  }
0x42: {  	_ =	shalt  }
0x43: {  	_ =	shalt  }
0x44: {  	_ =	shalt  }
0x45: {  	_ =	shalt  }
0x46: {  	_ =	shalt  }
0x47: {  	_ =	shalt  }
0x48: {  	_ =	shalt  }
0x49: {  	_ =	shalt  }
0x4a: {  	_ =	shalt  }
0x4b: {  	_ =	shalt  }
0x4c: {  	_ =	shalt  }
0x4d: {  	_ =	shalt  }
0x4e: {  	_ =	shalt  }
0x4f: {  	_ =	shalt  }
0x50: {  	_ =	shalt  }
0x51: {  	_ =	shalt  }
0x52: {  	_ =	shalt  }
0x53: {  	_ =	shalt  }
0x54: {  	_ =	shalt  }
0x55: {  	_ =	shalt  }
0x56: {  	_ =	shalt  }
0x57: {  	_ =	shalt  }
0x58: {  	_ =	shalt  }
0x59: {  	_ =	shalt  }
0x5a: {  	_ =	shalt  }
0x5b: {  	_ =	shalt  }
0x5c: {  	_ =	shalt  }
0x5d: {  	_ =	shalt  }
0x5e: {  	_ =	shalt  }
0x5f: {  	_ =	shalt  }
0x60: {  	_ =	shalt  }
0x61: {  	_ =	shalt  }
0x62: {  	_ =	shalt  }
0x63: {  	_ =	shalt  }
0x64: {  	_ =	shalt  }
0x65: {  	_ =	shalt  }
0x66: {  	_ =	shalt  }
0x67: {  	_ =	shalt  }
0x68: {  	_ =	shalt  }
0x69: {  	_ =	shalt  }
0x6a: {  	_ =	shalt  }
0x6b: {  	_ =	shalt  }
0x6c: {  	_ =	shalt  }
0x6d: {  	_ =	shalt  }
0x6e: {  	_ =	shalt  }
0x6f: {  	_ =	shalt  }
0x70: {  	_ =	shalt  }
0x71: {  	_ =	shalt  }
0x72: {  	_ =	shalt  }
0x73: {  	_ =	shalt  }
0x74: {  	_ =	shalt  }
0x75: {  	_ =	shalt  }
0x76: {  	_ =	shalt  }
0x77: {  	_ =	shalt  }
0x78: {  	_ =	shalt  }
0x79: {  	_ =	shalt  }
0x7a: {  	_ =	shalt  }
0x7b: {  	_ =	shalt  }
0x7c: {  	_ =	shalt  }
0x7d: {  	_ =	shalt  }
0x7e: {  	_ =	shalt  }
0x7f: {  	_ =	shalt  }
0x80: {  	_ =	shalt  }
0x81: {  	_ =	shalt  }
0x82: {  	_ =	shalt  }
0x83: {  	_ =	shalt  }
0x84: {  	_ =	shalt  }
0x85: {  	_ =	shalt  }
0x86: {  	_ =	shalt  }
0x87: {  	_ =	shalt  }
.Lfunc_end0:
.L_simem_size_0:
called_computation.1_lowered:
.L_overlay_start_0:
0x88: {  	s2 =	sld [smem:$0x3FD9]  }
0x89: {  	s3 =	sld [smem:$0x3FFE];
	_ =	sdelay $0x1  }
0x8a: {  	s1 =	srdreg.scid  }
0x8b: {  	s0 =	sand.u32 $0x1, s1  }
0x8c: {  	s16 =	sshll.u32 s0, $0xA;
	s2 =	sadd.s32 s3, s2  }
0x8d: {  	s2 =	sadd.s32 s2, s16  }
0x8e: {  	[smem:$0x3FBB] =	sst s2  }
0x8f: {  	_ = 	snop  }
0x90: {  	(tm) =	ssettm $0x1  }
0x91: {  	s17 =	sld [smem:$0x3FFB];
	_ =	sdelay $0x3  }
0x92: {  	_ =	strace s17  }
0x93: {  	s2 =	sld [smem:$0x3FFC];
	_ =	sdelay $0x3  }
0x94: {  	_ =	strace s2  }
0x95: {  	s2 =	sld [smem:$0x3FFD];
	_ =	sdelay $0x3  }
0x96: {  	_ =	strace s2  }
0x97: {  	_ =	strace $0x8FFFFFFF  }
0x98: {  	s18 =	sld [smem:$0x3FDB];
	_ =	sdelay $0x1  }
0x99: {  	s19 =	simm.s32 $_scs_section_size  }
0x9a: {  	s4 =	simm.s32 $_size__tile_overlayer_lowered;
	s5 =	simm.s32 $_tile_overlayer_lowered  }
0x9b: {  	s22 =	simm.s32 $0x1BFF;
	s21 =	sshll.u32 s5, $0x1;
	s2 =	sadd.s32 s19, s18  }
0x9c: {  	s6 =	simm.s32 $0x0;
	s20 =	sshll.u32 s4, $0x1;
	s4 =	sadd.s32 s21, s2  }
0x9d: {  	[timem:s6], [sflag:s22] =	dma.local [hbm:s4], s20  }
0x9e: {  	_ =	swait.ge [sflag:s22], s20  }
0x9f: {  	s3 =	ssub.s32 $0x0, s20;
	[sflag:s22] =	ssyncset.done $0x0  }
0xa0: {  	[sflag:s22] =	ssyncadd.s32 s3;
	_ =	sdelay $0x1  }
0xa1: {  	s23 =	simm.s32 $0x1B8B  }
0xa2: {  	_ =	swait.ge [sflag:s23], $0x1  }
0xa3: {  	[sflag:s23] =	ssyncset.done $0x0  }
0xa4: {  	s25 =	simm.s32 $0x1B8E;
	s24 =	sld [smem:$0x3FFE];
	[sflag:s23] =	ssyncadd.s32 $0xFFFFFFFF  }
0xa5: {  	s26 =	simm.s32 $execute0_lowered;
	[smem:$0x3FD2] =	sst s25  }
0xa6: {  	s4 =	sshll.u32 s26, $0x1;
	_ =	strace $0x80000049;
	[dreg:$0x1] =	wrdreg $0xFFFFFFFF  }
0xa7: {  	s28 =	simm.s32 $_size_execute0_lowered;
	s2 =	sadd.s32 s2, s4;
	[dreg:$0x0] =	wrdreg $0x0  }
0xa8: {  	s4 =	sshll.u32 s28, $0x1;
	[dreg:$0x2] =	wrdreg s2  }
0xa9: {  	[dreg:$0x3] =	wrdreg s4  }
0xaa: {  	[dreg:$0x4] =	wrdreg $0xC0  }
0xab: {  	_ =	task [dreg:s6], $0x5FFFF  }
0xac: {  	[dreg:$0x1] =	wrdreg $0xFFFFFFFF  }
0xad: {  	[dreg:$0x0] =	wrdreg $0x60  }
0xae: {  	[dreg:$0x2] =	wrdreg s24  }
0xaf: {  	[dreg:$0x3] =	wrdreg $0x13D000  }
0xb0: {  	[dreg:$0x4] =	wrdreg $0x9  }
0xb1: {  	_ =	task.clear_ibuf [dreg:s6], $0x5FFFF;
	_ =	strace $0x90000049  }
0xb2: {  	s29 =	simm.s32 $0x9;
	_ =	strace $0x8000004B  }
0xb3: {  	_ =	swait.ge [sflag:s29], $0x1  }
0xb4: {  	[sflag:s29] =	ssyncadd.s32 $0xFFFFFFFF  }
0xb5: {  	_ =	strace $0x9000004B  }
0xb6: {  	_ =	sfence  }
0xb7: {  	s30 =	sld [smem:$0x0];
	_ =	sdelay $0x2  }
0xb8: {  	s31 =	sshll.u32 s1, $0xD;
	s1 =	sshrl.u32 s1, $0x2  }
0xb9: {  	s3 =	sand.u32 $0x4000, s31;
	s1 =	sadd.s32 s1, s30  }
0xba: {  	s0 =	sor.u32 s3, s0;
	s1 =	sshll.u32 s1, $0x11  }
0xbb: {  	s0 =	sor.u32 s1, s0  }
0xbc: {  	s0 =	sadd.s32 $0x8F2B, s0  }
0xbd: {  	[sflag:s0] =	ssyncadd.remote.s32 $0x1  }
0xbe: {  	_ =	sfence.sel $0xFFFF  }
0xbf: {  	[dreg:$0x0] =	wrdreg $0xFFFFFFFF;
	(pc) =	sbr.abs _section_cstart, $3  }
0xc0: {  	[dreg:$0x1] =	wrdreg $0xFFFFFFFF  }
0xc1: {  	_ =	task.clear_ibuf [dreg:s6], $0x2FFFF;
	_ =	strace $0x9FFFFFFF  }
0xc2: {  	(tm) =	ssettm $0x7FFFFFFF  }
0xc3: {  	_ =	shalt  }
tec
execute0_lowered:
.L_overlay_start_1:
0x0: {  	(tag) =	ssettag $0x1  }
0x1: {  	s0 =	srdreg.scid;
	s1 =	rddreg [dreg:$0x0]  }
0x2: {  	s10 =	stileid.u32;
	s2 =	rddreg [dreg:$0x1]  }
0x3: {  	s3 =	simm.s32 $0x0;
	s12 =	simm.s32 $0x15;
	s13 =	simm.s32 $0x40  }
0x4: {  	s20 =	simm.s32 $0x100;
	s21 =	simm.s32 $0xDD00;
	s22 =	simm.s32 $0xB  }
0x5: {  	s23 =	simm.s32 $0xC;
	s28 =	simm.s32 $0x10;
	s5 =	smul.u32 $0x9D0, s10  }
0x6: {  	s29 =	simm.s32 $0x11;
	s0 =	sand.u32 $0x1, s0;
	s6 =	smul.u32 $0xA000, s10  }
0x7: {  	s30 =	simm.s32 $0x12;
	s31 =	simm.s32 $0x13;
	s4 =	smul.u32 $0x13880, s0  }
0x8: {  	[smem:$0x7FF] =	sst s3;
	s26 =	sshll.u32 s10, $0x6;
	s7 =	smul.u32 $0xA0000, s0  }
0x9: {  	_ =	strace $0x8000004A;
	s0 =	ssub.s32 $0x2, s0;
	s9 =	sadd.s32 s5, s1  }
0xa: {  	s25 =	sshrl.u32 s0, $0x1;
	s11 =	sadd.s32 s6, s2;
	s8 =	sadd.s32 s4, s1  }
0xb: {  	s24 =	sadd.s32 s6, s7;
	s4 =	sadd.s32 $0xCE00, s1;
	s0 =	ssub.s32 s0, s25  }
.Ltmp0:
0xc: {  	s6 =	sadd.s32 $0x17400, s9;
	s7 =	sadd.s32 $0x3000, s9;
	(pc) =	sbr.rel .LBB2_1-.Ltmp0, $4  }
0xd: {  	s11 =	sshrl.u32 s11, $0x3;
	s25 =	simm.s32 $0xE;
	s5 =	sshrl.u32 s24, $0x3  }
0xe: {  	s8 =	sadd.s32 $0x6F400, s8;
	s10 =	smax.u32 s0, $0x1;
	s24 =	simm.s32 $0xD  }
0xf: {  	s0 =	simm.s32 $0x0;
	s1 =	sadd.s32 s5, s1;
	s5 =	sor.u32 $0x1C15, s26  }
0x10: {  	s26 =	simm.s32 $0xF;
	s9 =	sadd.s32 $0x96600, s1;
	s1 =	simm.s32 $0x14  }
.LBB2_10:
0x11: {  	_ =	swait.ge [sflag:s22], $0x1000  }
0x12: {  	[sflag:s22] =	ssyncset.done $0x0  }
0x13: {  	[sflag:s22] =	ssyncadd.s32 $0xFFFFF000  }
0x14: {  	_ =	swait.ge [sflag:s23], $0x1000  }
0x15: {  	[sflag:s23] =	ssyncset.done $0x0  }
0x16: {  	[sflag:s23] =	ssyncadd.s32 $0xFFFFF000  }
0x17: {  	_ =	swait.ge [sflag:s24], $0x1000  }
0x18: {  	[sflag:s24] =	ssyncset.done $0x0  }
0x19: {  	[sflag:s24] =	ssyncadd.s32 $0xFFFFF000  }
0x1a: {  	_ =	swait.ge [sflag:s25], $0x1000  }
0x1b: {  	[sflag:s25] =	ssyncset.done $0x0  }
0x1c: {  	[sflag:s25] =	ssyncadd.s32 $0xFFFFF000  }
0x1d: {  	_ =	swait.ge [sflag:s26], $0x1000  }
0x1e: {  	[sflag:s26] =	ssyncset.done $0x0  }
0x1f: {  	[sflag:s26] =	ssyncadd.s32 $0xFFFFF000  }
0x20: {  	_ =	swait.ge [sflag:s28], $0x1000  }
0x21: {  	[sflag:s28] =	ssyncset.done $0x0  }
0x22: {  	[sflag:s28] =	ssyncadd.s32 $0xFFFFF000  }
0x23: {  	_ =	swait.ge [sflag:s29], $0x1000  }
0x24: {  	[sflag:s29] =	ssyncset.done $0x0  }
0x25: {  	[sflag:s29] =	ssyncadd.s32 $0xFFFFF000  }
0x26: {  	_ =	swait.ge [sflag:s30], $0x1000  }
0x27: {  	[sflag:s30] =	ssyncset.done $0x0  }
0x28: {  	[sflag:s30] =	ssyncadd.s32 $0xFFFFF000  }
0x29: {  	_ =	swait.ge [sflag:s31], $0x1000  }
0x2a: {  	[sflag:s31] =	ssyncset.done $0x0  }
0x2b: {  	[sflag:s31] =	ssyncadd.s32 $0xFFFFF000  }
0x2c: {  	_ =	swait.ge [sflag:s1], $0x1000  }
0x2d: {  	s0 =	sadd.s32 $0x1, s0;
	[sflag:s1] =	ssyncset.done $0x0  }
0x2e: {  	p0 =	sne.s32 s0, s10;
	[sflag:s1] =	ssyncadd.s32 $0xFFFFF000  }
.Ltmp1:
0x2f: {  	[bflag:$0x0] =	sbarrier.arrive $0xFFFF;
	(pc) =	sbr.rel @!p0 .LBB2_11-.Ltmp1, $4  }
0x30: {  	[hbm:s9], [sflag:s5] =	dma.local [spmem:s11], $0x1400  }
0x31: {  	_ =	swait.ge [sflag:s12], $0x1400  }
0x32: {  	[sflag:s12] =	ssyncset.done $0x0  }
0x33: {  	[sflag:s12] =	ssyncadd.s32 $0xFFFFEC00  }
.LBB2_1:
0x34: {  	[spmem:s11], [sflag:s5] =	dma.local [hbm:s4], $0x1400  }
0x35: {  	_ =	swait.ge [sflag:s12], $0x1400  }
0x36: {  	[sflag:s12] =	ssyncset.done $0x0  }
0x37: {  	[sflag:s12] =	ssyncadd.s32 $0xFFFFEC00  }
0x38: {  	[tilespmem:s3], [sflag:$0x15] =	stream.linear.gather [hbm4b:s6+s3], $0x4E80, $0x38;
	[tilespmem:$0x1DD00] =	vst v63  }
0x39: {  	_ =	swait.ge [sflag:s12], $0x4E80  }
0x3a: {  	[sflag:s12] =	ssyncset.done $0x0  }
0x3b: {  	s14 =	simm.s32 $0x4E80;
	[sflag:s12] =	ssyncadd.s32 $0xFFFFB180  }
0x3c: {  	[tilespmem:s14], [sflag:$0x15] =	stream.linear.gather [hbm4b:s7+s3], $0x4E80, $0x38;
	[tilespmem:$0x1DD00] =	vst v63  }
0x3d: {  	_ =	swait.ge [sflag:s12], $0x4E80  }
0x3e: {  	[sflag:s12] =	ssyncset.done $0x0  }
0x3f: {  	[sflag:s12] =	ssyncadd.s32 $0xFFFFB180  }
0x40: {  	s15 =	simm.s32 $0x9D00;
	[bflag:$0x0] =	sbarrier.arrive $0xFFFF  }
0x41: {  	[tilespmem:s15], [sflag:$0x1] =	stream.indirect.gather [hbm4b:s8+s13], $0x40, s3, s13, $0xb8;
	[tilespmem:$0x1DD00] =	vst v63  }
0x42: {  	s16 =	simm.s32 $0xAD00  }
0x43: {  	[tilespmem:s16], [sflag:$0x2] =	stream.indirect.gather [hbm4b:s8+s13], $0x40, s13, s13, $0xb8;
	[tilespmem:$0x1DD00] =	vst v63  }
0x44: {  	s17 =	simm.s32 $0x80;
	s16 =	simm.s32 $0xBD00  }
0x45: {  	[tilespmem:s16], [sflag:$0x3] =	stream.indirect.gather [hbm4b:s8+s13], $0x40, s17, s13, $0xb8;
	[tilespmem:$0x1DD00] =	vst v63  }
.Ltmp2:
0x46: {  	_ = 	snop;
	(pc) =	sbr.rel .LBB2_2-.Ltmp2, $4  }
0x47: {  	s18 =	simm.s32 $0xC0;
	s19 =	simm.s32 $0xCD00  }
0x48: {  	[tilespmem:s19], [sflag:$0x4] =	stream.indirect.gather [hbm4b:s8+s13], $0x40, s18, s13, $0xb8;
	[tilespmem:$0x1DD00] =	vst v63  }
0x49: {  	s15 =	simm.s32 $0x140;
	s16 =	simm.s32 $0x0  }
0x4a: {  	[tilespmem:s21], [sflag:$0x5] =	stream.indirect.gather [hbm4b:s8+s13], $0x40, s20, s13, $0xb8;
	[tilespmem:$0x1DD00] =	vst v63  }
.LBB2_6:
0x4b: {  	p0 =	sgt.s32 s17, $0x6  }
.Ltmp3:
0x4c: {  	_ = 	snop;
	(pc) =	sbr.rel @!p0 .LBB2_7-.Ltmp3, $1  }
0x4d: {  	_ =	sdelay $0x3  }
0x4e: {  	p0 =	seq.s32 s17, $0x7  }
0x4f: {  	s18 =	simm.s32 @p0 $0x8  }
0x50: {  	_ =	swait.ge @p0 [sflag:s18], $0x1000  }
0x51: {  	p1 =	sgt.u32 @p0 s16, $0x134;
	s19 =	simm.s32 @p0 $0x10D00;
	[sflag:s18] =	ssyncset.done @p0 $0x0  }
0x52: {  	p1 =	por p1, !p0;
	[sflag:s18] =	ssyncadd.s32 @p0 $0xFFFFF000;
	s18 =	simm.s32 @p0 $0x40  }
0x53: {  	[spmem:s2] =	stream.indirect.scatter.add.f32 @p0 [tilespmem:s19], [sflag:$0x12], $0x40, s14, s18, $0xb8;
	[tilespmem:$0x1DD00] =	vst v63  }
0x54: {  	s18 =	simm.s32 @!p1 $0xD  }
0x55: {  	_ =	swait.ge @!p1 [sflag:s18], $0x1000  }
0x56: {  	[sflag:s18] =	ssyncset.done @!p1 $0x0  }
0x57: {  	s19 =	simm.s32 @!p1 $0xBD00;
	[sflag:s18] =	ssyncadd.s32 @!p1 $0xFFFFF000;
	s18 =	simm.s32 @!p1 $0x40  }
0x58: {  	[tilespmem:s19], [sflag:$0x3] =	stream.indirect.gather @!p1 [hbm4b:s8+s18], $0x40, s15, s18, $0xb8;
	[tilespmem:$0x1DD00] =	vst v63  }
0x59: {  	p1 =	seq.s32 @!p0 s17, $0x8  }
0x5a: {  	p2 =	por !p1, p0  }
0x5b: {  	s17 =	simm.s32 @!p2 $0x9  }
0x5c: {  	_ =	swait.ge @!p2 [sflag:s17], $0x1000  }
0x5d: {  	p3 =	sgt.u32 @!p2 s16, $0x134;
	[sflag:s17] =	ssyncset.done @!p2 $0x0  }
0x5e: {  	s18 =	simm.s32 @!p2 $0x11D00;
	[sflag:s17] =	ssyncadd.s32 @!p2 $0xFFFFF000;
	s17 =	simm.s32 @!p2 $0x40  }
0x5f: {  	[spmem:s2] =	stream.indirect.scatter.add.f32 @!p2 [tilespmem:s18], [sflag:$0x13], $0x40, s14, s17, $0xb8;
	[tilespmem:$0x1DD00] =	vst v63  }
0x60: {  	p2 =	por @!p0 p3, !p1  }
0x61: {  	p2 =	por p2, p0  }
0x62: {  	s17 =	simm.s32 @!p2 $0xE  }
0x63: {  	_ =	swait.ge @!p2 [sflag:s17], $0x1000  }
0x64: {  	[sflag:s17] =	ssyncset.done @!p2 $0x0  }
0x65: {  	s18 =	simm.s32 @!p2 $0xCD00;
	[sflag:s17] =	ssyncadd.s32 @!p2 $0xFFFFF000;
	s17 =	simm.s32 @!p2 $0x40  }
0x66: {  	[tilespmem:s18], [sflag:$0x4] =	stream.indirect.gather @!p2 [hbm4b:s8+s17], $0x40, s15, s17, $0xb8;
	[tilespmem:$0x1DD00] =	vst v63  }
0x67: {  	p2 =	por p1, p0  }
0x68: {  	s17 =	simm.s32 @!p2 $0xA  }
0x69: {  	p3 =	sgt.u32 @!p2 s16, $0x134;
	_ =	swait.ge @!p2 [sflag:s17], $0x1000  }
0x6a: {  	s18 =	simm.s32 @!p2 $0x12D00;
	p1 =	por @!p0 p3, p1;
	[sflag:s17] =	ssyncset.done @!p2 $0x0  }
0x6b: {  	p0 =	por p1, p0;
	[sflag:s17] =	ssyncadd.s32 @!p2 $0xFFFFF000;
	s17 =	simm.s32 @!p2 $0x40  }
0x6c: {  	[spmem:s2] =	stream.indirect.scatter.add.f32 @!p2 [tilespmem:s18], [sflag:$0x14], $0x40, s14, s17, $0xb8;
	[tilespmem:$0x1DD00] =	vst v63  }
0x6d: {  	s17 =	simm.s32 @!p0 $0xF  }
0x6e: {  	_ =	swait.ge @!p0 [sflag:s17], $0x1000  }
0x6f: {  	[sflag:s17] =	ssyncset.done @!p0 $0x0  }
0x70: {  	s18 =	simm.s32 @!p0 $0xDD00;
	[sflag:s17] =	ssyncadd.s32 @!p0 $0xFFFFF000;
	s17 =	simm.s32 @!p0 $0x40  }
0x71: {  	[tilespmem:s18], [sflag:$0x5] =	stream.indirect.gather @!p0 [hbm4b:s8+s17], $0x40, s15, s17, $0xb8;
	[tilespmem:$0x1DD00] =	vst v63  }
.LBB2_9:
0x72: {  	s16 =	sadd.s32 $0x1, s16  }
0x73: {  	p0 =	sne.s32 s16, $0x13A  }
.Ltmp4:
0x74: {  	_ = 	snop;
	(pc) =	sbr.rel @!p0 .LBB2_10-.Ltmp4, $2  }
0x75: {  	_ =	sdelay $0x2  }
0x76: {  	s15 =	sadd.s32 $0x40, s15;
	s14 =	sadd.s32 $0x40, s14  }
.LBB2_2:
0x77: {  	s17 =	smul.u32 $0xCCCD, s16;
	_ =	sdelay $0x1  }
0x78: {  	s17 =	sshrl.u32 s17, $0x13  }
0x79: {  	s17 =	smul.u32 $0xA, s17;
	_ =	sdelay $0x1  }
0x7a: {  	s17 =	ssub.s32 s16, s17  }
0x7b: {  	s17 =	sand.u32 $0xFFFF, s17  }
0x7c: {  	p0 =	sgt.s32 s17, $0x4  }
.Ltmp5:
0x7d: {  	_ = 	snop;
	(pc) =	sbr.rel @p0 .LBB2_6-.Ltmp5, $1  }
0x7e: {  	_ =	sdelay $0x3  }
0x7f: {  	p0 =	sgt.s32 s17, $0x1  }
.Ltmp6:
0x80: {  	_ = 	snop;
	(pc) =	sbr.rel @!p0 .LBB2_4-.Ltmp6, $1  }
0x81: {  	_ =	sdelay $0x3  }
0x82: {  	p0 =	seq.s32 s17, $0x2  }
0x83: {  	s18 =	simm.s32 @p0 $0x3;
	p1 =	sgt.u32 @p0 s16, $0x134  }
0x84: {  	_ =	swait.ge @p0 [sflag:s18], $0x1000;
	p2 =	por p1, !p0  }
0x85: {  	s19 =	simm.s32 @p0 $0xBD00;
	[sflag:s18] =	ssyncset.done @p0 $0x0;
	p3 =	slt.u32 @!p2 s16, $0x5  }
0x86: {  	[sflag:s18] =	ssyncadd.s32 @p0 $0xFFFFF000;
	s18 =	simm.s32 @p0 $0x40;
	p1 =	por @p0 p3, p1  }
0x87: {  	[spmem:s2] =	stream.indirect.scatter.add.f32 @p0 [tilespmem:s19], [sflag:$0xD], $0x40, s14, s18, $0xb8;
	[tilespmem:$0x1DD00] =	vst v63  }
0x88: {  	p1 =	por p1, !p0  }
0x89: {  	s18 =	simm.s32 @!p1 $0x12  }
0x8a: {  	_ =	swait.ge @!p1 [sflag:s18], $0x1000  }
0x8b: {  	s19 =	simm.s32 @!p2 $0x10D00;
	[sflag:s18] =	ssyncset.done @!p1 $0x0  }
0x8c: {  	[sflag:s18] =	ssyncadd.s32 @!p1 $0xFFFFF000;
	s18 =	simm.s32 @!p2 $0x40;
	p1 =	seq.s32 @!p0 s17, $0x3  }
0x8d: {  	[tilespmem:s19], [sflag:$0x8] =	stream.indirect.gather @!p2 [hbm4b:s8+s18], $0x40, s15, s18, $0xb8;
	[tilespmem:$0x1DD00] =	vst v63  }
0x8e: {  	p2 =	por !p1, p0  }
0x8f: {  	s17 =	simm.s32 @!p2 $0x4;
	p3 =	sgt.u32 @!p2 s16, $0x134  }
0x90: {  	_ =	swait.ge @!p2 [sflag:s17], $0x1000;
	p4 =	por @!p0 p3, !p1  }
0x91: {  	s18 =	simm.s32 @!p2 $0xCD00;
	[sflag:s17] =	ssyncset.done @!p2 $0x0;
	p4 =	por p4, p0  }
0x92: {  	[sflag:s17] =	ssyncadd.s32 @!p2 $0xFFFFF000;
	s17 =	simm.s32 @!p2 $0x40;
	p5 =	slt.u32 @!p4 s16, $0x5  }
0x93: {  	[spmem:s2] =	stream.indirect.scatter.add.f32 @!p2 [tilespmem:s18], [sflag:$0xE], $0x40, s14, s17, $0xb8;
	[tilespmem:$0x1DD00] =	vst v63  }
0x94: {  	p2 =	por @!p2 p5, p3  }
0x95: {  	p2 =	por @!p0 p2, !p1  }
0x96: {  	p2 =	por p2, p0  }
0x97: {  	s17 =	simm.s32 @!p2 $0x13  }
0x98: {  	_ =	swait.ge @!p2 [sflag:s17], $0x1000  }
0x99: {  	s18 =	simm.s32 @!p4 $0x11D00;
	[sflag:s17] =	ssyncset.done @!p2 $0x0  }
0x9a: {  	[sflag:s17] =	ssyncadd.s32 @!p2 $0xFFFFF000;
	s17 =	simm.s32 @!p4 $0x40;
	p2 =	por p1, p0  }
0x9b: {  	[tilespmem:s18], [sflag:$0x9] =	stream.indirect.gather @!p4 [hbm4b:s8+s17], $0x40, s15, s17, $0xb8;
	[tilespmem:$0x1DD00] =	vst v63  }
0x9c: {  	s17 =	simm.s32 @!p2 $0x5;
	p3 =	sgt.u32 @!p2 s16, $0x134  }
0x9d: {  	_ =	swait.ge @!p2 [sflag:s17], $0x1000;
	p4 =	por @!p0 p3, p1  }
0x9e: {  	s18 =	simm.s32 @!p2 $0xDD00;
	[sflag:s17] =	ssyncset.done @!p2 $0x0;
	p4 =	por p4, p0  }
0x9f: {  	[sflag:s17] =	ssyncadd.s32 @!p2 $0xFFFFF000;
	s17 =	simm.s32 @!p2 $0x40;
	p5 =	slt.u32 @!p4 s16, $0x5  }
0xa0: {  	[spmem:s2] =	stream.indirect.scatter.add.f32 @!p2 [tilespmem:s18], [sflag:$0xF], $0x40, s14, s17, $0xb8;
	[tilespmem:$0x1DD00] =	vst v63  }
0xa1: {  	p2 =	por @!p2 p5, p3  }
0xa2: {  	p1 =	por @!p0 p2, p1  }
0xa3: {  	p0 =	por p1, p0  }
.Ltmp7:
0xa4: {  	s17 =	simm.s32 @!p0 $0x14;
	(pc) =	sbr.rel .LBB2_9-.Ltmp7, $4  }
0xa5: {  	_ =	swait.ge @!p0 [sflag:s17], $0x1000  }
0xa6: {  	[sflag:s17] =	ssyncset.done @!p0 $0x0  }
0xa7: {  	s18 =	simm.s32 @!p4 $0x12D00;
	[sflag:s17] =	ssyncadd.s32 @!p0 $0xFFFFF000;
	s17 =	simm.s32 @!p4 $0x40  }
0xa8: {  	[tilespmem:s18], [sflag:$0xA] =	stream.indirect.gather @!p4 [hbm4b:s8+s17], $0x40, s15, s17, $0xb8;
	[tilespmem:$0x1DD00] =	vst v63  }
.LBB2_7:
0xa9: {  	p0 =	seq.s32 s17, $0x5  }
0xaa: {  	s17 =	simm.s32 @p0 $0x6  }
0xab: {  	_ =	swait.ge @p0 [sflag:s17], $0x1000  }
0xac: {  	p1 =	sgt.u32 @p0 s16, $0x134;
	s18 =	simm.s32 @p0 $0xED00;
	[sflag:s17] =	ssyncset.done @p0 $0x0  }
0xad: {  	p1 =	por p1, !p0;
	[sflag:s17] =	ssyncadd.s32 @p0 $0xFFFFF000;
	s17 =	simm.s32 @p0 $0x40  }
0xae: {  	[spmem:s2] =	stream.indirect.scatter.add.f32 @p0 [tilespmem:s18], [sflag:$0x10], $0x40, s14, s17, $0xb8;
	[tilespmem:$0x1DD00] =	vst v63  }
0xaf: {  	s17 =	simm.s32 @!p1 $0xB  }
0xb0: {  	_ =	swait.ge @!p1 [sflag:s17], $0x1000  }
0xb1: {  	[sflag:s17] =	ssyncset.done @!p1 $0x0  }
0xb2: {  	s18 =	simm.s32 @!p1 $0x9D00;
	[sflag:s17] =	ssyncadd.s32 @!p1 $0xFFFFF000;
	s17 =	simm.s32 @!p1 $0x40  }
0xb3: {  	[tilespmem:s18], [sflag:$0x1] =	stream.indirect.gather @!p1 [hbm4b:s8+s17], $0x40, s15, s17, $0xb8;
	[tilespmem:$0x1DD00] =	vst v63  }
0xb4: {  	s17 =	simm.s32 @!p0 $0x7  }
0xb5: {  	_ =	swait.ge @!p0 [sflag:s17], $0x1000  }
0xb6: {  	p1 =	sgt.u32 @!p0 s16, $0x134;
	[sflag:s17] =	ssyncset.done @!p0 $0x0  }
0xb7: {  	s18 =	simm.s32 @!p0 $0xFD00;
	[sflag:s17] =	ssyncadd.s32 @!p0 $0xFFFFF000;
	s17 =	simm.s32 @!p0 $0x40  }
0xb8: {  	[spmem:s2] =	stream.indirect.scatter.add.f32 @!p0 [tilespmem:s18], [sflag:$0x11], $0x40, s14, s17, $0xb8;
	[tilespmem:$0x1DD00] =	vst v63  }
0xb9: {  	p0 =	por p1, p0  }
.Ltmp8:
0xba: {  	s17 =	simm.s32 @!p0 $0xC;
	(pc) =	sbr.rel .LBB2_9-.Ltmp8, $4  }
0xbb: {  	_ =	swait.ge @!p0 [sflag:s17], $0x1000  }
0xbc: {  	[sflag:s17] =	ssyncset.done @!p0 $0x0  }
0xbd: {  	s18 =	simm.s32 @!p0 $0xAD00;
	[sflag:s17] =	ssyncadd.s32 @!p0 $0xFFFFF000;
	s17 =	simm.s32 @!p0 $0x40  }
0xbe: {  	[tilespmem:s18], [sflag:$0x2] =	stream.indirect.gather @!p0 [hbm4b:s8+s17], $0x40, s15, s17, $0xb8;
	[tilespmem:$0x1DD00] =	vst v63  }
.LBB2_4:
0xbf: {  	p0 =	seq.s32 s17, $0x0  }
0xc0: {  	s17 =	simm.s32 @p0 $0x1;
	p1 =	sgt.u32 @p0 s16, $0x134  }
0xc1: {  	_ =	swait.ge @p0 [sflag:s17], $0x1000;
	p2 =	por p1, !p0  }
0xc2: {  	s18 =	simm.s32 @p0 $0x9D00;
	[sflag:s17] =	ssyncset.done @p0 $0x0;
	p3 =	slt.u32 @!p2 s16, $0x5  }
0xc3: {  	[sflag:s17] =	ssyncadd.s32 @p0 $0xFFFFF000;
	s17 =	simm.s32 @p0 $0x40;
	p1 =	por @p0 p3, p1  }
0xc4: {  	[spmem:s2] =	stream.indirect.scatter.add.f32 @p0 [tilespmem:s18], [sflag:$0xB], $0x40, s14, s17, $0xb8;
	[tilespmem:$0x1DD00] =	vst v63  }
0xc5: {  	p1 =	por p1, !p0  }
0xc6: {  	s17 =	simm.s32 @!p1 $0x10  }
0xc7: {  	_ =	swait.ge @!p1 [sflag:s17], $0x1000  }
0xc8: {  	[sflag:s17] =	ssyncset.done @!p1 $0x0  }
0xc9: {  	s18 =	simm.s32 @!p2 $0xED00;
	[sflag:s17] =	ssyncadd.s32 @!p1 $0xFFFFF000;
	s17 =	simm.s32 @!p2 $0x40  }
0xca: {  	[tilespmem:s18], [sflag:$0x6] =	stream.indirect.gather @!p2 [hbm4b:s8+s17], $0x40, s15, s17, $0xb8;
	[tilespmem:$0x1DD00] =	vst v63  }
0xcb: {  	p1 =	sgt.u32 @!p0 s16, $0x134;
	s17 =	simm.s32 @!p0 $0x2  }
0xcc: {  	p2 =	por p1, p0;
	_ =	swait.ge @!p0 [sflag:s17], $0x1000  }
0xcd: {  	s18 =	simm.s32 @!p0 $0xAD00;
	p3 =	slt.u32 @!p2 s16, $0x5;
	[sflag:s17] =	ssyncset.done @!p0 $0x0  }
0xce: {  	p1 =	por @!p0 p3, p1;
	[sflag:s17] =	ssyncadd.s32 @!p0 $0xFFFFF000;
	s17 =	simm.s32 @!p0 $0x40  }
0xcf: {  	[spmem:s2] =	stream.indirect.scatter.add.f32 @!p0 [tilespmem:s18], [sflag:$0xC], $0x40, s14, s17, $0xb8;
	[tilespmem:$0x1DD00] =	vst v63  }
0xd0: {  	p0 =	por p1, p0  }
.Ltmp9:
0xd1: {  	s17 =	simm.s32 @!p0 $0x11;
	(pc) =	sbr.rel .LBB2_9-.Ltmp9, $4  }
0xd2: {  	_ =	swait.ge @!p0 [sflag:s17], $0x1000  }
0xd3: {  	[sflag:s17] =	ssyncset.done @!p0 $0x0  }
0xd4: {  	s18 =	simm.s32 @!p2 $0xFD00;
	[sflag:s17] =	ssyncadd.s32 @!p0 $0xFFFFF000;
	s17 =	simm.s32 @!p2 $0x40  }
0xd5: {  	[tilespmem:s18], [sflag:$0x7] =	stream.indirect.gather @!p2 [hbm4b:s8+s17], $0x40, s15, s17, $0xb8;
	[tilespmem:$0x1DD00] =	vst v63  }
.LBB2_11:
0xd6: {  	_ =	sfence.sel $0x180000  }
0xd7: {  	[bflag:$0x0] =	sbarrier.arrive $0xFFFF  }
0xd8: {  	_ =	strace $0x9000004A  }
0xd9: {  	s0 =	stileid.u32;
	[bflag:$0x2] =	sbarrier.arrive $0xFFFF  }
0xda: {  	p0 =	sne.s32 s0, $0x0;
	s0 =	rddreg [dreg:$0x2]  }
0xdb: {  	s0 =	sadd.s32 @!p0 $0x100000, s0  }
0xdc: {  	[sflag:s0] =	ssyncadd.tile.s32 @!p0 $0x1;
	_ =	shalt  }
.Lfunc_end2:
_tile_overlayer_lowered:
.L_overlay_start_2:
0xdd: {  	(tag) =	ssettag $0x2  }
0xde: {  	s0 =	rddreg [dreg:$0x0];
	s2 =	stileid.u32  }
0xdf: {  	s1 =	rddreg [dreg:$0x1];
	p0 =	sne.s32 s2, $0x0  }
0xe0: {  	s3 =	rddreg [dreg:$0x2];
	[bflag:$0x3] =	sbarrier.arrive $0xFFFF;
	s2 =	simm.s32 @!p0 $0x1C15  }
0xe1: {  	[timem:s3], [sflag:s2] =	dma.local @!p0 [hbm:s0], s1  }
0xe2: {  	s0 =	simm.s32 @!p0 $0x15  }
0xe3: {  	_ =	swait.ge @!p0 [sflag:s0], s1  }
0xe4: {  	s1 =	ssub.s32 @!p0 $0x0, s1;
	[sflag:s0] =	ssyncset.done @!p0 $0x0  }
0xe5: {  	[sflag:s0] =	ssyncadd.s32 @!p0 s1  }
0xe6: {  	[bflag:$0x3] =	sbarrier.arrive $0xFFFF  }
0xe7: {  	_ =	shalt  }

// kernel: kernel.16.cloned.1.call-start
scs
__scs_entry_jumppad:
0x0: {  	(pc) =	sbr.rel $0x88, $3  }
0x1: {  	(tag) =	ssettag $0x0;
	lr =	simm.s32 $0x1  }
0x2: {  	[smem:$0x3F94] =	sst lr;
	_ =	strace $0xD0000000  }
0x3: {  	_ = 	snop  }
0x4: {  	_ = 	snop  }
0x5: {  	_ = 	snop  }
0x6: {  	_ = 	snop  }
0x7: {  	_ = 	snop  }
__scs_overlays_trampoline_lowered:
0x8: {  	[smem:$0x3FA3] =	sst s0  }
0x9: {  	[smem:$0x3FA4] =	sst s1  }
0xa: {  	[smem:$0x3FA5] =	sst s2  }
0xb: {  	[smem:$0x3FA6] =	sst s3  }
0xc: {  	[smem:$0x3FA7] =	sst s4  }
0xd: {  	[smem:$0x3FA8] =	sst s5  }
0xe: {  	[smem:$0x3FA9] =	sst s6  }
0xf: {  	[smem:$0x3FAA] =	sst s7  }
0x10: {  	[smem:$0x3FAB] =	sst s8  }
0x11: {  	[smem:$0x3FAC] =	sst s9;
	s0 =	simm.s32 @!p0 $0x0  }
0x12: {  	s1 =	sld [smem:$0x3F92];
	s0 =	simm.s32 @p0 $0x1  }
0x13: {  	[smem:$0x3FAD] =	sst s0;
	s0 =	simm.s32 @!p1 $0x0  }
0x14: {  	s2 =	sld [smem:$0x3F91];
	s0 =	simm.s32 @p1 $0x1  }
0x15: {  	[smem:$0x3FAE] =	sst s0;
	s0 =	simm.s32 @!p2 $0x0  }
0x16: {  	s3 =	sld [smem:$0x3FDB];
	s0 =	simm.s32 @p2 $0x1  }
0x17: {  	s4 =	simm.s32 $0x1BF5;
	[smem:$0x3FB0] =	sst s0  }
0x18: {  	s0 =	sld [smem:$0x3F93];
	_ =	swait.ge [sflag:s4], $0x0  }
0x19: {  	s7 =	sld [smem:$0x3F94]  }
0x1a: {  	s8 =	sadd.s32 $0xFFFFE003, lr  }
0x1b: {  	s9 =	sadd.s32 $0xFFFFFEF7, lr;
	s5 =	simm.s32 $0xFFFFFFFF;
	p2 =	slt.u32 s8, $0xFFFFF086  }
0x1c: {  	p1 =	slt.u32 s9, $0xF7A;
	s5 =	simm.s32 @!p2 $0x0  }
0x1d: {  	s5 =	simm.s32 @p1 $0x1;
	p0 =	seq.s32 s7, s2  }
0x1e: {  	s7 =	smul.u32 @!p0 $0xF7A, s2;
	p2 =	seq.s32 @!p0 s5, $0x0  }
0x1f: {  	s9 =	smul.u32 $0xF7A, s1;
	s8 =	simm.s32 @!p0 $0x1BF5;
	p2 =	por !p2, p0  }
0x20: {  	[sflag:s8] =	ssyncset.s32 @!p0 $0xFFFFF086;
	s6 =	sadd.s32 @!p0 s3, s7;
	s7 =	simm.s32 @!p0 $0x108  }
0x21: {  	s3 =	sadd.s32 s3, s9;
	s6 =	sadd.s32 @!p0 $0x88, s6;
	s7 =	simm.s32 @p2 $0x1082  }
0x22: {  	[simem:s7], [sflag:s8] =	dma.local @!p0 [hbm:s6], $0xF7A  }
0x23: {  	s9 =	sor.u32 $0xD0000000, s2;
	s6 =	simm.s32 $0x108;
	_ =	swait.ge @!p0 [sflag:s8], $0x0  }
0x24: {  	s3 =	sadd.s32 $0x88, s3;
	s6 =	simm.s32 @!p1 $0x1082;
	[sflag:s4] =	ssyncset.s32 $0xFFFFF086  }
0x25: {  	[simem:s6], [sflag:s4] =	dma.local [hbm:s3], $0xF7A  }
0x26: {  	[smem:$0x3F94] =	sst s1;
	(tag) =	ssettag s2;
	_ =	strace s9  }
0x27: {  	s1 =	sld [smem:$0x3FA4]  }
0x28: {  	s2 =	sld [smem:$0x3FA5]  }
0x29: {  	s4 =	sld [smem:$0x3FA7]  }
0x2a: {  	p0 =	seq.s32 s5, $0x0;
	s5 =	sld [smem:$0x3FA8]  }
0x2b: {  	s6 =	sld [smem:$0x3FA9]  }
0x2c: {  	s7 =	sld [smem:$0x3FAA]  }
0x2d: {  	s3 =	simm.s32 $0x108;
	s8 =	sld [smem:$0x3FAB]  }
0x2e: {  	s3 =	simm.s32 @!p0 $0x1082;
	s9 =	sld [smem:$0x3FAC]  }
0x2f: {  	lr =	sadd.s32 s0, s3;
	s0 =	sld [smem:$0x3FA3]  }
0x30: {  	s3 =	sld [smem:$0x3FA6]  }
0x31: {  	[smem:$0x3FAF] =	sst s10  }
0x32: {  	s10 =	sld [smem:$0x3FAD];
	_ =	sdelay $0x3  }
0x33: {  	p0 =	seq.s32 s10, $0x1;
	s10 =	sld [smem:$0x3FAF];
	_ =	sdelay $0x3  }
0x34: {  	[smem:$0x3FAF] =	sst s10  }
0x35: {  	s10 =	sld [smem:$0x3FAE];
	_ =	sdelay $0x3  }
0x36: {  	p1 =	seq.s32 s10, $0x1;
	s10 =	sld [smem:$0x3FAF];
	_ =	sdelay $0x3  }
0x37: {  	[smem:$0x3FAF] =	sst s10  }
0x38: {  	s10 =	sld [smem:$0x3FB0]  }
0x39: {  	_ = 	snop;
	(pc) =	sbr.ind lr, $3  }
0x3a: {  	_ = 	snop  }
0x3b: {  	_ = 	snop  }
0x3c: {  	p2 =	seq.s32 s10, $0x1;
	s10 =	sld [smem:$0x3FAF]  }
0x3d: {  	_ =	shalt  }
0x3e: {  	_ =	shalt  }
0x3f: {  	_ =	shalt  }
0x40: {  	_ =	shalt  }
0x41: {  	_ =	shalt  }
0x42: {  	_ =	shalt  }
0x43: {  	_ =	shalt  }
0x44: {  	_ =	shalt  }
0x45: {  	_ =	shalt  }
0x46: {  	_ =	shalt  }
0x47: {  	_ =	shalt  }
0x48: {  	_ =	shalt  }
0x49: {  	_ =	shalt  }
0x4a: {  	_ =	shalt  }
0x4b: {  	_ =	shalt  }
0x4c: {  	_ =	shalt  }
0x4d: {  	_ =	shalt  }
0x4e: {  	_ =	shalt  }
0x4f: {  	_ =	shalt  }
0x50: {  	_ =	shalt  }
0x51: {  	_ =	shalt  }
0x52: {  	_ =	shalt  }
0x53: {  	_ =	shalt  }
0x54: {  	_ =	shalt  }
0x55: {  	_ =	shalt  }
0x56: {  	_ =	shalt  }
0x57: {  	_ =	shalt  }
0x58: {  	_ =	shalt  }
0x59: {  	_ =	shalt  }
0x5a: {  	_ =	shalt  }
0x5b: {  	_ =	shalt  }
0x5c: {  	_ =	shalt  }
0x5d: {  	_ =	shalt  }
0x5e: {  	_ =	shalt  }
0x5f: {  	_ =	shalt  }
0x60: {  	_ =	shalt  }
0x61: {  	_ =	shalt  }
0x62: {  	_ =	shalt  }
0x63: {  	_ =	shalt  }
0x64: {  	_ =	shalt  }
0x65: {  	_ =	shalt  }
0x66: {  	_ =	shalt  }
0x67: {  	_ =	shalt  }
0x68: {  	_ =	shalt  }
0x69: {  	_ =	shalt  }
0x6a: {  	_ =	shalt  }
0x6b: {  	_ =	shalt  }
0x6c: {  	_ =	shalt  }
0x6d: {  	_ =	shalt  }
0x6e: {  	_ =	shalt  }
0x6f: {  	_ =	shalt  }
0x70: {  	_ =	shalt  }
0x71: {  	_ =	shalt  }
0x72: {  	_ =	shalt  }
0x73: {  	_ =	shalt  }
0x74: {  	_ =	shalt  }
0x75: {  	_ =	shalt  }
0x76: {  	_ =	shalt  }
0x77: {  	_ =	shalt  }
0x78: {  	_ =	shalt  }
0x79: {  	_ =	shalt  }
0x7a: {  	_ =	shalt  }
0x7b: {  	_ =	shalt  }
0x7c: {  	_ =	shalt  }
0x7d: {  	_ =	shalt  }
0x7e: {  	_ =	shalt  }
0x7f: {  	_ =	shalt  }
0x80: {  	_ =	shalt  }
0x81: {  	_ =	shalt  }
0x82: {  	_ =	shalt  }
0x83: {  	_ =	shalt  }
0x84: {  	_ =	shalt  }
0x85: {  	_ =	shalt  }
0x86: {  	_ =	shalt  }
0x87: {  	_ =	shalt  }
.Lfunc_end0:
.L_simem_size_0:
called_computation.2_lowered:
.L_overlay_start_0:
0x88: {  	s2 =	sld [smem:$0x3FD9]  }
0x89: {  	s3 =	sld [smem:$0x3FFE];
	_ =	sdelay $0x1  }
0x8a: {  	s1 =	srdreg.scid  }
0x8b: {  	s0 =	sand.u32 $0x1, s1  }
0x8c: {  	s16 =	sshll.u32 s0, $0xA;
	s2 =	sadd.s32 s3, s2  }
0x8d: {  	s2 =	sadd.s32 s2, s16  }
0x8e: {  	[smem:$0x3FBB] =	sst s2  }
0x8f: {  	_ = 	snop  }
0x90: {  	(tm) =	ssettm $0x1  }
0x91: {  	s17 =	sld [smem:$0x3FFB];
	_ =	sdelay $0x3  }
0x92: {  	_ =	strace s17  }
0x93: {  	s2 =	sld [smem:$0x3FFC];
	_ =	sdelay $0x3  }
0x94: {  	_ =	strace s2  }
0x95: {  	s2 =	sld [smem:$0x3FFD];
	_ =	sdelay $0x3  }
0x96: {  	_ =	strace s2  }
0x97: {  	_ =	strace $0x8FFFFFFF  }
0x98: {  	s18 =	sld [smem:$0x3FDB];
	_ =	sdelay $0x1  }
0x99: {  	s19 =	simm.s32 $_scs_section_size  }
0x9a: {  	s4 =	simm.s32 $_size__tile_overlayer_lowered;
	s5 =	simm.s32 $_tile_overlayer_lowered  }
0x9b: {  	s22 =	simm.s32 $0x1BFF;
	s21 =	sshll.u32 s5, $0x1;
	s2 =	sadd.s32 s19, s18  }
0x9c: {  	s6 =	simm.s32 $0x0;
	s20 =	sshll.u32 s4, $0x1;
	s4 =	sadd.s32 s21, s2  }
0x9d: {  	[timem:s6], [sflag:s22] =	dma.local [hbm:s4], s20  }
0x9e: {  	_ =	swait.ge [sflag:s22], s20  }
0x9f: {  	s3 =	ssub.s32 $0x0, s20;
	[sflag:s22] =	ssyncset.done $0x0  }
0xa0: {  	[sflag:s22] =	ssyncadd.s32 s3;
	_ =	sdelay $0x1  }
0xa1: {  	s23 =	simm.s32 $0x1B8B  }
0xa2: {  	_ =	swait.ge [sflag:s23], $0x1  }
0xa3: {  	[sflag:s23] =	ssyncset.done $0x0  }
0xa4: {  	s25 =	simm.s32 $0x1B8E;
	s24 =	sld [smem:$0x3FFE];
	[sflag:s23] =	ssyncadd.s32 $0xFFFFFFFF  }
0xa5: {  	s26 =	simm.s32 $execute0_lowered;
	[smem:$0x3FD2] =	sst s25  }
0xa6: {  	s4 =	sshll.u32 s26, $0x1;
	_ =	strace $0x8000004C;
	[dreg:$0x1] =	wrdreg $0xFFFFFFFF  }
0xa7: {  	s28 =	simm.s32 $_size_execute0_lowered;
	s2 =	sadd.s32 s2, s4;
	[dreg:$0x0] =	wrdreg $0x0  }
0xa8: {  	s4 =	sshll.u32 s28, $0x1;
	[dreg:$0x2] =	wrdreg s2  }
0xa9: {  	[dreg:$0x3] =	wrdreg s4  }
0xaa: {  	[dreg:$0x4] =	wrdreg $0xC0  }
0xab: {  	_ =	task [dreg:s6], $0x5FFFF  }
0xac: {  	[dreg:$0x1] =	wrdreg $0xFFFFFFFF  }
0xad: {  	[dreg:$0x0] =	wrdreg $0x60  }
0xae: {  	[dreg:$0x2] =	wrdreg s24  }
0xaf: {  	[dreg:$0x3] =	wrdreg $0x13D000  }
0xb0: {  	[dreg:$0x4] =	wrdreg $0x9  }
0xb1: {  	_ =	task.clear_ibuf [dreg:s6], $0x5FFFF;
	_ =	strace $0x9000004C  }
0xb2: {  	s29 =	simm.s32 $0x9;
	_ =	strace $0x8000004E  }
0xb3: {  	_ =	swait.ge [sflag:s29], $0x1  }
0xb4: {  	[sflag:s29] =	ssyncadd.s32 $0xFFFFFFFF  }
0xb5: {  	_ =	strace $0x9000004E  }
0xb6: {  	_ =	sfence  }
0xb7: {  	s30 =	sld [smem:$0x0];
	_ =	sdelay $0x2  }
0xb8: {  	s31 =	sshll.u32 s1, $0xD;
	s1 =	sshrl.u32 s1, $0x2  }
0xb9: {  	s3 =	sand.u32 $0x4000, s31;
	s1 =	sadd.s32 s1, s30  }
0xba: {  	s0 =	sor.u32 s3, s0;
	s1 =	sshll.u32 s1, $0x11  }
0xbb: {  	s0 =	sor.u32 s1, s0  }
0xbc: {  	s0 =	sadd.s32 $0x8F2B, s0  }
0xbd: {  	[sflag:s0] =	ssyncadd.remote.s32 $0x1  }
0xbe: {  	_ =	sfence.sel $0xFFFF  }
0xbf: {  	[dreg:$0x0] =	wrdreg $0xFFFFFFFF;
	(pc) =	sbr.abs _section_cstart, $3  }
0xc0: {  	[dreg:$0x1] =	wrdreg $0xFFFFFFFF  }
0xc1: {  	_ =	task.clear_ibuf [dreg:s6], $0x2FFFF;
	_ =	strace $0x9FFFFFFF  }
0xc2: {  	(tm) =	ssettm $0x7FFFFFFF  }
0xc3: {  	_ =	shalt  }
tec
execute0_lowered:
.L_overlay_start_1:
0x0: {  	(tag) =	ssettag $0x1  }
0x1: {  	s0 =	srdreg.scid;
	s1 =	rddreg [dreg:$0x0]  }
0x2: {  	s10 =	stileid.u32;
	s2 =	rddreg [dreg:$0x1]  }
0x3: {  	s3 =	simm.s32 $0x0;
	s12 =	simm.s32 $0x15;
	s13 =	simm.s32 $0x40  }
0x4: {  	s20 =	simm.s32 $0x100;
	s21 =	simm.s32 $0xDD00;
	s22 =	simm.s32 $0xB  }
0x5: {  	s23 =	simm.s32 $0xC;
	s28 =	simm.s32 $0x10;
	s5 =	smul.u32 $0x9D0, s10  }
0x6: {  	s29 =	simm.s32 $0x11;
	s0 =	sand.u32 $0x1, s0;
	s6 =	smul.u32 $0xA000, s10  }
0x7: {  	s30 =	simm.s32 $0x12;
	s31 =	simm.s32 $0x13;
	s4 =	smul.u32 $0x13880, s0  }
0x8: {  	[smem:$0x7FF] =	sst s3;
	s26 =	sshll.u32 s10, $0x6;
	s7 =	smul.u32 $0xA0000, s0  }
0x9: {  	_ =	strace $0x8000004D;
	s0 =	ssub.s32 $0x2, s0;
	s9 =	sadd.s32 s5, s1  }
0xa: {  	s25 =	sshrl.u32 s0, $0x1;
	s11 =	sadd.s32 s6, s2;
	s8 =	sadd.s32 s4, s1  }
0xb: {  	s24 =	sadd.s32 s6, s7;
	s4 =	sadd.s32 $0xCE00, s1;
	s0 =	ssub.s32 s0, s25  }
.Ltmp0:
0xc: {  	s6 =	sadd.s32 $0x17400, s9;
	s7 =	sadd.s32 $0x3000, s9;
	(pc) =	sbr.rel .LBB2_1-.Ltmp0, $4  }
0xd: {  	s11 =	sshrl.u32 s11, $0x3;
	s25 =	simm.s32 $0xE;
	s5 =	sshrl.u32 s24, $0x3  }
0xe: {  	s8 =	sadd.s32 $0x21200, s8;
	s10 =	smax.u32 s0, $0x1;
	s24 =	simm.s32 $0xD  }
0xf: {  	s0 =	simm.s32 $0x0;
	s1 =	sadd.s32 s5, s1;
	s5 =	sor.u32 $0x1C15, s26  }
0x10: {  	s26 =	simm.s32 $0xF;
	s9 =	sadd.s32 $0xBD600, s1;
	s1 =	simm.s32 $0x14  }
.LBB2_10:
0x11: {  	_ =	swait.ge [sflag:s22], $0x1000  }
0x12: {  	[sflag:s22] =	ssyncset.done $0x0  }
0x13: {  	[sflag:s22] =	ssyncadd.s32 $0xFFFFF000  }
0x14: {  	_ =	swait.ge [sflag:s23], $0x1000  }
0x15: {  	[sflag:s23] =	ssyncset.done $0x0  }
0x16: {  	[sflag:s23] =	ssyncadd.s32 $0xFFFFF000  }
0x17: {  	_ =	swait.ge [sflag:s24], $0x1000  }
0x18: {  	[sflag:s24] =	ssyncset.done $0x0  }
0x19: {  	[sflag:s24] =	ssyncadd.s32 $0xFFFFF000  }
0x1a: {  	_ =	swait.ge [sflag:s25], $0x1000  }
0x1b: {  	[sflag:s25] =	ssyncset.done $0x0  }
0x1c: {  	[sflag:s25] =	ssyncadd.s32 $0xFFFFF000  }
0x1d: {  	_ =	swait.ge [sflag:s26], $0x1000  }
0x1e: {  	[sflag:s26] =	ssyncset.done $0x0  }
0x1f: {  	[sflag:s26] =	ssyncadd.s32 $0xFFFFF000  }
0x20: {  	_ =	swait.ge [sflag:s28], $0x1000  }
0x21: {  	[sflag:s28] =	ssyncset.done $0x0  }
0x22: {  	[sflag:s28] =	ssyncadd.s32 $0xFFFFF000  }
0x23: {  	_ =	swait.ge [sflag:s29], $0x1000  }
0x24: {  	[sflag:s29] =	ssyncset.done $0x0  }
0x25: {  	[sflag:s29] =	ssyncadd.s32 $0xFFFFF000  }
0x26: {  	_ =	swait.ge [sflag:s30], $0x1000  }
0x27: {  	[sflag:s30] =	ssyncset.done $0x0  }
0x28: {  	[sflag:s30] =	ssyncadd.s32 $0xFFFFF000  }
0x29: {  	_ =	swait.ge [sflag:s31], $0x1000  }
0x2a: {  	[sflag:s31] =	ssyncset.done $0x0  }
0x2b: {  	[sflag:s31] =	ssyncadd.s32 $0xFFFFF000  }
0x2c: {  	_ =	swait.ge [sflag:s1], $0x1000  }
0x2d: {  	s0 =	sadd.s32 $0x1, s0;
	[sflag:s1] =	ssyncset.done $0x0  }
0x2e: {  	p0 =	sne.s32 s0, s10;
	[sflag:s1] =	ssyncadd.s32 $0xFFFFF000  }
.Ltmp1:
0x2f: {  	[bflag:$0x0] =	sbarrier.arrive $0xFFFF;
	(pc) =	sbr.rel @!p0 .LBB2_11-.Ltmp1, $4  }
0x30: {  	[hbm:s9], [sflag:s5] =	dma.local [spmem:s11], $0x1400  }
0x31: {  	_ =	swait.ge [sflag:s12], $0x1400  }
0x32: {  	[sflag:s12] =	ssyncset.done $0x0  }
0x33: {  	[sflag:s12] =	ssyncadd.s32 $0xFFFFEC00  }
.LBB2_1:
0x34: {  	[spmem:s11], [sflag:s5] =	dma.local [hbm:s4], $0x1400  }
0x35: {  	_ =	swait.ge [sflag:s12], $0x1400  }
0x36: {  	[sflag:s12] =	ssyncset.done $0x0  }
0x37: {  	[sflag:s12] =	ssyncadd.s32 $0xFFFFEC00  }
0x38: {  	[tilespmem:s3], [sflag:$0x15] =	stream.linear.gather [hbm4b:s6+s3], $0x4E80, $0x38;
	[tilespmem:$0x1DD00] =	vst v63  }
0x39: {  	_ =	swait.ge [sflag:s12], $0x4E80  }
0x3a: {  	[sflag:s12] =	ssyncset.done $0x0  }
0x3b: {  	s14 =	simm.s32 $0x4E80;
	[sflag:s12] =	ssyncadd.s32 $0xFFFFB180  }
0x3c: {  	[tilespmem:s14], [sflag:$0x15] =	stream.linear.gather [hbm4b:s7+s3], $0x4E80, $0x38;
	[tilespmem:$0x1DD00] =	vst v63  }
0x3d: {  	_ =	swait.ge [sflag:s12], $0x4E80  }
0x3e: {  	[sflag:s12] =	ssyncset.done $0x0  }
0x3f: {  	[sflag:s12] =	ssyncadd.s32 $0xFFFFB180  }
0x40: {  	s15 =	simm.s32 $0x9D00;
	[bflag:$0x0] =	sbarrier.arrive $0xFFFF  }
0x41: {  	[tilespmem:s15], [sflag:$0x1] =	stream.indirect.gather [hbm4b:s8+s13], $0x40, s3, s13, $0xb8;
	[tilespmem:$0x1DD00] =	vst v63  }
0x42: {  	s16 =	simm.s32 $0xAD00  }
0x43: {  	[tilespmem:s16], [sflag:$0x2] =	stream.indirect.gather [hbm4b:s8+s13], $0x40, s13, s13, $0xb8;
	[tilespmem:$0x1DD00] =	vst v63  }
0x44: {  	s17 =	simm.s32 $0x80;
	s16 =	simm.s32 $0xBD00  }
0x45: {  	[tilespmem:s16], [sflag:$0x3] =	stream.indirect.gather [hbm4b:s8+s13], $0x40, s17, s13, $0xb8;
	[tilespmem:$0x1DD00] =	vst v63  }
.Ltmp2:
0x46: {  	_ = 	snop;
	(pc) =	sbr.rel .LBB2_2-.Ltmp2, $4  }
0x47: {  	s18 =	simm.s32 $0xC0;
	s19 =	simm.s32 $0xCD00  }
0x48: {  	[tilespmem:s19], [sflag:$0x4] =	stream.indirect.gather [hbm4b:s8+s13], $0x40, s18, s13, $0xb8;
	[tilespmem:$0x1DD00] =	vst v63  }
0x49: {  	s15 =	simm.s32 $0x140;
	s16 =	simm.s32 $0x0  }
0x4a: {  	[tilespmem:s21], [sflag:$0x5] =	stream.indirect.gather [hbm4b:s8+s13], $0x40, s20, s13, $0xb8;
	[tilespmem:$0x1DD00] =	vst v63  }
.LBB2_6:
0x4b: {  	p0 =	sgt.s32 s17, $0x6  }
.Ltmp3:
0x4c: {  	_ = 	snop;
	(pc) =	sbr.rel @!p0 .LBB2_7-.Ltmp3, $1  }
0x4d: {  	_ =	sdelay $0x3  }
0x4e: {  	p0 =	seq.s32 s17, $0x7  }
0x4f: {  	s18 =	simm.s32 @p0 $0x8  }
0x50: {  	_ =	swait.ge @p0 [sflag:s18], $0x1000  }
0x51: {  	p1 =	sgt.u32 @p0 s16, $0x134;
	s19 =	simm.s32 @p0 $0x10D00;
	[sflag:s18] =	ssyncset.done @p0 $0x0  }
0x52: {  	p1 =	por p1, !p0;
	[sflag:s18] =	ssyncadd.s32 @p0 $0xFFFFF000;
	s18 =	simm.s32 @p0 $0x40  }
0x53: {  	[spmem:s2] =	stream.indirect.scatter.add.f32 @p0 [tilespmem:s19], [sflag:$0x12], $0x40, s14, s18, $0xb8;
	[tilespmem:$0x1DD00] =	vst v63  }
0x54: {  	s18 =	simm.s32 @!p1 $0xD  }
0x55: {  	_ =	swait.ge @!p1 [sflag:s18], $0x1000  }
0x56: {  	[sflag:s18] =	ssyncset.done @!p1 $0x0  }
0x57: {  	s19 =	simm.s32 @!p1 $0xBD00;
	[sflag:s18] =	ssyncadd.s32 @!p1 $0xFFFFF000;
	s18 =	simm.s32 @!p1 $0x40  }
0x58: {  	[tilespmem:s19], [sflag:$0x3] =	stream.indirect.gather @!p1 [hbm4b:s8+s18], $0x40, s15, s18, $0xb8;
	[tilespmem:$0x1DD00] =	vst v63  }
0x59: {  	p1 =	seq.s32 @!p0 s17, $0x8  }
0x5a: {  	p2 =	por !p1, p0  }
0x5b: {  	s17 =	simm.s32 @!p2 $0x9  }
0x5c: {  	_ =	swait.ge @!p2 [sflag:s17], $0x1000  }
0x5d: {  	p3 =	sgt.u32 @!p2 s16, $0x134;
	[sflag:s17] =	ssyncset.done @!p2 $0x0  }
0x5e: {  	s18 =	simm.s32 @!p2 $0x11D00;
	[sflag:s17] =	ssyncadd.s32 @!p2 $0xFFFFF000;
	s17 =	simm.s32 @!p2 $0x40  }
0x5f: {  	[spmem:s2] =	stream.indirect.scatter.add.f32 @!p2 [tilespmem:s18], [sflag:$0x13], $0x40, s14, s17, $0xb8;
	[tilespmem:$0x1DD00] =	vst v63  }
0x60: {  	p2 =	por @!p0 p3, !p1  }
0x61: {  	p2 =	por p2, p0  }
0x62: {  	s17 =	simm.s32 @!p2 $0xE  }
0x63: {  	_ =	swait.ge @!p2 [sflag:s17], $0x1000  }
0x64: {  	[sflag:s17] =	ssyncset.done @!p2 $0x0  }
0x65: {  	s18 =	simm.s32 @!p2 $0xCD00;
	[sflag:s17] =	ssyncadd.s32 @!p2 $0xFFFFF000;
	s17 =	simm.s32 @!p2 $0x40  }
0x66: {  	[tilespmem:s18], [sflag:$0x4] =	stream.indirect.gather @!p2 [hbm4b:s8+s17], $0x40, s15, s17, $0xb8;
	[tilespmem:$0x1DD00] =	vst v63  }
0x67: {  	p2 =	por p1, p0  }
0x68: {  	s17 =	simm.s32 @!p2 $0xA  }
0x69: {  	p3 =	sgt.u32 @!p2 s16, $0x134;
	_ =	swait.ge @!p2 [sflag:s17], $0x1000  }
0x6a: {  	s18 =	simm.s32 @!p2 $0x12D00;
	p1 =	por @!p0 p3, p1;
	[sflag:s17] =	ssyncset.done @!p2 $0x0  }
0x6b: {  	p0 =	por p1, p0;
	[sflag:s17] =	ssyncadd.s32 @!p2 $0xFFFFF000;
	s17 =	simm.s32 @!p2 $0x40  }
0x6c: {  	[spmem:s2] =	stream.indirect.scatter.add.f32 @!p2 [tilespmem:s18], [sflag:$0x14], $0x40, s14, s17, $0xb8;
	[tilespmem:$0x1DD00] =	vst v63  }
0x6d: {  	s17 =	simm.s32 @!p0 $0xF  }
0x6e: {  	_ =	swait.ge @!p0 [sflag:s17], $0x1000  }
0x6f: {  	[sflag:s17] =	ssyncset.done @!p0 $0x0  }
0x70: {  	s18 =	simm.s32 @!p0 $0xDD00;
	[sflag:s17] =	ssyncadd.s32 @!p0 $0xFFFFF000;
	s17 =	simm.s32 @!p0 $0x40  }
0x71: {  	[tilespmem:s18], [sflag:$0x5] =	stream.indirect.gather @!p0 [hbm4b:s8+s17], $0x40, s15, s17, $0xb8;
	[tilespmem:$0x1DD00] =	vst v63  }
.LBB2_9:
0x72: {  	s16 =	sadd.s32 $0x1, s16  }
0x73: {  	p0 =	sne.s32 s16, $0x13A  }
.Ltmp4:
0x74: {  	_ = 	snop;
	(pc) =	sbr.rel @!p0 .LBB2_10-.Ltmp4, $2  }
0x75: {  	_ =	sdelay $0x2  }
0x76: {  	s15 =	sadd.s32 $0x40, s15;
	s14 =	sadd.s32 $0x40, s14  }
.LBB2_2:
0x77: {  	s17 =	smul.u32 $0xCCCD, s16;
	_ =	sdelay $0x1  }
0x78: {  	s17 =	sshrl.u32 s17, $0x13  }
0x79: {  	s17 =	smul.u32 $0xA, s17;
	_ =	sdelay $0x1  }
0x7a: {  	s17 =	ssub.s32 s16, s17  }
0x7b: {  	s17 =	sand.u32 $0xFFFF, s17  }
0x7c: {  	p0 =	sgt.s32 s17, $0x4  }
.Ltmp5:
0x7d: {  	_ = 	snop;
	(pc) =	sbr.rel @p0 .LBB2_6-.Ltmp5, $1  }
0x7e: {  	_ =	sdelay $0x3  }
0x7f: {  	p0 =	sgt.s32 s17, $0x1  }
.Ltmp6:
0x80: {  	_ = 	snop;
	(pc) =	sbr.rel @!p0 .LBB2_4-.Ltmp6, $1  }
0x81: {  	_ =	sdelay $0x3  }
0x82: {  	p0 =	seq.s32 s17, $0x2  }
0x83: {  	s18 =	simm.s32 @p0 $0x3;
	p1 =	sgt.u32 @p0 s16, $0x134  }
0x84: {  	_ =	swait.ge @p0 [sflag:s18], $0x1000;
	p2 =	por p1, !p0  }
0x85: {  	s19 =	simm.s32 @p0 $0xBD00;
	[sflag:s18] =	ssyncset.done @p0 $0x0;
	p3 =	slt.u32 @!p2 s16, $0x5  }
0x86: {  	[sflag:s18] =	ssyncadd.s32 @p0 $0xFFFFF000;
	s18 =	simm.s32 @p0 $0x40;
	p1 =	por @p0 p3, p1  }
0x87: {  	[spmem:s2] =	stream.indirect.scatter.add.f32 @p0 [tilespmem:s19], [sflag:$0xD], $0x40, s14, s18, $0xb8;
	[tilespmem:$0x1DD00] =	vst v63  }
0x88: {  	p1 =	por p1, !p0  }
0x89: {  	s18 =	simm.s32 @!p1 $0x12  }
0x8a: {  	_ =	swait.ge @!p1 [sflag:s18], $0x1000  }
0x8b: {  	s19 =	simm.s32 @!p2 $0x10D00;
	[sflag:s18] =	ssyncset.done @!p1 $0x0  }
0x8c: {  	[sflag:s18] =	ssyncadd.s32 @!p1 $0xFFFFF000;
	s18 =	simm.s32 @!p2 $0x40;
	p1 =	seq.s32 @!p0 s17, $0x3  }
0x8d: {  	[tilespmem:s19], [sflag:$0x8] =	stream.indirect.gather @!p2 [hbm4b:s8+s18], $0x40, s15, s18, $0xb8;
	[tilespmem:$0x1DD00] =	vst v63  }
0x8e: {  	p2 =	por !p1, p0  }
0x8f: {  	s17 =	simm.s32 @!p2 $0x4;
	p3 =	sgt.u32 @!p2 s16, $0x134  }
0x90: {  	_ =	swait.ge @!p2 [sflag:s17], $0x1000;
	p4 =	por @!p0 p3, !p1  }
0x91: {  	s18 =	simm.s32 @!p2 $0xCD00;
	[sflag:s17] =	ssyncset.done @!p2 $0x0;
	p4 =	por p4, p0  }
0x92: {  	[sflag:s17] =	ssyncadd.s32 @!p2 $0xFFFFF000;
	s17 =	simm.s32 @!p2 $0x40;
	p5 =	slt.u32 @!p4 s16, $0x5  }
0x93: {  	[spmem:s2] =	stream.indirect.scatter.add.f32 @!p2 [tilespmem:s18], [sflag:$0xE], $0x40, s14, s17, $0xb8;
	[tilespmem:$0x1DD00] =	vst v63  }
0x94: {  	p2 =	por @!p2 p5, p3  }
0x95: {  	p2 =	por @!p0 p2, !p1  }
0x96: {  	p2 =	por p2, p0  }
0x97: {  	s17 =	simm.s32 @!p2 $0x13  }
0x98: {  	_ =	swait.ge @!p2 [sflag:s17], $0x1000  }
0x99: {  	s18 =	simm.s32 @!p4 $0x11D00;
	[sflag:s17] =	ssyncset.done @!p2 $0x0  }
0x9a: {  	[sflag:s17] =	ssyncadd.s32 @!p2 $0xFFFFF000;
	s17 =	simm.s32 @!p4 $0x40;
	p2 =	por p1, p0  }
0x9b: {  	[tilespmem:s18], [sflag:$0x9] =	stream.indirect.gather @!p4 [hbm4b:s8+s17], $0x40, s15, s17, $0xb8;
	[tilespmem:$0x1DD00] =	vst v63  }
0x9c: {  	s17 =	simm.s32 @!p2 $0x5;
	p3 =	sgt.u32 @!p2 s16, $0x134  }
0x9d: {  	_ =	swait.ge @!p2 [sflag:s17], $0x1000;
	p4 =	por @!p0 p3, p1  }
0x9e: {  	s18 =	simm.s32 @!p2 $0xDD00;
	[sflag:s17] =	ssyncset.done @!p2 $0x0;
	p4 =	por p4, p0  }
0x9f: {  	[sflag:s17] =	ssyncadd.s32 @!p2 $0xFFFFF000;
	s17 =	simm.s32 @!p2 $0x40;
	p5 =	slt.u32 @!p4 s16, $0x5  }
0xa0: {  	[spmem:s2] =	stream.indirect.scatter.add.f32 @!p2 [tilespmem:s18], [sflag:$0xF], $0x40, s14, s17, $0xb8;
	[tilespmem:$0x1DD00] =	vst v63  }
0xa1: {  	p2 =	por @!p2 p5, p3  }
0xa2: {  	p1 =	por @!p0 p2, p1  }
0xa3: {  	p0 =	por p1, p0  }
.Ltmp7:
0xa4: {  	s17 =	simm.s32 @!p0 $0x14;
	(pc) =	sbr.rel .LBB2_9-.Ltmp7, $4  }
0xa5: {  	_ =	swait.ge @!p0 [sflag:s17], $0x1000  }
0xa6: {  	[sflag:s17] =	ssyncset.done @!p0 $0x0  }
0xa7: {  	s18 =	simm.s32 @!p4 $0x12D00;
	[sflag:s17] =	ssyncadd.s32 @!p0 $0xFFFFF000;
	s17 =	simm.s32 @!p4 $0x40  }
0xa8: {  	[tilespmem:s18], [sflag:$0xA] =	stream.indirect.gather @!p4 [hbm4b:s8+s17], $0x40, s15, s17, $0xb8;
	[tilespmem:$0x1DD00] =	vst v63  }
.LBB2_7:
0xa9: {  	p0 =	seq.s32 s17, $0x5  }
0xaa: {  	s17 =	simm.s32 @p0 $0x6  }
0xab: {  	_ =	swait.ge @p0 [sflag:s17], $0x1000  }
0xac: {  	p1 =	sgt.u32 @p0 s16, $0x134;
	s18 =	simm.s32 @p0 $0xED00;
	[sflag:s17] =	ssyncset.done @p0 $0x0  }
0xad: {  	p1 =	por p1, !p0;
	[sflag:s17] =	ssyncadd.s32 @p0 $0xFFFFF000;
	s17 =	simm.s32 @p0 $0x40  }
0xae: {  	[spmem:s2] =	stream.indirect.scatter.add.f32 @p0 [tilespmem:s18], [sflag:$0x10], $0x40, s14, s17, $0xb8;
	[tilespmem:$0x1DD00] =	vst v63  }
0xaf: {  	s17 =	simm.s32 @!p1 $0xB  }
0xb0: {  	_ =	swait.ge @!p1 [sflag:s17], $0x1000  }
0xb1: {  	[sflag:s17] =	ssyncset.done @!p1 $0x0  }
0xb2: {  	s18 =	simm.s32 @!p1 $0x9D00;
	[sflag:s17] =	ssyncadd.s32 @!p1 $0xFFFFF000;
	s17 =	simm.s32 @!p1 $0x40  }
0xb3: {  	[tilespmem:s18], [sflag:$0x1] =	stream.indirect.gather @!p1 [hbm4b:s8+s17], $0x40, s15, s17, $0xb8;
	[tilespmem:$0x1DD00] =	vst v63  }
0xb4: {  	s17 =	simm.s32 @!p0 $0x7  }
0xb5: {  	_ =	swait.ge @!p0 [sflag:s17], $0x1000  }
0xb6: {  	p1 =	sgt.u32 @!p0 s16, $0x134;
	[sflag:s17] =	ssyncset.done @!p0 $0x0  }
0xb7: {  	s18 =	simm.s32 @!p0 $0xFD00;
	[sflag:s17] =	ssyncadd.s32 @!p0 $0xFFFFF000;
	s17 =	simm.s32 @!p0 $0x40  }
0xb8: {  	[spmem:s2] =	stream.indirect.scatter.add.f32 @!p0 [tilespmem:s18], [sflag:$0x11], $0x40, s14, s17, $0xb8;
	[tilespmem:$0x1DD00] =	vst v63  }
0xb9: {  	p0 =	por p1, p0  }
.Ltmp8:
0xba: {  	s17 =	simm.s32 @!p0 $0xC;
	(pc) =	sbr.rel .LBB2_9-.Ltmp8, $4  }
0xbb: {  	_ =	swait.ge @!p0 [sflag:s17], $0x1000  }
0xbc: {  	[sflag:s17] =	ssyncset.done @!p0 $0x0  }
0xbd: {  	s18 =	simm.s32 @!p0 $0xAD00;
	[sflag:s17] =	ssyncadd.s32 @!p0 $0xFFFFF000;
	s17 =	simm.s32 @!p0 $0x40  }
0xbe: {  	[tilespmem:s18], [sflag:$0x2] =	stream.indirect.gather @!p0 [hbm4b:s8+s17], $0x40, s15, s17, $0xb8;
	[tilespmem:$0x1DD00] =	vst v63  }
.LBB2_4:
0xbf: {  	p0 =	seq.s32 s17, $0x0  }
0xc0: {  	s17 =	simm.s32 @p0 $0x1;
	p1 =	sgt.u32 @p0 s16, $0x134  }
0xc1: {  	_ =	swait.ge @p0 [sflag:s17], $0x1000;
	p2 =	por p1, !p0  }
0xc2: {  	s18 =	simm.s32 @p0 $0x9D00;
	[sflag:s17] =	ssyncset.done @p0 $0x0;
	p3 =	slt.u32 @!p2 s16, $0x5  }
0xc3: {  	[sflag:s17] =	ssyncadd.s32 @p0 $0xFFFFF000;
	s17 =	simm.s32 @p0 $0x40;
	p1 =	por @p0 p3, p1  }
0xc4: {  	[spmem:s2] =	stream.indirect.scatter.add.f32 @p0 [tilespmem:s18], [sflag:$0xB], $0x40, s14, s17, $0xb8;
	[tilespmem:$0x1DD00] =	vst v63  }
0xc5: {  	p1 =	por p1, !p0  }
0xc6: {  	s17 =	simm.s32 @!p1 $0x10  }
0xc7: {  	_ =	swait.ge @!p1 [sflag:s17], $0x1000  }
0xc8: {  	[sflag:s17] =	ssyncset.done @!p1 $0x0  }
0xc9: {  	s18 =	simm.s32 @!p2 $0xED00;
	[sflag:s17] =	ssyncadd.s32 @!p1 $0xFFFFF000;
	s17 =	simm.s32 @!p2 $0x40  }
0xca: {  	[tilespmem:s18], [sflag:$0x6] =	stream.indirect.gather @!p2 [hbm4b:s8+s17], $0x40, s15, s17, $0xb8;
	[tilespmem:$0x1DD00] =	vst v63  }
0xcb: {  	p1 =	sgt.u32 @!p0 s16, $0x134;
	s17 =	simm.s32 @!p0 $0x2  }
0xcc: {  	p2 =	por p1, p0;
	_ =	swait.ge @!p0 [sflag:s17], $0x1000  }
0xcd: {  	s18 =	simm.s32 @!p0 $0xAD00;
	p3 =	slt.u32 @!p2 s16, $0x5;
	[sflag:s17] =	ssyncset.done @!p0 $0x0  }
0xce: {  	p1 =	por @!p0 p3, p1;
	[sflag:s17] =	ssyncadd.s32 @!p0 $0xFFFFF000;
	s17 =	simm.s32 @!p0 $0x40  }
0xcf: {  	[spmem:s2] =	stream.indirect.scatter.add.f32 @!p0 [tilespmem:s18], [sflag:$0xC], $0x40, s14, s17, $0xb8;
	[tilespmem:$0x1DD00] =	vst v63  }
0xd0: {  	p0 =	por p1, p0  }
.Ltmp9:
0xd1: {  	s17 =	simm.s32 @!p0 $0x11;
	(pc) =	sbr.rel .LBB2_9-.Ltmp9, $4  }
0xd2: {  	_ =	swait.ge @!p0 [sflag:s17], $0x1000  }
0xd3: {  	[sflag:s17] =	ssyncset.done @!p0 $0x0  }
0xd4: {  	s18 =	simm.s32 @!p2 $0xFD00;
	[sflag:s17] =	ssyncadd.s32 @!p0 $0xFFFFF000;
	s17 =	simm.s32 @!p2 $0x40  }
0xd5: {  	[tilespmem:s18], [sflag:$0x7] =	stream.indirect.gather @!p2 [hbm4b:s8+s17], $0x40, s15, s17, $0xb8;
	[tilespmem:$0x1DD00] =	vst v63  }
.LBB2_11:
0xd6: {  	_ =	sfence.sel $0x180000  }
0xd7: {  	[bflag:$0x0] =	sbarrier.arrive $0xFFFF  }
0xd8: {  	_ =	strace $0x9000004D  }
0xd9: {  	s0 =	stileid.u32;
	[bflag:$0x2] =	sbarrier.arrive $0xFFFF  }
0xda: {  	p0 =	sne.s32 s0, $0x0;
	s0 =	rddreg [dreg:$0x2]  }
0xdb: {  	s0 =	sadd.s32 @!p0 $0x100000, s0  }
0xdc: {  	[sflag:s0] =	ssyncadd.tile.s32 @!p0 $0x1;
	_ =	shalt  }
.Lfunc_end2:
_tile_overlayer_lowered:
.L_overlay_start_2:
0xdd: {  	(tag) =	ssettag $0x2  }
0xde: {  	s0 =	rddreg [dreg:$0x0];
	s2 =	stileid.u32  }
0xdf: {  	s1 =	rddreg [dreg:$0x1];
	p0 =	sne.s32 s2, $0x0  }
0xe0: {  	s3 =	rddreg [dreg:$0x2];
	[bflag:$0x3] =	sbarrier.arrive $0xFFFF;
	s2 =	simm.s32 @!p0 $0x1C15  }
0xe1: {  	[timem:s3], [sflag:s2] =	dma.local @!p0 [hbm:s0], s1  }
0xe2: {  	s0 =	simm.s32 @!p0 $0x15  }
0xe3: {  	_ =	swait.ge @!p0 [sflag:s0], s1  }
0xe4: {  	s1 =	ssub.s32 @!p0 $0x0, s1;
	[sflag:s0] =	ssyncset.done @!p0 $0x0  }
0xe5: {  	[sflag:s0] =	ssyncadd.s32 @!p0 s1  }
0xe6: {  	[bflag:$0x3] =	sbarrier.arrive $0xFFFF  }
0xe7: {  	_ =	shalt  }

// kernel: kernel.19.cloned.1.call-start
scs
__scs_entry_jumppad:
0x0: {  	(pc) =	sbr.rel $0x88, $3  }
0x1: {  	(tag) =	ssettag $0x0;
	lr =	simm.s32 $0x1  }
0x2: {  	[smem:$0x3F94] =	sst lr;
	_ =	strace $0xD0000000  }
0x3: {  	_ = 	snop  }
0x4: {  	_ = 	snop  }
0x5: {  	_ = 	snop  }
0x6: {  	_ = 	snop  }
0x7: {  	_ = 	snop  }
__scs_overlays_trampoline_lowered:
0x8: {  	[smem:$0x3FA3] =	sst s0  }
0x9: {  	[smem:$0x3FA4] =	sst s1  }
0xa: {  	[smem:$0x3FA5] =	sst s2  }
0xb: {  	[smem:$0x3FA6] =	sst s3  }
0xc: {  	[smem:$0x3FA7] =	sst s4  }
0xd: {  	[smem:$0x3FA8] =	sst s5  }
0xe: {  	[smem:$0x3FA9] =	sst s6  }
0xf: {  	[smem:$0x3FAA] =	sst s7  }
0x10: {  	[smem:$0x3FAB] =	sst s8  }
0x11: {  	[smem:$0x3FAC] =	sst s9;
	s0 =	simm.s32 @!p0 $0x0  }
0x12: {  	s1 =	sld [smem:$0x3F92];
	s0 =	simm.s32 @p0 $0x1  }
0x13: {  	[smem:$0x3FAD] =	sst s0;
	s0 =	simm.s32 @!p1 $0x0  }
0x14: {  	s2 =	sld [smem:$0x3F91];
	s0 =	simm.s32 @p1 $0x1  }
0x15: {  	[smem:$0x3FAE] =	sst s0;
	s0 =	simm.s32 @!p2 $0x0  }
0x16: {  	s3 =	sld [smem:$0x3FDB];
	s0 =	simm.s32 @p2 $0x1  }
0x17: {  	s4 =	simm.s32 $0x1BF5;
	[smem:$0x3FB0] =	sst s0  }
0x18: {  	s0 =	sld [smem:$0x3F93];
	_ =	swait.ge [sflag:s4], $0x0  }
0x19: {  	s7 =	sld [smem:$0x3F94]  }
0x1a: {  	s8 =	sadd.s32 $0xFFFFE003, lr  }
0x1b: {  	s9 =	sadd.s32 $0xFFFFFEF7, lr;
	s5 =	simm.s32 $0xFFFFFFFF;
	p2 =	slt.u32 s8, $0xFFFFF086  }
0x1c: {  	p1 =	slt.u32 s9, $0xF7A;
	s5 =	simm.s32 @!p2 $0x0  }
0x1d: {  	s5 =	simm.s32 @p1 $0x1;
	p0 =	seq.s32 s7, s2  }
0x1e: {  	s7 =	smul.u32 @!p0 $0xF7A, s2;
	p2 =	seq.s32 @!p0 s5, $0x0  }
0x1f: {  	s9 =	smul.u32 $0xF7A, s1;
	s8 =	simm.s32 @!p0 $0x1BF5;
	p2 =	por !p2, p0  }
0x20: {  	[sflag:s8] =	ssyncset.s32 @!p0 $0xFFFFF086;
	s6 =	sadd.s32 @!p0 s3, s7;
	s7 =	simm.s32 @!p0 $0x108  }
0x21: {  	s3 =	sadd.s32 s3, s9;
	s6 =	sadd.s32 @!p0 $0x88, s6;
	s7 =	simm.s32 @p2 $0x1082  }
0x22: {  	[simem:s7], [sflag:s8] =	dma.local @!p0 [hbm:s6], $0xF7A  }
0x23: {  	s9 =	sor.u32 $0xD0000000, s2;
	s6 =	simm.s32 $0x108;
	_ =	swait.ge @!p0 [sflag:s8], $0x0  }
0x24: {  	s3 =	sadd.s32 $0x88, s3;
	s6 =	simm.s32 @!p1 $0x1082;
	[sflag:s4] =	ssyncset.s32 $0xFFFFF086  }
0x25: {  	[simem:s6], [sflag:s4] =	dma.local [hbm:s3], $0xF7A  }
0x26: {  	[smem:$0x3F94] =	sst s1;
	(tag) =	ssettag s2;
	_ =	strace s9  }
0x27: {  	s1 =	sld [smem:$0x3FA4]  }
0x28: {  	s2 =	sld [smem:$0x3FA5]  }
0x29: {  	s4 =	sld [smem:$0x3FA7]  }
0x2a: {  	p0 =	seq.s32 s5, $0x0;
	s5 =	sld [smem:$0x3FA8]  }
0x2b: {  	s6 =	sld [smem:$0x3FA9]  }
0x2c: {  	s7 =	sld [smem:$0x3FAA]  }
0x2d: {  	s3 =	simm.s32 $0x108;
	s8 =	sld [smem:$0x3FAB]  }
0x2e: {  	s3 =	simm.s32 @!p0 $0x1082;
	s9 =	sld [smem:$0x3FAC]  }
0x2f: {  	lr =	sadd.s32 s0, s3;
	s0 =	sld [smem:$0x3FA3]  }
0x30: {  	s3 =	sld [smem:$0x3FA6]  }
0x31: {  	[smem:$0x3FAF] =	sst s10  }
0x32: {  	s10 =	sld [smem:$0x3FAD];
	_ =	sdelay $0x3  }
0x33: {  	p0 =	seq.s32 s10, $0x1;
	s10 =	sld [smem:$0x3FAF];
	_ =	sdelay $0x3  }
0x34: {  	[smem:$0x3FAF] =	sst s10  }
0x35: {  	s10 =	sld [smem:$0x3FAE];
	_ =	sdelay $0x3  }
0x36: {  	p1 =	seq.s32 s10, $0x1;
	s10 =	sld [smem:$0x3FAF];
	_ =	sdelay $0x3  }
0x37: {  	[smem:$0x3FAF] =	sst s10  }
0x38: {  	s10 =	sld [smem:$0x3FB0]  }
0x39: {  	_ = 	snop;
	(pc) =	sbr.ind lr, $3  }
0x3a: {  	_ = 	snop  }
0x3b: {  	_ = 	snop  }
0x3c: {  	p2 =	seq.s32 s10, $0x1;
	s10 =	sld [smem:$0x3FAF]  }
0x3d: {  	_ =	shalt  }
0x3e: {  	_ =	shalt  }
0x3f: {  	_ =	shalt  }
0x40: {  	_ =	shalt  }
0x41: {  	_ =	shalt  }
0x42: {  	_ =	shalt  }
0x43: {  	_ =	shalt  }
0x44: {  	_ =	shalt  }
0x45: {  	_ =	shalt  }
0x46: {  	_ =	shalt  }
0x47: {  	_ =	shalt  }
0x48: {  	_ =	shalt  }
0x49: {  	_ =	shalt  }
0x4a: {  	_ =	shalt  }
0x4b: {  	_ =	shalt  }
0x4c: {  	_ =	shalt  }
0x4d: {  	_ =	shalt  }
0x4e: {  	_ =	shalt  }
0x4f: {  	_ =	shalt  }
0x50: {  	_ =	shalt  }
0x51: {  	_ =	shalt  }
0x52: {  	_ =	shalt  }
0x53: {  	_ =	shalt  }
0x54: {  	_ =	shalt  }
0x55: {  	_ =	shalt  }
0x56: {  	_ =	shalt  }
0x57: {  	_ =	shalt  }
0x58: {  	_ =	shalt  }
0x59: {  	_ =	shalt  }
0x5a: {  	_ =	shalt  }
0x5b: {  	_ =	shalt  }
0x5c: {  	_ =	shalt  }
0x5d: {  	_ =	shalt  }
0x5e: {  	_ =	shalt  }
0x5f: {  	_ =	shalt  }
0x60: {  	_ =	shalt  }
0x61: {  	_ =	shalt  }
0x62: {  	_ =	shalt  }
0x63: {  	_ =	shalt  }
0x64: {  	_ =	shalt  }
0x65: {  	_ =	shalt  }
0x66: {  	_ =	shalt  }
0x67: {  	_ =	shalt  }
0x68: {  	_ =	shalt  }
0x69: {  	_ =	shalt  }
0x6a: {  	_ =	shalt  }
0x6b: {  	_ =	shalt  }
0x6c: {  	_ =	shalt  }
0x6d: {  	_ =	shalt  }
0x6e: {  	_ =	shalt  }
0x6f: {  	_ =	shalt  }
0x70: {  	_ =	shalt  }
0x71: {  	_ =	shalt  }
0x72: {  	_ =	shalt  }
0x73: {  	_ =	shalt  }
0x74: {  	_ =	shalt  }
0x75: {  	_ =	shalt  }
0x76: {  	_ =	shalt  }
0x77: {  	_ =	shalt  }
0x78: {  	_ =	shalt  }
0x79: {  	_ =	shalt  }
0x7a: {  	_ =	shalt  }
0x7b: {  	_ =	shalt  }
0x7c: {  	_ =	shalt  }
0x7d: {  	_ =	shalt  }
0x7e: {  	_ =	shalt  }
0x7f: {  	_ =	shalt  }
0x80: {  	_ =	shalt  }
0x81: {  	_ =	shalt  }
0x82: {  	_ =	shalt  }
0x83: {  	_ =	shalt  }
0x84: {  	_ =	shalt  }
0x85: {  	_ =	shalt  }
0x86: {  	_ =	shalt  }
0x87: {  	_ =	shalt  }
.Lfunc_end0:
.L_simem_size_0:
called_computation.3_lowered:
.L_overlay_start_0:
0x88: {  	s2 =	sld [smem:$0x3FD9]  }
0x89: {  	s3 =	sld [smem:$0x3FFE];
	_ =	sdelay $0x1  }
0x8a: {  	s1 =	srdreg.scid  }
0x8b: {  	s0 =	sand.u32 $0x1, s1  }
0x8c: {  	s16 =	sshll.u32 s0, $0xA;
	s2 =	sadd.s32 s3, s2  }
0x8d: {  	s2 =	sadd.s32 s2, s16  }
0x8e: {  	[smem:$0x3FBB] =	sst s2  }
0x8f: {  	_ = 	snop  }
0x90: {  	(tm) =	ssettm $0x1  }
0x91: {  	s17 =	sld [smem:$0x3FFB];
	_ =	sdelay $0x3  }
0x92: {  	_ =	strace s17  }
0x93: {  	s2 =	sld [smem:$0x3FFC];
	_ =	sdelay $0x3  }
0x94: {  	_ =	strace s2  }
0x95: {  	s2 =	sld [smem:$0x3FFD];
	_ =	sdelay $0x3  }
0x96: {  	_ =	strace s2  }
0x97: {  	_ =	strace $0x8FFFFFFF  }
0x98: {  	s18 =	sld [smem:$0x3FDB];
	_ =	sdelay $0x1  }
0x99: {  	s19 =	simm.s32 $_scs_section_size  }
0x9a: {  	s4 =	simm.s32 $_size__tile_overlayer_lowered;
	s5 =	simm.s32 $_tile_overlayer_lowered  }
0x9b: {  	s22 =	simm.s32 $0x1BFF;
	s21 =	sshll.u32 s5, $0x1;
	s2 =	sadd.s32 s19, s18  }
0x9c: {  	s6 =	simm.s32 $0x0;
	s20 =	sshll.u32 s4, $0x1;
	s4 =	sadd.s32 s21, s2  }
0x9d: {  	[timem:s6], [sflag:s22] =	dma.local [hbm:s4], s20  }
0x9e: {  	_ =	swait.ge [sflag:s22], s20  }
0x9f: {  	s3 =	ssub.s32 $0x0, s20;
	[sflag:s22] =	ssyncset.done $0x0  }
0xa0: {  	[sflag:s22] =	ssyncadd.s32 s3;
	_ =	sdelay $0x1  }
0xa1: {  	s23 =	simm.s32 $0x1B8B  }
0xa2: {  	_ =	swait.ge [sflag:s23], $0x1  }
0xa3: {  	[sflag:s23] =	ssyncset.done $0x0  }
0xa4: {  	s25 =	simm.s32 $0x1B8E;
	s24 =	sld [smem:$0x3FFE];
	[sflag:s23] =	ssyncadd.s32 $0xFFFFFFFF  }
0xa5: {  	s26 =	simm.s32 $execute0_lowered;
	[smem:$0x3FD2] =	sst s25  }
0xa6: {  	s4 =	sshll.u32 s26, $0x1;
	_ =	strace $0x8000004F;
	[dreg:$0x1] =	wrdreg $0xFFFFFFFF  }
0xa7: {  	s28 =	simm.s32 $_size_execute0_lowered;
	s2 =	sadd.s32 s2, s4;
	[dreg:$0x0] =	wrdreg $0x0  }
0xa8: {  	s4 =	sshll.u32 s28, $0x1;
	[dreg:$0x2] =	wrdreg s2  }
0xa9: {  	[dreg:$0x3] =	wrdreg s4  }
0xaa: {  	[dreg:$0x4] =	wrdreg $0xC0  }
0xab: {  	_ =	task [dreg:s6], $0x5FFFF  }
0xac: {  	[dreg:$0x1] =	wrdreg $0xFFFFFFFF  }
0xad: {  	[dreg:$0x0] =	wrdreg $0x60  }
0xae: {  	[dreg:$0x2] =	wrdreg s24  }
0xaf: {  	[dreg:$0x3] =	wrdreg $0x13D000  }
0xb0: {  	[dreg:$0x4] =	wrdreg $0x9  }
0xb1: {  	_ =	task.clear_ibuf [dreg:s6], $0x5FFFF;
	_ =	strace $0x9000004F  }
0xb2: {  	s29 =	simm.s32 $0x9;
	_ =	strace $0x80000051  }
0xb3: {  	_ =	swait.ge [sflag:s29], $0x1  }
0xb4: {  	[sflag:s29] =	ssyncadd.s32 $0xFFFFFFFF  }
0xb5: {  	_ =	strace $0x90000051  }
0xb6: {  	_ =	sfence  }
0xb7: {  	s30 =	sld [smem:$0x0];
	_ =	sdelay $0x2  }
0xb8: {  	s31 =	sshll.u32 s1, $0xD;
	s1 =	sshrl.u32 s1, $0x2  }
0xb9: {  	s3 =	sand.u32 $0x4000, s31;
	s1 =	sadd.s32 s1, s30  }
0xba: {  	s0 =	sor.u32 s3, s0;
	s1 =	sshll.u32 s1, $0x11  }
0xbb: {  	s0 =	sor.u32 s1, s0  }
0xbc: {  	s0 =	sadd.s32 $0x8F2B, s0  }
0xbd: {  	[sflag:s0] =	ssyncadd.remote.s32 $0x1  }
0xbe: {  	_ =	sfence.sel $0xFFFF  }
0xbf: {  	[dreg:$0x0] =	wrdreg $0xFFFFFFFF;
	(pc) =	sbr.abs _section_cstart, $3  }
0xc0: {  	[dreg:$0x1] =	wrdreg $0xFFFFFFFF  }
0xc1: {  	_ =	task.clear_ibuf [dreg:s6], $0x2FFFF;
	_ =	strace $0x9FFFFFFF  }
0xc2: {  	(tm) =	ssettm $0x7FFFFFFF  }
0xc3: {  	_ =	shalt  }
tec
execute0_lowered:
.L_overlay_start_1:
0x0: {  	(tag) =	ssettag $0x1  }
0x1: {  	s0 =	srdreg.scid;
	s1 =	rddreg [dreg:$0x0]  }
0x2: {  	s10 =	stileid.u32;
	s2 =	rddreg [dreg:$0x1]  }
0x3: {  	s3 =	simm.s32 $0x0;
	s12 =	simm.s32 $0x15;
	s13 =	simm.s32 $0x40  }
0x4: {  	s20 =	simm.s32 $0x100;
	s21 =	simm.s32 $0xDD00;
	s22 =	simm.s32 $0xB  }
0x5: {  	s23 =	simm.s32 $0xC;
	s28 =	simm.s32 $0x10;
	s5 =	smul.u32 $0x9D0, s10  }
0x6: {  	s29 =	simm.s32 $0x11;
	s0 =	sand.u32 $0x1, s0;
	s6 =	smul.u32 $0xA000, s10  }
0x7: {  	s30 =	simm.s32 $0x12;
	s31 =	simm.s32 $0x13;
	s4 =	smul.u32 $0x13880, s0  }
0x8: {  	[smem:$0x7FF] =	sst s3;
	s26 =	sshll.u32 s10, $0x6;
	s7 =	smul.u32 $0xA0000, s0  }
0x9: {  	_ =	strace $0x80000050;
	s0 =	ssub.s32 $0x2, s0;
	s9 =	sadd.s32 s5, s1  }
0xa: {  	s25 =	sshrl.u32 s0, $0x1;
	s11 =	sadd.s32 s6, s2;
	s8 =	sadd.s32 s4, s1  }
0xb: {  	s24 =	sadd.s32 s6, s7;
	s4 =	sadd.s32 $0xCE00, s1;
	s0 =	ssub.s32 s0, s25  }
.Ltmp0:
0xc: {  	s6 =	sadd.s32 $0x17400, s9;
	s7 =	sadd.s32 $0x3000, s9;
	(pc) =	sbr.rel .LBB2_1-.Ltmp0, $4  }
0xd: {  	s11 =	sshrl.u32 s11, $0x3;
	s25 =	simm.s32 $0xE;
	s5 =	sshrl.u32 s24, $0x3  }
0xe: {  	s8 =	sadd.s32 $0x6F400, s8;
	s10 =	smax.u32 s0, $0x1;
	s24 =	simm.s32 $0xD  }
0xf: {  	s0 =	simm.s32 $0x0;
	s1 =	sadd.s32 s5, s1;
	s5 =	sor.u32 $0x1C15, s26  }
0x10: {  	s26 =	simm.s32 $0xF;
	s9 =	sadd.s32 $0x96600, s1;
	s1 =	simm.s32 $0x14  }
.LBB2_10:
0x11: {  	_ =	swait.ge [sflag:s22], $0x1000  }
0x12: {  	[sflag:s22] =	ssyncset.done $0x0  }
0x13: {  	[sflag:s22] =	ssyncadd.s32 $0xFFFFF000  }
0x14: {  	_ =	swait.ge [sflag:s23], $0x1000  }
0x15: {  	[sflag:s23] =	ssyncset.done $0x0  }
0x16: {  	[sflag:s23] =	ssyncadd.s32 $0xFFFFF000  }
0x17: {  	_ =	swait.ge [sflag:s24], $0x1000  }
0x18: {  	[sflag:s24] =	ssyncset.done $0x0  }
0x19: {  	[sflag:s24] =	ssyncadd.s32 $0xFFFFF000  }
0x1a: {  	_ =	swait.ge [sflag:s25], $0x1000  }
0x1b: {  	[sflag:s25] =	ssyncset.done $0x0  }
0x1c: {  	[sflag:s25] =	ssyncadd.s32 $0xFFFFF000  }
0x1d: {  	_ =	swait.ge [sflag:s26], $0x1000  }
0x1e: {  	[sflag:s26] =	ssyncset.done $0x0  }
0x1f: {  	[sflag:s26] =	ssyncadd.s32 $0xFFFFF000  }
0x20: {  	_ =	swait.ge [sflag:s28], $0x1000  }
0x21: {  	[sflag:s28] =	ssyncset.done $0x0  }
0x22: {  	[sflag:s28] =	ssyncadd.s32 $0xFFFFF000  }
0x23: {  	_ =	swait.ge [sflag:s29], $0x1000  }
0x24: {  	[sflag:s29] =	ssyncset.done $0x0  }
0x25: {  	[sflag:s29] =	ssyncadd.s32 $0xFFFFF000  }
0x26: {  	_ =	swait.ge [sflag:s30], $0x1000  }
0x27: {  	[sflag:s30] =	ssyncset.done $0x0  }
0x28: {  	[sflag:s30] =	ssyncadd.s32 $0xFFFFF000  }
0x29: {  	_ =	swait.ge [sflag:s31], $0x1000  }
0x2a: {  	[sflag:s31] =	ssyncset.done $0x0  }
0x2b: {  	[sflag:s31] =	ssyncadd.s32 $0xFFFFF000  }
0x2c: {  	_ =	swait.ge [sflag:s1], $0x1000  }
0x2d: {  	s0 =	sadd.s32 $0x1, s0;
	[sflag:s1] =	ssyncset.done $0x0  }
0x2e: {  	p0 =	sne.s32 s0, s10;
	[sflag:s1] =	ssyncadd.s32 $0xFFFFF000  }
.Ltmp1:
0x2f: {  	[bflag:$0x0] =	sbarrier.arrive $0xFFFF;
	(pc) =	sbr.rel @!p0 .LBB2_11-.Ltmp1, $4  }
0x30: {  	[hbm:s9], [sflag:s5] =	dma.local [spmem:s11], $0x1400  }
0x31: {  	_ =	swait.ge [sflag:s12], $0x1400  }
0x32: {  	[sflag:s12] =	ssyncset.done $0x0  }
0x33: {  	[sflag:s12] =	ssyncadd.s32 $0xFFFFEC00  }
.LBB2_1:
0x34: {  	[spmem:s11], [sflag:s5] =	dma.local [hbm:s4], $0x1400  }
0x35: {  	_ =	swait.ge [sflag:s12], $0x1400  }
0x36: {  	[sflag:s12] =	ssyncset.done $0x0  }
0x37: {  	[sflag:s12] =	ssyncadd.s32 $0xFFFFEC00  }
0x38: {  	[tilespmem:s3], [sflag:$0x15] =	stream.linear.gather [hbm4b:s6+s3], $0x4E80, $0x38;
	[tilespmem:$0x1DD00] =	vst v63  }
0x39: {  	_ =	swait.ge [sflag:s12], $0x4E80  }
0x3a: {  	[sflag:s12] =	ssyncset.done $0x0  }
0x3b: {  	s14 =	simm.s32 $0x4E80;
	[sflag:s12] =	ssyncadd.s32 $0xFFFFB180  }
0x3c: {  	[tilespmem:s14], [sflag:$0x15] =	stream.linear.gather [hbm4b:s7+s3], $0x4E80, $0x38;
	[tilespmem:$0x1DD00] =	vst v63  }
0x3d: {  	_ =	swait.ge [sflag:s12], $0x4E80  }
0x3e: {  	[sflag:s12] =	ssyncset.done $0x0  }
0x3f: {  	[sflag:s12] =	ssyncadd.s32 $0xFFFFB180  }
0x40: {  	s15 =	simm.s32 $0x9D00;
	[bflag:$0x0] =	sbarrier.arrive $0xFFFF  }
0x41: {  	[tilespmem:s15], [sflag:$0x1] =	stream.indirect.gather [hbm4b:s8+s13], $0x40, s3, s13, $0xb8;
	[tilespmem:$0x1DD00] =	vst v63  }
0x42: {  	s16 =	simm.s32 $0xAD00  }
0x43: {  	[tilespmem:s16], [sflag:$0x2] =	stream.indirect.gather [hbm4b:s8+s13], $0x40, s13, s13, $0xb8;
	[tilespmem:$0x1DD00] =	vst v63  }
0x44: {  	s17 =	simm.s32 $0x80;
	s16 =	simm.s32 $0xBD00  }
0x45: {  	[tilespmem:s16], [sflag:$0x3] =	stream.indirect.gather [hbm4b:s8+s13], $0x40, s17, s13, $0xb8;
	[tilespmem:$0x1DD00] =	vst v63  }
.Ltmp2:
0x46: {  	_ = 	snop;
	(pc) =	sbr.rel .LBB2_2-.Ltmp2, $4  }
0x47: {  	s18 =	simm.s32 $0xC0;
	s19 =	simm.s32 $0xCD00  }
0x48: {  	[tilespmem:s19], [sflag:$0x4] =	stream.indirect.gather [hbm4b:s8+s13], $0x40, s18, s13, $0xb8;
	[tilespmem:$0x1DD00] =	vst v63  }
0x49: {  	s15 =	simm.s32 $0x140;
	s16 =	simm.s32 $0x0  }
0x4a: {  	[tilespmem:s21], [sflag:$0x5] =	stream.indirect.gather [hbm4b:s8+s13], $0x40, s20, s13, $0xb8;
	[tilespmem:$0x1DD00] =	vst v63  }
.LBB2_6:
0x4b: {  	p0 =	sgt.s32 s17, $0x6  }
.Ltmp3:
0x4c: {  	_ = 	snop;
	(pc) =	sbr.rel @!p0 .LBB2_7-.Ltmp3, $1  }
0x4d: {  	_ =	sdelay $0x3  }
0x4e: {  	p0 =	seq.s32 s17, $0x7  }
0x4f: {  	s18 =	simm.s32 @p0 $0x8  }
0x50: {  	_ =	swait.ge @p0 [sflag:s18], $0x1000  }
0x51: {  	p1 =	sgt.u32 @p0 s16, $0x134;
	s19 =	simm.s32 @p0 $0x10D00;
	[sflag:s18] =	ssyncset.done @p0 $0x0  }
0x52: {  	p1 =	por p1, !p0;
	[sflag:s18] =	ssyncadd.s32 @p0 $0xFFFFF000;
	s18 =	simm.s32 @p0 $0x40  }
0x53: {  	[spmem:s2] =	stream.indirect.scatter.add.f32 @p0 [tilespmem:s19], [sflag:$0x12], $0x40, s14, s18, $0xb8;
	[tilespmem:$0x1DD00] =	vst v63  }
0x54: {  	s18 =	simm.s32 @!p1 $0xD  }
0x55: {  	_ =	swait.ge @!p1 [sflag:s18], $0x1000  }
0x56: {  	[sflag:s18] =	ssyncset.done @!p1 $0x0  }
0x57: {  	s19 =	simm.s32 @!p1 $0xBD00;
	[sflag:s18] =	ssyncadd.s32 @!p1 $0xFFFFF000;
	s18 =	simm.s32 @!p1 $0x40  }
0x58: {  	[tilespmem:s19], [sflag:$0x3] =	stream.indirect.gather @!p1 [hbm4b:s8+s18], $0x40, s15, s18, $0xb8;
	[tilespmem:$0x1DD00] =	vst v63  }
0x59: {  	p1 =	seq.s32 @!p0 s17, $0x8  }
0x5a: {  	p2 =	por !p1, p0  }
0x5b: {  	s17 =	simm.s32 @!p2 $0x9  }
0x5c: {  	_ =	swait.ge @!p2 [sflag:s17], $0x1000  }
0x5d: {  	p3 =	sgt.u32 @!p2 s16, $0x134;
	[sflag:s17] =	ssyncset.done @!p2 $0x0  }
0x5e: {  	s18 =	simm.s32 @!p2 $0x11D00;
	[sflag:s17] =	ssyncadd.s32 @!p2 $0xFFFFF000;
	s17 =	simm.s32 @!p2 $0x40  }
0x5f: {  	[spmem:s2] =	stream.indirect.scatter.add.f32 @!p2 [tilespmem:s18], [sflag:$0x13], $0x40, s14, s17, $0xb8;
	[tilespmem:$0x1DD00] =	vst v63  }
0x60: {  	p2 =	por @!p0 p3, !p1  }
0x61: {  	p2 =	por p2, p0  }
0x62: {  	s17 =	simm.s32 @!p2 $0xE  }
0x63: {  	_ =	swait.ge @!p2 [sflag:s17], $0x1000  }
0x64: {  	[sflag:s17] =	ssyncset.done @!p2 $0x0  }
0x65: {  	s18 =	simm.s32 @!p2 $0xCD00;
	[sflag:s17] =	ssyncadd.s32 @!p2 $0xFFFFF000;
	s17 =	simm.s32 @!p2 $0x40  }
0x66: {  	[tilespmem:s18], [sflag:$0x4] =	stream.indirect.gather @!p2 [hbm4b:s8+s17], $0x40, s15, s17, $0xb8;
	[tilespmem:$0x1DD00] =	vst v63  }
0x67: {  	p2 =	por p1, p0  }
0x68: {  	s17 =	simm.s32 @!p2 $0xA  }
0x69: {  	p3 =	sgt.u32 @!p2 s16, $0x134;
	_ =	swait.ge @!p2 [sflag:s17], $0x1000  }
0x6a: {  	s18 =	simm.s32 @!p2 $0x12D00;
	p1 =	por @!p0 p3, p1;
	[sflag:s17] =	ssyncset.done @!p2 $0x0  }
0x6b: {  	p0 =	por p1, p0;
	[sflag:s17] =	ssyncadd.s32 @!p2 $0xFFFFF000;
	s17 =	simm.s32 @!p2 $0x40  }
0x6c: {  	[spmem:s2] =	stream.indirect.scatter.add.f32 @!p2 [tilespmem:s18], [sflag:$0x14], $0x40, s14, s17, $0xb8;
	[tilespmem:$0x1DD00] =	vst v63  }
0x6d: {  	s17 =	simm.s32 @!p0 $0xF  }
0x6e: {  	_ =	swait.ge @!p0 [sflag:s17], $0x1000  }
0x6f: {  	[sflag:s17] =	ssyncset.done @!p0 $0x0  }
0x70: {  	s18 =	simm.s32 @!p0 $0xDD00;
	[sflag:s17] =	ssyncadd.s32 @!p0 $0xFFFFF000;
	s17 =	simm.s32 @!p0 $0x40  }
0x71: {  	[tilespmem:s18], [sflag:$0x5] =	stream.indirect.gather @!p0 [hbm4b:s8+s17], $0x40, s15, s17, $0xb8;
	[tilespmem:$0x1DD00] =	vst v63  }
.LBB2_9:
0x72: {  	s16 =	sadd.s32 $0x1, s16  }
0x73: {  	p0 =	sne.s32 s16, $0x13A  }
.Ltmp4:
0x74: {  	_ = 	snop;
	(pc) =	sbr.rel @!p0 .LBB2_10-.Ltmp4, $2  }
0x75: {  	_ =	sdelay $0x2  }
0x76: {  	s15 =	sadd.s32 $0x40, s15;
	s14 =	sadd.s32 $0x40, s14  }
.LBB2_2:
0x77: {  	s17 =	smul.u32 $0xCCCD, s16;
	_ =	sdelay $0x1  }
0x78: {  	s17 =	sshrl.u32 s17, $0x13  }
0x79: {  	s17 =	smul.u32 $0xA, s17;
	_ =	sdelay $0x1  }
0x7a: {  	s17 =	ssub.s32 s16, s17  }
0x7b: {  	s17 =	sand.u32 $0xFFFF, s17  }
0x7c: {  	p0 =	sgt.s32 s17, $0x4  }
.Ltmp5:
0x7d: {  	_ = 	snop;
	(pc) =	sbr.rel @p0 .LBB2_6-.Ltmp5, $1  }
0x7e: {  	_ =	sdelay $0x3  }
0x7f: {  	p0 =	sgt.s32 s17, $0x1  }
.Ltmp6:
0x80: {  	_ = 	snop;
	(pc) =	sbr.rel @!p0 .LBB2_4-.Ltmp6, $1  }
0x81: {  	_ =	sdelay $0x3  }
0x82: {  	p0 =	seq.s32 s17, $0x2  }
0x83: {  	s18 =	simm.s32 @p0 $0x3;
	p1 =	sgt.u32 @p0 s16, $0x134  }
0x84: {  	_ =	swait.ge @p0 [sflag:s18], $0x1000;
	p2 =	por p1, !p0  }
0x85: {  	s19 =	simm.s32 @p0 $0xBD00;
	[sflag:s18] =	ssyncset.done @p0 $0x0;
	p3 =	slt.u32 @!p2 s16, $0x5  }
0x86: {  	[sflag:s18] =	ssyncadd.s32 @p0 $0xFFFFF000;
	s18 =	simm.s32 @p0 $0x40;
	p1 =	por @p0 p3, p1  }
0x87: {  	[spmem:s2] =	stream.indirect.scatter.add.f32 @p0 [tilespmem:s19], [sflag:$0xD], $0x40, s14, s18, $0xb8;
	[tilespmem:$0x1DD00] =	vst v63  }
0x88: {  	p1 =	por p1, !p0  }
0x89: {  	s18 =	simm.s32 @!p1 $0x12  }
0x8a: {  	_ =	swait.ge @!p1 [sflag:s18], $0x1000  }
0x8b: {  	s19 =	simm.s32 @!p2 $0x10D00;
	[sflag:s18] =	ssyncset.done @!p1 $0x0  }
0x8c: {  	[sflag:s18] =	ssyncadd.s32 @!p1 $0xFFFFF000;
	s18 =	simm.s32 @!p2 $0x40;
	p1 =	seq.s32 @!p0 s17, $0x3  }
0x8d: {  	[tilespmem:s19], [sflag:$0x8] =	stream.indirect.gather @!p2 [hbm4b:s8+s18], $0x40, s15, s18, $0xb8;
	[tilespmem:$0x1DD00] =	vst v63  }
0x8e: {  	p2 =	por !p1, p0  }
0x8f: {  	s17 =	simm.s32 @!p2 $0x4;
	p3 =	sgt.u32 @!p2 s16, $0x134  }
0x90: {  	_ =	swait.ge @!p2 [sflag:s17], $0x1000;
	p4 =	por @!p0 p3, !p1  }
0x91: {  	s18 =	simm.s32 @!p2 $0xCD00;
	[sflag:s17] =	ssyncset.done @!p2 $0x0;
	p4 =	por p4, p0  }
0x92: {  	[sflag:s17] =	ssyncadd.s32 @!p2 $0xFFFFF000;
	s17 =	simm.s32 @!p2 $0x40;
	p5 =	slt.u32 @!p4 s16, $0x5  }
0x93: {  	[spmem:s2] =	stream.indirect.scatter.add.f32 @!p2 [tilespmem:s18], [sflag:$0xE], $0x40, s14, s17, $0xb8;
	[tilespmem:$0x1DD00] =	vst v63  }
0x94: {  	p2 =	por @!p2 p5, p3  }
0x95: {  	p2 =	por @!p0 p2, !p1  }
0x96: {  	p2 =	por p2, p0  }
0x97: {  	s17 =	simm.s32 @!p2 $0x13  }
0x98: {  	_ =	swait.ge @!p2 [sflag:s17], $0x1000  }
0x99: {  	s18 =	simm.s32 @!p4 $0x11D00;
	[sflag:s17] =	ssyncset.done @!p2 $0x0  }
0x9a: {  	[sflag:s17] =	ssyncadd.s32 @!p2 $0xFFFFF000;
	s17 =	simm.s32 @!p4 $0x40;
	p2 =	por p1, p0  }
0x9b: {  	[tilespmem:s18], [sflag:$0x9] =	stream.indirect.gather @!p4 [hbm4b:s8+s17], $0x40, s15, s17, $0xb8;
	[tilespmem:$0x1DD00] =	vst v63  }
0x9c: {  	s17 =	simm.s32 @!p2 $0x5;
	p3 =	sgt.u32 @!p2 s16, $0x134  }
0x9d: {  	_ =	swait.ge @!p2 [sflag:s17], $0x1000;
	p4 =	por @!p0 p3, p1  }
0x9e: {  	s18 =	simm.s32 @!p2 $0xDD00;
	[sflag:s17] =	ssyncset.done @!p2 $0x0;
	p4 =	por p4, p0  }
0x9f: {  	[sflag:s17] =	ssyncadd.s32 @!p2 $0xFFFFF000;
	s17 =	simm.s32 @!p2 $0x40;
	p5 =	slt.u32 @!p4 s16, $0x5  }
0xa0: {  	[spmem:s2] =	stream.indirect.scatter.add.f32 @!p2 [tilespmem:s18], [sflag:$0xF], $0x40, s14, s17, $0xb8;
	[tilespmem:$0x1DD00] =	vst v63  }
0xa1: {  	p2 =	por @!p2 p5, p3  }
0xa2: {  	p1 =	por @!p0 p2, p1  }
0xa3: {  	p0 =	por p1, p0  }
.Ltmp7:
0xa4: {  	s17 =	simm.s32 @!p0 $0x14;
	(pc) =	sbr.rel .LBB2_9-.Ltmp7, $4  }
0xa5: {  	_ =	swait.ge @!p0 [sflag:s17], $0x1000  }
0xa6: {  	[sflag:s17] =	ssyncset.done @!p0 $0x0  }
0xa7: {  	s18 =	simm.s32 @!p4 $0x12D00;
	[sflag:s17] =	ssyncadd.s32 @!p0 $0xFFFFF000;
	s17 =	simm.s32 @!p4 $0x40  }
0xa8: {  	[tilespmem:s18], [sflag:$0xA] =	stream.indirect.gather @!p4 [hbm4b:s8+s17], $0x40, s15, s17, $0xb8;
	[tilespmem:$0x1DD00] =	vst v63  }
.LBB2_7:
0xa9: {  	p0 =	seq.s32 s17, $0x5  }
0xaa: {  	s17 =	simm.s32 @p0 $0x6  }
0xab: {  	_ =	swait.ge @p0 [sflag:s17], $0x1000  }
0xac: {  	p1 =	sgt.u32 @p0 s16, $0x134;
	s18 =	simm.s32 @p0 $0xED00;
	[sflag:s17] =	ssyncset.done @p0 $0x0  }
0xad: {  	p1 =	por p1, !p0;
	[sflag:s17] =	ssyncadd.s32 @p0 $0xFFFFF000;
	s17 =	simm.s32 @p0 $0x40  }
0xae: {  	[spmem:s2] =	stream.indirect.scatter.add.f32 @p0 [tilespmem:s18], [sflag:$0x10], $0x40, s14, s17, $0xb8;
	[tilespmem:$0x1DD00] =	vst v63  }
0xaf: {  	s17 =	simm.s32 @!p1 $0xB  }
0xb0: {  	_ =	swait.ge @!p1 [sflag:s17], $0x1000  }
0xb1: {  	[sflag:s17] =	ssyncset.done @!p1 $0x0  }
0xb2: {  	s18 =	simm.s32 @!p1 $0x9D00;
	[sflag:s17] =	ssyncadd.s32 @!p1 $0xFFFFF000;
	s17 =	simm.s32 @!p1 $0x40  }
0xb3: {  	[tilespmem:s18], [sflag:$0x1] =	stream.indirect.gather @!p1 [hbm4b:s8+s17], $0x40, s15, s17, $0xb8;
	[tilespmem:$0x1DD00] =	vst v63  }
0xb4: {  	s17 =	simm.s32 @!p0 $0x7  }
0xb5: {  	_ =	swait.ge @!p0 [sflag:s17], $0x1000  }
0xb6: {  	p1 =	sgt.u32 @!p0 s16, $0x134;
	[sflag:s17] =	ssyncset.done @!p0 $0x0  }
0xb7: {  	s18 =	simm.s32 @!p0 $0xFD00;
	[sflag:s17] =	ssyncadd.s32 @!p0 $0xFFFFF000;
	s17 =	simm.s32 @!p0 $0x40  }
0xb8: {  	[spmem:s2] =	stream.indirect.scatter.add.f32 @!p0 [tilespmem:s18], [sflag:$0x11], $0x40, s14, s17, $0xb8;
	[tilespmem:$0x1DD00] =	vst v63  }
0xb9: {  	p0 =	por p1, p0  }
.Ltmp8:
0xba: {  	s17 =	simm.s32 @!p0 $0xC;
	(pc) =	sbr.rel .LBB2_9-.Ltmp8, $4  }
0xbb: {  	_ =	swait.ge @!p0 [sflag:s17], $0x1000  }
0xbc: {  	[sflag:s17] =	ssyncset.done @!p0 $0x0  }
0xbd: {  	s18 =	simm.s32 @!p0 $0xAD00;
	[sflag:s17] =	ssyncadd.s32 @!p0 $0xFFFFF000;
	s17 =	simm.s32 @!p0 $0x40  }
0xbe: {  	[tilespmem:s18], [sflag:$0x2] =	stream.indirect.gather @!p0 [hbm4b:s8+s17], $0x40, s15, s17, $0xb8;
	[tilespmem:$0x1DD00] =	vst v63  }
.LBB2_4:
0xbf: {  	p0 =	seq.s32 s17, $0x0  }
0xc0: {  	s17 =	simm.s32 @p0 $0x1;
	p1 =	sgt.u32 @p0 s16, $0x134  }
0xc1: {  	_ =	swait.ge @p0 [sflag:s17], $0x1000;
	p2 =	por p1, !p0  }
0xc2: {  	s18 =	simm.s32 @p0 $0x9D00;
	[sflag:s17] =	ssyncset.done @p0 $0x0;
	p3 =	slt.u32 @!p2 s16, $0x5  }
0xc3: {  	[sflag:s17] =	ssyncadd.s32 @p0 $0xFFFFF000;
	s17 =	simm.s32 @p0 $0x40;
	p1 =	por @p0 p3, p1  }
0xc4: {  	[spmem:s2] =	stream.indirect.scatter.add.f32 @p0 [tilespmem:s18], [sflag:$0xB], $0x40, s14, s17, $0xb8;
	[tilespmem:$0x1DD00] =	vst v63  }
0xc5: {  	p1 =	por p1, !p0  }
0xc6: {  	s17 =	simm.s32 @!p1 $0x10  }
0xc7: {  	_ =	swait.ge @!p1 [sflag:s17], $0x1000  }
0xc8: {  	[sflag:s17] =	ssyncset.done @!p1 $0x0  }
0xc9: {  	s18 =	simm.s32 @!p2 $0xED00;
	[sflag:s17] =	ssyncadd.s32 @!p1 $0xFFFFF000;
	s17 =	simm.s32 @!p2 $0x40  }
0xca: {  	[tilespmem:s18], [sflag:$0x6] =	stream.indirect.gather @!p2 [hbm4b:s8+s17], $0x40, s15, s17, $0xb8;
	[tilespmem:$0x1DD00] =	vst v63  }
0xcb: {  	p1 =	sgt.u32 @!p0 s16, $0x134;
	s17 =	simm.s32 @!p0 $0x2  }
0xcc: {  	p2 =	por p1, p0;
	_ =	swait.ge @!p0 [sflag:s17], $0x1000  }
0xcd: {  	s18 =	simm.s32 @!p0 $0xAD00;
	p3 =	slt.u32 @!p2 s16, $0x5;
	[sflag:s17] =	ssyncset.done @!p0 $0x0  }
0xce: {  	p1 =	por @!p0 p3, p1;
	[sflag:s17] =	ssyncadd.s32 @!p0 $0xFFFFF000;
	s17 =	simm.s32 @!p0 $0x40  }
0xcf: {  	[spmem:s2] =	stream.indirect.scatter.add.f32 @!p0 [tilespmem:s18], [sflag:$0xC], $0x40, s14, s17, $0xb8;
	[tilespmem:$0x1DD00] =	vst v63  }
0xd0: {  	p0 =	por p1, p0  }
.Ltmp9:
0xd1: {  	s17 =	simm.s32 @!p0 $0x11;
	(pc) =	sbr.rel .LBB2_9-.Ltmp9, $4  }
0xd2: {  	_ =	swait.ge @!p0 [sflag:s17], $0x1000  }
0xd3: {  	[sflag:s17] =	ssyncset.done @!p0 $0x0  }
0xd4: {  	s18 =	simm.s32 @!p2 $0xFD00;
	[sflag:s17] =	ssyncadd.s32 @!p0 $0xFFFFF000;
	s17 =	simm.s32 @!p2 $0x40  }
0xd5: {  	[tilespmem:s18], [sflag:$0x7] =	stream.indirect.gather @!p2 [hbm4b:s8+s17], $0x40, s15, s17, $0xb8;
	[tilespmem:$0x1DD00] =	vst v63  }
.LBB2_11:
0xd6: {  	_ =	sfence.sel $0x180000  }
0xd7: {  	[bflag:$0x0] =	sbarrier.arrive $0xFFFF  }
0xd8: {  	_ =	strace $0x90000050  }
0xd9: {  	s0 =	stileid.u32;
	[bflag:$0x2] =	sbarrier.arrive $0xFFFF  }
0xda: {  	p0 =	sne.s32 s0, $0x0;
	s0 =	rddreg [dreg:$0x2]  }
0xdb: {  	s0 =	sadd.s32 @!p0 $0x100000, s0  }
0xdc: {  	[sflag:s0] =	ssyncadd.tile.s32 @!p0 $0x1;
	_ =	shalt  }
.Lfunc_end2:
_tile_overlayer_lowered:
.L_overlay_start_2:
0xdd: {  	(tag) =	ssettag $0x2  }
0xde: {  	s0 =	rddreg [dreg:$0x0];
	s2 =	stileid.u32  }
0xdf: {  	s1 =	rddreg [dreg:$0x1];
	p0 =	sne.s32 s2, $0x0  }
0xe0: {  	s3 =	rddreg [dreg:$0x2];
	[bflag:$0x3] =	sbarrier.arrive $0xFFFF;
	s2 =	simm.s32 @!p0 $0x1C15  }
0xe1: {  	[timem:s3], [sflag:s2] =	dma.local @!p0 [hbm:s0], s1  }
0xe2: {  	s0 =	simm.s32 @!p0 $0x15  }
0xe3: {  	_ =	swait.ge @!p0 [sflag:s0], s1  }
0xe4: {  	s1 =	ssub.s32 @!p0 $0x0, s1;
	[sflag:s0] =	ssyncset.done @!p0 $0x0  }
0xe5: {  	[sflag:s0] =	ssyncadd.s32 @!p0 s1  }
0xe6: {  	[bflag:$0x3] =	sbarrier.arrive $0xFFFF  }
0xe7: {  	_ =	shalt  }

</sc_bundles>
